<compile_context>
chip_gen: v7x
topology: tpu7x:2x2x1
jax: 0.10.2.dev20260603
libtpu: 0.0.44.dev20260713+nightly
codegen_flags: <defaults>
</compile_context>

<pallas_src>
import functools

import jax
import jax.numpy as jnp
from jax import lax
from jax.experimental import pallas as pl
from jax.experimental.pallas import tpu as pltpu
from jax.experimental.pallas import tpu_sc as plsc

N_NODES = 10000
N_EDGES = 320000
D = 128

NC = 2
NS = 16
NW = NC * NS

CK = 50
EPW = N_EDGES // NW
M = EPW // CK

RPT = 624
RPT_LAST = N_NODES - (NS - 1) * RPT


NBUF = 4
MH = 40
NSTAGE = M // MH


def _sc_agg_body(x_hbm, src_hbm, dst_hbm, out_hbm,
                 src_v, dst_v, bufs, acc, gsems, ssems, isems):
    c = lax.axis_index("c")
    s = lax.axis_index("s")
    w = s * NC + c

    row0 = pl.multiple_of(s * RPT, 8)
    pltpu.sync_copy(x_hbm.at[pl.ds(row0, RPT)], acc.at[pl.ds(row0, RPT)])

    @pl.when(s == NS - 1)
    def _():
        tail = NS * RPT
        pltpu.sync_copy(x_hbm.at[pl.ds(tail, N_NODES - NS * RPT)],
                        acc.at[pl.ds(tail, N_NODES - NS * RPT)])

    plsc.subcore_barrier()

    def mk_ops(src_c, dst_c):
        def gather(j, k):
            pltpu.async_copy(x_hbm.at[src_c.at[j]], bufs.at[k], gsems.at[k])

        def gather_wait(j, k):
            pltpu.make_async_copy(x_hbm.at[src_c.at[j]], bufs.at[k],
                                  gsems.at[k]).wait()

        def scatter(j, k):
            pltpu.async_copy(bufs.at[k], acc.at[dst_c.at[j]], ssems.at[k],
                             add=True)

        def scatter_wait(j, k):
            pltpu.make_async_copy(bufs.at[k], acc.at[dst_c.at[j]],
                                  ssems.at[k]).wait()

        return gather, gather_wait, scatter, scatter_wait

    G = MH // NBUF
    R = MH % NBUF
    base = w * M

    def stage(h, slot):
        pltpu.async_copy(src_hbm.at[pl.ds(base + h * MH, MH)],
                         src_v.at[slot], isems.at[slot, 0])
        pltpu.async_copy(dst_hbm.at[pl.ds(base + h * MH, MH)],
                         dst_v.at[slot], isems.at[slot, 1])

    def stage_wait(h, slot):
        pltpu.make_async_copy(src_hbm.at[pl.ds(base + h * MH, MH)],
                              src_v.at[slot], isems.at[slot, 0]).wait()
        pltpu.make_async_copy(dst_hbm.at[pl.ds(base + h * MH, MH)],
                              dst_v.at[slot], isems.at[slot, 1]).wait()

    stage(0, 0)
    for h in range(NSTAGE):
        slot = h % 2
        stage_wait(h, slot)
        if h + 1 < NSTAGE:
            stage(h + 1, (h + 1) % 2)
        gather, gather_wait, scatter, scatter_wait = mk_ops(
            src_v.at[slot], dst_v.at[slot])

        for k in range(NBUF):
            gather(k, k)

        def body(i, carry):
            j0 = i * NBUF
            for k in range(NBUF):
                gather_wait(j0 + k, k)
                scatter(j0 + k, k)
            @pl.when(i < G - 1)
            def _():
                for k in range(NBUF):
                    scatter_wait(j0 + k, k)
                    gather(j0 + NBUF + k, k)
            return carry

        lax.fori_loop(0, G, body, 0)

        last0 = (G - 1) * NBUF
        for r in range(R):
            scatter_wait(last0 + r, r)
            gather(G * NBUF + r, r)
        for r in range(R, NBUF):
            scatter_wait(last0 + r, r)
        for r in range(R):
            gather_wait(G * NBUF + r, r)
            scatter(G * NBUF + r, r)
        for r in range(R):
            scatter_wait(G * NBUF + r, r)

    plsc.subcore_barrier()

    out0 = pl.multiple_of(c * N_NODES + row0, 8)
    pltpu.sync_copy(acc.at[pl.ds(row0, RPT)], out_hbm.at[pl.ds(out0, RPT)])

    @pl.when(s == NS - 1)
    def _():
        tail = NS * RPT
        otail = pl.multiple_of(c * N_NODES + tail, 8)
        pltpu.sync_copy(acc.at[pl.ds(tail, N_NODES - NS * RPT)],
                        out_hbm.at[pl.ds(otail, N_NODES - NS * RPT)])


_sc_agg = functools.partial(
    pl.kernel,
    out_type=jax.ShapeDtypeStruct((2 * N_NODES, D), jnp.float32),
    mesh=plsc.VectorSubcoreMesh(
        core_axis_name="c", subcore_axis_name="s",
        num_cores=NC, num_subcores=NS),
    scratch_types=[
        pltpu.VMEM((2, MH, CK), jnp.int32),
        pltpu.VMEM((2, MH, CK), jnp.int32),
        pltpu.VMEM((NBUF, CK, D), jnp.float32),
        pltpu.VMEM_SHARED((N_NODES, D), jnp.float32),
        pltpu.SemaphoreType.DMA((NBUF,)),
        pltpu.SemaphoreType.DMA((NBUF,)),
        pltpu.SemaphoreType.DMA((2, 2)),
    ],
)(_sc_agg_body)


BLK = 5000


def _tc_body(p_ref, x_ref, w_ref, b_ref, wq_ref, bq_ref, out_ref, acc_ref):
    i = pl.program_id(0)
    tot = p_ref[0] + p_ref[1] - x_ref[...]
    h = jnp.dot(tot, w_ref[...], preferred_element_type=jnp.float32)
    h = jnp.maximum(h + b_ref[...], 0.0)
    part = jnp.sum(h, axis=0, keepdims=True)

    @pl.when(i == 0)
    def _():
        acc_ref[...] = jnp.zeros_like(acc_ref)

    acc_ref[0:1, :] += part

    @pl.when(i == pl.num_programs(0) - 1)
    def _():
        g = acc_ref[0:1, :]
        q = jnp.dot(g, wq_ref[...], preferred_element_type=jnp.float32)
        out_ref[...] = jnp.maximum(q + bq_ref[...], 0.0)


def _tc_head(p, x, w_gnn, b_gnn, wq_pad, bq_pad):
    grid = N_NODES // BLK
    return pl.pallas_call(
        _tc_body,
        grid=(grid,),
        in_specs=[
            pl.BlockSpec((2, BLK, D), lambda i: (0, i, 0)),
            pl.BlockSpec((BLK, D), lambda i: (i, 0)),
            pl.BlockSpec((D, D), lambda i: (0, 0)),
            pl.BlockSpec((1, D), lambda i: (0, 0)),
            pl.BlockSpec((D, D), lambda i: (0, 0)),
            pl.BlockSpec((1, D), lambda i: (0, 0)),
        ],
        out_specs=pl.BlockSpec((1, D), lambda i: (0, 0)),
        out_shape=jax.ShapeDtypeStruct((1, D), jnp.float32),
        scratch_shapes=[pltpu.VMEM((8, D), jnp.float32)],
    )(p, x, w_gnn, b_gnn, wq_pad, bq_pad)


def kernel(x, edge_index, W_gnn, b_gnn, W_q, b_q):
    src = edge_index[0].astype(jnp.int32).reshape(N_EDGES // CK, CK)
    dst = edge_index[1].astype(jnp.int32).reshape(N_EDGES // CK, CK)

    p = _sc_agg(x, src, dst).reshape(2, N_NODES, D)

    wq_pad = jnp.zeros((D, D), jnp.float32).at[:, :4].set(W_q)
    bq_pad = jnp.zeros((1, D), jnp.float32).at[0, :4].set(b_q)
    q = _tc_head(p, x, W_gnn, b_gnn.reshape(1, D), wq_pad, bq_pad)
    return q[:, :4]

# --- scband reference (transcript-rebuilt; emitter-appended) ---
"""Pipeline reference for scband-qagent-89799176224974 (READ-ONLY COPY).

The authoritative reference and input builder live on the scoring server;
editing this copy changes nothing except your own understanding.
"""

import jax, jax.numpy as jnp
import numpy as np

N_NODES = 10000
N_EDGES = 320000
IN_DIM = 128
EMB_DIM = 128
Q_OUT = 4


def setup_inputs(seed: int = 0) -> dict:
    key = jax.random.key(seed)
    k1, k2, k3, k4, k5 = jax.random.split(key, 5)
    x = jax.random.normal(k1, (N_NODES, IN_DIM), dtype=jnp.float32)
    edge_index = jax.random.randint(k2, (2, N_EDGES), 0, N_NODES, dtype=jnp.int64)
    # GNN layer params (message passing: aggregate neighbors + linear + relu)
    W_gnn = jax.random.normal(k3, (IN_DIM, EMB_DIM), dtype=jnp.float32) * (1.0 / np.sqrt(IN_DIM))
    b_gnn = jnp.zeros((EMB_DIM,), dtype=jnp.float32)
    # qfunc: Linear(embedding_dim, 4) + ReLU
    W_q = jax.random.normal(k4, (EMB_DIM, Q_OUT), dtype=jnp.float32) * (1.0 / np.sqrt(EMB_DIM))
    b_q = jax.random.normal(k5, (Q_OUT,), dtype=jnp.float32) * 0.01
    return {"x": x, "edge_index": edge_index, "W_gnn": W_gnn, "b_gnn": b_gnn, "W_q": W_q, "b_q": b_q}


def reference(x, edge_index, W_gnn, b_gnn, W_q, b_q):
    # GNN message passing: gather source node features, scatter-add to destinations
    src = edge_index[0]
    dst = edge_index[1]
    messages = jnp.take(x, src, axis=0)                       # gather  [E, d]
    agg = jax.ops.segment_sum(messages, dst, num_segments=x.shape[0])  # scatter-add [N, d]
    updated_nf = jax.nn.relu((x + agg) @ W_gnn + b_gnn)       # node update [N, emb]
    # dgl.readout_nodes default: sum over nodes per graph (single graph here)
    graph_feature = jnp.sum(updated_nf, axis=0, keepdims=True)  # [1, emb]
    # qfunc: Linear + ReLU
    qs = jax.nn.relu(graph_feature @ W_q + b_q)                # [1, 4]
    return qs

if __name__ == "__main__":
    import jax
    _d = setup_inputs()
    print(jax.jit(kernel)(*tuple(_d.values())))

</pallas_src>

<mosaic_0001>
#map = affine_map<(d0, d1) -> (0, 0)>
module attributes {stable_mosaic.version = 14 : i64} {
  func.func @_sc_agg_body(%arg0: i32, %arg1: i32, %arg2: memref<10000x128xf32, #tpu.memory_space<hbm>>, %arg3: memref<6400x50xi32, #tpu.memory_space<hbm>>, %arg4: memref<6400x50xi32, #tpu.memory_space<hbm>>, %arg5: memref<20000x128xf32, #tpu.memory_space<hbm>>, %arg6: memref<2x40x50xi32, #tpu.memory_space<vmem>>, %arg7: memref<2x40x50xi32, #tpu.memory_space<vmem>>, %arg8: memref<4x50x128xf32, #tpu.memory_space<vmem>>, %arg9: memref<10000x128xf32, #tpu.memory_space<vmem_shared>>, %arg10: memref<4x!tpu.dma_semaphore, #tpu.memory_space<semaphore_mem>>, %arg11: memref<4x!tpu.dma_semaphore, #tpu.memory_space<semaphore_mem>>, %arg12: memref<2x2x!tpu.dma_semaphore, #tpu.memory_space<semaphore_mem>>) attributes {dimension_semantics = [#tpu.dimension_semantics<core_parallel>, #tpu.dimension_semantics<subcore_parallel>], iteration_bounds = array<i64: 2, 16>, scalar_prefetch = 0 : i64, scratch_operands = 7 : i64, tpu.core_type = #tpu.core_type<sc_vector_subcore>, window_params = [{transform_indices = #map}, {transform_indices = #map}, {transform_indices = #map}, {transform_indices = #map}]} {
    %mul3A = arith.constant 2 : i32
    %mul3A_0 = arith.muli %arg1, %mul3A : i32
    %add3A = arith.addi %mul3A_0, %arg0 : i32
    %mul3A_1 = arith.constant 624 : i32
    %mul3A_2 = arith.muli %arg1, %mul3A_1 : i32
    %multiple_of3A = tpu.assume_multiple %mul3A_2, 8 : i32
    "tpu.region"() ({
      %run_scoped3A = tpu.sem_alloc : memref<!tpu.dma_semaphore, #tpu.memory_space<semaphore_mem>>
      %dma_start3A_1234 = arith.constant 0 : i32
      %dma_start3A_1235 = tpu.memref_slice %arg9[%multiple_of3A, %dma_start3A_1234] : memref<10000x128xf32, #tpu.memory_space<vmem_shared>> -> memref<624x128xf32, #tpu.memory_space<vmem_shared>>
      %dma_start3A_1236 = arith.constant 0 : i32
      %dma_start3A_1237 = tpu.memref_slice %arg2[%multiple_of3A, %dma_start3A_1236] : memref<10000x128xf32, #tpu.memory_space<hbm>> -> memref<624x128xf32, #tpu.memory_space<hbm>>
      tpu.enqueue_dma source(%dma_start3A_1237 : memref<624x128xf32, #tpu.memory_space<hbm>>) target(%dma_start3A_1235 : memref<624x128xf32, #tpu.memory_space<vmem_shared>>) target_semaphore(%run_scoped3A : memref<!tpu.dma_semaphore, #tpu.memory_space<semaphore_mem>>)
      %dma_wait3A_1238 = arith.constant 0 : i32
      %dma_wait3A_1239 = tpu.memref_slice %arg9[%multiple_of3A, %dma_wait3A_1238] : memref<10000x128xf32, #tpu.memory_space<vmem_shared>> -> memref<624x128xf32, #tpu.memory_space<vmem_shared>>
      %dma_wait3A_1240 = arith.constant 0 : i32
      %dma_wait3A_1241 = tpu.memref_slice %arg2[%multiple_of3A, %dma_wait3A_1240] : memref<10000x128xf32, #tpu.memory_space<hbm>> -> memref<624x128xf32, #tpu.memory_space<hbm>>
      tpu.wait_dma2 semaphore(%run_scoped3A : memref<!tpu.dma_semaphore, #tpu.memory_space<semaphore_mem>>) src(%dma_wait3A_1241 : memref<624x128xf32, #tpu.memory_space<hbm>>) dst(%dma_wait3A_1239 : memref<624x128xf32, #tpu.memory_space<vmem_shared>>)
      tpu.yield
    }) : () -> ()
    %eq3A = arith.constant 15 : i32
    %eq3A_3 = arith.cmpi eq, %arg1, %eq3A : i32
    %convert_element_type3A = arith.extui %eq3A_3 : i1 to i32
    %cond3A = arith.constant 0 : i32
    %cond3A_4 = arith.cmpi ne, %convert_element_type3A, %cond3A : i32
    scf.if %cond3A_4 {
      "tpu.region"() ({
        %run_scoped3A = tpu.sem_alloc : memref<!tpu.dma_semaphore, #tpu.memory_space<semaphore_mem>>
        %dma_start3A_1234 = arith.constant 9984 : i32
        %dma_start3A_1235 = arith.constant 0 : i32
        %dma_start3A_1236 = tpu.memref_slice %arg9[%dma_start3A_1234, %dma_start3A_1235] : memref<10000x128xf32, #tpu.memory_space<vmem_shared>> -> memref<16x128xf32, #tpu.memory_space<vmem_shared>>
        %dma_start3A_1237 = arith.constant 9984 : i32
        %dma_start3A_1238 = arith.constant 0 : i32
        %dma_start3A_1239 = tpu.memref_slice %arg2[%dma_start3A_1237, %dma_start3A_1238] : memref<10000x128xf32, #tpu.memory_space<hbm>> -> memref<16x128xf32, #tpu.memory_space<hbm>>
        tpu.enqueue_dma source(%dma_start3A_1239 : memref<16x128xf32, #tpu.memory_space<hbm>>) target(%dma_start3A_1236 : memref<16x128xf32, #tpu.memory_space<vmem_shared>>) target_semaphore(%run_scoped3A : memref<!tpu.dma_semaphore, #tpu.memory_space<semaphore_mem>>)
        %dma_wait3A_1240 = arith.constant 9984 : i32
        %dma_wait3A_1241 = arith.constant 0 : i32
        %dma_wait3A_1242 = tpu.memref_slice %arg9[%dma_wait3A_1240, %dma_wait3A_1241] : memref<10000x128xf32, #tpu.memory_space<vmem_shared>> -> memref<16x128xf32, #tpu.memory_space<vmem_shared>>
        %dma_wait3A_1243 = arith.constant 9984 : i32
        %dma_wait3A_1244 = arith.constant 0 : i32
        %dma_wait3A_1245 = tpu.memref_slice %arg2[%dma_wait3A_1243, %dma_wait3A_1244] : memref<10000x128xf32, #tpu.memory_space<hbm>> -> memref<16x128xf32, #tpu.memory_space<hbm>>
        tpu.wait_dma2 semaphore(%run_scoped3A : memref<!tpu.dma_semaphore, #tpu.memory_space<semaphore_mem>>) src(%dma_wait3A_1245 : memref<16x128xf32, #tpu.memory_space<hbm>>) dst(%dma_wait3A_1242 : memref<16x128xf32, #tpu.memory_space<vmem_shared>>)
        tpu.yield
      }) : () -> ()
    } else {
    }
    %barrier3A = arith.constant 0 : index
    tpu.barrier barrier_id(%barrier3A)
    %mul3A_5 = arith.constant 200 : i32
    %mul3A_6 = arith.muli %add3A, %mul3A_5 : i32
    %add3A_7 = arith.constant 0 : i32
    %add3A_8 = arith.addi %mul3A_6, %add3A_7 : i32
    %dma_start3A = arith.constant 0 : i32
    %dma_start3A_9 = arith.constant 0 : i32
    %dma_start3A_10 = arith.constant 0 : i32
    %dma_start3A_11 = arith.constant 0 : i32
    %dma_start3A_12 = arith.constant 0 : i32
    %dma_start3A_13 = tpu.memref_slice %arg6[%dma_start3A, %dma_start3A_11, %dma_start3A_12] : memref<2x40x50xi32, #tpu.memory_space<vmem>> -> memref<1x40x50xi32, #tpu.memory_space<vmem>>
    %dma_start3A_14 = tpu.memref_squeeze %dma_start3A_13 : memref<1x40x50xi32, #tpu.memory_space<vmem>> -> memref<40x50xi32, #tpu.memory_space<vmem>>
    %dma_start3A_15 = arith.constant 0 : i32
    %dma_start3A_16 = tpu.memref_slice %arg3[%add3A_8, %dma_start3A_15] : memref<6400x50xi32, #tpu.memory_space<hbm>> -> memref<40x50xi32, #tpu.memory_space<hbm>>
    %dma_start3A_17 = tpu.memref_slice %arg12[%dma_start3A_9, %dma_start3A_10] : memref<2x2x!tpu.dma_semaphore, #tpu.memory_space<semaphore_mem>> -> memref<1x1x!tpu.dma_semaphore, #tpu.memory_space<semaphore_mem>>
    %dma_start3A_18 = tpu.memref_squeeze %dma_start3A_17 : memref<1x1x!tpu.dma_semaphore, #tpu.memory_space<semaphore_mem>> -> memref<!tpu.dma_semaphore, #tpu.memory_space<semaphore_mem>>
    %dma_start3A_19 = arith.constant 0 : i32
    %dma_start3A_20 = arith.constant 0 : i32
    %dma_start3A_21 = tpu.memref_slice %arg6[%dma_start3A, %dma_start3A_19, %dma_start3A_20] : memref<2x40x50xi32, #tpu.memory_space<vmem>> -> memref<1x40x50xi32, #tpu.memory_space<vmem>>
    %dma_start3A_22 = tpu.memref_squeeze %dma_start3A_21 : memref<1x40x50xi32, #tpu.memory_space<vmem>> -> memref<40x50xi32, #tpu.memory_space<vmem>>
    %dma_start3A_23 = arith.constant 0 : i32
    %dma_start3A_24 = tpu.memref_slice %arg3[%add3A_8, %dma_start3A_23] : memref<6400x50xi32, #tpu.memory_space<hbm>> -> memref<40x50xi32, #tpu.memory_space<hbm>>
    tpu.enqueue_dma source(%dma_start3A_24 : memref<40x50xi32, #tpu.memory_space<hbm>>) target(%dma_start3A_22 : memref<40x50xi32, #tpu.memory_space<vmem>>) target_semaphore(%dma_start3A_18 : memref<!tpu.dma_semaphore, #tpu.memory_space<semaphore_mem>>)
    %add3A_25 = arith.constant 0 : i32
    %add3A_26 = arith.addi %mul3A_6, %add3A_25 : i32
    %dma_start3A_27 = arith.constant 0 : i32
    %dma_start3A_28 = arith.constant 0 : i32
    %dma_start3A_29 = arith.constant 1 : i32
    %dma_start3A_30 = arith.constant 0 : i32
    %dma_start3A_31 = arith.constant 0 : i32
    %dma_start3A_32 = tpu.memref_slice %arg7[%dma_start3A_27, %dma_start3A_30, %dma_start3A_31] : memref<2x40x50xi32, #tpu.memory_space<vmem>> -> memref<1x40x50xi32, #tpu.memory_space<vmem>>
    %dma_start3A_33 = tpu.memref_squeeze %dma_start3A_32 : memref<1x40x50xi32, #tpu.memory_space<vmem>> -> memref<40x50xi32, #tpu.memory_space<vmem>>
    %dma_start3A_34 = arith.constant 0 : i32
    %dma_start3A_35 = tpu.memref_slice %arg4[%add3A_26, %dma_start3A_34] : memref<6400x50xi32, #tpu.memory_space<hbm>> -> memref<40x50xi32, #tpu.memory_space<hbm>>
    %dma_start3A_36 = tpu.memref_slice %arg12[%dma_start3A_28, %dma_start3A_29] : memref<2x2x!tpu.dma_semaphore, #tpu.memory_space<semaphore_mem>> -> memref<1x1x!tpu.dma_semaphore, #tpu.memory_space<semaphore_mem>>
    %dma_start3A_37 = tpu.memref_squeeze %dma_start3A_36 : memref<1x1x!tpu.dma_semaphore, #tpu.memory_space<semaphore_mem>> -> memref<!tpu.dma_semaphore, #tpu.memory_space<semaphore_mem>>
    %dma_start3A_38 = arith.constant 0 : i32
    %dma_start3A_39 = arith.constant 0 : i32
    %dma_start3A_40 = tpu.memref_slice %arg7[%dma_start3A_27, %dma_start3A_38, %dma_start3A_39] : memref<2x40x50xi32, #tpu.memory_space<vmem>> -> memref<1x40x50xi32, #tpu.memory_space<vmem>>
    %dma_start3A_41 = tpu.memref_squeeze %dma_start3A_40 : memref<1x40x50xi32, #tpu.memory_space<vmem>> -> memref<40x50xi32, #tpu.memory_space<vmem>>
    %dma_start3A_42 = arith.constant 0 : i32
    %dma_start3A_43 = tpu.memref_slice %arg4[%add3A_26, %dma_start3A_42] : memref<6400x50xi32, #tpu.memory_space<hbm>> -> memref<40x50xi32, #tpu.memory_space<hbm>>
    tpu.enqueue_dma source(%dma_start3A_43 : memref<40x50xi32, #tpu.memory_space<hbm>>) target(%dma_start3A_41 : memref<40x50xi32, #tpu.memory_space<vmem>>) target_semaphore(%dma_start3A_37 : memref<!tpu.dma_semaphore, #tpu.memory_space<semaphore_mem>>)
    %add3A_44 = arith.constant 0 : i32
    %add3A_45 = arith.addi %mul3A_6, %add3A_44 : i32
    %dma_wait3A = arith.constant 0 : i32
    %dma_wait3A_46 = arith.constant 0 : i32
    %dma_wait3A_47 = arith.constant 0 : i32
    %dma_wait3A_48 = arith.constant 0 : i32
    %dma_wait3A_49 = arith.constant 0 : i32
    %dma_wait3A_50 = tpu.memref_slice %arg6[%dma_wait3A, %dma_wait3A_48, %dma_wait3A_49] : memref<2x40x50xi32, #tpu.memory_space<vmem>> -> memref<1x40x50xi32, #tpu.memory_space<vmem>>
    %dma_wait3A_51 = tpu.memref_squeeze %dma_wait3A_50 : memref<1x40x50xi32, #tpu.memory_space<vmem>> -> memref<40x50xi32, #tpu.memory_space<vmem>>
    %dma_wait3A_52 = arith.constant 0 : i32
    %dma_wait3A_53 = tpu.memref_slice %arg3[%add3A_45, %dma_wait3A_52] : memref<6400x50xi32, #tpu.memory_space<hbm>> -> memref<40x50xi32, #tpu.memory_space<hbm>>
    %dma_wait3A_54 = tpu.memref_slice %arg12[%dma_wait3A_46, %dma_wait3A_47] : memref<2x2x!tpu.dma_semaphore, #tpu.memory_space<semaphore_mem>> -> memref<1x1x!tpu.dma_semaphore, #tpu.memory_space<semaphore_mem>>
    %dma_wait3A_55 = tpu.memref_squeeze %dma_wait3A_54 : memref<1x1x!tpu.dma_semaphore, #tpu.memory_space<semaphore_mem>> -> memref<!tpu.dma_semaphore, #tpu.memory_space<semaphore_mem>>
    %dma_wait3A_56 = arith.constant 0 : i32
    %dma_wait3A_57 = arith.constant 0 : i32
    %dma_wait3A_58 = tpu.memref_slice %arg6[%dma_wait3A, %dma_wait3A_56, %dma_wait3A_57] : memref<2x40x50xi32, #tpu.memory_space<vmem>> -> memref<1x40x50xi32, #tpu.memory_space<vmem>>
    %dma_wait3A_59 = tpu.memref_squeeze %dma_wait3A_58 : memref<1x40x50xi32, #tpu.memory_space<vmem>> -> memref<40x50xi32, #tpu.memory_space<vmem>>
    %dma_wait3A_60 = arith.constant 0 : i32
    %dma_wait3A_61 = tpu.memref_slice %arg3[%add3A_45, %dma_wait3A_60] : memref<6400x50xi32, #tpu.memory_space<hbm>> -> memref<40x50xi32, #tpu.memory_space<hbm>>
    tpu.wait_dma2 semaphore(%dma_wait3A_55 : memref<!tpu.dma_semaphore, #tpu.memory_space<semaphore_mem>>) src(%dma_wait3A_61 : memref<40x50xi32, #tpu.memory_space<hbm>>) dst(%dma_wait3A_59 : memref<40x50xi32, #tpu.memory_space<vmem>>)
    %add3A_62 = arith.constant 0 : i32
    %add3A_63 = arith.addi %mul3A_6, %add3A_62 : i32
    %dma_wait3A_64 = arith.constant 0 : i32
    %dma_wait3A_65 = arith.constant 0 : i32
    %dma_wait3A_66 = arith.constant 1 : i32
    %dma_wait3A_67 = arith.constant 0 : i32
    %dma_wait3A_68 = arith.constant 0 : i32
    %dma_wait3A_69 = tpu.memref_slice %arg7[%dma_wait3A_64, %dma_wait3A_67, %dma_wait3A_68] : memref<2x40x50xi32, #tpu.memory_space<vmem>> -> memref<1x40x50xi32, #tpu.memory_space<vmem>>
    %dma_wait3A_70 = tpu.memref_squeeze %dma_wait3A_69 : memref<1x40x50xi32, #tpu.memory_space<vmem>> -> memref<40x50xi32, #tpu.memory_space<vmem>>
    %dma_wait3A_71 = arith.constant 0 : i32
    %dma_wait3A_72 = tpu.memref_slice %arg4[%add3A_63, %dma_wait3A_71] : memref<6400x50xi32, #tpu.memory_space<hbm>> -> memref<40x50xi32, #tpu.memory_space<hbm>>
    %dma_wait3A_73 = tpu.memref_slice %arg12[%dma_wait3A_65, %dma_wait3A_66] : memref<2x2x!tpu.dma_semaphore, #tpu.memory_space<semaphore_mem>> -> memref<1x1x!tpu.dma_semaphore, #tpu.memory_space<semaphore_mem>>
    %dma_wait3A_74 = tpu.memref_squeeze %dma_wait3A_73 : memref<1x1x!tpu.dma_semaphore, #tpu.memory_space<semaphore_mem>> -> memref<!tpu.dma_semaphore, #tpu.memory_space<semaphore_mem>>
    %dma_wait3A_75 = arith.constant 0 : i32
    %dma_wait3A_76 = arith.constant 0 : i32
    %dma_wait3A_77 = tpu.memref_slice %arg7[%dma_wait3A_64, %dma_wait3A_75, %dma_wait3A_76] : memref<2x40x50xi32, #tpu.memory_space<vmem>> -> memref<1x40x50xi32, #tpu.memory_space<vmem>>
    %dma_wait3A_78 = tpu.memref_squeeze %dma_wait3A_77 : memref<1x40x50xi32, #tpu.memory_space<vmem>> -> memref<40x50xi32, #tpu.memory_space<vmem>>
    %dma_wait3A_79 = arith.constant 0 : i32
    %dma_wait3A_80 = tpu.memref_slice %arg4[%add3A_63, %dma_wait3A_79] : memref<6400x50xi32, #tpu.memory_space<hbm>> -> memref<40x50xi32, #tpu.memory_space<hbm>>
    tpu.wait_dma2 semaphore(%dma_wait3A_74 : memref<!tpu.dma_semaphore, #tpu.memory_space<semaphore_mem>>) src(%dma_wait3A_80 : memref<40x50xi32, #tpu.memory_space<hbm>>) dst(%dma_wait3A_78 : memref<40x50xi32, #tpu.memory_space<vmem>>)
    %add3A_81 = arith.constant 40 : i32
    %add3A_82 = arith.addi %mul3A_6, %add3A_81 : i32
    %dma_start3A_83 = arith.constant 1 : i32
    %dma_start3A_84 = arith.constant 1 : i32
    %dma_start3A_85 = arith.constant 0 : i32
    %dma_start3A_86 = arith.constant 0 : i32
    %dma_start3A_87 = arith.constant 0 : i32
    %dma_start3A_88 = tpu.memref_slice %arg6[%dma_start3A_83, %dma_start3A_86, %dma_start3A_87] : memref<2x40x50xi32, #tpu.memory_space<vmem>> -> memref<1x40x50xi32, #tpu.memory_space<vmem>>
    %dma_start3A_89 = tpu.memref_squeeze %dma_start3A_88 : memref<1x40x50xi32, #tpu.memory_space<vmem>> -> memref<40x50xi32, #tpu.memory_space<vmem>>
    %dma_start3A_90 = arith.constant 0 : i32
    %dma_start3A_91 = tpu.memref_slice %arg3[%add3A_82, %dma_start3A_90] : memref<6400x50xi32, #tpu.memory_space<hbm>> -> memref<40x50xi32, #tpu.memory_space<hbm>>
    %dma_start3A_92 = tpu.memref_slice %arg12[%dma_start3A_84, %dma_start3A_85] : memref<2x2x!tpu.dma_semaphore, #tpu.memory_space<semaphore_mem>> -> memref<1x1x!tpu.dma_semaphore, #tpu.memory_space<semaphore_mem>>
    %dma_start3A_93 = tpu.memref_squeeze %dma_start3A_92 : memref<1x1x!tpu.dma_semaphore, #tpu.memory_space<semaphore_mem>> -> memref<!tpu.dma_semaphore, #tpu.memory_space<semaphore_mem>>
    %dma_start3A_94 = arith.constant 0 : i32
    %dma_start3A_95 = arith.constant 0 : i32
    %dma_start3A_96 = tpu.memref_slice %arg6[%dma_start3A_83, %dma_start3A_94, %dma_start3A_95] : memref<2x40x50xi32, #tpu.memory_space<vmem>> -> memref<1x40x50xi32, #tpu.memory_space<vmem>>
    %dma_start3A_97 = tpu.memref_squeeze %dma_start3A_96 : memref<1x40x50xi32, #tpu.memory_space<vmem>> -> memref<40x50xi32, #tpu.memory_space<vmem>>
    %dma_start3A_98 = arith.constant 0 : i32
    %dma_start3A_99 = tpu.memref_slice %arg3[%add3A_82, %dma_start3A_98] : memref<6400x50xi32, #tpu.memory_space<hbm>> -> memref<40x50xi32, #tpu.memory_space<hbm>>
    tpu.enqueue_dma source(%dma_start3A_99 : memref<40x50xi32, #tpu.memory_space<hbm>>) target(%dma_start3A_97 : memref<40x50xi32, #tpu.memory_space<vmem>>) target_semaphore(%dma_start3A_93 : memref<!tpu.dma_semaphore, #tpu.memory_space<semaphore_mem>>)
    %add3A_100 = arith.constant 40 : i32
    %add3A_101 = arith.addi %mul3A_6, %add3A_100 : i32
    %dma_start3A_102 = arith.constant 1 : i32
    %dma_start3A_103 = arith.constant 1 : i32
    %dma_start3A_104 = arith.constant 1 : i32
    %dma_start3A_105 = arith.constant 0 : i32
    %dma_start3A_106 = arith.constant 0 : i32
    %dma_start3A_107 = tpu.memref_slice %arg7[%dma_start3A_102, %dma_start3A_105, %dma_start3A_106] : memref<2x40x50xi32, #tpu.memory_space<vmem>> -> memref<1x40x50xi32, #tpu.memory_space<vmem>>
    %dma_start3A_108 = tpu.memref_squeeze %dma_start3A_107 : memref<1x40x50xi32, #tpu.memory_space<vmem>> -> memref<40x50xi32, #tpu.memory_space<vmem>>
    %dma_start3A_109 = arith.constant 0 : i32
    %dma_start3A_110 = tpu.memref_slice %arg4[%add3A_101, %dma_start3A_109] : memref<6400x50xi32, #tpu.memory_space<hbm>> -> memref<40x50xi32, #tpu.memory_space<hbm>>
    %dma_start3A_111 = tpu.memref_slice %arg12[%dma_start3A_103, %dma_start3A_104] : memref<2x2x!tpu.dma_semaphore, #tpu.memory_space<semaphore_mem>> -> memref<1x1x!tpu.dma_semaphore, #tpu.memory_space<semaphore_mem>>
    %dma_start3A_112 = tpu.memref_squeeze %dma_start3A_111 : memref<1x1x!tpu.dma_semaphore, #tpu.memory_space<semaphore_mem>> -> memref<!tpu.dma_semaphore, #tpu.memory_space<semaphore_mem>>
    %dma_start3A_113 = arith.constant 0 : i32
    %dma_start3A_114 = arith.constant 0 : i32
    %dma_start3A_115 = tpu.memref_slice %arg7[%dma_start3A_102, %dma_start3A_113, %dma_start3A_114] : memref<2x40x50xi32, #tpu.memory_space<vmem>> -> memref<1x40x50xi32, #tpu.memory_space<vmem>>
    %dma_start3A_116 = tpu.memref_squeeze %dma_start3A_115 : memref<1x40x50xi32, #tpu.memory_space<vmem>> -> memref<40x50xi32, #tpu.memory_space<vmem>>
    %dma_start3A_117 = arith.constant 0 : i32
    %dma_start3A_118 = tpu.memref_slice %arg4[%add3A_101, %dma_start3A_117] : memref<6400x50xi32, #tpu.memory_space<hbm>> -> memref<40x50xi32, #tpu.memory_space<hbm>>
    tpu.enqueue_dma source(%dma_start3A_118 : memref<40x50xi32, #tpu.memory_space<hbm>>) target(%dma_start3A_116 : memref<40x50xi32, #tpu.memory_space<vmem>>) target_semaphore(%dma_start3A_112 : memref<!tpu.dma_semaphore, #tpu.memory_space<semaphore_mem>>)
    %dma_start3A_119 = arith.constant 0 : i32
    %dma_start3A_120 = arith.constant 0 : i32
    %dma_start3A_121 = arith.constant 0 : i32
    %dma_start3A_122 = arith.constant 0 : i32
    %dma_start3A_123 = arith.constant 0 : i32
    %dma_start3A_124 = arith.constant 0 : i32
    %dma_start3A_125 = tpu.memref_slice %arg8[%dma_start3A_121, %dma_start3A_123, %dma_start3A_124] : memref<4x50x128xf32, #tpu.memory_space<vmem>> -> memref<1x50x128xf32, #tpu.memory_space<vmem>>
    %dma_start3A_126 = tpu.memref_squeeze %dma_start3A_125 : memref<1x50x128xf32, #tpu.memory_space<vmem>> -> memref<50x128xf32, #tpu.memory_space<vmem>>
    %dma_start3A_127 = arith.constant 0 : i32
    %dma_start3A_128 = arith.constant 0 : i32
    %dma_start3A_129 = tpu.memref_slice %arg6[%dma_start3A_119, %dma_start3A_127, %dma_start3A_128] : memref<2x40x50xi32, #tpu.memory_space<vmem>> -> memref<1x40x50xi32, #tpu.memory_space<vmem>>
    %dma_start3A_130 = tpu.memref_squeeze %dma_start3A_129 : memref<1x40x50xi32, #tpu.memory_space<vmem>> -> memref<40x50xi32, #tpu.memory_space<vmem>>
    %dma_start3A_131 = arith.constant 0 : i32
    %dma_start3A_132 = tpu.memref_slice %dma_start3A_130[%dma_start3A_120, %dma_start3A_131] : memref<40x50xi32, #tpu.memory_space<vmem>> -> memref<1x50xi32, #tpu.memory_space<vmem>>
    %dma_start3A_133 = tpu.memref_squeeze %dma_start3A_132 : memref<1x50xi32, #tpu.memory_space<vmem>> -> memref<50xi32, #tpu.memory_space<vmem>>
    %dma_start3A_134 = arith.constant 0 : i32
    %dma_start3A_135 = arith.constant 0 : i32
    %dma_start3A_136 = tpu.memref_slice %arg2[%dma_start3A_134, %dma_start3A_135] : memref<10000x128xf32, #tpu.memory_space<hbm>> -> memref<10000x128xf32, #tpu.memory_space<hbm>>
    %dma_start3A_137 = tpu.memref_slice %arg10[%dma_start3A_122] : memref<4x!tpu.dma_semaphore, #tpu.memory_space<semaphore_mem>> -> memref<1x!tpu.dma_semaphore, #tpu.memory_space<semaphore_mem>>
    %dma_start3A_138 = tpu.memref_squeeze %dma_start3A_137 : memref<1x!tpu.dma_semaphore, #tpu.memory_space<semaphore_mem>> -> memref<!tpu.dma_semaphore, #tpu.memory_space<semaphore_mem>>
    tpu.enqueue_indirect_dma source(%dma_start3A_136 : memref<10000x128xf32, #tpu.memory_space<hbm>>) target(%dma_start3A_126 : memref<50x128xf32, #tpu.memory_space<vmem>>) offsets(%dma_start3A_133 : memref<50xi32, #tpu.memory_space<vmem>>) semaphore(%dma_start3A_138 : memref<!tpu.dma_semaphore, #tpu.memory_space<semaphore_mem>>)
    %dma_start3A_139 = arith.constant 0 : i32
    %dma_start3A_140 = arith.constant 1 : i32
    %dma_start3A_141 = arith.constant 1 : i32
    %dma_start3A_142 = arith.constant 1 : i32
    %dma_start3A_143 = arith.constant 0 : i32
    %dma_start3A_144 = arith.constant 0 : i32
    %dma_start3A_145 = tpu.memref_slice %arg8[%dma_start3A_141, %dma_start3A_143, %dma_start3A_144] : memref<4x50x128xf32, #tpu.memory_space<vmem>> -> memref<1x50x128xf32, #tpu.memory_space<vmem>>
    %dma_start3A_146 = tpu.memref_squeeze %dma_start3A_145 : memref<1x50x128xf32, #tpu.memory_space<vmem>> -> memref<50x128xf32, #tpu.memory_space<vmem>>
    %dma_start3A_147 = arith.constant 0 : i32
    %dma_start3A_148 = arith.constant 0 : i32
    %dma_start3A_149 = tpu.memref_slice %arg6[%dma_start3A_139, %dma_start3A_147, %dma_start3A_148] : memref<2x40x50xi32, #tpu.memory_space<vmem>> -> memref<1x40x50xi32, #tpu.memory_space<vmem>>
    %dma_start3A_150 = tpu.memref_squeeze %dma_start3A_149 : memref<1x40x50xi32, #tpu.memory_space<vmem>> -> memref<40x50xi32, #tpu.memory_space<vmem>>
    %dma_start3A_151 = arith.constant 0 : i32
    %dma_start3A_152 = tpu.memref_slice %dma_start3A_150[%dma_start3A_140, %dma_start3A_151] : memref<40x50xi32, #tpu.memory_space<vmem>> -> memref<1x50xi32, #tpu.memory_space<vmem>>
    %dma_start3A_153 = tpu.memref_squeeze %dma_start3A_152 : memref<1x50xi32, #tpu.memory_space<vmem>> -> memref<50xi32, #tpu.memory_space<vmem>>
    %dma_start3A_154 = arith.constant 0 : i32
    %dma_start3A_155 = arith.constant 0 : i32
    %dma_start3A_156 = tpu.memref_slice %arg2[%dma_start3A_154, %dma_start3A_155] : memref<10000x128xf32, #tpu.memory_space<hbm>> -> memref<10000x128xf32, #tpu.memory_space<hbm>>
    %dma_start3A_157 = tpu.memref_slice %arg10[%dma_start3A_142] : memref<4x!tpu.dma_semaphore, #tpu.memory_space<semaphore_mem>> -> memref<1x!tpu.dma_semaphore, #tpu.memory_space<semaphore_mem>>
    %dma_start3A_158 = tpu.memref_squeeze %dma_start3A_157 : memref<1x!tpu.dma_semaphore, #tpu.memory_space<semaphore_mem>> -> memref<!tpu.dma_semaphore, #tpu.memory_space<semaphore_mem>>
    tpu.enqueue_indirect_dma source(%dma_start3A_156 : memref<10000x128xf32, #tpu.memory_space<hbm>>) target(%dma_start3A_146 : memref<50x128xf32, #tpu.memory_space<vmem>>) offsets(%dma_start3A_153 : memref<50xi32, #tpu.memory_space<vmem>>) semaphore(%dma_start3A_158 : memref<!tpu.dma_semaphore, #tpu.memory_space<semaphore_mem>>)
    %dma_start3A_159 = arith.constant 0 : i32
    %dma_start3A_160 = arith.constant 2 : i32
    %dma_start3A_161 = arith.constant 2 : i32
    %dma_start3A_162 = arith.constant 2 : i32
    %dma_start3A_163 = arith.constant 0 : i32
    %dma_start3A_164 = arith.constant 0 : i32
    %dma_start3A_165 = tpu.memref_slice %arg8[%dma_start3A_161, %dma_start3A_163, %dma_start3A_164] : memref<4x50x128xf32, #tpu.memory_space<vmem>> -> memref<1x50x128xf32, #tpu.memory_space<vmem>>
    %dma_start3A_166 = tpu.memref_squeeze %dma_start3A_165 : memref<1x50x128xf32, #tpu.memory_space<vmem>> -> memref<50x128xf32, #tpu.memory_space<vmem>>
    %dma_start3A_167 = arith.constant 0 : i32
    %dma_start3A_168 = arith.constant 0 : i32
    %dma_start3A_169 = tpu.memref_slice %arg6[%dma_start3A_159, %dma_start3A_167, %dma_start3A_168] : memref<2x40x50xi32, #tpu.memory_space<vmem>> -> memref<1x40x50xi32, #tpu.memory_space<vmem>>
    %dma_start3A_170 = tpu.memref_squeeze %dma_start3A_169 : memref<1x40x50xi32, #tpu.memory_space<vmem>> -> memref<40x50xi32, #tpu.memory_space<vmem>>
    %dma_start3A_171 = arith.constant 0 : i32
    %dma_start3A_172 = tpu.memref_slice %dma_start3A_170[%dma_start3A_160, %dma_start3A_171] : memref<40x50xi32, #tpu.memory_space<vmem>> -> memref<1x50xi32, #tpu.memory_space<vmem>>
    %dma_start3A_173 = tpu.memref_squeeze %dma_start3A_172 : memref<1x50xi32, #tpu.memory_space<vmem>> -> memref<50xi32, #tpu.memory_space<vmem>>
    %dma_start3A_174 = arith.constant 0 : i32
    %dma_start3A_175 = arith.constant 0 : i32
    %dma_start3A_176 = tpu.memref_slice %arg2[%dma_start3A_174, %dma_start3A_175] : memref<10000x128xf32, #tpu.memory_space<hbm>> -> memref<10000x128xf32, #tpu.memory_space<hbm>>
    %dma_start3A_177 = tpu.memref_slice %arg10[%dma_start3A_162] : memref<4x!tpu.dma_semaphore, #tpu.memory_space<semaphore_mem>> -> memref<1x!tpu.dma_semaphore, #tpu.memory_space<semaphore_mem>>
    %dma_start3A_178 = tpu.memref_squeeze %dma_start3A_177 : memref<1x!tpu.dma_semaphore, #tpu.memory_space<semaphore_mem>> -> memref<!tpu.dma_semaphore, #tpu.memory_space<semaphore_mem>>
    tpu.enqueue_indirect_dma source(%dma_start3A_176 : memref<10000x128xf32, #tpu.memory_space<hbm>>) target(%dma_start3A_166 : memref<50x128xf32, #tpu.memory_space<vmem>>) offsets(%dma_start3A_173 : memref<50xi32, #tpu.memory_space<vmem>>) semaphore(%dma_start3A_178 : memref<!tpu.dma_semaphore, #tpu.memory_space<semaphore_mem>>)
    %dma_start3A_179 = arith.constant 0 : i32
    %dma_start3A_180 = arith.constant 3 : i32
    %dma_start3A_181 = arith.constant 3 : i32
    %dma_start3A_182 = arith.constant 3 : i32
    %dma_start3A_183 = arith.constant 0 : i32
    %dma_start3A_184 = arith.constant 0 : i32
    %dma_start3A_185 = tpu.memref_slice %arg8[%dma_start3A_181, %dma_start3A_183, %dma_start3A_184] : memref<4x50x128xf32, #tpu.memory_space<vmem>> -> memref<1x50x128xf32, #tpu.memory_space<vmem>>
    %dma_start3A_186 = tpu.memref_squeeze %dma_start3A_185 : memref<1x50x128xf32, #tpu.memory_space<vmem>> -> memref<50x128xf32, #tpu.memory_space<vmem>>
    %dma_start3A_187 = arith.constant 0 : i32
    %dma_start3A_188 = arith.constant 0 : i32
    %dma_start3A_189 = tpu.memref_slice %arg6[%dma_start3A_179, %dma_start3A_187, %dma_start3A_188] : memref<2x40x50xi32, #tpu.memory_space<vmem>> -> memref<1x40x50xi32, #tpu.memory_space<vmem>>
    %dma_start3A_190 = tpu.memref_squeeze %dma_start3A_189 : memref<1x40x50xi32, #tpu.memory_space<vmem>> -> memref<40x50xi32, #tpu.memory_space<vmem>>
    %dma_start3A_191 = arith.constant 0 : i32
    %dma_start3A_192 = tpu.memref_slice %dma_start3A_190[%dma_start3A_180, %dma_start3A_191] : memref<40x50xi32, #tpu.memory_space<vmem>> -> memref<1x50xi32, #tpu.memory_space<vmem>>
    %dma_start3A_193 = tpu.memref_squeeze %dma_start3A_192 : memref<1x50xi32, #tpu.memory_space<vmem>> -> memref<50xi32, #tpu.memory_space<vmem>>
    %dma_start3A_194 = arith.constant 0 : i32
    %dma_start3A_195 = arith.constant 0 : i32
    %dma_start3A_196 = tpu.memref_slice %arg2[%dma_start3A_194, %dma_start3A_195] : memref<10000x128xf32, #tpu.memory_space<hbm>> -> memref<10000x128xf32, #tpu.memory_space<hbm>>
    %dma_start3A_197 = tpu.memref_slice %arg10[%dma_start3A_182] : memref<4x!tpu.dma_semaphore, #tpu.memory_space<semaphore_mem>> -> memref<1x!tpu.dma_semaphore, #tpu.memory_space<semaphore_mem>>
    %dma_start3A_198 = tpu.memref_squeeze %dma_start3A_197 : memref<1x!tpu.dma_semaphore, #tpu.memory_space<semaphore_mem>> -> memref<!tpu.dma_semaphore, #tpu.memory_space<semaphore_mem>>
    tpu.enqueue_indirect_dma source(%dma_start3A_196 : memref<10000x128xf32, #tpu.memory_space<hbm>>) target(%dma_start3A_186 : memref<50x128xf32, #tpu.memory_space<vmem>>) offsets(%dma_start3A_193 : memref<50xi32, #tpu.memory_space<vmem>>) semaphore(%dma_start3A_198 : memref<!tpu.dma_semaphore, #tpu.memory_space<semaphore_mem>>)
    %scan3A = arith.constant 0 : i32
    %scan3A_199 = arith.constant 0 : i32
    %scan3A_200 = arith.constant 0 : i32
    %scan3A_201 = arith.constant 0 : i32
    %scan3A_202 = arith.constant 10 : i32
    %scan3A_203 = arith.addi %scan3A_201, %scan3A_202 : i32
    %scan3A_204 = arith.constant 1 : i32
    scf.for %scan3A_1234 = %scan3A_201 to %scan3A_203 step %scan3A_204  : i32 {
      %mul3A_1235 = arith.constant 4 : i32
      %mul3A_1236 = arith.muli %scan3A_1234, %mul3A_1235 : i32
      %add3A_1237 = arith.constant 0 : i32
      %add3A_1238 = arith.addi %mul3A_1236, %add3A_1237 : i32
      %dma_wait3A_1239 = arith.constant 0 : i32
      %dma_wait3A_1240 = arith.constant 0 : i32
      %dma_wait3A_1241 = arith.constant 0 : i32
      %dma_wait3A_1242 = arith.constant 0 : i32
      %dma_wait3A_1243 = tpu.memref_slice %arg8[%dma_wait3A_1239, %dma_wait3A_1241, %dma_wait3A_1242] : memref<4x50x128xf32, #tpu.memory_space<vmem>> -> memref<1x50x128xf32, #tpu.memory_space<vmem>>
      %dma_wait3A_1244 = tpu.memref_squeeze %dma_wait3A_1243 : memref<1x50x128xf32, #tpu.memory_space<vmem>> -> memref<50x128xf32, #tpu.memory_space<vmem>>
      %dma_wait3A_1245 = arith.constant 0 : i32
      %dma_wait3A_1246 = arith.constant 0 : i32
      %dma_wait3A_1247 = tpu.memref_slice %arg6[%scan3A_199, %dma_wait3A_1245, %dma_wait3A_1246] : memref<2x40x50xi32, #tpu.memory_space<vmem>> -> memref<1x40x50xi32, #tpu.memory_space<vmem>>
      %dma_wait3A_1248 = tpu.memref_squeeze %dma_wait3A_1247 : memref<1x40x50xi32, #tpu.memory_space<vmem>> -> memref<40x50xi32, #tpu.memory_space<vmem>>
      %dma_wait3A_1249 = arith.constant 0 : i32
      %dma_wait3A_1250 = tpu.memref_slice %dma_wait3A_1248[%add3A_1238, %dma_wait3A_1249] : memref<40x50xi32, #tpu.memory_space<vmem>> -> memref<1x50xi32, #tpu.memory_space<vmem>>
      %dma_wait3A_1251 = tpu.memref_squeeze %dma_wait3A_1250 : memref<1x50xi32, #tpu.memory_space<vmem>> -> memref<50xi32, #tpu.memory_space<vmem>>
      %dma_wait3A_1252 = arith.constant 0 : i32
      %dma_wait3A_1253 = arith.constant 0 : i32
      %dma_wait3A_1254 = tpu.memref_slice %arg2[%dma_wait3A_1252, %dma_wait3A_1253] : memref<10000x128xf32, #tpu.memory_space<hbm>> -> memref<10000x128xf32, #tpu.memory_space<hbm>>
      %dma_wait3A_1255 = tpu.memref_slice %arg10[%dma_wait3A_1240] : memref<4x!tpu.dma_semaphore, #tpu.memory_space<semaphore_mem>> -> memref<1x!tpu.dma_semaphore, #tpu.memory_space<semaphore_mem>>
      %dma_wait3A_1256 = tpu.memref_squeeze %dma_wait3A_1255 : memref<1x!tpu.dma_semaphore, #tpu.memory_space<semaphore_mem>> -> memref<!tpu.dma_semaphore, #tpu.memory_space<semaphore_mem>>
      tpu.wait_indirect_dma semaphore(%dma_wait3A_1256 : memref<!tpu.dma_semaphore, #tpu.memory_space<semaphore_mem>>) src(%dma_wait3A_1254 : memref<10000x128xf32, #tpu.memory_space<hbm>>) dst(%dma_wait3A_1244 : memref<50x128xf32, #tpu.memory_space<vmem>>)
      %add3A_1257 = arith.constant 0 : i32
      %add3A_1258 = arith.addi %mul3A_1236, %add3A_1257 : i32
      %dma_start3A_1259 = arith.constant 0 : i32
      %dma_start3A_1260 = arith.constant 0 : i32
      %dma_start3A_1261 = arith.constant 0 : i32
      %dma_start3A_1262 = arith.constant 0 : i32
      %dma_start3A_1263 = tpu.memref_slice %arg8[%dma_start3A_1259, %dma_start3A_1261, %dma_start3A_1262] : memref<4x50x128xf32, #tpu.memory_space<vmem>> -> memref<1x50x128xf32, #tpu.memory_space<vmem>>
      %dma_start3A_1264 = tpu.memref_squeeze %dma_start3A_1263 : memref<1x50x128xf32, #tpu.memory_space<vmem>> -> memref<50x128xf32, #tpu.memory_space<vmem>>
      %dma_start3A_1265 = arith.constant 0 : i32
      %dma_start3A_1266 = arith.constant 0 : i32
      %dma_start3A_1267 = tpu.memref_slice %arg7[%scan3A_200, %dma_start3A_1265, %dma_start3A_1266] : memref<2x40x50xi32, #tpu.memory_space<vmem>> -> memref<1x40x50xi32, #tpu.memory_space<vmem>>
      %dma_start3A_1268 = tpu.memref_squeeze %dma_start3A_1267 : memref<1x40x50xi32, #tpu.memory_space<vmem>> -> memref<40x50xi32, #tpu.memory_space<vmem>>
      %dma_start3A_1269 = arith.constant 0 : i32
      %dma_start3A_1270 = tpu.memref_slice %dma_start3A_1268[%add3A_1258, %dma_start3A_1269] : memref<40x50xi32, #tpu.memory_space<vmem>> -> memref<1x50xi32, #tpu.memory_space<vmem>>
      %dma_start3A_1271 = tpu.memref_squeeze %dma_start3A_1270 : memref<1x50xi32, #tpu.memory_space<vmem>> -> memref<50xi32, #tpu.memory_space<vmem>>
      %dma_start3A_1272 = arith.constant 0 : i32
      %dma_start3A_1273 = arith.constant 0 : i32
      %dma_start3A_1274 = tpu.memref_slice %arg9[%dma_start3A_1272, %dma_start3A_1273] : memref<10000x128xf32, #tpu.memory_space<vmem_shared>> -> memref<10000x128xf32, #tpu.memory_space<vmem_shared>>
      %dma_start3A_1275 = tpu.memref_slice %arg11[%dma_start3A_1260] : memref<4x!tpu.dma_semaphore, #tpu.memory_space<semaphore_mem>> -> memref<1x!tpu.dma_semaphore, #tpu.memory_space<semaphore_mem>>
      %dma_start3A_1276 = tpu.memref_squeeze %dma_start3A_1275 : memref<1x!tpu.dma_semaphore, #tpu.memory_space<semaphore_mem>> -> memref<!tpu.dma_semaphore, #tpu.memory_space<semaphore_mem>>
      tpu.enqueue_indirect_dma source(%dma_start3A_1264 : memref<50x128xf32, #tpu.memory_space<vmem>>) target(%dma_start3A_1274 : memref<10000x128xf32, #tpu.memory_space<vmem_shared>>) offsets(%dma_start3A_1271 : memref<50xi32, #tpu.memory_space<vmem>>) semaphore(%dma_start3A_1276 : memref<!tpu.dma_semaphore, #tpu.memory_space<semaphore_mem>>) {add = true}
      %add3A_1277 = arith.constant 1 : i32
      %add3A_1278 = arith.addi %mul3A_1236, %add3A_1277 : i32
      %dma_wait3A_1279 = arith.constant 1 : i32
      %dma_wait3A_1280 = arith.constant 1 : i32
      %dma_wait3A_1281 = arith.constant 0 : i32
      %dma_wait3A_1282 = arith.constant 0 : i32
      %dma_wait3A_1283 = tpu.memref_slice %arg8[%dma_wait3A_1279, %dma_wait3A_1281, %dma_wait3A_1282] : memref<4x50x128xf32, #tpu.memory_space<vmem>> -> memref<1x50x128xf32, #tpu.memory_space<vmem>>
      %dma_wait3A_1284 = tpu.memref_squeeze %dma_wait3A_1283 : memref<1x50x128xf32, #tpu.memory_space<vmem>> -> memref<50x128xf32, #tpu.memory_space<vmem>>
      %dma_wait3A_1285 = arith.constant 0 : i32
      %dma_wait3A_1286 = arith.constant 0 : i32
      %dma_wait3A_1287 = tpu.memref_slice %arg6[%scan3A_199, %dma_wait3A_1285, %dma_wait3A_1286] : memref<2x40x50xi32, #tpu.memory_space<vmem>> -> memref<1x40x50xi32, #tpu.memory_space<vmem>>
      %dma_wait3A_1288 = tpu.memref_squeeze %dma_wait3A_1287 : memref<1x40x50xi32, #tpu.memory_space<vmem>> -> memref<40x50xi32, #tpu.memory_space<vmem>>
      %dma_wait3A_1289 = arith.constant 0 : i32
      %dma_wait3A_1290 = tpu.memref_slice %dma_wait3A_1288[%add3A_1278, %dma_wait3A_1289] : memref<40x50xi32, #tpu.memory_space<vmem>> -> memref<1x50xi32, #tpu.memory_space<vmem>>
      %dma_wait3A_1291 = tpu.memref_squeeze %dma_wait3A_1290 : memref<1x50xi32, #tpu.memory_space<vmem>> -> memref<50xi32, #tpu.memory_space<vmem>>
      %dma_wait3A_1292 = arith.constant 0 : i32
      %dma_wait3A_1293 = arith.constant 0 : i32
      %dma_wait3A_1294 = tpu.memref_slice %arg2[%dma_wait3A_1292, %dma_wait3A_1293] : memref<10000x128xf32, #tpu.memory_space<hbm>> -> memref<10000x128xf32, #tpu.memory_space<hbm>>
      %dma_wait3A_1295 = tpu.memref_slice %arg10[%dma_wait3A_1280] : memref<4x!tpu.dma_semaphore, #tpu.memory_space<semaphore_mem>> -> memref<1x!tpu.dma_semaphore, #tpu.memory_space<semaphore_mem>>
      %dma_wait3A_1296 = tpu.memref_squeeze %dma_wait3A_1295 : memref<1x!tpu.dma_semaphore, #tpu.memory_space<semaphore_mem>> -> memref<!tpu.dma_semaphore, #tpu.memory_space<semaphore_mem>>
      tpu.wait_indirect_dma semaphore(%dma_wait3A_1296 : memref<!tpu.dma_semaphore, #tpu.memory_space<semaphore_mem>>) src(%dma_wait3A_1294 : memref<10000x128xf32, #tpu.memory_space<hbm>>) dst(%dma_wait3A_1284 : memref<50x128xf32, #tpu.memory_space<vmem>>)
      %add3A_1297 = arith.constant 1 : i32
      %add3A_1298 = arith.addi %mul3A_1236, %add3A_1297 : i32
      %dma_start3A_1299 = arith.constant 1 : i32
      %dma_start3A_1300 = arith.constant 1 : i32
      %dma_start3A_1301 = arith.constant 0 : i32
      %dma_start3A_1302 = arith.constant 0 : i32
      %dma_start3A_1303 = tpu.memref_slice %arg8[%dma_start3A_1299, %dma_start3A_1301, %dma_start3A_1302] : memref<4x50x128xf32, #tpu.memory_space<vmem>> -> memref<1x50x128xf32, #tpu.memory_space<vmem>>
      %dma_start3A_1304 = tpu.memref_squeeze %dma_start3A_1303 : memref<1x50x128xf32, #tpu.memory_space<vmem>> -> memref<50x128xf32, #tpu.memory_space<vmem>>
      %dma_start3A_1305 = arith.constant 0 : i32
      %dma_start3A_1306 = arith.constant 0 : i32
      %dma_start3A_1307 = tpu.memref_slice %arg7[%scan3A_200, %dma_start3A_1305, %dma_start3A_1306] : memref<2x40x50xi32, #tpu.memory_space<vmem>> -> memref<1x40x50xi32, #tpu.memory_space<vmem>>
      %dma_start3A_1308 = tpu.memref_squeeze %dma_start3A_1307 : memref<1x40x50xi32, #tpu.memory_space<vmem>> -> memref<40x50xi32, #tpu.memory_space<vmem>>
      %dma_start3A_1309 = arith.constant 0 : i32
      %dma_start3A_1310 = tpu.memref_slice %dma_start3A_1308[%add3A_1298, %dma_start3A_1309] : memref<40x50xi32, #tpu.memory_space<vmem>> -> memref<1x50xi32, #tpu.memory_space<vmem>>
      %dma_start3A_1311 = tpu.memref_squeeze %dma_start3A_1310 : memref<1x50xi32, #tpu.memory_space<vmem>> -> memref<50xi32, #tpu.memory_space<vmem>>
      %dma_start3A_1312 = arith.constant 0 : i32
      %dma_start3A_1313 = arith.constant 0 : i32
      %dma_start3A_1314 = tpu.memref_slice %arg9[%dma_start3A_1312, %dma_start3A_1313] : memref<10000x128xf32, #tpu.memory_space<vmem_shared>> -> memref<10000x128xf32, #tpu.memory_space<vmem_shared>>
      %dma_start3A_1315 = tpu.memref_slice %arg11[%dma_start3A_1300] : memref<4x!tpu.dma_semaphore, #tpu.memory_space<semaphore_mem>> -> memref<1x!tpu.dma_semaphore, #tpu.memory_space<semaphore_mem>>
      %dma_start3A_1316 = tpu.memref_squeeze %dma_start3A_1315 : memref<1x!tpu.dma_semaphore, #tpu.memory_space<semaphore_mem>> -> memref<!tpu.dma_semaphore, #tpu.memory_space<semaphore_mem>>
      tpu.enqueue_indirect_dma source(%dma_start3A_1304 : memref<50x128xf32, #tpu.memory_space<vmem>>) target(%dma_start3A_1314 : memref<10000x128xf32, #tpu.memory_space<vmem_shared>>) offsets(%dma_start3A_1311 : memref<50xi32, #tpu.memory_space<vmem>>) semaphore(%dma_start3A_1316 : memref<!tpu.dma_semaphore, #tpu.memory_space<semaphore_mem>>) {add = true}
      %add3A_1317 = arith.constant 2 : i32
      %add3A_1318 = arith.addi %mul3A_1236, %add3A_1317 : i32
      %dma_wait3A_1319 = arith.constant 2 : i32
      %dma_wait3A_1320 = arith.constant 2 : i32
      %dma_wait3A_1321 = arith.constant 0 : i32
      %dma_wait3A_1322 = arith.constant 0 : i32
      %dma_wait3A_1323 = tpu.memref_slice %arg8[%dma_wait3A_1319, %dma_wait3A_1321, %dma_wait3A_1322] : memref<4x50x128xf32, #tpu.memory_space<vmem>> -> memref<1x50x128xf32, #tpu.memory_space<vmem>>
      %dma_wait3A_1324 = tpu.memref_squeeze %dma_wait3A_1323 : memref<1x50x128xf32, #tpu.memory_space<vmem>> -> memref<50x128xf32, #tpu.memory_space<vmem>>
      %dma_wait3A_1325 = arith.constant 0 : i32
      %dma_wait3A_1326 = arith.constant 0 : i32
      %dma_wait3A_1327 = tpu.memref_slice %arg6[%scan3A_199, %dma_wait3A_1325, %dma_wait3A_1326] : memref<2x40x50xi32, #tpu.memory_space<vmem>> -> memref<1x40x50xi32, #tpu.memory_space<vmem>>
      %dma_wait3A_1328 = tpu.memref_squeeze %dma_wait3A_1327 : memref<1x40x50xi32, #tpu.memory_space<vmem>> -> memref<40x50xi32, #tpu.memory_space<vmem>>
      %dma_wait3A_1329 = arith.constant 0 : i32
      %dma_wait3A_1330 = tpu.memref_slice %dma_wait3A_1328[%add3A_1318, %dma_wait3A_1329] : memref<40x50xi32, #tpu.memory_space<vmem>> -> memref<1x50xi32, #tpu.memory_space<vmem>>
      %dma_wait3A_1331 = tpu.memref_squeeze %dma_wait3A_1330 : memref<1x50xi32, #tpu.memory_space<vmem>> -> memref<50xi32, #tpu.memory_space<vmem>>
      %dma_wait3A_1332 = arith.constant 0 : i32
      %dma_wait3A_1333 = arith.constant 0 : i32
      %dma_wait3A_1334 = tpu.memref_slice %arg2[%dma_wait3A_1332, %dma_wait3A_1333] : memref<10000x128xf32, #tpu.memory_space<hbm>> -> memref<10000x128xf32, #tpu.memory_space<hbm>>
      %dma_wait3A_1335 = tpu.memref_slice %arg10[%dma_wait3A_1320] : memref<4x!tpu.dma_semaphore, #tpu.memory_space<semaphore_mem>> -> memref<1x!tpu.dma_semaphore, #tpu.memory_space<semaphore_mem>>
      %dma_wait3A_1336 = tpu.memref_squeeze %dma_wait3A_1335 : memref<1x!tpu.dma_semaphore, #tpu.memory_space<semaphore_mem>> -> memref<!tpu.dma_semaphore, #tpu.memory_space<semaphore_mem>>
      tpu.wait_indirect_dma semaphore(%dma_wait3A_1336 : memref<!tpu.dma_semaphore, #tpu.memory_space<semaphore_mem>>) src(%dma_wait3A_1334 : memref<10000x128xf32, #tpu.memory_space<hbm>>) dst(%dma_wait3A_1324 : memref<50x128xf32, #tpu.memory_space<vmem>>)
      %add3A_1337 = arith.constant 2 : i32
      %add3A_1338 = arith.addi %mul3A_1236, %add3A_1337 : i32
      %dma_start3A_1339 = arith.constant 2 : i32
      %dma_start3A_1340 = arith.constant 2 : i32
      %dma_start3A_1341 = arith.constant 0 : i32
      %dma_start3A_1342 = arith.constant 0 : i32
      %dma_start3A_1343 = tpu.memref_slice %arg8[%dma_start3A_1339, %dma_start3A_1341, %dma_start3A_1342] : memref<4x50x128xf32, #tpu.memory_space<vmem>> -> memref<1x50x128xf32, #tpu.memory_space<vmem>>
      %dma_start3A_1344 = tpu.memref_squeeze %dma_start3A_1343 : memref<1x50x128xf32, #tpu.memory_space<vmem>> -> memref<50x128xf32, #tpu.memory_space<vmem>>
      %dma_start3A_1345 = arith.constant 0 : i32
      %dma_start3A_1346 = arith.constant 0 : i32
      %dma_start3A_1347 = tpu.memref_slice %arg7[%scan3A_200, %dma_start3A_1345, %dma_start3A_1346] : memref<2x40x50xi32, #tpu.memory_space<vmem>> -> memref<1x40x50xi32, #tpu.memory_space<vmem>>
      %dma_start3A_1348 = tpu.memref_squeeze %dma_start3A_1347 : memref<1x40x50xi32, #tpu.memory_space<vmem>> -> memref<40x50xi32, #tpu.memory_space<vmem>>
      %dma_start3A_1349 = arith.constant 0 : i32
      %dma_start3A_1350 = tpu.memref_slice %dma_start3A_1348[%add3A_1338, %dma_start3A_1349] : memref<40x50xi32, #tpu.memory_space<vmem>> -> memref<1x50xi32, #tpu.memory_space<vmem>>
      %dma_start3A_1351 = tpu.memref_squeeze %dma_start3A_1350 : memref<1x50xi32, #tpu.memory_space<vmem>> -> memref<50xi32, #tpu.memory_space<vmem>>
      %dma_start3A_1352 = arith.constant 0 : i32
      %dma_start3A_1353 = arith.constant 0 : i32
      %dma_start3A_1354 = tpu.memref_slice %arg9[%dma_start3A_1352, %dma_start3A_1353] : memref<10000x128xf32, #tpu.memory_space<vmem_shared>> -> memref<10000x128xf32, #tpu.memory_space<vmem_shared>>
      %dma_start3A_1355 = tpu.memref_slice %arg11[%dma_start3A_1340] : memref<4x!tpu.dma_semaphore, #tpu.memory_space<semaphore_mem>> -> memref<1x!tpu.dma_semaphore, #tpu.memory_space<semaphore_mem>>
      %dma_start3A_1356 = tpu.memref_squeeze %dma_start3A_1355 : memref<1x!tpu.dma_semaphore, #tpu.memory_space<semaphore_mem>> -> memref<!tpu.dma_semaphore, #tpu.memory_space<semaphore_mem>>
      tpu.enqueue_indirect_dma source(%dma_start3A_1344 : memref<50x128xf32, #tpu.memory_space<vmem>>) target(%dma_start3A_1354 : memref<10000x128xf32, #tpu.memory_space<vmem_shared>>) offsets(%dma_start3A_1351 : memref<50xi32, #tpu.memory_space<vmem>>) semaphore(%dma_start3A_1356 : memref<!tpu.dma_semaphore, #tpu.memory_space<semaphore_mem>>) {add = true}
      %add3A_1357 = arith.constant 3 : i32
      %add3A_1358 = arith.addi %mul3A_1236, %add3A_1357 : i32
      %dma_wait3A_1359 = arith.constant 3 : i32
      %dma_wait3A_1360 = arith.constant 3 : i32
      %dma_wait3A_1361 = arith.constant 0 : i32
      %dma_wait3A_1362 = arith.constant 0 : i32
      %dma_wait3A_1363 = tpu.memref_slice %arg8[%dma_wait3A_1359, %dma_wait3A_1361, %dma_wait3A_1362] : memref<4x50x128xf32, #tpu.memory_space<vmem>> -> memref<1x50x128xf32, #tpu.memory_space<vmem>>
      %dma_wait3A_1364 = tpu.memref_squeeze %dma_wait3A_1363 : memref<1x50x128xf32, #tpu.memory_space<vmem>> -> memref<50x128xf32, #tpu.memory_space<vmem>>
      %dma_wait3A_1365 = arith.constant 0 : i32
      %dma_wait3A_1366 = arith.constant 0 : i32
      %dma_wait3A_1367 = tpu.memref_slice %arg6[%scan3A_199, %dma_wait3A_1365, %dma_wait3A_1366] : memref<2x40x50xi32, #tpu.memory_space<vmem>> -> memref<1x40x50xi32, #tpu.memory_space<vmem>>
      %dma_wait3A_1368 = tpu.memref_squeeze %dma_wait3A_1367 : memref<1x40x50xi32, #tpu.memory_space<vmem>> -> memref<40x50xi32, #tpu.memory_space<vmem>>
      %dma_wait3A_1369 = arith.constant 0 : i32
      %dma_wait3A_1370 = tpu.memref_slice %dma_wait3A_1368[%add3A_1358, %dma_wait3A_1369] : memref<40x50xi32, #tpu.memory_space<vmem>> -> memref<1x50xi32, #tpu.memory_space<vmem>>
      %dma_wait3A_1371 = tpu.memref_squeeze %dma_wait3A_1370 : memref<1x50xi32, #tpu.memory_space<vmem>> -> memref<50xi32, #tpu.memory_space<vmem>>
      %dma_wait3A_1372 = arith.constant 0 : i32
      %dma_wait3A_1373 = arith.constant 0 : i32
      %dma_wait3A_1374 = tpu.memref_slice %arg2[%dma_wait3A_1372, %dma_wait3A_1373] : memref<10000x128xf32, #tpu.memory_space<hbm>> -> memref<10000x128xf32, #tpu.memory_space<hbm>>
      %dma_wait3A_1375 = tpu.memref_slice %arg10[%dma_wait3A_1360] : memref<4x!tpu.dma_semaphore, #tpu.memory_space<semaphore_mem>> -> memref<1x!tpu.dma_semaphore, #tpu.memory_space<semaphore_mem>>
      %dma_wait3A_1376 = tpu.memref_squeeze %dma_wait3A_1375 : memref<1x!tpu.dma_semaphore, #tpu.memory_space<semaphore_mem>> -> memref<!tpu.dma_semaphore, #tpu.memory_space<semaphore_mem>>
      tpu.wait_indirect_dma semaphore(%dma_wait3A_1376 : memref<!tpu.dma_semaphore, #tpu.memory_space<semaphore_mem>>) src(%dma_wait3A_1374 : memref<10000x128xf32, #tpu.memory_space<hbm>>) dst(%dma_wait3A_1364 : memref<50x128xf32, #tpu.memory_space<vmem>>)
      %add3A_1377 = arith.constant 3 : i32
      %add3A_1378 = arith.addi %mul3A_1236, %add3A_1377 : i32
      %dma_start3A_1379 = arith.constant 3 : i32
      %dma_start3A_1380 = arith.constant 3 : i32
      %dma_start3A_1381 = arith.constant 0 : i32
      %dma_start3A_1382 = arith.constant 0 : i32
      %dma_start3A_1383 = tpu.memref_slice %arg8[%dma_start3A_1379, %dma_start3A_1381, %dma_start3A_1382] : memref<4x50x128xf32, #tpu.memory_space<vmem>> -> memref<1x50x128xf32, #tpu.memory_space<vmem>>
      %dma_start3A_1384 = tpu.memref_squeeze %dma_start3A_1383 : memref<1x50x128xf32, #tpu.memory_space<vmem>> -> memref<50x128xf32, #tpu.memory_space<vmem>>
      %dma_start3A_1385 = arith.constant 0 : i32
      %dma_start3A_1386 = arith.constant 0 : i32
      %dma_start3A_1387 = tpu.memref_slice %arg7[%scan3A_200, %dma_start3A_1385, %dma_start3A_1386] : memref<2x40x50xi32, #tpu.memory_space<vmem>> -> memref<1x40x50xi32, #tpu.memory_space<vmem>>
      %dma_start3A_1388 = tpu.memref_squeeze %dma_start3A_1387 : memref<1x40x50xi32, #tpu.memory_space<vmem>> -> memref<40x50xi32, #tpu.memory_space<vmem>>
      %dma_start3A_1389 = arith.constant 0 : i32
      %dma_start3A_1390 = tpu.memref_slice %dma_start3A_1388[%add3A_1378, %dma_start3A_1389] : memref<40x50xi32, #tpu.memory_space<vmem>> -> memref<1x50xi32, #tpu.memory_space<vmem>>
      %dma_start3A_1391 = tpu.memref_squeeze %dma_start3A_1390 : memref<1x50xi32, #tpu.memory_space<vmem>> -> memref<50xi32, #tpu.memory_space<vmem>>
      %dma_start3A_1392 = arith.constant 0 : i32
      %dma_start3A_1393 = arith.constant 0 : i32
      %dma_start3A_1394 = tpu.memref_slice %arg9[%dma_start3A_1392, %dma_start3A_1393] : memref<10000x128xf32, #tpu.memory_space<vmem_shared>> -> memref<10000x128xf32, #tpu.memory_space<vmem_shared>>
      %dma_start3A_1395 = tpu.memref_slice %arg11[%dma_start3A_1380] : memref<4x!tpu.dma_semaphore, #tpu.memory_space<semaphore_mem>> -> memref<1x!tpu.dma_semaphore, #tpu.memory_space<semaphore_mem>>
      %dma_start3A_1396 = tpu.memref_squeeze %dma_start3A_1395 : memref<1x!tpu.dma_semaphore, #tpu.memory_space<semaphore_mem>> -> memref<!tpu.dma_semaphore, #tpu.memory_space<semaphore_mem>>
      tpu.enqueue_indirect_dma source(%dma_start3A_1384 : memref<50x128xf32, #tpu.memory_space<vmem>>) target(%dma_start3A_1394 : memref<10000x128xf32, #tpu.memory_space<vmem_shared>>) offsets(%dma_start3A_1391 : memref<50xi32, #tpu.memory_space<vmem>>) semaphore(%dma_start3A_1396 : memref<!tpu.dma_semaphore, #tpu.memory_space<semaphore_mem>>) {add = true}
      %lt3A = arith.constant 9 : i32
      %lt3A_1397 = arith.cmpi slt, %scan3A_1234, %lt3A : i32
      %convert_element_type3A_1398 = arith.extui %lt3A_1397 : i1 to i32
      %cond3A_1399 = arith.constant 0 : i32
      %cond3A_1400 = arith.cmpi ne, %convert_element_type3A_1398, %cond3A_1399 : i32
      scf.if %cond3A_1400 {
        %add3A_1401 = arith.constant 0 : i32
        %add3A_1402 = arith.addi %mul3A_1236, %add3A_1401 : i32
        %dma_wait3A_1403 = arith.constant 0 : i32
        %dma_wait3A_1404 = arith.constant 0 : i32
        %dma_wait3A_1405 = arith.constant 0 : i32
        %dma_wait3A_1406 = arith.constant 0 : i32
        %dma_wait3A_1407 = tpu.memref_slice %arg8[%dma_wait3A_1403, %dma_wait3A_1405, %dma_wait3A_1406] : memref<4x50x128xf32, #tpu.memory_space<vmem>> -> memref<1x50x128xf32, #tpu.memory_space<vmem>>
        %dma_wait3A_1408 = tpu.memref_squeeze %dma_wait3A_1407 : memref<1x50x128xf32, #tpu.memory_space<vmem>> -> memref<50x128xf32, #tpu.memory_space<vmem>>
        %dma_wait3A_1409 = arith.constant 0 : i32
        %dma_wait3A_1410 = arith.constant 0 : i32
        %dma_wait3A_1411 = tpu.memref_slice %arg7[%scan3A_200, %dma_wait3A_1409, %dma_wait3A_1410] : memref<2x40x50xi32, #tpu.memory_space<vmem>> -> memref<1x40x50xi32, #tpu.memory_space<vmem>>
        %dma_wait3A_1412 = tpu.memref_squeeze %dma_wait3A_1411 : memref<1x40x50xi32, #tpu.memory_space<vmem>> -> memref<40x50xi32, #tpu.memory_space<vmem>>
        %dma_wait3A_1413 = arith.constant 0 : i32
        %dma_wait3A_1414 = tpu.memref_slice %dma_wait3A_1412[%add3A_1402, %dma_wait3A_1413] : memref<40x50xi32, #tpu.memory_space<vmem>> -> memref<1x50xi32, #tpu.memory_space<vmem>>
        %dma_wait3A_1415 = tpu.memref_squeeze %dma_wait3A_1414 : memref<1x50xi32, #tpu.memory_space<vmem>> -> memref<50xi32, #tpu.memory_space<vmem>>
        %dma_wait3A_1416 = arith.constant 0 : i32
        %dma_wait3A_1417 = arith.constant 0 : i32
        %dma_wait3A_1418 = tpu.memref_slice %arg9[%dma_wait3A_1416, %dma_wait3A_1417] : memref<10000x128xf32, #tpu.memory_space<vmem_shared>> -> memref<10000x128xf32, #tpu.memory_space<vmem_shared>>
        %dma_wait3A_1419 = tpu.memref_slice %arg11[%dma_wait3A_1404] : memref<4x!tpu.dma_semaphore, #tpu.memory_space<semaphore_mem>> -> memref<1x!tpu.dma_semaphore, #tpu.memory_space<semaphore_mem>>
        %dma_wait3A_1420 = tpu.memref_squeeze %dma_wait3A_1419 : memref<1x!tpu.dma_semaphore, #tpu.memory_space<semaphore_mem>> -> memref<!tpu.dma_semaphore, #tpu.memory_space<semaphore_mem>>
        tpu.wait_indirect_dma semaphore(%dma_wait3A_1420 : memref<!tpu.dma_semaphore, #tpu.memory_space<semaphore_mem>>) src(%dma_wait3A_1408 : memref<50x128xf32, #tpu.memory_space<vmem>>) dst(%dma_wait3A_1418 : memref<10000x128xf32, #tpu.memory_space<vmem_shared>>)
        %add3A_1421 = arith.constant 4 : i32
        %add3A_1422 = arith.addi %mul3A_1236, %add3A_1421 : i32
        %add3A_1423 = arith.constant 0 : i32
        %add3A_1424 = arith.addi %add3A_1422, %add3A_1423 : i32
        %dma_start3A_1425 = arith.constant 0 : i32
        %dma_start3A_1426 = arith.constant 0 : i32
        %dma_start3A_1427 = arith.constant 0 : i32
        %dma_start3A_1428 = arith.constant 0 : i32
        %dma_start3A_1429 = tpu.memref_slice %arg8[%dma_start3A_1425, %dma_start3A_1427, %dma_start3A_1428] : memref<4x50x128xf32, #tpu.memory_space<vmem>> -> memref<1x50x128xf32, #tpu.memory_space<vmem>>
        %dma_start3A_1430 = tpu.memref_squeeze %dma_start3A_1429 : memref<1x50x128xf32, #tpu.memory_space<vmem>> -> memref<50x128xf32, #tpu.memory_space<vmem>>
        %dma_start3A_1431 = arith.constant 0 : i32
        %dma_start3A_1432 = arith.constant 0 : i32
        %dma_start3A_1433 = tpu.memref_slice %arg6[%scan3A_199, %dma_start3A_1431, %dma_start3A_1432] : memref<2x40x50xi32, #tpu.memory_space<vmem>> -> memref<1x40x50xi32, #tpu.memory_space<vmem>>
        %dma_start3A_1434 = tpu.memref_squeeze %dma_start3A_1433 : memref<1x40x50xi32, #tpu.memory_space<vmem>> -> memref<40x50xi32, #tpu.memory_space<vmem>>
        %dma_start3A_1435 = arith.constant 0 : i32
        %dma_start3A_1436 = tpu.memref_slice %dma_start3A_1434[%add3A_1424, %dma_start3A_1435] : memref<40x50xi32, #tpu.memory_space<vmem>> -> memref<1x50xi32, #tpu.memory_space<vmem>>
        %dma_start3A_1437 = tpu.memref_squeeze %dma_start3A_1436 : memref<1x50xi32, #tpu.memory_space<vmem>> -> memref<50xi32, #tpu.memory_space<vmem>>
        %dma_start3A_1438 = arith.constant 0 : i32
        %dma_start3A_1439 = arith.constant 0 : i32
        %dma_start3A_1440 = tpu.memref_slice %arg2[%dma_start3A_1438, %dma_start3A_1439] : memref<10000x128xf32, #tpu.memory_space<hbm>> -> memref<10000x128xf32, #tpu.memory_space<hbm>>
        %dma_start3A_1441 = tpu.memref_slice %arg10[%dma_start3A_1426] : memref<4x!tpu.dma_semaphore, #tpu.memory_space<semaphore_mem>> -> memref<1x!tpu.dma_semaphore, #tpu.memory_space<semaphore_mem>>
        %dma_start3A_1442 = tpu.memref_squeeze %dma_start3A_1441 : memref<1x!tpu.dma_semaphore, #tpu.memory_space<semaphore_mem>> -> memref<!tpu.dma_semaphore, #tpu.memory_space<semaphore_mem>>
        tpu.enqueue_indirect_dma source(%dma_start3A_1440 : memref<10000x128xf32, #tpu.memory_space<hbm>>) target(%dma_start3A_1430 : memref<50x128xf32, #tpu.memory_space<vmem>>) offsets(%dma_start3A_1437 : memref<50xi32, #tpu.memory_space<vmem>>) semaphore(%dma_start3A_1442 : memref<!tpu.dma_semaphore, #tpu.memory_space<semaphore_mem>>)
        %add3A_1443 = arith.constant 1 : i32
        %add3A_1444 = arith.addi %mul3A_1236, %add3A_1443 : i32
        %dma_wait3A_1445 = arith.constant 1 : i32
        %dma_wait3A_1446 = arith.constant 1 : i32
        %dma_wait3A_1447 = arith.constant 0 : i32
        %dma_wait3A_1448 = arith.constant 0 : i32
        %dma_wait3A_1449 = tpu.memref_slice %arg8[%dma_wait3A_1445, %dma_wait3A_1447, %dma_wait3A_1448] : memref<4x50x128xf32, #tpu.memory_space<vmem>> -> memref<1x50x128xf32, #tpu.memory_space<vmem>>
        %dma_wait3A_1450 = tpu.memref_squeeze %dma_wait3A_1449 : memref<1x50x128xf32, #tpu.memory_space<vmem>> -> memref<50x128xf32, #tpu.memory_space<vmem>>
        %dma_wait3A_1451 = arith.constant 0 : i32
        %dma_wait3A_1452 = arith.constant 0 : i32
        %dma_wait3A_1453 = tpu.memref_slice %arg7[%scan3A_200, %dma_wait3A_1451, %dma_wait3A_1452] : memref<2x40x50xi32, #tpu.memory_space<vmem>> -> memref<1x40x50xi32, #tpu.memory_space<vmem>>
        %dma_wait3A_1454 = tpu.memref_squeeze %dma_wait3A_1453 : memref<1x40x50xi32, #tpu.memory_space<vmem>> -> memref<40x50xi32, #tpu.memory_space<vmem>>
        %dma_wait3A_1455 = arith.constant 0 : i32
        %dma_wait3A_1456 = tpu.memref_slice %dma_wait3A_1454[%add3A_1444, %dma_wait3A_1455] : memref<40x50xi32, #tpu.memory_space<vmem>> -> memref<1x50xi32, #tpu.memory_space<vmem>>
        %dma_wait3A_1457 = tpu.memref_squeeze %dma_wait3A_1456 : memref<1x50xi32, #tpu.memory_space<vmem>> -> memref<50xi32, #tpu.memory_space<vmem>>
        %dma_wait3A_1458 = arith.constant 0 : i32
        %dma_wait3A_1459 = arith.constant 0 : i32
        %dma_wait3A_1460 = tpu.memref_slice %arg9[%dma_wait3A_1458, %dma_wait3A_1459] : memref<10000x128xf32, #tpu.memory_space<vmem_shared>> -> memref<10000x128xf32, #tpu.memory_space<vmem_shared>>
        %dma_wait3A_1461 = tpu.memref_slice %arg11[%dma_wait3A_1446] : memref<4x!tpu.dma_semaphore, #tpu.memory_space<semaphore_mem>> -> memref<1x!tpu.dma_semaphore, #tpu.memory_space<semaphore_mem>>
        %dma_wait3A_1462 = tpu.memref_squeeze %dma_wait3A_1461 : memref<1x!tpu.dma_semaphore, #tpu.memory_space<semaphore_mem>> -> memref<!tpu.dma_semaphore, #tpu.memory_space<semaphore_mem>>
        tpu.wait_indirect_dma semaphore(%dma_wait3A_1462 : memref<!tpu.dma_semaphore, #tpu.memory_space<semaphore_mem>>) src(%dma_wait3A_1450 : memref<50x128xf32, #tpu.memory_space<vmem>>) dst(%dma_wait3A_1460 : memref<10000x128xf32, #tpu.memory_space<vmem_shared>>)
        %add3A_1463 = arith.constant 4 : i32
        %add3A_1464 = arith.addi %mul3A_1236, %add3A_1463 : i32
        %add3A_1465 = arith.constant 1 : i32
        %add3A_1466 = arith.addi %add3A_1464, %add3A_1465 : i32
        %dma_start3A_1467 = arith.constant 1 : i32
        %dma_start3A_1468 = arith.constant 1 : i32
        %dma_start3A_1469 = arith.constant 0 : i32
        %dma_start3A_1470 = arith.constant 0 : i32
        %dma_start3A_1471 = tpu.memref_slice %arg8[%dma_start3A_1467, %dma_start3A_1469, %dma_start3A_1470] : memref<4x50x128xf32, #tpu.memory_space<vmem>> -> memref<1x50x128xf32, #tpu.memory_space<vmem>>
        %dma_start3A_1472 = tpu.memref_squeeze %dma_start3A_1471 : memref<1x50x128xf32, #tpu.memory_space<vmem>> -> memref<50x128xf32, #tpu.memory_space<vmem>>
        %dma_start3A_1473 = arith.constant 0 : i32
        %dma_start3A_1474 = arith.constant 0 : i32
        %dma_start3A_1475 = tpu.memref_slice %arg6[%scan3A_199, %dma_start3A_1473, %dma_start3A_1474] : memref<2x40x50xi32, #tpu.memory_space<vmem>> -> memref<1x40x50xi32, #tpu.memory_space<vmem>>
        %dma_start3A_1476 = tpu.memref_squeeze %dma_start3A_1475 : memref<1x40x50xi32, #tpu.memory_space<vmem>> -> memref<40x50xi32, #tpu.memory_space<vmem>>
        %dma_start3A_1477 = arith.constant 0 : i32
        %dma_start3A_1478 = tpu.memref_slice %dma_start3A_1476[%add3A_1466, %dma_start3A_1477] : memref<40x50xi32, #tpu.memory_space<vmem>> -> memref<1x50xi32, #tpu.memory_space<vmem>>
        %dma_start3A_1479 = tpu.memref_squeeze %dma_start3A_1478 : memref<1x50xi32, #tpu.memory_space<vmem>> -> memref<50xi32, #tpu.memory_space<vmem>>
        %dma_start3A_1480 = arith.constant 0 : i32
        %dma_start3A_1481 = arith.constant 0 : i32
        %dma_start3A_1482 = tpu.memref_slice %arg2[%dma_start3A_1480, %dma_start3A_1481] : memref<10000x128xf32, #tpu.memory_space<hbm>> -> memref<10000x128xf32, #tpu.memory_space<hbm>>
        %dma_start3A_1483 = tpu.memref_slice %arg10[%dma_start3A_1468] : memref<4x!tpu.dma_semaphore, #tpu.memory_space<semaphore_mem>> -> memref<1x!tpu.dma_semaphore, #tpu.memory_space<semaphore_mem>>
        %dma_start3A_1484 = tpu.memref_squeeze %dma_start3A_1483 : memref<1x!tpu.dma_semaphore, #tpu.memory_space<semaphore_mem>> -> memref<!tpu.dma_semaphore, #tpu.memory_space<semaphore_mem>>
        tpu.enqueue_indirect_dma source(%dma_start3A_1482 : memref<10000x128xf32, #tpu.memory_space<hbm>>) target(%dma_start3A_1472 : memref<50x128xf32, #tpu.memory_space<vmem>>) offsets(%dma_start3A_1479 : memref<50xi32, #tpu.memory_space<vmem>>) semaphore(%dma_start3A_1484 : memref<!tpu.dma_semaphore, #tpu.memory_space<semaphore_mem>>)
        %add3A_1485 = arith.constant 2 : i32
        %add3A_1486 = arith.addi %mul3A_1236, %add3A_1485 : i32
        %dma_wait3A_1487 = arith.constant 2 : i32
        %dma_wait3A_1488 = arith.constant 2 : i32
        %dma_wait3A_1489 = arith.constant 0 : i32
        %dma_wait3A_1490 = arith.constant 0 : i32
        %dma_wait3A_1491 = tpu.memref_slice %arg8[%dma_wait3A_1487, %dma_wait3A_1489, %dma_wait3A_1490] : memref<4x50x128xf32, #tpu.memory_space<vmem>> -> memref<1x50x128xf32, #tpu.memory_space<vmem>>
        %dma_wait3A_1492 = tpu.memref_squeeze %dma_wait3A_1491 : memref<1x50x128xf32, #tpu.memory_space<vmem>> -> memref<50x128xf32, #tpu.memory_space<vmem>>
        %dma_wait3A_1493 = arith.constant 0 : i32
        %dma_wait3A_1494 = arith.constant 0 : i32
        %dma_wait3A_1495 = tpu.memref_slice %arg7[%scan3A_200, %dma_wait3A_1493, %dma_wait3A_1494] : memref<2x40x50xi32, #tpu.memory_space<vmem>> -> memref<1x40x50xi32, #tpu.memory_space<vmem>>
        %dma_wait3A_1496 = tpu.memref_squeeze %dma_wait3A_1495 : memref<1x40x50xi32, #tpu.memory_space<vmem>> -> memref<40x50xi32, #tpu.memory_space<vmem>>
        %dma_wait3A_1497 = arith.constant 0 : i32
        %dma_wait3A_1498 = tpu.memref_slice %dma_wait3A_1496[%add3A_1486, %dma_wait3A_1497] : memref<40x50xi32, #tpu.memory_space<vmem>> -> memref<1x50xi32, #tpu.memory_space<vmem>>
        %dma_wait3A_1499 = tpu.memref_squeeze %dma_wait3A_1498 : memref<1x50xi32, #tpu.memory_space<vmem>> -> memref<50xi32, #tpu.memory_space<vmem>>
        %dma_wait3A_1500 = arith.constant 0 : i32
        %dma_wait3A_1501 = arith.constant 0 : i32
        %dma_wait3A_1502 = tpu.memref_slice %arg9[%dma_wait3A_1500, %dma_wait3A_1501] : memref<10000x128xf32, #tpu.memory_space<vmem_shared>> -> memref<10000x128xf32, #tpu.memory_space<vmem_shared>>
        %dma_wait3A_1503 = tpu.memref_slice %arg11[%dma_wait3A_1488] : memref<4x!tpu.dma_semaphore, #tpu.memory_space<semaphore_mem>> -> memref<1x!tpu.dma_semaphore, #tpu.memory_space<semaphore_mem>>
        %dma_wait3A_1504 = tpu.memref_squeeze %dma_wait3A_1503 : memref<1x!tpu.dma_semaphore, #tpu.memory_space<semaphore_mem>> -> memref<!tpu.dma_semaphore, #tpu.memory_space<semaphore_mem>>
        tpu.wait_indirect_dma semaphore(%dma_wait3A_1504 : memref<!tpu.dma_semaphore, #tpu.memory_space<semaphore_mem>>) src(%dma_wait3A_1492 : memref<50x128xf32, #tpu.memory_space<vmem>>) dst(%dma_wait3A_1502 : memref<10000x128xf32, #tpu.memory_space<vmem_shared>>)
        %add3A_1505 = arith.constant 4 : i32
        %add3A_1506 = arith.addi %mul3A_1236, %add3A_1505 : i32
        %add3A_1507 = arith.constant 2 : i32
        %add3A_1508 = arith.addi %add3A_1506, %add3A_1507 : i32
        %dma_start3A_1509 = arith.constant 2 : i32
        %dma_start3A_1510 = arith.constant 2 : i32
        %dma_start3A_1511 = arith.constant 0 : i32
        %dma_start3A_1512 = arith.constant 0 : i32
        %dma_start3A_1513 = tpu.memref_slice %arg8[%dma_start3A_1509, %dma_start3A_1511, %dma_start3A_1512] : memref<4x50x128xf32, #tpu.memory_space<vmem>> -> memref<1x50x128xf32, #tpu.memory_space<vmem>>
        %dma_start3A_1514 = tpu.memref_squeeze %dma_start3A_1513 : memref<1x50x128xf32, #tpu.memory_space<vmem>> -> memref<50x128xf32, #tpu.memory_space<vmem>>
        %dma_start3A_1515 = arith.constant 0 : i32
        %dma_start3A_1516 = arith.constant 0 : i32
        %dma_start3A_1517 = tpu.memref_slice %arg6[%scan3A_199, %dma_start3A_1515, %dma_start3A_1516] : memref<2x40x50xi32, #tpu.memory_space<vmem>> -> memref<1x40x50xi32, #tpu.memory_space<vmem>>
        %dma_start3A_1518 = tpu.memref_squeeze %dma_start3A_1517 : memref<1x40x50xi32, #tpu.memory_space<vmem>> -> memref<40x50xi32, #tpu.memory_space<vmem>>
        %dma_start3A_1519 = arith.constant 0 : i32
        %dma_start3A_1520 = tpu.memref_slice %dma_start3A_1518[%add3A_1508, %dma_start3A_1519] : memref<40x50xi32, #tpu.memory_space<vmem>> -> memref<1x50xi32, #tpu.memory_space<vmem>>
        %dma_start3A_1521 = tpu.memref_squeeze %dma_start3A_1520 : memref<1x50xi32, #tpu.memory_space<vmem>> -> memref<50xi32, #tpu.memory_space<vmem>>
        %dma_start3A_1522 = arith.constant 0 : i32
        %dma_start3A_1523 = arith.constant 0 : i32
        %dma_start3A_1524 = tpu.memref_slice %arg2[%dma_start3A_1522, %dma_start3A_1523] : memref<10000x128xf32, #tpu.memory_space<hbm>> -> memref<10000x128xf32, #tpu.memory_space<hbm>>
        %dma_start3A_1525 = tpu.memref_slice %arg10[%dma_start3A_1510] : memref<4x!tpu.dma_semaphore, #tpu.memory_space<semaphore_mem>> -> memref<1x!tpu.dma_semaphore, #tpu.memory_space<semaphore_mem>>
        %dma_start3A_1526 = tpu.memref_squeeze %dma_start3A_1525 : memref<1x!tpu.dma_semaphore, #tpu.memory_space<semaphore_mem>> -> memref<!tpu.dma_semaphore, #tpu.memory_space<semaphore_mem>>
        tpu.enqueue_indirect_dma source(%dma_start3A_1524 : memref<10000x128xf32, #tpu.memory_space<hbm>>) target(%dma_start3A_1514 : memref<50x128xf32, #tpu.memory_space<vmem>>) offsets(%dma_start3A_1521 : memref<50xi32, #tpu.memory_space<vmem>>) semaphore(%dma_start3A_1526 : memref<!tpu.dma_semaphore, #tpu.memory_space<semaphore_mem>>)
        %add3A_1527 = arith.constant 3 : i32
        %add3A_1528 = arith.addi %mul3A_1236, %add3A_1527 : i32
        %dma_wait3A_1529 = arith.constant 3 : i32
        %dma_wait3A_1530 = arith.constant 3 : i32
        %dma_wait3A_1531 = arith.constant 0 : i32
        %dma_wait3A_1532 = arith.constant 0 : i32
        %dma_wait3A_1533 = tpu.memref_slice %arg8[%dma_wait3A_1529, %dma_wait3A_1531, %dma_wait3A_1532] : memref<4x50x128xf32, #tpu.memory_space<vmem>> -> memref<1x50x128xf32, #tpu.memory_space<vmem>>
        %dma_wait3A_1534 = tpu.memref_squeeze %dma_wait3A_1533 : memref<1x50x128xf32, #tpu.memory_space<vmem>> -> memref<50x128xf32, #tpu.memory_space<vmem>>
        %dma_wait3A_1535 = arith.constant 0 : i32
        %dma_wait3A_1536 = arith.constant 0 : i32
        %dma_wait3A_1537 = tpu.memref_slice %arg7[%scan3A_200, %dma_wait3A_1535, %dma_wait3A_1536] : memref<2x40x50xi32, #tpu.memory_space<vmem>> -> memref<1x40x50xi32, #tpu.memory_space<vmem>>
        %dma_wait3A_1538 = tpu.memref_squeeze %dma_wait3A_1537 : memref<1x40x50xi32, #tpu.memory_space<vmem>> -> memref<40x50xi32, #tpu.memory_space<vmem>>
        %dma_wait3A_1539 = arith.constant 0 : i32
        %dma_wait3A_1540 = tpu.memref_slice %dma_wait3A_1538[%add3A_1528, %dma_wait3A_1539] : memref<40x50xi32, #tpu.memory_space<vmem>> -> memref<1x50xi32, #tpu.memory_space<vmem>>
        %dma_wait3A_1541 = tpu.memref_squeeze %dma_wait3A_1540 : memref<1x50xi32, #tpu.memory_space<vmem>> -> memref<50xi32, #tpu.memory_space<vmem>>
        %dma_wait3A_1542 = arith.constant 0 : i32
        %dma_wait3A_1543 = arith.constant 0 : i32
        %dma_wait3A_1544 = tpu.memref_slice %arg9[%dma_wait3A_1542, %dma_wait3A_1543] : memref<10000x128xf32, #tpu.memory_space<vmem_shared>> -> memref<10000x128xf32, #tpu.memory_space<vmem_shared>>
        %dma_wait3A_1545 = tpu.memref_slice %arg11[%dma_wait3A_1530] : memref<4x!tpu.dma_semaphore, #tpu.memory_space<semaphore_mem>> -> memref<1x!tpu.dma_semaphore, #tpu.memory_space<semaphore_mem>>
        %dma_wait3A_1546 = tpu.memref_squeeze %dma_wait3A_1545 : memref<1x!tpu.dma_semaphore, #tpu.memory_space<semaphore_mem>> -> memref<!tpu.dma_semaphore, #tpu.memory_space<semaphore_mem>>
        tpu.wait_indirect_dma semaphore(%dma_wait3A_1546 : memref<!tpu.dma_semaphore, #tpu.memory_space<semaphore_mem>>) src(%dma_wait3A_1534 : memref<50x128xf32, #tpu.memory_space<vmem>>) dst(%dma_wait3A_1544 : memref<10000x128xf32, #tpu.memory_space<vmem_shared>>)
        %add3A_1547 = arith.constant 4 : i32
        %add3A_1548 = arith.addi %mul3A_1236, %add3A_1547 : i32
        %add3A_1549 = arith.constant 3 : i32
        %add3A_1550 = arith.addi %add3A_1548, %add3A_1549 : i32
        %dma_start3A_1551 = arith.constant 3 : i32
        %dma_start3A_1552 = arith.constant 3 : i32
        %dma_start3A_1553 = arith.constant 0 : i32
        %dma_start3A_1554 = arith.constant 0 : i32
        %dma_start3A_1555 = tpu.memref_slice %arg8[%dma_start3A_1551, %dma_start3A_1553, %dma_start3A_1554] : memref<4x50x128xf32, #tpu.memory_space<vmem>> -> memref<1x50x128xf32, #tpu.memory_space<vmem>>
        %dma_start3A_1556 = tpu.memref_squeeze %dma_start3A_1555 : memref<1x50x128xf32, #tpu.memory_space<vmem>> -> memref<50x128xf32, #tpu.memory_space<vmem>>
        %dma_start3A_1557 = arith.constant 0 : i32
        %dma_start3A_1558 = arith.constant 0 : i32
        %dma_start3A_1559 = tpu.memref_slice %arg6[%scan3A_199, %dma_start3A_1557, %dma_start3A_1558] : memref<2x40x50xi32, #tpu.memory_space<vmem>> -> memref<1x40x50xi32, #tpu.memory_space<vmem>>
        %dma_start3A_1560 = tpu.memref_squeeze %dma_start3A_1559 : memref<1x40x50xi32, #tpu.memory_space<vmem>> -> memref<40x50xi32, #tpu.memory_space<vmem>>
        %dma_start3A_1561 = arith.constant 0 : i32
        %dma_start3A_1562 = tpu.memref_slice %dma_start3A_1560[%add3A_1550, %dma_start3A_1561] : memref<40x50xi32, #tpu.memory_space<vmem>> -> memref<1x50xi32, #tpu.memory_space<vmem>>
        %dma_start3A_1563 = tpu.memref_squeeze %dma_start3A_1562 : memref<1x50xi32, #tpu.memory_space<vmem>> -> memref<50xi32, #tpu.memory_space<vmem>>
        %dma_start3A_1564 = arith.constant 0 : i32
        %dma_start3A_1565 = arith.constant 0 : i32
        %dma_start3A_1566 = tpu.memref_slice %arg2[%dma_start3A_1564, %dma_start3A_1565] : memref<10000x128xf32, #tpu.memory_space<hbm>> -> memref<10000x128xf32, #tpu.memory_space<hbm>>
        %dma_start3A_1567 = tpu.memref_slice %arg10[%dma_start3A_1552] : memref<4x!tpu.dma_semaphore, #tpu.memory_space<semaphore_mem>> -> memref<1x!tpu.dma_semaphore, #tpu.memory_space<semaphore_mem>>
        %dma_start3A_1568 = tpu.memref_squeeze %dma_start3A_1567 : memref<1x!tpu.dma_semaphore, #tpu.memory_space<semaphore_mem>> -> memref<!tpu.dma_semaphore, #tpu.memory_space<semaphore_mem>>
        tpu.enqueue_indirect_dma source(%dma_start3A_1566 : memref<10000x128xf32, #tpu.memory_space<hbm>>) target(%dma_start3A_1556 : memref<50x128xf32, #tpu.memory_space<vmem>>) offsets(%dma_start3A_1563 : memref<50xi32, #tpu.memory_space<vmem>>) semaphore(%dma_start3A_1568 : memref<!tpu.dma_semaphore, #tpu.memory_space<semaphore_mem>>)
      } else {
      }
    }
    %scan3A_205 = arith.constant 10 : i32
    %dma_wait3A_206 = arith.constant 0 : i32
    %dma_wait3A_207 = arith.constant 0 : i32
    %dma_wait3A_208 = arith.constant 36 : i32
    %dma_wait3A_209 = arith.constant 0 : i32
    %dma_wait3A_210 = arith.constant 0 : i32
    %dma_wait3A_211 = arith.constant 0 : i32
    %dma_wait3A_212 = tpu.memref_slice %arg8[%dma_wait3A_206, %dma_wait3A_210, %dma_wait3A_211] : memref<4x50x128xf32, #tpu.memory_space<vmem>> -> memref<1x50x128xf32, #tpu.memory_space<vmem>>
    %dma_wait3A_213 = tpu.memref_squeeze %dma_wait3A_212 : memref<1x50x128xf32, #tpu.memory_space<vmem>> -> memref<50x128xf32, #tpu.memory_space<vmem>>
    %dma_wait3A_214 = arith.constant 0 : i32
    %dma_wait3A_215 = arith.constant 0 : i32
    %dma_wait3A_216 = tpu.memref_slice %arg7[%dma_wait3A_207, %dma_wait3A_214, %dma_wait3A_215] : memref<2x40x50xi32, #tpu.memory_space<vmem>> -> memref<1x40x50xi32, #tpu.memory_space<vmem>>
    %dma_wait3A_217 = tpu.memref_squeeze %dma_wait3A_216 : memref<1x40x50xi32, #tpu.memory_space<vmem>> -> memref<40x50xi32, #tpu.memory_space<vmem>>
    %dma_wait3A_218 = arith.constant 0 : i32
    %dma_wait3A_219 = tpu.memref_slice %dma_wait3A_217[%dma_wait3A_208, %dma_wait3A_218] : memref<40x50xi32, #tpu.memory_space<vmem>> -> memref<1x50xi32, #tpu.memory_space<vmem>>
    %dma_wait3A_220 = tpu.memref_squeeze %dma_wait3A_219 : memref<1x50xi32, #tpu.memory_space<vmem>> -> memref<50xi32, #tpu.memory_space<vmem>>
    %dma_wait3A_221 = arith.constant 0 : i32
    %dma_wait3A_222 = arith.constant 0 : i32
    %dma_wait3A_223 = tpu.memref_slice %arg9[%dma_wait3A_221, %dma_wait3A_222] : memref<10000x128xf32, #tpu.memory_space<vmem_shared>> -> memref<10000x128xf32, #tpu.memory_space<vmem_shared>>
    %dma_wait3A_224 = tpu.memref_slice %arg11[%dma_wait3A_209] : memref<4x!tpu.dma_semaphore, #tpu.memory_space<semaphore_mem>> -> memref<1x!tpu.dma_semaphore, #tpu.memory_space<semaphore_mem>>
    %dma_wait3A_225 = tpu.memref_squeeze %dma_wait3A_224 : memref<1x!tpu.dma_semaphore, #tpu.memory_space<semaphore_mem>> -> memref<!tpu.dma_semaphore, #tpu.memory_space<semaphore_mem>>
    tpu.wait_indirect_dma semaphore(%dma_wait3A_225 : memref<!tpu.dma_semaphore, #tpu.memory_space<semaphore_mem>>) src(%dma_wait3A_213 : memref<50x128xf32, #tpu.memory_space<vmem>>) dst(%dma_wait3A_223 : memref<10000x128xf32, #tpu.memory_space<vmem_shared>>)
    %dma_wait3A_226 = arith.constant 1 : i32
    %dma_wait3A_227 = arith.constant 0 : i32
    %dma_wait3A_228 = arith.constant 37 : i32
    %dma_wait3A_229 = arith.constant 1 : i32
    %dma_wait3A_230 = arith.constant 0 : i32
    %dma_wait3A_231 = arith.constant 0 : i32
    %dma_wait3A_232 = tpu.memref_slice %arg8[%dma_wait3A_226, %dma_wait3A_230, %dma_wait3A_231] : memref<4x50x128xf32, #tpu.memory_space<vmem>> -> memref<1x50x128xf32, #tpu.memory_space<vmem>>
    %dma_wait3A_233 = tpu.memref_squeeze %dma_wait3A_232 : memref<1x50x128xf32, #tpu.memory_space<vmem>> -> memref<50x128xf32, #tpu.memory_space<vmem>>
    %dma_wait3A_234 = arith.constant 0 : i32
    %dma_wait3A_235 = arith.constant 0 : i32
    %dma_wait3A_236 = tpu.memref_slice %arg7[%dma_wait3A_227, %dma_wait3A_234, %dma_wait3A_235] : memref<2x40x50xi32, #tpu.memory_space<vmem>> -> memref<1x40x50xi32, #tpu.memory_space<vmem>>
    %dma_wait3A_237 = tpu.memref_squeeze %dma_wait3A_236 : memref<1x40x50xi32, #tpu.memory_space<vmem>> -> memref<40x50xi32, #tpu.memory_space<vmem>>
    %dma_wait3A_238 = arith.constant 0 : i32
    %dma_wait3A_239 = tpu.memref_slice %dma_wait3A_237[%dma_wait3A_228, %dma_wait3A_238] : memref<40x50xi32, #tpu.memory_space<vmem>> -> memref<1x50xi32, #tpu.memory_space<vmem>>
    %dma_wait3A_240 = tpu.memref_squeeze %dma_wait3A_239 : memref<1x50xi32, #tpu.memory_space<vmem>> -> memref<50xi32, #tpu.memory_space<vmem>>
    %dma_wait3A_241 = arith.constant 0 : i32
    %dma_wait3A_242 = arith.constant 0 : i32
    %dma_wait3A_243 = tpu.memref_slice %arg9[%dma_wait3A_241, %dma_wait3A_242] : memref<10000x128xf32, #tpu.memory_space<vmem_shared>> -> memref<10000x128xf32, #tpu.memory_space<vmem_shared>>
    %dma_wait3A_244 = tpu.memref_slice %arg11[%dma_wait3A_229] : memref<4x!tpu.dma_semaphore, #tpu.memory_space<semaphore_mem>> -> memref<1x!tpu.dma_semaphore, #tpu.memory_space<semaphore_mem>>
    %dma_wait3A_245 = tpu.memref_squeeze %dma_wait3A_244 : memref<1x!tpu.dma_semaphore, #tpu.memory_space<semaphore_mem>> -> memref<!tpu.dma_semaphore, #tpu.memory_space<semaphore_mem>>
    tpu.wait_indirect_dma semaphore(%dma_wait3A_245 : memref<!tpu.dma_semaphore, #tpu.memory_space<semaphore_mem>>) src(%dma_wait3A_233 : memref<50x128xf32, #tpu.memory_space<vmem>>) dst(%dma_wait3A_243 : memref<10000x128xf32, #tpu.memory_space<vmem_shared>>)
    %dma_wait3A_246 = arith.constant 2 : i32
    %dma_wait3A_247 = arith.constant 0 : i32
    %dma_wait3A_248 = arith.constant 38 : i32
    %dma_wait3A_249 = arith.constant 2 : i32
    %dma_wait3A_250 = arith.constant 0 : i32
    %dma_wait3A_251 = arith.constant 0 : i32
    %dma_wait3A_252 = tpu.memref_slice %arg8[%dma_wait3A_246, %dma_wait3A_250, %dma_wait3A_251] : memref<4x50x128xf32, #tpu.memory_space<vmem>> -> memref<1x50x128xf32, #tpu.memory_space<vmem>>
    %dma_wait3A_253 = tpu.memref_squeeze %dma_wait3A_252 : memref<1x50x128xf32, #tpu.memory_space<vmem>> -> memref<50x128xf32, #tpu.memory_space<vmem>>
    %dma_wait3A_254 = arith.constant 0 : i32
    %dma_wait3A_255 = arith.constant 0 : i32
    %dma_wait3A_256 = tpu.memref_slice %arg7[%dma_wait3A_247, %dma_wait3A_254, %dma_wait3A_255] : memref<2x40x50xi32, #tpu.memory_space<vmem>> -> memref<1x40x50xi32, #tpu.memory_space<vmem>>
    %dma_wait3A_257 = tpu.memref_squeeze %dma_wait3A_256 : memref<1x40x50xi32, #tpu.memory_space<vmem>> -> memref<40x50xi32, #tpu.memory_space<vmem>>
    %dma_wait3A_258 = arith.constant 0 : i32
    %dma_wait3A_259 = tpu.memref_slice %dma_wait3A_257[%dma_wait3A_248, %dma_wait3A_258] : memref<40x50xi32, #tpu.memory_space<vmem>> -> memref<1x50xi32, #tpu.memory_space<vmem>>
    %dma_wait3A_260 = tpu.memref_squeeze %dma_wait3A_259 : memref<1x50xi32, #tpu.memory_space<vmem>> -> memref<50xi32, #tpu.memory_space<vmem>>
    %dma_wait3A_261 = arith.constant 0 : i32
    %dma_wait3A_262 = arith.constant 0 : i32
    %dma_wait3A_263 = tpu.memref_slice %arg9[%dma_wait3A_261, %dma_wait3A_262] : memref<10000x128xf32, #tpu.memory_space<vmem_shared>> -> memref<10000x128xf32, #tpu.memory_space<vmem_shared>>
    %dma_wait3A_264 = tpu.memref_slice %arg11[%dma_wait3A_249] : memref<4x!tpu.dma_semaphore, #tpu.memory_space<semaphore_mem>> -> memref<1x!tpu.dma_semaphore, #tpu.memory_space<semaphore_mem>>
    %dma_wait3A_265 = tpu.memref_squeeze %dma_wait3A_264 : memref<1x!tpu.dma_semaphore, #tpu.memory_space<semaphore_mem>> -> memref<!tpu.dma_semaphore, #tpu.memory_space<semaphore_mem>>
    tpu.wait_indirect_dma semaphore(%dma_wait3A_265 : memref<!tpu.dma_semaphore, #tpu.memory_space<semaphore_mem>>) src(%dma_wait3A_253 : memref<50x128xf32, #tpu.memory_space<vmem>>) dst(%dma_wait3A_263 : memref<10000x128xf32, #tpu.memory_space<vmem_shared>>)
    %dma_wait3A_266 = arith.constant 3 : i32
    %dma_wait3A_267 = arith.constant 0 : i32
    %dma_wait3A_268 = arith.constant 39 : i32
    %dma_wait3A_269 = arith.constant 3 : i32
    %dma_wait3A_270 = arith.constant 0 : i32
    %dma_wait3A_271 = arith.constant 0 : i32
    %dma_wait3A_272 = tpu.memref_slice %arg8[%dma_wait3A_266, %dma_wait3A_270, %dma_wait3A_271] : memref<4x50x128xf32, #tpu.memory_space<vmem>> -> memref<1x50x128xf32, #tpu.memory_space<vmem>>
    %dma_wait3A_273 = tpu.memref_squeeze %dma_wait3A_272 : memref<1x50x128xf32, #tpu.memory_space<vmem>> -> memref<50x128xf32, #tpu.memory_space<vmem>>
    %dma_wait3A_274 = arith.constant 0 : i32
    %dma_wait3A_275 = arith.constant 0 : i32
    %dma_wait3A_276 = tpu.memref_slice %arg7[%dma_wait3A_267, %dma_wait3A_274, %dma_wait3A_275] : memref<2x40x50xi32, #tpu.memory_space<vmem>> -> memref<1x40x50xi32, #tpu.memory_space<vmem>>
    %dma_wait3A_277 = tpu.memref_squeeze %dma_wait3A_276 : memref<1x40x50xi32, #tpu.memory_space<vmem>> -> memref<40x50xi32, #tpu.memory_space<vmem>>
    %dma_wait3A_278 = arith.constant 0 : i32
    %dma_wait3A_279 = tpu.memref_slice %dma_wait3A_277[%dma_wait3A_268, %dma_wait3A_278] : memref<40x50xi32, #tpu.memory_space<vmem>> -> memref<1x50xi32, #tpu.memory_space<vmem>>
    %dma_wait3A_280 = tpu.memref_squeeze %dma_wait3A_279 : memref<1x50xi32, #tpu.memory_space<vmem>> -> memref<50xi32, #tpu.memory_space<vmem>>
    %dma_wait3A_281 = arith.constant 0 : i32
    %dma_wait3A_282 = arith.constant 0 : i32
    %dma_wait3A_283 = tpu.memref_slice %arg9[%dma_wait3A_281, %dma_wait3A_282] : memref<10000x128xf32, #tpu.memory_space<vmem_shared>> -> memref<10000x128xf32, #tpu.memory_space<vmem_shared>>
    %dma_wait3A_284 = tpu.memref_slice %arg11[%dma_wait3A_269] : memref<4x!tpu.dma_semaphore, #tpu.memory_space<semaphore_mem>> -> memref<1x!tpu.dma_semaphore, #tpu.memory_space<semaphore_mem>>
    %dma_wait3A_285 = tpu.memref_squeeze %dma_wait3A_284 : memref<1x!tpu.dma_semaphore, #tpu.memory_space<semaphore_mem>> -> memref<!tpu.dma_semaphore, #tpu.memory_space<semaphore_mem>>
    tpu.wait_indirect_dma semaphore(%dma_wait3A_285 : memref<!tpu.dma_semaphore, #tpu.memory_space<semaphore_mem>>) src(%dma_wait3A_273 : memref<50x128xf32, #tpu.memory_space<vmem>>) dst(%dma_wait3A_283 : memref<10000x128xf32, #tpu.memory_space<vmem_shared>>)
    %add3A_286 = arith.constant 40 : i32
    %add3A_287 = arith.addi %mul3A_6, %add3A_286 : i32
    %dma_wait3A_288 = arith.constant 1 : i32
    %dma_wait3A_289 = arith.constant 1 : i32
    %dma_wait3A_290 = arith.constant 0 : i32
    %dma_wait3A_291 = arith.constant 0 : i32
    %dma_wait3A_292 = arith.constant 0 : i32
    %dma_wait3A_293 = tpu.memref_slice %arg6[%dma_wait3A_288, %dma_wait3A_291, %dma_wait3A_292] : memref<2x40x50xi32, #tpu.memory_space<vmem>> -> memref<1x40x50xi32, #tpu.memory_space<vmem>>
    %dma_wait3A_294 = tpu.memref_squeeze %dma_wait3A_293 : memref<1x40x50xi32, #tpu.memory_space<vmem>> -> memref<40x50xi32, #tpu.memory_space<vmem>>
    %dma_wait3A_295 = arith.constant 0 : i32
    %dma_wait3A_296 = tpu.memref_slice %arg3[%add3A_287, %dma_wait3A_295] : memref<6400x50xi32, #tpu.memory_space<hbm>> -> memref<40x50xi32, #tpu.memory_space<hbm>>
    %dma_wait3A_297 = tpu.memref_slice %arg12[%dma_wait3A_289, %dma_wait3A_290] : memref<2x2x!tpu.dma_semaphore, #tpu.memory_space<semaphore_mem>> -> memref<1x1x!tpu.dma_semaphore, #tpu.memory_space<semaphore_mem>>
    %dma_wait3A_298 = tpu.memref_squeeze %dma_wait3A_297 : memref<1x1x!tpu.dma_semaphore, #tpu.memory_space<semaphore_mem>> -> memref<!tpu.dma_semaphore, #tpu.memory_space<semaphore_mem>>
    %dma_wait3A_299 = arith.constant 0 : i32
    %dma_wait3A_300 = arith.constant 0 : i32
    %dma_wait3A_301 = tpu.memref_slice %arg6[%dma_wait3A_288, %dma_wait3A_299, %dma_wait3A_300] : memref<2x40x50xi32, #tpu.memory_space<vmem>> -> memref<1x40x50xi32, #tpu.memory_space<vmem>>
    %dma_wait3A_302 = tpu.memref_squeeze %dma_wait3A_301 : memref<1x40x50xi32, #tpu.memory_space<vmem>> -> memref<40x50xi32, #tpu.memory_space<vmem>>
    %dma_wait3A_303 = arith.constant 0 : i32
    %dma_wait3A_304 = tpu.memref_slice %arg3[%add3A_287, %dma_wait3A_303] : memref<6400x50xi32, #tpu.memory_space<hbm>> -> memref<40x50xi32, #tpu.memory_space<hbm>>
    tpu.wait_dma2 semaphore(%dma_wait3A_298 : memref<!tpu.dma_semaphore, #tpu.memory_space<semaphore_mem>>) src(%dma_wait3A_304 : memref<40x50xi32, #tpu.memory_space<hbm>>) dst(%dma_wait3A_302 : memref<40x50xi32, #tpu.memory_space<vmem>>)
    %add3A_305 = arith.constant 40 : i32
    %add3A_306 = arith.addi %mul3A_6, %add3A_305 : i32
    %dma_wait3A_307 = arith.constant 1 : i32
    %dma_wait3A_308 = arith.constant 1 : i32
    %dma_wait3A_309 = arith.constant 1 : i32
    %dma_wait3A_310 = arith.constant 0 : i32
    %dma_wait3A_311 = arith.constant 0 : i32
    %dma_wait3A_312 = tpu.memref_slice %arg7[%dma_wait3A_307, %dma_wait3A_310, %dma_wait3A_311] : memref<2x40x50xi32, #tpu.memory_space<vmem>> -> memref<1x40x50xi32, #tpu.memory_space<vmem>>
    %dma_wait3A_313 = tpu.memref_squeeze %dma_wait3A_312 : memref<1x40x50xi32, #tpu.memory_space<vmem>> -> memref<40x50xi32, #tpu.memory_space<vmem>>
    %dma_wait3A_314 = arith.constant 0 : i32
    %dma_wait3A_315 = tpu.memref_slice %arg4[%add3A_306, %dma_wait3A_314] : memref<6400x50xi32, #tpu.memory_space<hbm>> -> memref<40x50xi32, #tpu.memory_space<hbm>>
    %dma_wait3A_316 = tpu.memref_slice %arg12[%dma_wait3A_308, %dma_wait3A_309] : memref<2x2x!tpu.dma_semaphore, #tpu.memory_space<semaphore_mem>> -> memref<1x1x!tpu.dma_semaphore, #tpu.memory_space<semaphore_mem>>
    %dma_wait3A_317 = tpu.memref_squeeze %dma_wait3A_316 : memref<1x1x!tpu.dma_semaphore, #tpu.memory_space<semaphore_mem>> -> memref<!tpu.dma_semaphore, #tpu.memory_space<semaphore_mem>>
    %dma_wait3A_318 = arith.constant 0 : i32
    %dma_wait3A_319 = arith.constant 0 : i32
    %dma_wait3A_320 = tpu.memref_slice %arg7[%dma_wait3A_307, %dma_wait3A_318, %dma_wait3A_319] : memref<2x40x50xi32, #tpu.memory_space<vmem>> -> memref<1x40x50xi32, #tpu.memory_space<vmem>>
    %dma_wait3A_321 = tpu.memref_squeeze %dma_wait3A_320 : memref<1x40x50xi32, #tpu.memory_space<vmem>> -> memref<40x50xi32, #tpu.memory_space<vmem>>
    %dma_wait3A_322 = arith.constant 0 : i32
    %dma_wait3A_323 = tpu.memref_slice %arg4[%add3A_306, %dma_wait3A_322] : memref<6400x50xi32, #tpu.memory_space<hbm>> -> memref<40x50xi32, #tpu.memory_space<hbm>>
    tpu.wait_dma2 semaphore(%dma_wait3A_317 : memref<!tpu.dma_semaphore, #tpu.memory_space<semaphore_mem>>) src(%dma_wait3A_323 : memref<40x50xi32, #tpu.memory_space<hbm>>) dst(%dma_wait3A_321 : memref<40x50xi32, #tpu.memory_space<vmem>>)
    %add3A_324 = arith.constant 80 : i32
    %add3A_325 = arith.addi %mul3A_6, %add3A_324 : i32
    %dma_start3A_326 = arith.constant 0 : i32
    %dma_start3A_327 = arith.constant 0 : i32
    %dma_start3A_328 = arith.constant 0 : i32
    %dma_start3A_329 = arith.constant 0 : i32
    %dma_start3A_330 = arith.constant 0 : i32
    %dma_start3A_331 = tpu.memref_slice %arg6[%dma_start3A_326, %dma_start3A_329, %dma_start3A_330] : memref<2x40x50xi32, #tpu.memory_space<vmem>> -> memref<1x40x50xi32, #tpu.memory_space<vmem>>
    %dma_start3A_332 = tpu.memref_squeeze %dma_start3A_331 : memref<1x40x50xi32, #tpu.memory_space<vmem>> -> memref<40x50xi32, #tpu.memory_space<vmem>>
    %dma_start3A_333 = arith.constant 0 : i32
    %dma_start3A_334 = tpu.memref_slice %arg3[%add3A_325, %dma_start3A_333] : memref<6400x50xi32, #tpu.memory_space<hbm>> -> memref<40x50xi32, #tpu.memory_space<hbm>>
    %dma_start3A_335 = tpu.memref_slice %arg12[%dma_start3A_327, %dma_start3A_328] : memref<2x2x!tpu.dma_semaphore, #tpu.memory_space<semaphore_mem>> -> memref<1x1x!tpu.dma_semaphore, #tpu.memory_space<semaphore_mem>>
    %dma_start3A_336 = tpu.memref_squeeze %dma_start3A_335 : memref<1x1x!tpu.dma_semaphore, #tpu.memory_space<semaphore_mem>> -> memref<!tpu.dma_semaphore, #tpu.memory_space<semaphore_mem>>
    %dma_start3A_337 = arith.constant 0 : i32
    %dma_start3A_338 = arith.constant 0 : i32
    %dma_start3A_339 = tpu.memref_slice %arg6[%dma_start3A_326, %dma_start3A_337, %dma_start3A_338] : memref<2x40x50xi32, #tpu.memory_space<vmem>> -> memref<1x40x50xi32, #tpu.memory_space<vmem>>
    %dma_start3A_340 = tpu.memref_squeeze %dma_start3A_339 : memref<1x40x50xi32, #tpu.memory_space<vmem>> -> memref<40x50xi32, #tpu.memory_space<vmem>>
    %dma_start3A_341 = arith.constant 0 : i32
    %dma_start3A_342 = tpu.memref_slice %arg3[%add3A_325, %dma_start3A_341] : memref<6400x50xi32, #tpu.memory_space<hbm>> -> memref<40x50xi32, #tpu.memory_space<hbm>>
    tpu.enqueue_dma source(%dma_start3A_342 : memref<40x50xi32, #tpu.memory_space<hbm>>) target(%dma_start3A_340 : memref<40x50xi32, #tpu.memory_space<vmem>>) target_semaphore(%dma_start3A_336 : memref<!tpu.dma_semaphore, #tpu.memory_space<semaphore_mem>>)
    %add3A_343 = arith.constant 80 : i32
    %add3A_344 = arith.addi %mul3A_6, %add3A_343 : i32
    %dma_start3A_345 = arith.constant 0 : i32
    %dma_start3A_346 = arith.constant 0 : i32
    %dma_start3A_347 = arith.constant 1 : i32
    %dma_start3A_348 = arith.constant 0 : i32
    %dma_start3A_349 = arith.constant 0 : i32
    %dma_start3A_350 = tpu.memref_slice %arg7[%dma_start3A_345, %dma_start3A_348, %dma_start3A_349] : memref<2x40x50xi32, #tpu.memory_space<vmem>> -> memref<1x40x50xi32, #tpu.memory_space<vmem>>
    %dma_start3A_351 = tpu.memref_squeeze %dma_start3A_350 : memref<1x40x50xi32, #tpu.memory_space<vmem>> -> memref<40x50xi32, #tpu.memory_space<vmem>>
    %dma_start3A_352 = arith.constant 0 : i32
    %dma_start3A_353 = tpu.memref_slice %arg4[%add3A_344, %dma_start3A_352] : memref<6400x50xi32, #tpu.memory_space<hbm>> -> memref<40x50xi32, #tpu.memory_space<hbm>>
    %dma_start3A_354 = tpu.memref_slice %arg12[%dma_start3A_346, %dma_start3A_347] : memref<2x2x!tpu.dma_semaphore, #tpu.memory_space<semaphore_mem>> -> memref<1x1x!tpu.dma_semaphore, #tpu.memory_space<semaphore_mem>>
    %dma_start3A_355 = tpu.memref_squeeze %dma_start3A_354 : memref<1x1x!tpu.dma_semaphore, #tpu.memory_space<semaphore_mem>> -> memref<!tpu.dma_semaphore, #tpu.memory_space<semaphore_mem>>
    %dma_start3A_356 = arith.constant 0 : i32
    %dma_start3A_357 = arith.constant 0 : i32
    %dma_start3A_358 = tpu.memref_slice %arg7[%dma_start3A_345, %dma_start3A_356, %dma_start3A_357] : memref<2x40x50xi32, #tpu.memory_space<vmem>> -> memref<1x40x50xi32, #tpu.memory_space<vmem>>
    %dma_start3A_359 = tpu.memref_squeeze %dma_start3A_358 : memref<1x40x50xi32, #tpu.memory_space<vmem>> -> memref<40x50xi32, #tpu.memory_space<vmem>>
    %dma_start3A_360 = arith.constant 0 : i32
    %dma_start3A_361 = tpu.memref_slice %arg4[%add3A_344, %dma_start3A_360] : memref<6400x50xi32, #tpu.memory_space<hbm>> -> memref<40x50xi32, #tpu.memory_space<hbm>>
    tpu.enqueue_dma source(%dma_start3A_361 : memref<40x50xi32, #tpu.memory_space<hbm>>) target(%dma_start3A_359 : memref<40x50xi32, #tpu.memory_space<vmem>>) target_semaphore(%dma_start3A_355 : memref<!tpu.dma_semaphore, #tpu.memory_space<semaphore_mem>>)
    %dma_start3A_362 = arith.constant 1 : i32
    %dma_start3A_363 = arith.constant 0 : i32
    %dma_start3A_364 = arith.constant 0 : i32
    %dma_start3A_365 = arith.constant 0 : i32
    %dma_start3A_366 = arith.constant 0 : i32
    %dma_start3A_367 = arith.constant 0 : i32
    %dma_start3A_368 = tpu.memref_slice %arg8[%dma_start3A_364, %dma_start3A_366, %dma_start3A_367] : memref<4x50x128xf32, #tpu.memory_space<vmem>> -> memref<1x50x128xf32, #tpu.memory_space<vmem>>
    %dma_start3A_369 = tpu.memref_squeeze %dma_start3A_368 : memref<1x50x128xf32, #tpu.memory_space<vmem>> -> memref<50x128xf32, #tpu.memory_space<vmem>>
    %dma_start3A_370 = arith.constant 0 : i32
    %dma_start3A_371 = arith.constant 0 : i32
    %dma_start3A_372 = tpu.memref_slice %arg6[%dma_start3A_362, %dma_start3A_370, %dma_start3A_371] : memref<2x40x50xi32, #tpu.memory_space<vmem>> -> memref<1x40x50xi32, #tpu.memory_space<vmem>>
    %dma_start3A_373 = tpu.memref_squeeze %dma_start3A_372 : memref<1x40x50xi32, #tpu.memory_space<vmem>> -> memref<40x50xi32, #tpu.memory_space<vmem>>
    %dma_start3A_374 = arith.constant 0 : i32
    %dma_start3A_375 = tpu.memref_slice %dma_start3A_373[%dma_start3A_363, %dma_start3A_374] : memref<40x50xi32, #tpu.memory_space<vmem>> -> memref<1x50xi32, #tpu.memory_space<vmem>>
    %dma_start3A_376 = tpu.memref_squeeze %dma_start3A_375 : memref<1x50xi32, #tpu.memory_space<vmem>> -> memref<50xi32, #tpu.memory_space<vmem>>
    %dma_start3A_377 = arith.constant 0 : i32
    %dma_start3A_378 = arith.constant 0 : i32
    %dma_start3A_379 = tpu.memref_slice %arg2[%dma_start3A_377, %dma_start3A_378] : memref<10000x128xf32, #tpu.memory_space<hbm>> -> memref<10000x128xf32, #tpu.memory_space<hbm>>
    %dma_start3A_380 = tpu.memref_slice %arg10[%dma_start3A_365] : memref<4x!tpu.dma_semaphore, #tpu.memory_space<semaphore_mem>> -> memref<1x!tpu.dma_semaphore, #tpu.memory_space<semaphore_mem>>
    %dma_start3A_381 = tpu.memref_squeeze %dma_start3A_380 : memref<1x!tpu.dma_semaphore, #tpu.memory_space<semaphore_mem>> -> memref<!tpu.dma_semaphore, #tpu.memory_space<semaphore_mem>>
    tpu.enqueue_indirect_dma source(%dma_start3A_379 : memref<10000x128xf32, #tpu.memory_space<hbm>>) target(%dma_start3A_369 : memref<50x128xf32, #tpu.memory_space<vmem>>) offsets(%dma_start3A_376 : memref<50xi32, #tpu.memory_space<vmem>>) semaphore(%dma_start3A_381 : memref<!tpu.dma_semaphore, #tpu.memory_space<semaphore_mem>>)
    %dma_start3A_382 = arith.constant 1 : i32
    %dma_start3A_383 = arith.constant 1 : i32
    %dma_start3A_384 = arith.constant 1 : i32
    %dma_start3A_385 = arith.constant 1 : i32
    %dma_start3A_386 = arith.constant 0 : i32
    %dma_start3A_387 = arith.constant 0 : i32
    %dma_start3A_388 = tpu.memref_slice %arg8[%dma_start3A_384, %dma_start3A_386, %dma_start3A_387] : memref<4x50x128xf32, #tpu.memory_space<vmem>> -> memref<1x50x128xf32, #tpu.memory_space<vmem>>
    %dma_start3A_389 = tpu.memref_squeeze %dma_start3A_388 : memref<1x50x128xf32, #tpu.memory_space<vmem>> -> memref<50x128xf32, #tpu.memory_space<vmem>>
    %dma_start3A_390 = arith.constant 0 : i32
    %dma_start3A_391 = arith.constant 0 : i32
    %dma_start3A_392 = tpu.memref_slice %arg6[%dma_start3A_382, %dma_start3A_390, %dma_start3A_391] : memref<2x40x50xi32, #tpu.memory_space<vmem>> -> memref<1x40x50xi32, #tpu.memory_space<vmem>>
    %dma_start3A_393 = tpu.memref_squeeze %dma_start3A_392 : memref<1x40x50xi32, #tpu.memory_space<vmem>> -> memref<40x50xi32, #tpu.memory_space<vmem>>
    %dma_start3A_394 = arith.constant 0 : i32
    %dma_start3A_395 = tpu.memref_slice %dma_start3A_393[%dma_start3A_383, %dma_start3A_394] : memref<40x50xi32, #tpu.memory_space<vmem>> -> memref<1x50xi32, #tpu.memory_space<vmem>>
    %dma_start3A_396 = tpu.memref_squeeze %dma_start3A_395 : memref<1x50xi32, #tpu.memory_space<vmem>> -> memref<50xi32, #tpu.memory_space<vmem>>
    %dma_start3A_397 = arith.constant 0 : i32
    %dma_start3A_398 = arith.constant 0 : i32
    %dma_start3A_399 = tpu.memref_slice %arg2[%dma_start3A_397, %dma_start3A_398] : memref<10000x128xf32, #tpu.memory_space<hbm>> -> memref<10000x128xf32, #tpu.memory_space<hbm>>
    %dma_start3A_400 = tpu.memref_slice %arg10[%dma_start3A_385] : memref<4x!tpu.dma_semaphore, #tpu.memory_space<semaphore_mem>> -> memref<1x!tpu.dma_semaphore, #tpu.memory_space<semaphore_mem>>
    %dma_start3A_401 = tpu.memref_squeeze %dma_start3A_400 : memref<1x!tpu.dma_semaphore, #tpu.memory_space<semaphore_mem>> -> memref<!tpu.dma_semaphore, #tpu.memory_space<semaphore_mem>>
    tpu.enqueue_indirect_dma source(%dma_start3A_399 : memref<10000x128xf32, #tpu.memory_space<hbm>>) target(%dma_start3A_389 : memref<50x128xf32, #tpu.memory_space<vmem>>) offsets(%dma_start3A_396 : memref<50xi32, #tpu.memory_space<vmem>>) semaphore(%dma_start3A_401 : memref<!tpu.dma_semaphore, #tpu.memory_space<semaphore_mem>>)
    %dma_start3A_402 = arith.constant 1 : i32
    %dma_start3A_403 = arith.constant 2 : i32
    %dma_start3A_404 = arith.constant 2 : i32
    %dma_start3A_405 = arith.constant 2 : i32
    %dma_start3A_406 = arith.constant 0 : i32
    %dma_start3A_407 = arith.constant 0 : i32
    %dma_start3A_408 = tpu.memref_slice %arg8[%dma_start3A_404, %dma_start3A_406, %dma_start3A_407] : memref<4x50x128xf32, #tpu.memory_space<vmem>> -> memref<1x50x128xf32, #tpu.memory_space<vmem>>
    %dma_start3A_409 = tpu.memref_squeeze %dma_start3A_408 : memref<1x50x128xf32, #tpu.memory_space<vmem>> -> memref<50x128xf32, #tpu.memory_space<vmem>>
    %dma_start3A_410 = arith.constant 0 : i32
    %dma_start3A_411 = arith.constant 0 : i32
    %dma_start3A_412 = tpu.memref_slice %arg6[%dma_start3A_402, %dma_start3A_410, %dma_start3A_411] : memref<2x40x50xi32, #tpu.memory_space<vmem>> -> memref<1x40x50xi32, #tpu.memory_space<vmem>>
    %dma_start3A_413 = tpu.memref_squeeze %dma_start3A_412 : memref<1x40x50xi32, #tpu.memory_space<vmem>> -> memref<40x50xi32, #tpu.memory_space<vmem>>
    %dma_start3A_414 = arith.constant 0 : i32
    %dma_start3A_415 = tpu.memref_slice %dma_start3A_413[%dma_start3A_403, %dma_start3A_414] : memref<40x50xi32, #tpu.memory_space<vmem>> -> memref<1x50xi32, #tpu.memory_space<vmem>>
    %dma_start3A_416 = tpu.memref_squeeze %dma_start3A_415 : memref<1x50xi32, #tpu.memory_space<vmem>> -> memref<50xi32, #tpu.memory_space<vmem>>
    %dma_start3A_417 = arith.constant 0 : i32
    %dma_start3A_418 = arith.constant 0 : i32
    %dma_start3A_419 = tpu.memref_slice %arg2[%dma_start3A_417, %dma_start3A_418] : memref<10000x128xf32, #tpu.memory_space<hbm>> -> memref<10000x128xf32, #tpu.memory_space<hbm>>
    %dma_start3A_420 = tpu.memref_slice %arg10[%dma_start3A_405] : memref<4x!tpu.dma_semaphore, #tpu.memory_space<semaphore_mem>> -> memref<1x!tpu.dma_semaphore, #tpu.memory_space<semaphore_mem>>
    %dma_start3A_421 = tpu.memref_squeeze %dma_start3A_420 : memref<1x!tpu.dma_semaphore, #tpu.memory_space<semaphore_mem>> -> memref<!tpu.dma_semaphore, #tpu.memory_space<semaphore_mem>>
    tpu.enqueue_indirect_dma source(%dma_start3A_419 : memref<10000x128xf32, #tpu.memory_space<hbm>>) target(%dma_start3A_409 : memref<50x128xf32, #tpu.memory_space<vmem>>) offsets(%dma_start3A_416 : memref<50xi32, #tpu.memory_space<vmem>>) semaphore(%dma_start3A_421 : memref<!tpu.dma_semaphore, #tpu.memory_space<semaphore_mem>>)
    %dma_start3A_422 = arith.constant 1 : i32
    %dma_start3A_423 = arith.constant 3 : i32
    %dma_start3A_424 = arith.constant 3 : i32
    %dma_start3A_425 = arith.constant 3 : i32
    %dma_start3A_426 = arith.constant 0 : i32
    %dma_start3A_427 = arith.constant 0 : i32
    %dma_start3A_428 = tpu.memref_slice %arg8[%dma_start3A_424, %dma_start3A_426, %dma_start3A_427] : memref<4x50x128xf32, #tpu.memory_space<vmem>> -> memref<1x50x128xf32, #tpu.memory_space<vmem>>
    %dma_start3A_429 = tpu.memref_squeeze %dma_start3A_428 : memref<1x50x128xf32, #tpu.memory_space<vmem>> -> memref<50x128xf32, #tpu.memory_space<vmem>>
    %dma_start3A_430 = arith.constant 0 : i32
    %dma_start3A_431 = arith.constant 0 : i32
    %dma_start3A_432 = tpu.memref_slice %arg6[%dma_start3A_422, %dma_start3A_430, %dma_start3A_431] : memref<2x40x50xi32, #tpu.memory_space<vmem>> -> memref<1x40x50xi32, #tpu.memory_space<vmem>>
    %dma_start3A_433 = tpu.memref_squeeze %dma_start3A_432 : memref<1x40x50xi32, #tpu.memory_space<vmem>> -> memref<40x50xi32, #tpu.memory_space<vmem>>
    %dma_start3A_434 = arith.constant 0 : i32
    %dma_start3A_435 = tpu.memref_slice %dma_start3A_433[%dma_start3A_423, %dma_start3A_434] : memref<40x50xi32, #tpu.memory_space<vmem>> -> memref<1x50xi32, #tpu.memory_space<vmem>>
    %dma_start3A_436 = tpu.memref_squeeze %dma_start3A_435 : memref<1x50xi32, #tpu.memory_space<vmem>> -> memref<50xi32, #tpu.memory_space<vmem>>
    %dma_start3A_437 = arith.constant 0 : i32
    %dma_start3A_438 = arith.constant 0 : i32
    %dma_start3A_439 = tpu.memref_slice %arg2[%dma_start3A_437, %dma_start3A_438] : memref<10000x128xf32, #tpu.memory_space<hbm>> -> memref<10000x128xf32, #tpu.memory_space<hbm>>
    %dma_start3A_440 = tpu.memref_slice %arg10[%dma_start3A_425] : memref<4x!tpu.dma_semaphore, #tpu.memory_space<semaphore_mem>> -> memref<1x!tpu.dma_semaphore, #tpu.memory_space<semaphore_mem>>
    %dma_start3A_441 = tpu.memref_squeeze %dma_start3A_440 : memref<1x!tpu.dma_semaphore, #tpu.memory_space<semaphore_mem>> -> memref<!tpu.dma_semaphore, #tpu.memory_space<semaphore_mem>>
    tpu.enqueue_indirect_dma source(%dma_start3A_439 : memref<10000x128xf32, #tpu.memory_space<hbm>>) target(%dma_start3A_429 : memref<50x128xf32, #tpu.memory_space<vmem>>) offsets(%dma_start3A_436 : memref<50xi32, #tpu.memory_space<vmem>>) semaphore(%dma_start3A_441 : memref<!tpu.dma_semaphore, #tpu.memory_space<semaphore_mem>>)
    %scan3A_442 = arith.constant 0 : i32
    %scan3A_443 = arith.constant 1 : i32
    %scan3A_444 = arith.constant 1 : i32
    %scan3A_445 = arith.constant 0 : i32
    %scan3A_446 = arith.constant 10 : i32
    %scan3A_447 = arith.addi %scan3A_445, %scan3A_446 : i32
    %scan3A_448 = arith.constant 1 : i32
    scf.for %scan3A_1234 = %scan3A_445 to %scan3A_447 step %scan3A_448  : i32 {
      %mul3A_1235 = arith.constant 4 : i32
      %mul3A_1236 = arith.muli %scan3A_1234, %mul3A_1235 : i32
      %add3A_1237 = arith.constant 0 : i32
      %add3A_1238 = arith.addi %mul3A_1236, %add3A_1237 : i32
      %dma_wait3A_1239 = arith.constant 0 : i32
      %dma_wait3A_1240 = arith.constant 0 : i32
      %dma_wait3A_1241 = arith.constant 0 : i32
      %dma_wait3A_1242 = arith.constant 0 : i32
      %dma_wait3A_1243 = tpu.memref_slice %arg8[%dma_wait3A_1239, %dma_wait3A_1241, %dma_wait3A_1242] : memref<4x50x128xf32, #tpu.memory_space<vmem>> -> memref<1x50x128xf32, #tpu.memory_space<vmem>>
      %dma_wait3A_1244 = tpu.memref_squeeze %dma_wait3A_1243 : memref<1x50x128xf32, #tpu.memory_space<vmem>> -> memref<50x128xf32, #tpu.memory_space<vmem>>
      %dma_wait3A_1245 = arith.constant 0 : i32
      %dma_wait3A_1246 = arith.constant 0 : i32
      %dma_wait3A_1247 = tpu.memref_slice %arg6[%scan3A_443, %dma_wait3A_1245, %dma_wait3A_1246] : memref<2x40x50xi32, #tpu.memory_space<vmem>> -> memref<1x40x50xi32, #tpu.memory_space<vmem>>
      %dma_wait3A_1248 = tpu.memref_squeeze %dma_wait3A_1247 : memref<1x40x50xi32, #tpu.memory_space<vmem>> -> memref<40x50xi32, #tpu.memory_space<vmem>>
      %dma_wait3A_1249 = arith.constant 0 : i32
      %dma_wait3A_1250 = tpu.memref_slice %dma_wait3A_1248[%add3A_1238, %dma_wait3A_1249] : memref<40x50xi32, #tpu.memory_space<vmem>> -> memref<1x50xi32, #tpu.memory_space<vmem>>
      %dma_wait3A_1251 = tpu.memref_squeeze %dma_wait3A_1250 : memref<1x50xi32, #tpu.memory_space<vmem>> -> memref<50xi32, #tpu.memory_space<vmem>>
      %dma_wait3A_1252 = arith.constant 0 : i32
      %dma_wait3A_1253 = arith.constant 0 : i32
      %dma_wait3A_1254 = tpu.memref_slice %arg2[%dma_wait3A_1252, %dma_wait3A_1253] : memref<10000x128xf32, #tpu.memory_space<hbm>> -> memref<10000x128xf32, #tpu.memory_space<hbm>>
      %dma_wait3A_1255 = tpu.memref_slice %arg10[%dma_wait3A_1240] : memref<4x!tpu.dma_semaphore, #tpu.memory_space<semaphore_mem>> -> memref<1x!tpu.dma_semaphore, #tpu.memory_space<semaphore_mem>>
      %dma_wait3A_1256 = tpu.memref_squeeze %dma_wait3A_1255 : memref<1x!tpu.dma_semaphore, #tpu.memory_space<semaphore_mem>> -> memref<!tpu.dma_semaphore, #tpu.memory_space<semaphore_mem>>
      tpu.wait_indirect_dma semaphore(%dma_wait3A_1256 : memref<!tpu.dma_semaphore, #tpu.memory_space<semaphore_mem>>) src(%dma_wait3A_1254 : memref<10000x128xf32, #tpu.memory_space<hbm>>) dst(%dma_wait3A_1244 : memref<50x128xf32, #tpu.memory_space<vmem>>)
      %add3A_1257 = arith.constant 0 : i32
      %add3A_1258 = arith.addi %mul3A_1236, %add3A_1257 : i32
      %dma_start3A_1259 = arith.constant 0 : i32
      %dma_start3A_1260 = arith.constant 0 : i32
      %dma_start3A_1261 = arith.constant 0 : i32
      %dma_start3A_1262 = arith.constant 0 : i32
      %dma_start3A_1263 = tpu.memref_slice %arg8[%dma_start3A_1259, %dma_start3A_1261, %dma_start3A_1262] : memref<4x50x128xf32, #tpu.memory_space<vmem>> -> memref<1x50x128xf32, #tpu.memory_space<vmem>>
      %dma_start3A_1264 = tpu.memref_squeeze %dma_start3A_1263 : memref<1x50x128xf32, #tpu.memory_space<vmem>> -> memref<50x128xf32, #tpu.memory_space<vmem>>
      %dma_start3A_1265 = arith.constant 0 : i32
      %dma_start3A_1266 = arith.constant 0 : i32
      %dma_start3A_1267 = tpu.memref_slice %arg7[%scan3A_444, %dma_start3A_1265, %dma_start3A_1266] : memref<2x40x50xi32, #tpu.memory_space<vmem>> -> memref<1x40x50xi32, #tpu.memory_space<vmem>>
      %dma_start3A_1268 = tpu.memref_squeeze %dma_start3A_1267 : memref<1x40x50xi32, #tpu.memory_space<vmem>> -> memref<40x50xi32, #tpu.memory_space<vmem>>
      %dma_start3A_1269 = arith.constant 0 : i32
      %dma_start3A_1270 = tpu.memref_slice %dma_start3A_1268[%add3A_1258, %dma_start3A_1269] : memref<40x50xi32, #tpu.memory_space<vmem>> -> memref<1x50xi32, #tpu.memory_space<vmem>>
      %dma_start3A_1271 = tpu.memref_squeeze %dma_start3A_1270 : memref<1x50xi32, #tpu.memory_space<vmem>> -> memref<50xi32, #tpu.memory_space<vmem>>
      %dma_start3A_1272 = arith.constant 0 : i32
      %dma_start3A_1273 = arith.constant 0 : i32
      %dma_start3A_1274 = tpu.memref_slice %arg9[%dma_start3A_1272, %dma_start3A_1273] : memref<10000x128xf32, #tpu.memory_space<vmem_shared>> -> memref<10000x128xf32, #tpu.memory_space<vmem_shared>>
      %dma_start3A_1275 = tpu.memref_slice %arg11[%dma_start3A_1260] : memref<4x!tpu.dma_semaphore, #tpu.memory_space<semaphore_mem>> -> memref<1x!tpu.dma_semaphore, #tpu.memory_space<semaphore_mem>>
      %dma_start3A_1276 = tpu.memref_squeeze %dma_start3A_1275 : memref<1x!tpu.dma_semaphore, #tpu.memory_space<semaphore_mem>> -> memref<!tpu.dma_semaphore, #tpu.memory_space<semaphore_mem>>
      tpu.enqueue_indirect_dma source(%dma_start3A_1264 : memref<50x128xf32, #tpu.memory_space<vmem>>) target(%dma_start3A_1274 : memref<10000x128xf32, #tpu.memory_space<vmem_shared>>) offsets(%dma_start3A_1271 : memref<50xi32, #tpu.memory_space<vmem>>) semaphore(%dma_start3A_1276 : memref<!tpu.dma_semaphore, #tpu.memory_space<semaphore_mem>>) {add = true}
      %add3A_1277 = arith.constant 1 : i32
      %add3A_1278 = arith.addi %mul3A_1236, %add3A_1277 : i32
      %dma_wait3A_1279 = arith.constant 1 : i32
      %dma_wait3A_1280 = arith.constant 1 : i32
      %dma_wait3A_1281 = arith.constant 0 : i32
      %dma_wait3A_1282 = arith.constant 0 : i32
      %dma_wait3A_1283 = tpu.memref_slice %arg8[%dma_wait3A_1279, %dma_wait3A_1281, %dma_wait3A_1282] : memref<4x50x128xf32, #tpu.memory_space<vmem>> -> memref<1x50x128xf32, #tpu.memory_space<vmem>>
      %dma_wait3A_1284 = tpu.memref_squeeze %dma_wait3A_1283 : memref<1x50x128xf32, #tpu.memory_space<vmem>> -> memref<50x128xf32, #tpu.memory_space<vmem>>
      %dma_wait3A_1285 = arith.constant 0 : i32
      %dma_wait3A_1286 = arith.constant 0 : i32
      %dma_wait3A_1287 = tpu.memref_slice %arg6[%scan3A_443, %dma_wait3A_1285, %dma_wait3A_1286] : memref<2x40x50xi32, #tpu.memory_space<vmem>> -> memref<1x40x50xi32, #tpu.memory_space<vmem>>
      %dma_wait3A_1288 = tpu.memref_squeeze %dma_wait3A_1287 : memref<1x40x50xi32, #tpu.memory_space<vmem>> -> memref<40x50xi32, #tpu.memory_space<vmem>>
      %dma_wait3A_1289 = arith.constant 0 : i32
      %dma_wait3A_1290 = tpu.memref_slice %dma_wait3A_1288[%add3A_1278, %dma_wait3A_1289] : memref<40x50xi32, #tpu.memory_space<vmem>> -> memref<1x50xi32, #tpu.memory_space<vmem>>
      %dma_wait3A_1291 = tpu.memref_squeeze %dma_wait3A_1290 : memref<1x50xi32, #tpu.memory_space<vmem>> -> memref<50xi32, #tpu.memory_space<vmem>>
      %dma_wait3A_1292 = arith.constant 0 : i32
      %dma_wait3A_1293 = arith.constant 0 : i32
      %dma_wait3A_1294 = tpu.memref_slice %arg2[%dma_wait3A_1292, %dma_wait3A_1293] : memref<10000x128xf32, #tpu.memory_space<hbm>> -> memref<10000x128xf32, #tpu.memory_space<hbm>>
      %dma_wait3A_1295 = tpu.memref_slice %arg10[%dma_wait3A_1280] : memref<4x!tpu.dma_semaphore, #tpu.memory_space<semaphore_mem>> -> memref<1x!tpu.dma_semaphore, #tpu.memory_space<semaphore_mem>>
      %dma_wait3A_1296 = tpu.memref_squeeze %dma_wait3A_1295 : memref<1x!tpu.dma_semaphore, #tpu.memory_space<semaphore_mem>> -> memref<!tpu.dma_semaphore, #tpu.memory_space<semaphore_mem>>
      tpu.wait_indirect_dma semaphore(%dma_wait3A_1296 : memref<!tpu.dma_semaphore, #tpu.memory_space<semaphore_mem>>) src(%dma_wait3A_1294 : memref<10000x128xf32, #tpu.memory_space<hbm>>) dst(%dma_wait3A_1284 : memref<50x128xf32, #tpu.memory_space<vmem>>)
      %add3A_1297 = arith.constant 1 : i32
      %add3A_1298 = arith.addi %mul3A_1236, %add3A_1297 : i32
      %dma_start3A_1299 = arith.constant 1 : i32
      %dma_start3A_1300 = arith.constant 1 : i32
      %dma_start3A_1301 = arith.constant 0 : i32
      %dma_start3A_1302 = arith.constant 0 : i32
      %dma_start3A_1303 = tpu.memref_slice %arg8[%dma_start3A_1299, %dma_start3A_1301, %dma_start3A_1302] : memref<4x50x128xf32, #tpu.memory_space<vmem>> -> memref<1x50x128xf32, #tpu.memory_space<vmem>>
      %dma_start3A_1304 = tpu.memref_squeeze %dma_start3A_1303 : memref<1x50x128xf32, #tpu.memory_space<vmem>> -> memref<50x128xf32, #tpu.memory_space<vmem>>
      %dma_start3A_1305 = arith.constant 0 : i32
      %dma_start3A_1306 = arith.constant 0 : i32
      %dma_start3A_1307 = tpu.memref_slice %arg7[%scan3A_444, %dma_start3A_1305, %dma_start3A_1306] : memref<2x40x50xi32, #tpu.memory_space<vmem>> -> memref<1x40x50xi32, #tpu.memory_space<vmem>>
      %dma_start3A_1308 = tpu.memref_squeeze %dma_start3A_1307 : memref<1x40x50xi32, #tpu.memory_space<vmem>> -> memref<40x50xi32, #tpu.memory_space<vmem>>
      %dma_start3A_1309 = arith.constant 0 : i32
      %dma_start3A_1310 = tpu.memref_slice %dma_start3A_1308[%add3A_1298, %dma_start3A_1309] : memref<40x50xi32, #tpu.memory_space<vmem>> -> memref<1x50xi32, #tpu.memory_space<vmem>>
      %dma_start3A_1311 = tpu.memref_squeeze %dma_start3A_1310 : memref<1x50xi32, #tpu.memory_space<vmem>> -> memref<50xi32, #tpu.memory_space<vmem>>
      %dma_start3A_1312 = arith.constant 0 : i32
      %dma_start3A_1313 = arith.constant 0 : i32
      %dma_start3A_1314 = tpu.memref_slice %arg9[%dma_start3A_1312, %dma_start3A_1313] : memref<10000x128xf32, #tpu.memory_space<vmem_shared>> -> memref<10000x128xf32, #tpu.memory_space<vmem_shared>>
      %dma_start3A_1315 = tpu.memref_slice %arg11[%dma_start3A_1300] : memref<4x!tpu.dma_semaphore, #tpu.memory_space<semaphore_mem>> -> memref<1x!tpu.dma_semaphore, #tpu.memory_space<semaphore_mem>>
      %dma_start3A_1316 = tpu.memref_squeeze %dma_start3A_1315 : memref<1x!tpu.dma_semaphore, #tpu.memory_space<semaphore_mem>> -> memref<!tpu.dma_semaphore, #tpu.memory_space<semaphore_mem>>
      tpu.enqueue_indirect_dma source(%dma_start3A_1304 : memref<50x128xf32, #tpu.memory_space<vmem>>) target(%dma_start3A_1314 : memref<10000x128xf32, #tpu.memory_space<vmem_shared>>) offsets(%dma_start3A_1311 : memref<50xi32, #tpu.memory_space<vmem>>) semaphore(%dma_start3A_1316 : memref<!tpu.dma_semaphore, #tpu.memory_space<semaphore_mem>>) {add = true}
      %add3A_1317 = arith.constant 2 : i32
      %add3A_1318 = arith.addi %mul3A_1236, %add3A_1317 : i32
      %dma_wait3A_1319 = arith.constant 2 : i32
      %dma_wait3A_1320 = arith.constant 2 : i32
      %dma_wait3A_1321 = arith.constant 0 : i32
      %dma_wait3A_1322 = arith.constant 0 : i32
      %dma_wait3A_1323 = tpu.memref_slice %arg8[%dma_wait3A_1319, %dma_wait3A_1321, %dma_wait3A_1322] : memref<4x50x128xf32, #tpu.memory_space<vmem>> -> memref<1x50x128xf32, #tpu.memory_space<vmem>>
      %dma_wait3A_1324 = tpu.memref_squeeze %dma_wait3A_1323 : memref<1x50x128xf32, #tpu.memory_space<vmem>> -> memref<50x128xf32, #tpu.memory_space<vmem>>
      %dma_wait3A_1325 = arith.constant 0 : i32
      %dma_wait3A_1326 = arith.constant 0 : i32
      %dma_wait3A_1327 = tpu.memref_slice %arg6[%scan3A_443, %dma_wait3A_1325, %dma_wait3A_1326] : memref<2x40x50xi32, #tpu.memory_space<vmem>> -> memref<1x40x50xi32, #tpu.memory_space<vmem>>
      %dma_wait3A_1328 = tpu.memref_squeeze %dma_wait3A_1327 : memref<1x40x50xi32, #tpu.memory_space<vmem>> -> memref<40x50xi32, #tpu.memory_space<vmem>>
      %dma_wait3A_1329 = arith.constant 0 : i32
      %dma_wait3A_1330 = tpu.memref_slice %dma_wait3A_1328[%add3A_1318, %dma_wait3A_1329] : memref<40x50xi32, #tpu.memory_space<vmem>> -> memref<1x50xi32, #tpu.memory_space<vmem>>
      %dma_wait3A_1331 = tpu.memref_squeeze %dma_wait3A_1330 : memref<1x50xi32, #tpu.memory_space<vmem>> -> memref<50xi32, #tpu.memory_space<vmem>>
      %dma_wait3A_1332 = arith.constant 0 : i32
      %dma_wait3A_1333 = arith.constant 0 : i32
      %dma_wait3A_1334 = tpu.memref_slice %arg2[%dma_wait3A_1332, %dma_wait3A_1333] : memref<10000x128xf32, #tpu.memory_space<hbm>> -> memref<10000x128xf32, #tpu.memory_space<hbm>>
      %dma_wait3A_1335 = tpu.memref_slice %arg10[%dma_wait3A_1320] : memref<4x!tpu.dma_semaphore, #tpu.memory_space<semaphore_mem>> -> memref<1x!tpu.dma_semaphore, #tpu.memory_space<semaphore_mem>>
      %dma_wait3A_1336 = tpu.memref_squeeze %dma_wait3A_1335 : memref<1x!tpu.dma_semaphore, #tpu.memory_space<semaphore_mem>> -> memref<!tpu.dma_semaphore, #tpu.memory_space<semaphore_mem>>
      tpu.wait_indirect_dma semaphore(%dma_wait3A_1336 : memref<!tpu.dma_semaphore, #tpu.memory_space<semaphore_mem>>) src(%dma_wait3A_1334 : memref<10000x128xf32, #tpu.memory_space<hbm>>) dst(%dma_wait3A_1324 : memref<50x128xf32, #tpu.memory_space<vmem>>)
      %add3A_1337 = arith.constant 2 : i32
      %add3A_1338 = arith.addi %mul3A_1236, %add3A_1337 : i32
      %dma_start3A_1339 = arith.constant 2 : i32
      %dma_start3A_1340 = arith.constant 2 : i32
      %dma_start3A_1341 = arith.constant 0 : i32
      %dma_start3A_1342 = arith.constant 0 : i32
      %dma_start3A_1343 = tpu.memref_slice %arg8[%dma_start3A_1339, %dma_start3A_1341, %dma_start3A_1342] : memref<4x50x128xf32, #tpu.memory_space<vmem>> -> memref<1x50x128xf32, #tpu.memory_space<vmem>>
      %dma_start3A_1344 = tpu.memref_squeeze %dma_start3A_1343 : memref<1x50x128xf32, #tpu.memory_space<vmem>> -> memref<50x128xf32, #tpu.memory_space<vmem>>
      %dma_start3A_1345 = arith.constant 0 : i32
      %dma_start3A_1346 = arith.constant 0 : i32
      %dma_start3A_1347 = tpu.memref_slice %arg7[%scan3A_444, %dma_start3A_1345, %dma_start3A_1346] : memref<2x40x50xi32, #tpu.memory_space<vmem>> -> memref<1x40x50xi32, #tpu.memory_space<vmem>>
      %dma_start3A_1348 = tpu.memref_squeeze %dma_start3A_1347 : memref<1x40x50xi32, #tpu.memory_space<vmem>> -> memref<40x50xi32, #tpu.memory_space<vmem>>
      %dma_start3A_1349 = arith.constant 0 : i32
      %dma_start3A_1350 = tpu.memref_slice %dma_start3A_1348[%add3A_1338, %dma_start3A_1349] : memref<40x50xi32, #tpu.memory_space<vmem>> -> memref<1x50xi32, #tpu.memory_space<vmem>>
      %dma_start3A_1351 = tpu.memref_squeeze %dma_start3A_1350 : memref<1x50xi32, #tpu.memory_space<vmem>> -> memref<50xi32, #tpu.memory_space<vmem>>
      %dma_start3A_1352 = arith.constant 0 : i32
      %dma_start3A_1353 = arith.constant 0 : i32
      %dma_start3A_1354 = tpu.memref_slice %arg9[%dma_start3A_1352, %dma_start3A_1353] : memref<10000x128xf32, #tpu.memory_space<vmem_shared>> -> memref<10000x128xf32, #tpu.memory_space<vmem_shared>>
      %dma_start3A_1355 = tpu.memref_slice %arg11[%dma_start3A_1340] : memref<4x!tpu.dma_semaphore, #tpu.memory_space<semaphore_mem>> -> memref<1x!tpu.dma_semaphore, #tpu.memory_space<semaphore_mem>>
      %dma_start3A_1356 = tpu.memref_squeeze %dma_start3A_1355 : memref<1x!tpu.dma_semaphore, #tpu.memory_space<semaphore_mem>> -> memref<!tpu.dma_semaphore, #tpu.memory_space<semaphore_mem>>
      tpu.enqueue_indirect_dma source(%dma_start3A_1344 : memref<50x128xf32, #tpu.memory_space<vmem>>) target(%dma_start3A_1354 : memref<10000x128xf32, #tpu.memory_space<vmem_shared>>) offsets(%dma_start3A_1351 : memref<50xi32, #tpu.memory_space<vmem>>) semaphore(%dma_start3A_1356 : memref<!tpu.dma_semaphore, #tpu.memory_space<semaphore_mem>>) {add = true}
      %add3A_1357 = arith.constant 3 : i32
      %add3A_1358 = arith.addi %mul3A_1236, %add3A_1357 : i32
      %dma_wait3A_1359 = arith.constant 3 : i32
      %dma_wait3A_1360 = arith.constant 3 : i32
      %dma_wait3A_1361 = arith.constant 0 : i32
      %dma_wait3A_1362 = arith.constant 0 : i32
      %dma_wait3A_1363 = tpu.memref_slice %arg8[%dma_wait3A_1359, %dma_wait3A_1361, %dma_wait3A_1362] : memref<4x50x128xf32, #tpu.memory_space<vmem>> -> memref<1x50x128xf32, #tpu.memory_space<vmem>>
      %dma_wait3A_1364 = tpu.memref_squeeze %dma_wait3A_1363 : memref<1x50x128xf32, #tpu.memory_space<vmem>> -> memref<50x128xf32, #tpu.memory_space<vmem>>
      %dma_wait3A_1365 = arith.constant 0 : i32
      %dma_wait3A_1366 = arith.constant 0 : i32
      %dma_wait3A_1367 = tpu.memref_slice %arg6[%scan3A_443, %dma_wait3A_1365, %dma_wait3A_1366] : memref<2x40x50xi32, #tpu.memory_space<vmem>> -> memref<1x40x50xi32, #tpu.memory_space<vmem>>
      %dma_wait3A_1368 = tpu.memref_squeeze %dma_wait3A_1367 : memref<1x40x50xi32, #tpu.memory_space<vmem>> -> memref<40x50xi32, #tpu.memory_space<vmem>>
      %dma_wait3A_1369 = arith.constant 0 : i32
      %dma_wait3A_1370 = tpu.memref_slice %dma_wait3A_1368[%add3A_1358, %dma_wait3A_1369] : memref<40x50xi32, #tpu.memory_space<vmem>> -> memref<1x50xi32, #tpu.memory_space<vmem>>
      %dma_wait3A_1371 = tpu.memref_squeeze %dma_wait3A_1370 : memref<1x50xi32, #tpu.memory_space<vmem>> -> memref<50xi32, #tpu.memory_space<vmem>>
      %dma_wait3A_1372 = arith.constant 0 : i32
      %dma_wait3A_1373 = arith.constant 0 : i32
      %dma_wait3A_1374 = tpu.memref_slice %arg2[%dma_wait3A_1372, %dma_wait3A_1373] : memref<10000x128xf32, #tpu.memory_space<hbm>> -> memref<10000x128xf32, #tpu.memory_space<hbm>>
      %dma_wait3A_1375 = tpu.memref_slice %arg10[%dma_wait3A_1360] : memref<4x!tpu.dma_semaphore, #tpu.memory_space<semaphore_mem>> -> memref<1x!tpu.dma_semaphore, #tpu.memory_space<semaphore_mem>>
      %dma_wait3A_1376 = tpu.memref_squeeze %dma_wait3A_1375 : memref<1x!tpu.dma_semaphore, #tpu.memory_space<semaphore_mem>> -> memref<!tpu.dma_semaphore, #tpu.memory_space<semaphore_mem>>
      tpu.wait_indirect_dma semaphore(%dma_wait3A_1376 : memref<!tpu.dma_semaphore, #tpu.memory_space<semaphore_mem>>) src(%dma_wait3A_1374 : memref<10000x128xf32, #tpu.memory_space<hbm>>) dst(%dma_wait3A_1364 : memref<50x128xf32, #tpu.memory_space<vmem>>)
      %add3A_1377 = arith.constant 3 : i32
      %add3A_1378 = arith.addi %mul3A_1236, %add3A_1377 : i32
      %dma_start3A_1379 = arith.constant 3 : i32
      %dma_start3A_1380 = arith.constant 3 : i32
      %dma_start3A_1381 = arith.constant 0 : i32
      %dma_start3A_1382 = arith.constant 0 : i32
      %dma_start3A_1383 = tpu.memref_slice %arg8[%dma_start3A_1379, %dma_start3A_1381, %dma_start3A_1382] : memref<4x50x128xf32, #tpu.memory_space<vmem>> -> memref<1x50x128xf32, #tpu.memory_space<vmem>>
      %dma_start3A_1384 = tpu.memref_squeeze %dma_start3A_1383 : memref<1x50x128xf32, #tpu.memory_space<vmem>> -> memref<50x128xf32, #tpu.memory_space<vmem>>
      %dma_start3A_1385 = arith.constant 0 : i32
      %dma_start3A_1386 = arith.constant 0 : i32
      %dma_start3A_1387 = tpu.memref_slice %arg7[%scan3A_444, %dma_start3A_1385, %dma_start3A_1386] : memref<2x40x50xi32, #tpu.memory_space<vmem>> -> memref<1x40x50xi32, #tpu.memory_space<vmem>>
      %dma_start3A_1388 = tpu.memref_squeeze %dma_start3A_1387 : memref<1x40x50xi32, #tpu.memory_space<vmem>> -> memref<40x50xi32, #tpu.memory_space<vmem>>
      %dma_start3A_1389 = arith.constant 0 : i32
      %dma_start3A_1390 = tpu.memref_slice %dma_start3A_1388[%add3A_1378, %dma_start3A_1389] : memref<40x50xi32, #tpu.memory_space<vmem>> -> memref<1x50xi32, #tpu.memory_space<vmem>>
      %dma_start3A_1391 = tpu.memref_squeeze %dma_start3A_1390 : memref<1x50xi32, #tpu.memory_space<vmem>> -> memref<50xi32, #tpu.memory_space<vmem>>
      %dma_start3A_1392 = arith.constant 0 : i32
      %dma_start3A_1393 = arith.constant 0 : i32
      %dma_start3A_1394 = tpu.memref_slice %arg9[%dma_start3A_1392, %dma_start3A_1393] : memref<10000x128xf32, #tpu.memory_space<vmem_shared>> -> memref<10000x128xf32, #tpu.memory_space<vmem_shared>>
      %dma_start3A_1395 = tpu.memref_slice %arg11[%dma_start3A_1380] : memref<4x!tpu.dma_semaphore, #tpu.memory_space<semaphore_mem>> -> memref<1x!tpu.dma_semaphore, #tpu.memory_space<semaphore_mem>>
      %dma_start3A_1396 = tpu.memref_squeeze %dma_start3A_1395 : memref<1x!tpu.dma_semaphore, #tpu.memory_space<semaphore_mem>> -> memref<!tpu.dma_semaphore, #tpu.memory_space<semaphore_mem>>
      tpu.enqueue_indirect_dma source(%dma_start3A_1384 : memref<50x128xf32, #tpu.memory_space<vmem>>) target(%dma_start3A_1394 : memref<10000x128xf32, #tpu.memory_space<vmem_shared>>) offsets(%dma_start3A_1391 : memref<50xi32, #tpu.memory_space<vmem>>) semaphore(%dma_start3A_1396 : memref<!tpu.dma_semaphore, #tpu.memory_space<semaphore_mem>>) {add = true}
      %lt3A = arith.constant 9 : i32
      %lt3A_1397 = arith.cmpi slt, %scan3A_1234, %lt3A : i32
      %convert_element_type3A_1398 = arith.extui %lt3A_1397 : i1 to i32
      %cond3A_1399 = arith.constant 0 : i32
      %cond3A_1400 = arith.cmpi ne, %convert_element_type3A_1398, %cond3A_1399 : i32
      scf.if %cond3A_1400 {
        %add3A_1401 = arith.constant 0 : i32
        %add3A_1402 = arith.addi %mul3A_1236, %add3A_1401 : i32
        %dma_wait3A_1403 = arith.constant 0 : i32
        %dma_wait3A_1404 = arith.constant 0 : i32
        %dma_wait3A_1405 = arith.constant 0 : i32
        %dma_wait3A_1406 = arith.constant 0 : i32
        %dma_wait3A_1407 = tpu.memref_slice %arg8[%dma_wait3A_1403, %dma_wait3A_1405, %dma_wait3A_1406] : memref<4x50x128xf32, #tpu.memory_space<vmem>> -> memref<1x50x128xf32, #tpu.memory_space<vmem>>
        %dma_wait3A_1408 = tpu.memref_squeeze %dma_wait3A_1407 : memref<1x50x128xf32, #tpu.memory_space<vmem>> -> memref<50x128xf32, #tpu.memory_space<vmem>>
        %dma_wait3A_1409 = arith.constant 0 : i32
        %dma_wait3A_1410 = arith.constant 0 : i32
        %dma_wait3A_1411 = tpu.memref_slice %arg7[%scan3A_444, %dma_wait3A_1409, %dma_wait3A_1410] : memref<2x40x50xi32, #tpu.memory_space<vmem>> -> memref<1x40x50xi32, #tpu.memory_space<vmem>>
        %dma_wait3A_1412 = tpu.memref_squeeze %dma_wait3A_1411 : memref<1x40x50xi32, #tpu.memory_space<vmem>> -> memref<40x50xi32, #tpu.memory_space<vmem>>
        %dma_wait3A_1413 = arith.constant 0 : i32
        %dma_wait3A_1414 = tpu.memref_slice %dma_wait3A_1412[%add3A_1402, %dma_wait3A_1413] : memref<40x50xi32, #tpu.memory_space<vmem>> -> memref<1x50xi32, #tpu.memory_space<vmem>>
        %dma_wait3A_1415 = tpu.memref_squeeze %dma_wait3A_1414 : memref<1x50xi32, #tpu.memory_space<vmem>> -> memref<50xi32, #tpu.memory_space<vmem>>
        %dma_wait3A_1416 = arith.constant 0 : i32
        %dma_wait3A_1417 = arith.constant 0 : i32
        %dma_wait3A_1418 = tpu.memref_slice %arg9[%dma_wait3A_1416, %dma_wait3A_1417] : memref<10000x128xf32, #tpu.memory_space<vmem_shared>> -> memref<10000x128xf32, #tpu.memory_space<vmem_shared>>
        %dma_wait3A_1419 = tpu.memref_slice %arg11[%dma_wait3A_1404] : memref<4x!tpu.dma_semaphore, #tpu.memory_space<semaphore_mem>> -> memref<1x!tpu.dma_semaphore, #tpu.memory_space<semaphore_mem>>
        %dma_wait3A_1420 = tpu.memref_squeeze %dma_wait3A_1419 : memref<1x!tpu.dma_semaphore, #tpu.memory_space<semaphore_mem>> -> memref<!tpu.dma_semaphore, #tpu.memory_space<semaphore_mem>>
        tpu.wait_indirect_dma semaphore(%dma_wait3A_1420 : memref<!tpu.dma_semaphore, #tpu.memory_space<semaphore_mem>>) src(%dma_wait3A_1408 : memref<50x128xf32, #tpu.memory_space<vmem>>) dst(%dma_wait3A_1418 : memref<10000x128xf32, #tpu.memory_space<vmem_shared>>)
        %add3A_1421 = arith.constant 4 : i32
        %add3A_1422 = arith.addi %mul3A_1236, %add3A_1421 : i32
        %add3A_1423 = arith.constant 0 : i32
        %add3A_1424 = arith.addi %add3A_1422, %add3A_1423 : i32
        %dma_start3A_1425 = arith.constant 0 : i32
        %dma_start3A_1426 = arith.constant 0 : i32
        %dma_start3A_1427 = arith.constant 0 : i32
        %dma_start3A_1428 = arith.constant 0 : i32
        %dma_start3A_1429 = tpu.memref_slice %arg8[%dma_start3A_1425, %dma_start3A_1427, %dma_start3A_1428] : memref<4x50x128xf32, #tpu.memory_space<vmem>> -> memref<1x50x128xf32, #tpu.memory_space<vmem>>
        %dma_start3A_1430 = tpu.memref_squeeze %dma_start3A_1429 : memref<1x50x128xf32, #tpu.memory_space<vmem>> -> memref<50x128xf32, #tpu.memory_space<vmem>>
        %dma_start3A_1431 = arith.constant 0 : i32
        %dma_start3A_1432 = arith.constant 0 : i32
        %dma_start3A_1433 = tpu.memref_slice %arg6[%scan3A_443, %dma_start3A_1431, %dma_start3A_1432] : memref<2x40x50xi32, #tpu.memory_space<vmem>> -> memref<1x40x50xi32, #tpu.memory_space<vmem>>
        %dma_start3A_1434 = tpu.memref_squeeze %dma_start3A_1433 : memref<1x40x50xi32, #tpu.memory_space<vmem>> -> memref<40x50xi32, #tpu.memory_space<vmem>>
        %dma_start3A_1435 = arith.constant 0 : i32
        %dma_start3A_1436 = tpu.memref_slice %dma_start3A_1434[%add3A_1424, %dma_start3A_1435] : memref<40x50xi32, #tpu.memory_space<vmem>> -> memref<1x50xi32, #tpu.memory_space<vmem>>
        %dma_start3A_1437 = tpu.memref_squeeze %dma_start3A_1436 : memref<1x50xi32, #tpu.memory_space<vmem>> -> memref<50xi32, #tpu.memory_space<vmem>>
        %dma_start3A_1438 = arith.constant 0 : i32
        %dma_start3A_1439 = arith.constant 0 : i32
        %dma_start3A_1440 = tpu.memref_slice %arg2[%dma_start3A_1438, %dma_start3A_1439] : memref<10000x128xf32, #tpu.memory_space<hbm>> -> memref<10000x128xf32, #tpu.memory_space<hbm>>
        %dma_start3A_1441 = tpu.memref_slice %arg10[%dma_start3A_1426] : memref<4x!tpu.dma_semaphore, #tpu.memory_space<semaphore_mem>> -> memref<1x!tpu.dma_semaphore, #tpu.memory_space<semaphore_mem>>
        %dma_start3A_1442 = tpu.memref_squeeze %dma_start3A_1441 : memref<1x!tpu.dma_semaphore, #tpu.memory_space<semaphore_mem>> -> memref<!tpu.dma_semaphore, #tpu.memory_space<semaphore_mem>>
        tpu.enqueue_indirect_dma source(%dma_start3A_1440 : memref<10000x128xf32, #tpu.memory_space<hbm>>) target(%dma_start3A_1430 : memref<50x128xf32, #tpu.memory_space<vmem>>) offsets(%dma_start3A_1437 : memref<50xi32, #tpu.memory_space<vmem>>) semaphore(%dma_start3A_1442 : memref<!tpu.dma_semaphore, #tpu.memory_space<semaphore_mem>>)
        %add3A_1443 = arith.constant 1 : i32
        %add3A_1444 = arith.addi %mul3A_1236, %add3A_1443 : i32
        %dma_wait3A_1445 = arith.constant 1 : i32
        %dma_wait3A_1446 = arith.constant 1 : i32
        %dma_wait3A_1447 = arith.constant 0 : i32
        %dma_wait3A_1448 = arith.constant 0 : i32
        %dma_wait3A_1449 = tpu.memref_slice %arg8[%dma_wait3A_1445, %dma_wait3A_1447, %dma_wait3A_1448] : memref<4x50x128xf32, #tpu.memory_space<vmem>> -> memref<1x50x128xf32, #tpu.memory_space<vmem>>
        %dma_wait3A_1450 = tpu.memref_squeeze %dma_wait3A_1449 : memref<1x50x128xf32, #tpu.memory_space<vmem>> -> memref<50x128xf32, #tpu.memory_space<vmem>>
        %dma_wait3A_1451 = arith.constant 0 : i32
        %dma_wait3A_1452 = arith.constant 0 : i32
        %dma_wait3A_1453 = tpu.memref_slice %arg7[%scan3A_444, %dma_wait3A_1451, %dma_wait3A_1452] : memref<2x40x50xi32, #tpu.memory_space<vmem>> -> memref<1x40x50xi32, #tpu.memory_space<vmem>>
        %dma_wait3A_1454 = tpu.memref_squeeze %dma_wait3A_1453 : memref<1x40x50xi32, #tpu.memory_space<vmem>> -> memref<40x50xi32, #tpu.memory_space<vmem>>
        %dma_wait3A_1455 = arith.constant 0 : i32
        %dma_wait3A_1456 = tpu.memref_slice %dma_wait3A_1454[%add3A_1444, %dma_wait3A_1455] : memref<40x50xi32, #tpu.memory_space<vmem>> -> memref<1x50xi32, #tpu.memory_space<vmem>>
        %dma_wait3A_1457 = tpu.memref_squeeze %dma_wait3A_1456 : memref<1x50xi32, #tpu.memory_space<vmem>> -> memref<50xi32, #tpu.memory_space<vmem>>
        %dma_wait3A_1458 = arith.constant 0 : i32
        %dma_wait3A_1459 = arith.constant 0 : i32
        %dma_wait3A_1460 = tpu.memref_slice %arg9[%dma_wait3A_1458, %dma_wait3A_1459] : memref<10000x128xf32, #tpu.memory_space<vmem_shared>> -> memref<10000x128xf32, #tpu.memory_space<vmem_shared>>
        %dma_wait3A_1461 = tpu.memref_slice %arg11[%dma_wait3A_1446] : memref<4x!tpu.dma_semaphore, #tpu.memory_space<semaphore_mem>> -> memref<1x!tpu.dma_semaphore, #tpu.memory_space<semaphore_mem>>
        %dma_wait3A_1462 = tpu.memref_squeeze %dma_wait3A_1461 : memref<1x!tpu.dma_semaphore, #tpu.memory_space<semaphore_mem>> -> memref<!tpu.dma_semaphore, #tpu.memory_space<semaphore_mem>>
        tpu.wait_indirect_dma semaphore(%dma_wait3A_1462 : memref<!tpu.dma_semaphore, #tpu.memory_space<semaphore_mem>>) src(%dma_wait3A_1450 : memref<50x128xf32, #tpu.memory_space<vmem>>) dst(%dma_wait3A_1460 : memref<10000x128xf32, #tpu.memory_space<vmem_shared>>)
        %add3A_1463 = arith.constant 4 : i32
        %add3A_1464 = arith.addi %mul3A_1236, %add3A_1463 : i32
        %add3A_1465 = arith.constant 1 : i32
        %add3A_1466 = arith.addi %add3A_1464, %add3A_1465 : i32
        %dma_start3A_1467 = arith.constant 1 : i32
        %dma_start3A_1468 = arith.constant 1 : i32
        %dma_start3A_1469 = arith.constant 0 : i32
        %dma_start3A_1470 = arith.constant 0 : i32
        %dma_start3A_1471 = tpu.memref_slice %arg8[%dma_start3A_1467, %dma_start3A_1469, %dma_start3A_1470] : memref<4x50x128xf32, #tpu.memory_space<vmem>> -> memref<1x50x128xf32, #tpu.memory_space<vmem>>
        %dma_start3A_1472 = tpu.memref_squeeze %dma_start3A_1471 : memref<1x50x128xf32, #tpu.memory_space<vmem>> -> memref<50x128xf32, #tpu.memory_space<vmem>>
        %dma_start3A_1473 = arith.constant 0 : i32
        %dma_start3A_1474 = arith.constant 0 : i32
        %dma_start3A_1475 = tpu.memref_slice %arg6[%scan3A_443, %dma_start3A_1473, %dma_start3A_1474] : memref<2x40x50xi32, #tpu.memory_space<vmem>> -> memref<1x40x50xi32, #tpu.memory_space<vmem>>
        %dma_start3A_1476 = tpu.memref_squeeze %dma_start3A_1475 : memref<1x40x50xi32, #tpu.memory_space<vmem>> -> memref<40x50xi32, #tpu.memory_space<vmem>>
        %dma_start3A_1477 = arith.constant 0 : i32
        %dma_start3A_1478 = tpu.memref_slice %dma_start3A_1476[%add3A_1466, %dma_start3A_1477] : memref<40x50xi32, #tpu.memory_space<vmem>> -> memref<1x50xi32, #tpu.memory_space<vmem>>
        %dma_start3A_1479 = tpu.memref_squeeze %dma_start3A_1478 : memref<1x50xi32, #tpu.memory_space<vmem>> -> memref<50xi32, #tpu.memory_space<vmem>>
        %dma_start3A_1480 = arith.constant 0 : i32
        %dma_start3A_1481 = arith.constant 0 : i32
        %dma_start3A_1482 = tpu.memref_slice %arg2[%dma_start3A_1480, %dma_start3A_1481] : memref<10000x128xf32, #tpu.memory_space<hbm>> -> memref<10000x128xf32, #tpu.memory_space<hbm>>
        %dma_start3A_1483 = tpu.memref_slice %arg10[%dma_start3A_1468] : memref<4x!tpu.dma_semaphore, #tpu.memory_space<semaphore_mem>> -> memref<1x!tpu.dma_semaphore, #tpu.memory_space<semaphore_mem>>
        %dma_start3A_1484 = tpu.memref_squeeze %dma_start3A_1483 : memref<1x!tpu.dma_semaphore, #tpu.memory_space<semaphore_mem>> -> memref<!tpu.dma_semaphore, #tpu.memory_space<semaphore_mem>>
        tpu.enqueue_indirect_dma source(%dma_start3A_1482 : memref<10000x128xf32, #tpu.memory_space<hbm>>) target(%dma_start3A_1472 : memref<50x128xf32, #tpu.memory_space<vmem>>) offsets(%dma_start3A_1479 : memref<50xi32, #tpu.memory_space<vmem>>) semaphore(%dma_start3A_1484 : memref<!tpu.dma_semaphore, #tpu.memory_space<semaphore_mem>>)
        %add3A_1485 = arith.constant 2 : i32
        %add3A_1486 = arith.addi %mul3A_1236, %add3A_1485 : i32
        %dma_wait3A_1487 = arith.constant 2 : i32
        %dma_wait3A_1488 = arith.constant 2 : i32
        %dma_wait3A_1489 = arith.constant 0 : i32
        %dma_wait3A_1490 = arith.constant 0 : i32
        %dma_wait3A_1491 = tpu.memref_slice %arg8[%dma_wait3A_1487, %dma_wait3A_1489, %dma_wait3A_1490] : memref<4x50x128xf32, #tpu.memory_space<vmem>> -> memref<1x50x128xf32, #tpu.memory_space<vmem>>
        %dma_wait3A_1492 = tpu.memref_squeeze %dma_wait3A_1491 : memref<1x50x128xf32, #tpu.memory_space<vmem>> -> memref<50x128xf32, #tpu.memory_space<vmem>>
        %dma_wait3A_1493 = arith.constant 0 : i32
        %dma_wait3A_1494 = arith.constant 0 : i32
        %dma_wait3A_1495 = tpu.memref_slice %arg7[%scan3A_444, %dma_wait3A_1493, %dma_wait3A_1494] : memref<2x40x50xi32, #tpu.memory_space<vmem>> -> memref<1x40x50xi32, #tpu.memory_space<vmem>>
        %dma_wait3A_1496 = tpu.memref_squeeze %dma_wait3A_1495 : memref<1x40x50xi32, #tpu.memory_space<vmem>> -> memref<40x50xi32, #tpu.memory_space<vmem>>
        %dma_wait3A_1497 = arith.constant 0 : i32
        %dma_wait3A_1498 = tpu.memref_slice %dma_wait3A_1496[%add3A_1486, %dma_wait3A_1497] : memref<40x50xi32, #tpu.memory_space<vmem>> -> memref<1x50xi32, #tpu.memory_space<vmem>>
        %dma_wait3A_1499 = tpu.memref_squeeze %dma_wait3A_1498 : memref<1x50xi32, #tpu.memory_space<vmem>> -> memref<50xi32, #tpu.memory_space<vmem>>
        %dma_wait3A_1500 = arith.constant 0 : i32
        %dma_wait3A_1501 = arith.constant 0 : i32
        %dma_wait3A_1502 = tpu.memref_slice %arg9[%dma_wait3A_1500, %dma_wait3A_1501] : memref<10000x128xf32, #tpu.memory_space<vmem_shared>> -> memref<10000x128xf32, #tpu.memory_space<vmem_shared>>
        %dma_wait3A_1503 = tpu.memref_slice %arg11[%dma_wait3A_1488] : memref<4x!tpu.dma_semaphore, #tpu.memory_space<semaphore_mem>> -> memref<1x!tpu.dma_semaphore, #tpu.memory_space<semaphore_mem>>
        %dma_wait3A_1504 = tpu.memref_squeeze %dma_wait3A_1503 : memref<1x!tpu.dma_semaphore, #tpu.memory_space<semaphore_mem>> -> memref<!tpu.dma_semaphore, #tpu.memory_space<semaphore_mem>>
        tpu.wait_indirect_dma semaphore(%dma_wait3A_1504 : memref<!tpu.dma_semaphore, #tpu.memory_space<semaphore_mem>>) src(%dma_wait3A_1492 : memref<50x128xf32, #tpu.memory_space<vmem>>) dst(%dma_wait3A_1502 : memref<10000x128xf32, #tpu.memory_space<vmem_shared>>)
        %add3A_1505 = arith.constant 4 : i32
        %add3A_1506 = arith.addi %mul3A_1236, %add3A_1505 : i32
        %add3A_1507 = arith.constant 2 : i32
        %add3A_1508 = arith.addi %add3A_1506, %add3A_1507 : i32
        %dma_start3A_1509 = arith.constant 2 : i32
        %dma_start3A_1510 = arith.constant 2 : i32
        %dma_start3A_1511 = arith.constant 0 : i32
        %dma_start3A_1512 = arith.constant 0 : i32
        %dma_start3A_1513 = tpu.memref_slice %arg8[%dma_start3A_1509, %dma_start3A_1511, %dma_start3A_1512] : memref<4x50x128xf32, #tpu.memory_space<vmem>> -> memref<1x50x128xf32, #tpu.memory_space<vmem>>
        %dma_start3A_1514 = tpu.memref_squeeze %dma_start3A_1513 : memref<1x50x128xf32, #tpu.memory_space<vmem>> -> memref<50x128xf32, #tpu.memory_space<vmem>>
        %dma_start3A_1515 = arith.constant 0 : i32
        %dma_start3A_1516 = arith.constant 0 : i32
        %dma_start3A_1517 = tpu.memref_slice %arg6[%scan3A_443, %dma_start3A_1515, %dma_start3A_1516] : memref<2x40x50xi32, #tpu.memory_space<vmem>> -> memref<1x40x50xi32, #tpu.memory_space<vmem>>
        %dma_start3A_1518 = tpu.memref_squeeze %dma_start3A_1517 : memref<1x40x50xi32, #tpu.memory_space<vmem>> -> memref<40x50xi32, #tpu.memory_space<vmem>>
        %dma_start3A_1519 = arith.constant 0 : i32
        %dma_start3A_1520 = tpu.memref_slice %dma_start3A_1518[%add3A_1508, %dma_start3A_1519] : memref<40x50xi32, #tpu.memory_space<vmem>> -> memref<1x50xi32, #tpu.memory_space<vmem>>
        %dma_start3A_1521 = tpu.memref_squeeze %dma_start3A_1520 : memref<1x50xi32, #tpu.memory_space<vmem>> -> memref<50xi32, #tpu.memory_space<vmem>>
        %dma_start3A_1522 = arith.constant 0 : i32
        %dma_start3A_1523 = arith.constant 0 : i32
        %dma_start3A_1524 = tpu.memref_slice %arg2[%dma_start3A_1522, %dma_start3A_1523] : memref<10000x128xf32, #tpu.memory_space<hbm>> -> memref<10000x128xf32, #tpu.memory_space<hbm>>
        %dma_start3A_1525 = tpu.memref_slice %arg10[%dma_start3A_1510] : memref<4x!tpu.dma_semaphore, #tpu.memory_space<semaphore_mem>> -> memref<1x!tpu.dma_semaphore, #tpu.memory_space<semaphore_mem>>
        %dma_start3A_1526 = tpu.memref_squeeze %dma_start3A_1525 : memref<1x!tpu.dma_semaphore, #tpu.memory_space<semaphore_mem>> -> memref<!tpu.dma_semaphore, #tpu.memory_space<semaphore_mem>>
        tpu.enqueue_indirect_dma source(%dma_start3A_1524 : memref<10000x128xf32, #tpu.memory_space<hbm>>) target(%dma_start3A_1514 : memref<50x128xf32, #tpu.memory_space<vmem>>) offsets(%dma_start3A_1521 : memref<50xi32, #tpu.memory_space<vmem>>) semaphore(%dma_start3A_1526 : memref<!tpu.dma_semaphore, #tpu.memory_space<semaphore_mem>>)
        %add3A_1527 = arith.constant 3 : i32
        %add3A_1528 = arith.addi %mul3A_1236, %add3A_1527 : i32
        %dma_wait3A_1529 = arith.constant 3 : i32
        %dma_wait3A_1530 = arith.constant 3 : i32
        %dma_wait3A_1531 = arith.constant 0 : i32
        %dma_wait3A_1532 = arith.constant 0 : i32
        %dma_wait3A_1533 = tpu.memref_slice %arg8[%dma_wait3A_1529, %dma_wait3A_1531, %dma_wait3A_1532] : memref<4x50x128xf32, #tpu.memory_space<vmem>> -> memref<1x50x128xf32, #tpu.memory_space<vmem>>
        %dma_wait3A_1534 = tpu.memref_squeeze %dma_wait3A_1533 : memref<1x50x128xf32, #tpu.memory_space<vmem>> -> memref<50x128xf32, #tpu.memory_space<vmem>>
        %dma_wait3A_1535 = arith.constant 0 : i32
        %dma_wait3A_1536 = arith.constant 0 : i32
        %dma_wait3A_1537 = tpu.memref_slice %arg7[%scan3A_444, %dma_wait3A_1535, %dma_wait3A_1536] : memref<2x40x50xi32, #tpu.memory_space<vmem>> -> memref<1x40x50xi32, #tpu.memory_space<vmem>>
        %dma_wait3A_1538 = tpu.memref_squeeze %dma_wait3A_1537 : memref<1x40x50xi32, #tpu.memory_space<vmem>> -> memref<40x50xi32, #tpu.memory_space<vmem>>
        %dma_wait3A_1539 = arith.constant 0 : i32
        %dma_wait3A_1540 = tpu.memref_slice %dma_wait3A_1538[%add3A_1528, %dma_wait3A_1539] : memref<40x50xi32, #tpu.memory_space<vmem>> -> memref<1x50xi32, #tpu.memory_space<vmem>>
        %dma_wait3A_1541 = tpu.memref_squeeze %dma_wait3A_1540 : memref<1x50xi32, #tpu.memory_space<vmem>> -> memref<50xi32, #tpu.memory_space<vmem>>
        %dma_wait3A_1542 = arith.constant 0 : i32
        %dma_wait3A_1543 = arith.constant 0 : i32
        %dma_wait3A_1544 = tpu.memref_slice %arg9[%dma_wait3A_1542, %dma_wait3A_1543] : memref<10000x128xf32, #tpu.memory_space<vmem_shared>> -> memref<10000x128xf32, #tpu.memory_space<vmem_shared>>
        %dma_wait3A_1545 = tpu.memref_slice %arg11[%dma_wait3A_1530] : memref<4x!tpu.dma_semaphore, #tpu.memory_space<semaphore_mem>> -> memref<1x!tpu.dma_semaphore, #tpu.memory_space<semaphore_mem>>
        %dma_wait3A_1546 = tpu.memref_squeeze %dma_wait3A_1545 : memref<1x!tpu.dma_semaphore, #tpu.memory_space<semaphore_mem>> -> memref<!tpu.dma_semaphore, #tpu.memory_space<semaphore_mem>>
        tpu.wait_indirect_dma semaphore(%dma_wait3A_1546 : memref<!tpu.dma_semaphore, #tpu.memory_space<semaphore_mem>>) src(%dma_wait3A_1534 : memref<50x128xf32, #tpu.memory_space<vmem>>) dst(%dma_wait3A_1544 : memref<10000x128xf32, #tpu.memory_space<vmem_shared>>)
        %add3A_1547 = arith.constant 4 : i32
        %add3A_1548 = arith.addi %mul3A_1236, %add3A_1547 : i32
        %add3A_1549 = arith.constant 3 : i32
        %add3A_1550 = arith.addi %add3A_1548, %add3A_1549 : i32
        %dma_start3A_1551 = arith.constant 3 : i32
        %dma_start3A_1552 = arith.constant 3 : i32
        %dma_start3A_1553 = arith.constant 0 : i32
        %dma_start3A_1554 = arith.constant 0 : i32
        %dma_start3A_1555 = tpu.memref_slice %arg8[%dma_start3A_1551, %dma_start3A_1553, %dma_start3A_1554] : memref<4x50x128xf32, #tpu.memory_space<vmem>> -> memref<1x50x128xf32, #tpu.memory_space<vmem>>
        %dma_start3A_1556 = tpu.memref_squeeze %dma_start3A_1555 : memref<1x50x128xf32, #tpu.memory_space<vmem>> -> memref<50x128xf32, #tpu.memory_space<vmem>>
        %dma_start3A_1557 = arith.constant 0 : i32
        %dma_start3A_1558 = arith.constant 0 : i32
        %dma_start3A_1559 = tpu.memref_slice %arg6[%scan3A_443, %dma_start3A_1557, %dma_start3A_1558] : memref<2x40x50xi32, #tpu.memory_space<vmem>> -> memref<1x40x50xi32, #tpu.memory_space<vmem>>
        %dma_start3A_1560 = tpu.memref_squeeze %dma_start3A_1559 : memref<1x40x50xi32, #tpu.memory_space<vmem>> -> memref<40x50xi32, #tpu.memory_space<vmem>>
        %dma_start3A_1561 = arith.constant 0 : i32
        %dma_start3A_1562 = tpu.memref_slice %dma_start3A_1560[%add3A_1550, %dma_start3A_1561] : memref<40x50xi32, #tpu.memory_space<vmem>> -> memref<1x50xi32, #tpu.memory_space<vmem>>
        %dma_start3A_1563 = tpu.memref_squeeze %dma_start3A_1562 : memref<1x50xi32, #tpu.memory_space<vmem>> -> memref<50xi32, #tpu.memory_space<vmem>>
        %dma_start3A_1564 = arith.constant 0 : i32
        %dma_start3A_1565 = arith.constant 0 : i32
        %dma_start3A_1566 = tpu.memref_slice %arg2[%dma_start3A_1564, %dma_start3A_1565] : memref<10000x128xf32, #tpu.memory_space<hbm>> -> memref<10000x128xf32, #tpu.memory_space<hbm>>
        %dma_start3A_1567 = tpu.memref_slice %arg10[%dma_start3A_1552] : memref<4x!tpu.dma_semaphore, #tpu.memory_space<semaphore_mem>> -> memref<1x!tpu.dma_semaphore, #tpu.memory_space<semaphore_mem>>
        %dma_start3A_1568 = tpu.memref_squeeze %dma_start3A_1567 : memref<1x!tpu.dma_semaphore, #tpu.memory_space<semaphore_mem>> -> memref<!tpu.dma_semaphore, #tpu.memory_space<semaphore_mem>>
        tpu.enqueue_indirect_dma source(%dma_start3A_1566 : memref<10000x128xf32, #tpu.memory_space<hbm>>) target(%dma_start3A_1556 : memref<50x128xf32, #tpu.memory_space<vmem>>) offsets(%dma_start3A_1563 : memref<50xi32, #tpu.memory_space<vmem>>) semaphore(%dma_start3A_1568 : memref<!tpu.dma_semaphore, #tpu.memory_space<semaphore_mem>>)
      } else {
      }
    }
    %scan3A_449 = arith.constant 10 : i32
    %dma_wait3A_450 = arith.constant 0 : i32
    %dma_wait3A_451 = arith.constant 1 : i32
    %dma_wait3A_452 = arith.constant 36 : i32
    %dma_wait3A_453 = arith.constant 0 : i32
    %dma_wait3A_454 = arith.constant 0 : i32
    %dma_wait3A_455 = arith.constant 0 : i32
    %dma_wait3A_456 = tpu.memref_slice %arg8[%dma_wait3A_450, %dma_wait3A_454, %dma_wait3A_455] : memref<4x50x128xf32, #tpu.memory_space<vmem>> -> memref<1x50x128xf32, #tpu.memory_space<vmem>>
    %dma_wait3A_457 = tpu.memref_squeeze %dma_wait3A_456 : memref<1x50x128xf32, #tpu.memory_space<vmem>> -> memref<50x128xf32, #tpu.memory_space<vmem>>
    %dma_wait3A_458 = arith.constant 0 : i32
    %dma_wait3A_459 = arith.constant 0 : i32
    %dma_wait3A_460 = tpu.memref_slice %arg7[%dma_wait3A_451, %dma_wait3A_458, %dma_wait3A_459] : memref<2x40x50xi32, #tpu.memory_space<vmem>> -> memref<1x40x50xi32, #tpu.memory_space<vmem>>
    %dma_wait3A_461 = tpu.memref_squeeze %dma_wait3A_460 : memref<1x40x50xi32, #tpu.memory_space<vmem>> -> memref<40x50xi32, #tpu.memory_space<vmem>>
    %dma_wait3A_462 = arith.constant 0 : i32
    %dma_wait3A_463 = tpu.memref_slice %dma_wait3A_461[%dma_wait3A_452, %dma_wait3A_462] : memref<40x50xi32, #tpu.memory_space<vmem>> -> memref<1x50xi32, #tpu.memory_space<vmem>>
    %dma_wait3A_464 = tpu.memref_squeeze %dma_wait3A_463 : memref<1x50xi32, #tpu.memory_space<vmem>> -> memref<50xi32, #tpu.memory_space<vmem>>
    %dma_wait3A_465 = arith.constant 0 : i32
    %dma_wait3A_466 = arith.constant 0 : i32
    %dma_wait3A_467 = tpu.memref_slice %arg9[%dma_wait3A_465, %dma_wait3A_466] : memref<10000x128xf32, #tpu.memory_space<vmem_shared>> -> memref<10000x128xf32, #tpu.memory_space<vmem_shared>>
    %dma_wait3A_468 = tpu.memref_slice %arg11[%dma_wait3A_453] : memref<4x!tpu.dma_semaphore, #tpu.memory_space<semaphore_mem>> -> memref<1x!tpu.dma_semaphore, #tpu.memory_space<semaphore_mem>>
    %dma_wait3A_469 = tpu.memref_squeeze %dma_wait3A_468 : memref<1x!tpu.dma_semaphore, #tpu.memory_space<semaphore_mem>> -> memref<!tpu.dma_semaphore, #tpu.memory_space<semaphore_mem>>
    tpu.wait_indirect_dma semaphore(%dma_wait3A_469 : memref<!tpu.dma_semaphore, #tpu.memory_space<semaphore_mem>>) src(%dma_wait3A_457 : memref<50x128xf32, #tpu.memory_space<vmem>>) dst(%dma_wait3A_467 : memref<10000x128xf32, #tpu.memory_space<vmem_shared>>)
    %dma_wait3A_470 = arith.constant 1 : i32
    %dma_wait3A_471 = arith.constant 1 : i32
    %dma_wait3A_472 = arith.constant 37 : i32
    %dma_wait3A_473 = arith.constant 1 : i32
    %dma_wait3A_474 = arith.constant 0 : i32
    %dma_wait3A_475 = arith.constant 0 : i32
    %dma_wait3A_476 = tpu.memref_slice %arg8[%dma_wait3A_470, %dma_wait3A_474, %dma_wait3A_475] : memref<4x50x128xf32, #tpu.memory_space<vmem>> -> memref<1x50x128xf32, #tpu.memory_space<vmem>>
    %dma_wait3A_477 = tpu.memref_squeeze %dma_wait3A_476 : memref<1x50x128xf32, #tpu.memory_space<vmem>> -> memref<50x128xf32, #tpu.memory_space<vmem>>
    %dma_wait3A_478 = arith.constant 0 : i32
    %dma_wait3A_479 = arith.constant 0 : i32
    %dma_wait3A_480 = tpu.memref_slice %arg7[%dma_wait3A_471, %dma_wait3A_478, %dma_wait3A_479] : memref<2x40x50xi32, #tpu.memory_space<vmem>> -> memref<1x40x50xi32, #tpu.memory_space<vmem>>
    %dma_wait3A_481 = tpu.memref_squeeze %dma_wait3A_480 : memref<1x40x50xi32, #tpu.memory_space<vmem>> -> memref<40x50xi32, #tpu.memory_space<vmem>>
    %dma_wait3A_482 = arith.constant 0 : i32
    %dma_wait3A_483 = tpu.memref_slice %dma_wait3A_481[%dma_wait3A_472, %dma_wait3A_482] : memref<40x50xi32, #tpu.memory_space<vmem>> -> memref<1x50xi32, #tpu.memory_space<vmem>>
    %dma_wait3A_484 = tpu.memref_squeeze %dma_wait3A_483 : memref<1x50xi32, #tpu.memory_space<vmem>> -> memref<50xi32, #tpu.memory_space<vmem>>
    %dma_wait3A_485 = arith.constant 0 : i32
    %dma_wait3A_486 = arith.constant 0 : i32
    %dma_wait3A_487 = tpu.memref_slice %arg9[%dma_wait3A_485, %dma_wait3A_486] : memref<10000x128xf32, #tpu.memory_space<vmem_shared>> -> memref<10000x128xf32, #tpu.memory_space<vmem_shared>>
    %dma_wait3A_488 = tpu.memref_slice %arg11[%dma_wait3A_473] : memref<4x!tpu.dma_semaphore, #tpu.memory_space<semaphore_mem>> -> memref<1x!tpu.dma_semaphore, #tpu.memory_space<semaphore_mem>>
    %dma_wait3A_489 = tpu.memref_squeeze %dma_wait3A_488 : memref<1x!tpu.dma_semaphore, #tpu.memory_space<semaphore_mem>> -> memref<!tpu.dma_semaphore, #tpu.memory_space<semaphore_mem>>
    tpu.wait_indirect_dma semaphore(%dma_wait3A_489 : memref<!tpu.dma_semaphore, #tpu.memory_space<semaphore_mem>>) src(%dma_wait3A_477 : memref<50x128xf32, #tpu.memory_space<vmem>>) dst(%dma_wait3A_487 : memref<10000x128xf32, #tpu.memory_space<vmem_shared>>)
    %dma_wait3A_490 = arith.constant 2 : i32
    %dma_wait3A_491 = arith.constant 1 : i32
    %dma_wait3A_492 = arith.constant 38 : i32
    %dma_wait3A_493 = arith.constant 2 : i32
    %dma_wait3A_494 = arith.constant 0 : i32
    %dma_wait3A_495 = arith.constant 0 : i32
    %dma_wait3A_496 = tpu.memref_slice %arg8[%dma_wait3A_490, %dma_wait3A_494, %dma_wait3A_495] : memref<4x50x128xf32, #tpu.memory_space<vmem>> -> memref<1x50x128xf32, #tpu.memory_space<vmem>>
    %dma_wait3A_497 = tpu.memref_squeeze %dma_wait3A_496 : memref<1x50x128xf32, #tpu.memory_space<vmem>> -> memref<50x128xf32, #tpu.memory_space<vmem>>
    %dma_wait3A_498 = arith.constant 0 : i32
    %dma_wait3A_499 = arith.constant 0 : i32
    %dma_wait3A_500 = tpu.memref_slice %arg7[%dma_wait3A_491, %dma_wait3A_498, %dma_wait3A_499] : memref<2x40x50xi32, #tpu.memory_space<vmem>> -> memref<1x40x50xi32, #tpu.memory_space<vmem>>
    %dma_wait3A_501 = tpu.memref_squeeze %dma_wait3A_500 : memref<1x40x50xi32, #tpu.memory_space<vmem>> -> memref<40x50xi32, #tpu.memory_space<vmem>>
    %dma_wait3A_502 = arith.constant 0 : i32
    %dma_wait3A_503 = tpu.memref_slice %dma_wait3A_501[%dma_wait3A_492, %dma_wait3A_502] : memref<40x50xi32, #tpu.memory_space<vmem>> -> memref<1x50xi32, #tpu.memory_space<vmem>>
    %dma_wait3A_504 = tpu.memref_squeeze %dma_wait3A_503 : memref<1x50xi32, #tpu.memory_space<vmem>> -> memref<50xi32, #tpu.memory_space<vmem>>
    %dma_wait3A_505 = arith.constant 0 : i32
    %dma_wait3A_506 = arith.constant 0 : i32
    %dma_wait3A_507 = tpu.memref_slice %arg9[%dma_wait3A_505, %dma_wait3A_506] : memref<10000x128xf32, #tpu.memory_space<vmem_shared>> -> memref<10000x128xf32, #tpu.memory_space<vmem_shared>>
    %dma_wait3A_508 = tpu.memref_slice %arg11[%dma_wait3A_493] : memref<4x!tpu.dma_semaphore, #tpu.memory_space<semaphore_mem>> -> memref<1x!tpu.dma_semaphore, #tpu.memory_space<semaphore_mem>>
    %dma_wait3A_509 = tpu.memref_squeeze %dma_wait3A_508 : memref<1x!tpu.dma_semaphore, #tpu.memory_space<semaphore_mem>> -> memref<!tpu.dma_semaphore, #tpu.memory_space<semaphore_mem>>
    tpu.wait_indirect_dma semaphore(%dma_wait3A_509 : memref<!tpu.dma_semaphore, #tpu.memory_space<semaphore_mem>>) src(%dma_wait3A_497 : memref<50x128xf32, #tpu.memory_space<vmem>>) dst(%dma_wait3A_507 : memref<10000x128xf32, #tpu.memory_space<vmem_shared>>)
    %dma_wait3A_510 = arith.constant 3 : i32
    %dma_wait3A_511 = arith.constant 1 : i32
    %dma_wait3A_512 = arith.constant 39 : i32
    %dma_wait3A_513 = arith.constant 3 : i32
    %dma_wait3A_514 = arith.constant 0 : i32
    %dma_wait3A_515 = arith.constant 0 : i32
    %dma_wait3A_516 = tpu.memref_slice %arg8[%dma_wait3A_510, %dma_wait3A_514, %dma_wait3A_515] : memref<4x50x128xf32, #tpu.memory_space<vmem>> -> memref<1x50x128xf32, #tpu.memory_space<vmem>>
    %dma_wait3A_517 = tpu.memref_squeeze %dma_wait3A_516 : memref<1x50x128xf32, #tpu.memory_space<vmem>> -> memref<50x128xf32, #tpu.memory_space<vmem>>
    %dma_wait3A_518 = arith.constant 0 : i32
    %dma_wait3A_519 = arith.constant 0 : i32
    %dma_wait3A_520 = tpu.memref_slice %arg7[%dma_wait3A_511, %dma_wait3A_518, %dma_wait3A_519] : memref<2x40x50xi32, #tpu.memory_space<vmem>> -> memref<1x40x50xi32, #tpu.memory_space<vmem>>
    %dma_wait3A_521 = tpu.memref_squeeze %dma_wait3A_520 : memref<1x40x50xi32, #tpu.memory_space<vmem>> -> memref<40x50xi32, #tpu.memory_space<vmem>>
    %dma_wait3A_522 = arith.constant 0 : i32
    %dma_wait3A_523 = tpu.memref_slice %dma_wait3A_521[%dma_wait3A_512, %dma_wait3A_522] : memref<40x50xi32, #tpu.memory_space<vmem>> -> memref<1x50xi32, #tpu.memory_space<vmem>>
    %dma_wait3A_524 = tpu.memref_squeeze %dma_wait3A_523 : memref<1x50xi32, #tpu.memory_space<vmem>> -> memref<50xi32, #tpu.memory_space<vmem>>
    %dma_wait3A_525 = arith.constant 0 : i32
    %dma_wait3A_526 = arith.constant 0 : i32
    %dma_wait3A_527 = tpu.memref_slice %arg9[%dma_wait3A_525, %dma_wait3A_526] : memref<10000x128xf32, #tpu.memory_space<vmem_shared>> -> memref<10000x128xf32, #tpu.memory_space<vmem_shared>>
    %dma_wait3A_528 = tpu.memref_slice %arg11[%dma_wait3A_513] : memref<4x!tpu.dma_semaphore, #tpu.memory_space<semaphore_mem>> -> memref<1x!tpu.dma_semaphore, #tpu.memory_space<semaphore_mem>>
    %dma_wait3A_529 = tpu.memref_squeeze %dma_wait3A_528 : memref<1x!tpu.dma_semaphore, #tpu.memory_space<semaphore_mem>> -> memref<!tpu.dma_semaphore, #tpu.memory_space<semaphore_mem>>
    tpu.wait_indirect_dma semaphore(%dma_wait3A_529 : memref<!tpu.dma_semaphore, #tpu.memory_space<semaphore_mem>>) src(%dma_wait3A_517 : memref<50x128xf32, #tpu.memory_space<vmem>>) dst(%dma_wait3A_527 : memref<10000x128xf32, #tpu.memory_space<vmem_shared>>)
    %add3A_530 = arith.constant 80 : i32
    %add3A_531 = arith.addi %mul3A_6, %add3A_530 : i32
    %dma_wait3A_532 = arith.constant 0 : i32
    %dma_wait3A_533 = arith.constant 0 : i32
    %dma_wait3A_534 = arith.constant 0 : i32
    %dma_wait3A_535 = arith.constant 0 : i32
    %dma_wait3A_536 = arith.constant 0 : i32
    %dma_wait3A_537 = tpu.memref_slice %arg6[%dma_wait3A_532, %dma_wait3A_535, %dma_wait3A_536] : memref<2x40x50xi32, #tpu.memory_space<vmem>> -> memref<1x40x50xi32, #tpu.memory_space<vmem>>
    %dma_wait3A_538 = tpu.memref_squeeze %dma_wait3A_537 : memref<1x40x50xi32, #tpu.memory_space<vmem>> -> memref<40x50xi32, #tpu.memory_space<vmem>>
    %dma_wait3A_539 = arith.constant 0 : i32
    %dma_wait3A_540 = tpu.memref_slice %arg3[%add3A_531, %dma_wait3A_539] : memref<6400x50xi32, #tpu.memory_space<hbm>> -> memref<40x50xi32, #tpu.memory_space<hbm>>
    %dma_wait3A_541 = tpu.memref_slice %arg12[%dma_wait3A_533, %dma_wait3A_534] : memref<2x2x!tpu.dma_semaphore, #tpu.memory_space<semaphore_mem>> -> memref<1x1x!tpu.dma_semaphore, #tpu.memory_space<semaphore_mem>>
    %dma_wait3A_542 = tpu.memref_squeeze %dma_wait3A_541 : memref<1x1x!tpu.dma_semaphore, #tpu.memory_space<semaphore_mem>> -> memref<!tpu.dma_semaphore, #tpu.memory_space<semaphore_mem>>
    %dma_wait3A_543 = arith.constant 0 : i32
    %dma_wait3A_544 = arith.constant 0 : i32
    %dma_wait3A_545 = tpu.memref_slice %arg6[%dma_wait3A_532, %dma_wait3A_543, %dma_wait3A_544] : memref<2x40x50xi32, #tpu.memory_space<vmem>> -> memref<1x40x50xi32, #tpu.memory_space<vmem>>
    %dma_wait3A_546 = tpu.memref_squeeze %dma_wait3A_545 : memref<1x40x50xi32, #tpu.memory_space<vmem>> -> memref<40x50xi32, #tpu.memory_space<vmem>>
    %dma_wait3A_547 = arith.constant 0 : i32
    %dma_wait3A_548 = tpu.memref_slice %arg3[%add3A_531, %dma_wait3A_547] : memref<6400x50xi32, #tpu.memory_space<hbm>> -> memref<40x50xi32, #tpu.memory_space<hbm>>
    tpu.wait_dma2 semaphore(%dma_wait3A_542 : memref<!tpu.dma_semaphore, #tpu.memory_space<semaphore_mem>>) src(%dma_wait3A_548 : memref<40x50xi32, #tpu.memory_space<hbm>>) dst(%dma_wait3A_546 : memref<40x50xi32, #tpu.memory_space<vmem>>)
    %add3A_549 = arith.constant 80 : i32
    %add3A_550 = arith.addi %mul3A_6, %add3A_549 : i32
    %dma_wait3A_551 = arith.constant 0 : i32
    %dma_wait3A_552 = arith.constant 0 : i32
    %dma_wait3A_553 = arith.constant 1 : i32
    %dma_wait3A_554 = arith.constant 0 : i32
    %dma_wait3A_555 = arith.constant 0 : i32
    %dma_wait3A_556 = tpu.memref_slice %arg7[%dma_wait3A_551, %dma_wait3A_554, %dma_wait3A_555] : memref<2x40x50xi32, #tpu.memory_space<vmem>> -> memref<1x40x50xi32, #tpu.memory_space<vmem>>
    %dma_wait3A_557 = tpu.memref_squeeze %dma_wait3A_556 : memref<1x40x50xi32, #tpu.memory_space<vmem>> -> memref<40x50xi32, #tpu.memory_space<vmem>>
    %dma_wait3A_558 = arith.constant 0 : i32
    %dma_wait3A_559 = tpu.memref_slice %arg4[%add3A_550, %dma_wait3A_558] : memref<6400x50xi32, #tpu.memory_space<hbm>> -> memref<40x50xi32, #tpu.memory_space<hbm>>
    %dma_wait3A_560 = tpu.memref_slice %arg12[%dma_wait3A_552, %dma_wait3A_553] : memref<2x2x!tpu.dma_semaphore, #tpu.memory_space<semaphore_mem>> -> memref<1x1x!tpu.dma_semaphore, #tpu.memory_space<semaphore_mem>>
    %dma_wait3A_561 = tpu.memref_squeeze %dma_wait3A_560 : memref<1x1x!tpu.dma_semaphore, #tpu.memory_space<semaphore_mem>> -> memref<!tpu.dma_semaphore, #tpu.memory_space<semaphore_mem>>
    %dma_wait3A_562 = arith.constant 0 : i32
    %dma_wait3A_563 = arith.constant 0 : i32
    %dma_wait3A_564 = tpu.memref_slice %arg7[%dma_wait3A_551, %dma_wait3A_562, %dma_wait3A_563] : memref<2x40x50xi32, #tpu.memory_space<vmem>> -> memref<1x40x50xi32, #tpu.memory_space<vmem>>
    %dma_wait3A_565 = tpu.memref_squeeze %dma_wait3A_564 : memref<1x40x50xi32, #tpu.memory_space<vmem>> -> memref<40x50xi32, #tpu.memory_space<vmem>>
    %dma_wait3A_566 = arith.constant 0 : i32
    %dma_wait3A_567 = tpu.memref_slice %arg4[%add3A_550, %dma_wait3A_566] : memref<6400x50xi32, #tpu.memory_space<hbm>> -> memref<40x50xi32, #tpu.memory_space<hbm>>
    tpu.wait_dma2 semaphore(%dma_wait3A_561 : memref<!tpu.dma_semaphore, #tpu.memory_space<semaphore_mem>>) src(%dma_wait3A_567 : memref<40x50xi32, #tpu.memory_space<hbm>>) dst(%dma_wait3A_565 : memref<40x50xi32, #tpu.memory_space<vmem>>)
    %add3A_568 = arith.constant 120 : i32
    %add3A_569 = arith.addi %mul3A_6, %add3A_568 : i32
    %dma_start3A_570 = arith.constant 1 : i32
    %dma_start3A_571 = arith.constant 1 : i32
    %dma_start3A_572 = arith.constant 0 : i32
    %dma_start3A_573 = arith.constant 0 : i32
    %dma_start3A_574 = arith.constant 0 : i32
    %dma_start3A_575 = tpu.memref_slice %arg6[%dma_start3A_570, %dma_start3A_573, %dma_start3A_574] : memref<2x40x50xi32, #tpu.memory_space<vmem>> -> memref<1x40x50xi32, #tpu.memory_space<vmem>>
    %dma_start3A_576 = tpu.memref_squeeze %dma_start3A_575 : memref<1x40x50xi32, #tpu.memory_space<vmem>> -> memref<40x50xi32, #tpu.memory_space<vmem>>
    %dma_start3A_577 = arith.constant 0 : i32
    %dma_start3A_578 = tpu.memref_slice %arg3[%add3A_569, %dma_start3A_577] : memref<6400x50xi32, #tpu.memory_space<hbm>> -> memref<40x50xi32, #tpu.memory_space<hbm>>
    %dma_start3A_579 = tpu.memref_slice %arg12[%dma_start3A_571, %dma_start3A_572] : memref<2x2x!tpu.dma_semaphore, #tpu.memory_space<semaphore_mem>> -> memref<1x1x!tpu.dma_semaphore, #tpu.memory_space<semaphore_mem>>
    %dma_start3A_580 = tpu.memref_squeeze %dma_start3A_579 : memref<1x1x!tpu.dma_semaphore, #tpu.memory_space<semaphore_mem>> -> memref<!tpu.dma_semaphore, #tpu.memory_space<semaphore_mem>>
    %dma_start3A_581 = arith.constant 0 : i32
    %dma_start3A_582 = arith.constant 0 : i32
    %dma_start3A_583 = tpu.memref_slice %arg6[%dma_start3A_570, %dma_start3A_581, %dma_start3A_582] : memref<2x40x50xi32, #tpu.memory_space<vmem>> -> memref<1x40x50xi32, #tpu.memory_space<vmem>>
    %dma_start3A_584 = tpu.memref_squeeze %dma_start3A_583 : memref<1x40x50xi32, #tpu.memory_space<vmem>> -> memref<40x50xi32, #tpu.memory_space<vmem>>
    %dma_start3A_585 = arith.constant 0 : i32
    %dma_start3A_586 = tpu.memref_slice %arg3[%add3A_569, %dma_start3A_585] : memref<6400x50xi32, #tpu.memory_space<hbm>> -> memref<40x50xi32, #tpu.memory_space<hbm>>
    tpu.enqueue_dma source(%dma_start3A_586 : memref<40x50xi32, #tpu.memory_space<hbm>>) target(%dma_start3A_584 : memref<40x50xi32, #tpu.memory_space<vmem>>) target_semaphore(%dma_start3A_580 : memref<!tpu.dma_semaphore, #tpu.memory_space<semaphore_mem>>)
    %add3A_587 = arith.constant 120 : i32
    %add3A_588 = arith.addi %mul3A_6, %add3A_587 : i32
    %dma_start3A_589 = arith.constant 1 : i32
    %dma_start3A_590 = arith.constant 1 : i32
    %dma_start3A_591 = arith.constant 1 : i32
    %dma_start3A_592 = arith.constant 0 : i32
    %dma_start3A_593 = arith.constant 0 : i32
    %dma_start3A_594 = tpu.memref_slice %arg7[%dma_start3A_589, %dma_start3A_592, %dma_start3A_593] : memref<2x40x50xi32, #tpu.memory_space<vmem>> -> memref<1x40x50xi32, #tpu.memory_space<vmem>>
    %dma_start3A_595 = tpu.memref_squeeze %dma_start3A_594 : memref<1x40x50xi32, #tpu.memory_space<vmem>> -> memref<40x50xi32, #tpu.memory_space<vmem>>
    %dma_start3A_596 = arith.constant 0 : i32
    %dma_start3A_597 = tpu.memref_slice %arg4[%add3A_588, %dma_start3A_596] : memref<6400x50xi32, #tpu.memory_space<hbm>> -> memref<40x50xi32, #tpu.memory_space<hbm>>
    %dma_start3A_598 = tpu.memref_slice %arg12[%dma_start3A_590, %dma_start3A_591] : memref<2x2x!tpu.dma_semaphore, #tpu.memory_space<semaphore_mem>> -> memref<1x1x!tpu.dma_semaphore, #tpu.memory_space<semaphore_mem>>
    %dma_start3A_599 = tpu.memref_squeeze %dma_start3A_598 : memref<1x1x!tpu.dma_semaphore, #tpu.memory_space<semaphore_mem>> -> memref<!tpu.dma_semaphore, #tpu.memory_space<semaphore_mem>>
    %dma_start3A_600 = arith.constant 0 : i32
    %dma_start3A_601 = arith.constant 0 : i32
    %dma_start3A_602 = tpu.memref_slice %arg7[%dma_start3A_589, %dma_start3A_600, %dma_start3A_601] : memref<2x40x50xi32, #tpu.memory_space<vmem>> -> memref<1x40x50xi32, #tpu.memory_space<vmem>>
    %dma_start3A_603 = tpu.memref_squeeze %dma_start3A_602 : memref<1x40x50xi32, #tpu.memory_space<vmem>> -> memref<40x50xi32, #tpu.memory_space<vmem>>
    %dma_start3A_604 = arith.constant 0 : i32
    %dma_start3A_605 = tpu.memref_slice %arg4[%add3A_588, %dma_start3A_604] : memref<6400x50xi32, #tpu.memory_space<hbm>> -> memref<40x50xi32, #tpu.memory_space<hbm>>
    tpu.enqueue_dma source(%dma_start3A_605 : memref<40x50xi32, #tpu.memory_space<hbm>>) target(%dma_start3A_603 : memref<40x50xi32, #tpu.memory_space<vmem>>) target_semaphore(%dma_start3A_599 : memref<!tpu.dma_semaphore, #tpu.memory_space<semaphore_mem>>)
    %dma_start3A_606 = arith.constant 0 : i32
    %dma_start3A_607 = arith.constant 0 : i32
    %dma_start3A_608 = arith.constant 0 : i32
    %dma_start3A_609 = arith.constant 0 : i32
    %dma_start3A_610 = arith.constant 0 : i32
    %dma_start3A_611 = arith.constant 0 : i32
    %dma_start3A_612 = tpu.memref_slice %arg8[%dma_start3A_608, %dma_start3A_610, %dma_start3A_611] : memref<4x50x128xf32, #tpu.memory_space<vmem>> -> memref<1x50x128xf32, #tpu.memory_space<vmem>>
    %dma_start3A_613 = tpu.memref_squeeze %dma_start3A_612 : memref<1x50x128xf32, #tpu.memory_space<vmem>> -> memref<50x128xf32, #tpu.memory_space<vmem>>
    %dma_start3A_614 = arith.constant 0 : i32
    %dma_start3A_615 = arith.constant 0 : i32
    %dma_start3A_616 = tpu.memref_slice %arg6[%dma_start3A_606, %dma_start3A_614, %dma_start3A_615] : memref<2x40x50xi32, #tpu.memory_space<vmem>> -> memref<1x40x50xi32, #tpu.memory_space<vmem>>
    %dma_start3A_617 = tpu.memref_squeeze %dma_start3A_616 : memref<1x40x50xi32, #tpu.memory_space<vmem>> -> memref<40x50xi32, #tpu.memory_space<vmem>>
    %dma_start3A_618 = arith.constant 0 : i32
    %dma_start3A_619 = tpu.memref_slice %dma_start3A_617[%dma_start3A_607, %dma_start3A_618] : memref<40x50xi32, #tpu.memory_space<vmem>> -> memref<1x50xi32, #tpu.memory_space<vmem>>
    %dma_start3A_620 = tpu.memref_squeeze %dma_start3A_619 : memref<1x50xi32, #tpu.memory_space<vmem>> -> memref<50xi32, #tpu.memory_space<vmem>>
    %dma_start3A_621 = arith.constant 0 : i32
    %dma_start3A_622 = arith.constant 0 : i32
    %dma_start3A_623 = tpu.memref_slice %arg2[%dma_start3A_621, %dma_start3A_622] : memref<10000x128xf32, #tpu.memory_space<hbm>> -> memref<10000x128xf32, #tpu.memory_space<hbm>>
    %dma_start3A_624 = tpu.memref_slice %arg10[%dma_start3A_609] : memref<4x!tpu.dma_semaphore, #tpu.memory_space<semaphore_mem>> -> memref<1x!tpu.dma_semaphore, #tpu.memory_space<semaphore_mem>>
    %dma_start3A_625 = tpu.memref_squeeze %dma_start3A_624 : memref<1x!tpu.dma_semaphore, #tpu.memory_space<semaphore_mem>> -> memref<!tpu.dma_semaphore, #tpu.memory_space<semaphore_mem>>
    tpu.enqueue_indirect_dma source(%dma_start3A_623 : memref<10000x128xf32, #tpu.memory_space<hbm>>) target(%dma_start3A_613 : memref<50x128xf32, #tpu.memory_space<vmem>>) offsets(%dma_start3A_620 : memref<50xi32, #tpu.memory_space<vmem>>) semaphore(%dma_start3A_625 : memref<!tpu.dma_semaphore, #tpu.memory_space<semaphore_mem>>)
    %dma_start3A_626 = arith.constant 0 : i32
    %dma_start3A_627 = arith.constant 1 : i32
    %dma_start3A_628 = arith.constant 1 : i32
    %dma_start3A_629 = arith.constant 1 : i32
    %dma_start3A_630 = arith.constant 0 : i32
    %dma_start3A_631 = arith.constant 0 : i32
    %dma_start3A_632 = tpu.memref_slice %arg8[%dma_start3A_628, %dma_start3A_630, %dma_start3A_631] : memref<4x50x128xf32, #tpu.memory_space<vmem>> -> memref<1x50x128xf32, #tpu.memory_space<vmem>>
    %dma_start3A_633 = tpu.memref_squeeze %dma_start3A_632 : memref<1x50x128xf32, #tpu.memory_space<vmem>> -> memref<50x128xf32, #tpu.memory_space<vmem>>
    %dma_start3A_634 = arith.constant 0 : i32
    %dma_start3A_635 = arith.constant 0 : i32
    %dma_start3A_636 = tpu.memref_slice %arg6[%dma_start3A_626, %dma_start3A_634, %dma_start3A_635] : memref<2x40x50xi32, #tpu.memory_space<vmem>> -> memref<1x40x50xi32, #tpu.memory_space<vmem>>
    %dma_start3A_637 = tpu.memref_squeeze %dma_start3A_636 : memref<1x40x50xi32, #tpu.memory_space<vmem>> -> memref<40x50xi32, #tpu.memory_space<vmem>>
    %dma_start3A_638 = arith.constant 0 : i32
    %dma_start3A_639 = tpu.memref_slice %dma_start3A_637[%dma_start3A_627, %dma_start3A_638] : memref<40x50xi32, #tpu.memory_space<vmem>> -> memref<1x50xi32, #tpu.memory_space<vmem>>
    %dma_start3A_640 = tpu.memref_squeeze %dma_start3A_639 : memref<1x50xi32, #tpu.memory_space<vmem>> -> memref<50xi32, #tpu.memory_space<vmem>>
    %dma_start3A_641 = arith.constant 0 : i32
    %dma_start3A_642 = arith.constant 0 : i32
    %dma_start3A_643 = tpu.memref_slice %arg2[%dma_start3A_641, %dma_start3A_642] : memref<10000x128xf32, #tpu.memory_space<hbm>> -> memref<10000x128xf32, #tpu.memory_space<hbm>>
    %dma_start3A_644 = tpu.memref_slice %arg10[%dma_start3A_629] : memref<4x!tpu.dma_semaphore, #tpu.memory_space<semaphore_mem>> -> memref<1x!tpu.dma_semaphore, #tpu.memory_space<semaphore_mem>>
    %dma_start3A_645 = tpu.memref_squeeze %dma_start3A_644 : memref<1x!tpu.dma_semaphore, #tpu.memory_space<semaphore_mem>> -> memref<!tpu.dma_semaphore, #tpu.memory_space<semaphore_mem>>
    tpu.enqueue_indirect_dma source(%dma_start3A_643 : memref<10000x128xf32, #tpu.memory_space<hbm>>) target(%dma_start3A_633 : memref<50x128xf32, #tpu.memory_space<vmem>>) offsets(%dma_start3A_640 : memref<50xi32, #tpu.memory_space<vmem>>) semaphore(%dma_start3A_645 : memref<!tpu.dma_semaphore, #tpu.memory_space<semaphore_mem>>)
    %dma_start3A_646 = arith.constant 0 : i32
    %dma_start3A_647 = arith.constant 2 : i32
    %dma_start3A_648 = arith.constant 2 : i32
    %dma_start3A_649 = arith.constant 2 : i32
    %dma_start3A_650 = arith.constant 0 : i32
    %dma_start3A_651 = arith.constant 0 : i32
    %dma_start3A_652 = tpu.memref_slice %arg8[%dma_start3A_648, %dma_start3A_650, %dma_start3A_651] : memref<4x50x128xf32, #tpu.memory_space<vmem>> -> memref<1x50x128xf32, #tpu.memory_space<vmem>>
    %dma_start3A_653 = tpu.memref_squeeze %dma_start3A_652 : memref<1x50x128xf32, #tpu.memory_space<vmem>> -> memref<50x128xf32, #tpu.memory_space<vmem>>
    %dma_start3A_654 = arith.constant 0 : i32
    %dma_start3A_655 = arith.constant 0 : i32
    %dma_start3A_656 = tpu.memref_slice %arg6[%dma_start3A_646, %dma_start3A_654, %dma_start3A_655] : memref<2x40x50xi32, #tpu.memory_space<vmem>> -> memref<1x40x50xi32, #tpu.memory_space<vmem>>
    %dma_start3A_657 = tpu.memref_squeeze %dma_start3A_656 : memref<1x40x50xi32, #tpu.memory_space<vmem>> -> memref<40x50xi32, #tpu.memory_space<vmem>>
    %dma_start3A_658 = arith.constant 0 : i32
    %dma_start3A_659 = tpu.memref_slice %dma_start3A_657[%dma_start3A_647, %dma_start3A_658] : memref<40x50xi32, #tpu.memory_space<vmem>> -> memref<1x50xi32, #tpu.memory_space<vmem>>
    %dma_start3A_660 = tpu.memref_squeeze %dma_start3A_659 : memref<1x50xi32, #tpu.memory_space<vmem>> -> memref<50xi32, #tpu.memory_space<vmem>>
    %dma_start3A_661 = arith.constant 0 : i32
    %dma_start3A_662 = arith.constant 0 : i32
    %dma_start3A_663 = tpu.memref_slice %arg2[%dma_start3A_661, %dma_start3A_662] : memref<10000x128xf32, #tpu.memory_space<hbm>> -> memref<10000x128xf32, #tpu.memory_space<hbm>>
    %dma_start3A_664 = tpu.memref_slice %arg10[%dma_start3A_649] : memref<4x!tpu.dma_semaphore, #tpu.memory_space<semaphore_mem>> -> memref<1x!tpu.dma_semaphore, #tpu.memory_space<semaphore_mem>>
    %dma_start3A_665 = tpu.memref_squeeze %dma_start3A_664 : memref<1x!tpu.dma_semaphore, #tpu.memory_space<semaphore_mem>> -> memref<!tpu.dma_semaphore, #tpu.memory_space<semaphore_mem>>
    tpu.enqueue_indirect_dma source(%dma_start3A_663 : memref<10000x128xf32, #tpu.memory_space<hbm>>) target(%dma_start3A_653 : memref<50x128xf32, #tpu.memory_space<vmem>>) offsets(%dma_start3A_660 : memref<50xi32, #tpu.memory_space<vmem>>) semaphore(%dma_start3A_665 : memref<!tpu.dma_semaphore, #tpu.memory_space<semaphore_mem>>)
    %dma_start3A_666 = arith.constant 0 : i32
    %dma_start3A_667 = arith.constant 3 : i32
    %dma_start3A_668 = arith.constant 3 : i32
    %dma_start3A_669 = arith.constant 3 : i32
    %dma_start3A_670 = arith.constant 0 : i32
    %dma_start3A_671 = arith.constant 0 : i32
    %dma_start3A_672 = tpu.memref_slice %arg8[%dma_start3A_668, %dma_start3A_670, %dma_start3A_671] : memref<4x50x128xf32, #tpu.memory_space<vmem>> -> memref<1x50x128xf32, #tpu.memory_space<vmem>>
    %dma_start3A_673 = tpu.memref_squeeze %dma_start3A_672 : memref<1x50x128xf32, #tpu.memory_space<vmem>> -> memref<50x128xf32, #tpu.memory_space<vmem>>
    %dma_start3A_674 = arith.constant 0 : i32
    %dma_start3A_675 = arith.constant 0 : i32
    %dma_start3A_676 = tpu.memref_slice %arg6[%dma_start3A_666, %dma_start3A_674, %dma_start3A_675] : memref<2x40x50xi32, #tpu.memory_space<vmem>> -> memref<1x40x50xi32, #tpu.memory_space<vmem>>
    %dma_start3A_677 = tpu.memref_squeeze %dma_start3A_676 : memref<1x40x50xi32, #tpu.memory_space<vmem>> -> memref<40x50xi32, #tpu.memory_space<vmem>>
    %dma_start3A_678 = arith.constant 0 : i32
    %dma_start3A_679 = tpu.memref_slice %dma_start3A_677[%dma_start3A_667, %dma_start3A_678] : memref<40x50xi32, #tpu.memory_space<vmem>> -> memref<1x50xi32, #tpu.memory_space<vmem>>
    %dma_start3A_680 = tpu.memref_squeeze %dma_start3A_679 : memref<1x50xi32, #tpu.memory_space<vmem>> -> memref<50xi32, #tpu.memory_space<vmem>>
    %dma_start3A_681 = arith.constant 0 : i32
    %dma_start3A_682 = arith.constant 0 : i32
    %dma_start3A_683 = tpu.memref_slice %arg2[%dma_start3A_681, %dma_start3A_682] : memref<10000x128xf32, #tpu.memory_space<hbm>> -> memref<10000x128xf32, #tpu.memory_space<hbm>>
    %dma_start3A_684 = tpu.memref_slice %arg10[%dma_start3A_669] : memref<4x!tpu.dma_semaphore, #tpu.memory_space<semaphore_mem>> -> memref<1x!tpu.dma_semaphore, #tpu.memory_space<semaphore_mem>>
    %dma_start3A_685 = tpu.memref_squeeze %dma_start3A_684 : memref<1x!tpu.dma_semaphore, #tpu.memory_space<semaphore_mem>> -> memref<!tpu.dma_semaphore, #tpu.memory_space<semaphore_mem>>
    tpu.enqueue_indirect_dma source(%dma_start3A_683 : memref<10000x128xf32, #tpu.memory_space<hbm>>) target(%dma_start3A_673 : memref<50x128xf32, #tpu.memory_space<vmem>>) offsets(%dma_start3A_680 : memref<50xi32, #tpu.memory_space<vmem>>) semaphore(%dma_start3A_685 : memref<!tpu.dma_semaphore, #tpu.memory_space<semaphore_mem>>)
    %scan3A_686 = arith.constant 0 : i32
    %scan3A_687 = arith.constant 0 : i32
    %scan3A_688 = arith.constant 0 : i32
    %scan3A_689 = arith.constant 0 : i32
    %scan3A_690 = arith.constant 10 : i32
    %scan3A_691 = arith.addi %scan3A_689, %scan3A_690 : i32
    %scan3A_692 = arith.constant 1 : i32
    scf.for %scan3A_1234 = %scan3A_689 to %scan3A_691 step %scan3A_692  : i32 {
      %mul3A_1235 = arith.constant 4 : i32
      %mul3A_1236 = arith.muli %scan3A_1234, %mul3A_1235 : i32
      %add3A_1237 = arith.constant 0 : i32
      %add3A_1238 = arith.addi %mul3A_1236, %add3A_1237 : i32
      %dma_wait3A_1239 = arith.constant 0 : i32
      %dma_wait3A_1240 = arith.constant 0 : i32
      %dma_wait3A_1241 = arith.constant 0 : i32
      %dma_wait3A_1242 = arith.constant 0 : i32
      %dma_wait3A_1243 = tpu.memref_slice %arg8[%dma_wait3A_1239, %dma_wait3A_1241, %dma_wait3A_1242] : memref<4x50x128xf32, #tpu.memory_space<vmem>> -> memref<1x50x128xf32, #tpu.memory_space<vmem>>
      %dma_wait3A_1244 = tpu.memref_squeeze %dma_wait3A_1243 : memref<1x50x128xf32, #tpu.memory_space<vmem>> -> memref<50x128xf32, #tpu.memory_space<vmem>>
      %dma_wait3A_1245 = arith.constant 0 : i32
      %dma_wait3A_1246 = arith.constant 0 : i32
      %dma_wait3A_1247 = tpu.memref_slice %arg6[%scan3A_687, %dma_wait3A_1245, %dma_wait3A_1246] : memref<2x40x50xi32, #tpu.memory_space<vmem>> -> memref<1x40x50xi32, #tpu.memory_space<vmem>>
      %dma_wait3A_1248 = tpu.memref_squeeze %dma_wait3A_1247 : memref<1x40x50xi32, #tpu.memory_space<vmem>> -> memref<40x50xi32, #tpu.memory_space<vmem>>
      %dma_wait3A_1249 = arith.constant 0 : i32
      %dma_wait3A_1250 = tpu.memref_slice %dma_wait3A_1248[%add3A_1238, %dma_wait3A_1249] : memref<40x50xi32, #tpu.memory_space<vmem>> -> memref<1x50xi32, #tpu.memory_space<vmem>>
      %dma_wait3A_1251 = tpu.memref_squeeze %dma_wait3A_1250 : memref<1x50xi32, #tpu.memory_space<vmem>> -> memref<50xi32, #tpu.memory_space<vmem>>
      %dma_wait3A_1252 = arith.constant 0 : i32
      %dma_wait3A_1253 = arith.constant 0 : i32
      %dma_wait3A_1254 = tpu.memref_slice %arg2[%dma_wait3A_1252, %dma_wait3A_1253] : memref<10000x128xf32, #tpu.memory_space<hbm>> -> memref<10000x128xf32, #tpu.memory_space<hbm>>
      %dma_wait3A_1255 = tpu.memref_slice %arg10[%dma_wait3A_1240] : memref<4x!tpu.dma_semaphore, #tpu.memory_space<semaphore_mem>> -> memref<1x!tpu.dma_semaphore, #tpu.memory_space<semaphore_mem>>
      %dma_wait3A_1256 = tpu.memref_squeeze %dma_wait3A_1255 : memref<1x!tpu.dma_semaphore, #tpu.memory_space<semaphore_mem>> -> memref<!tpu.dma_semaphore, #tpu.memory_space<semaphore_mem>>
      tpu.wait_indirect_dma semaphore(%dma_wait3A_1256 : memref<!tpu.dma_semaphore, #tpu.memory_space<semaphore_mem>>) src(%dma_wait3A_1254 : memref<10000x128xf32, #tpu.memory_space<hbm>>) dst(%dma_wait3A_1244 : memref<50x128xf32, #tpu.memory_space<vmem>>)
      %add3A_1257 = arith.constant 0 : i32
      %add3A_1258 = arith.addi %mul3A_1236, %add3A_1257 : i32
      %dma_start3A_1259 = arith.constant 0 : i32
      %dma_start3A_1260 = arith.constant 0 : i32
      %dma_start3A_1261 = arith.constant 0 : i32
      %dma_start3A_1262 = arith.constant 0 : i32
      %dma_start3A_1263 = tpu.memref_slice %arg8[%dma_start3A_1259, %dma_start3A_1261, %dma_start3A_1262] : memref<4x50x128xf32, #tpu.memory_space<vmem>> -> memref<1x50x128xf32, #tpu.memory_space<vmem>>
      %dma_start3A_1264 = tpu.memref_squeeze %dma_start3A_1263 : memref<1x50x128xf32, #tpu.memory_space<vmem>> -> memref<50x128xf32, #tpu.memory_space<vmem>>
      %dma_start3A_1265 = arith.constant 0 : i32
      %dma_start3A_1266 = arith.constant 0 : i32
      %dma_start3A_1267 = tpu.memref_slice %arg7[%scan3A_688, %dma_start3A_1265, %dma_start3A_1266] : memref<2x40x50xi32, #tpu.memory_space<vmem>> -> memref<1x40x50xi32, #tpu.memory_space<vmem>>
      %dma_start3A_1268 = tpu.memref_squeeze %dma_start3A_1267 : memref<1x40x50xi32, #tpu.memory_space<vmem>> -> memref<40x50xi32, #tpu.memory_space<vmem>>
      %dma_start3A_1269 = arith.constant 0 : i32
      %dma_start3A_1270 = tpu.memref_slice %dma_start3A_1268[%add3A_1258, %dma_start3A_1269] : memref<40x50xi32, #tpu.memory_space<vmem>> -> memref<1x50xi32, #tpu.memory_space<vmem>>
      %dma_start3A_1271 = tpu.memref_squeeze %dma_start3A_1270 : memref<1x50xi32, #tpu.memory_space<vmem>> -> memref<50xi32, #tpu.memory_space<vmem>>
      %dma_start3A_1272 = arith.constant 0 : i32
      %dma_start3A_1273 = arith.constant 0 : i32
      %dma_start3A_1274 = tpu.memref_slice %arg9[%dma_start3A_1272, %dma_start3A_1273] : memref<10000x128xf32, #tpu.memory_space<vmem_shared>> -> memref<10000x128xf32, #tpu.memory_space<vmem_shared>>
      %dma_start3A_1275 = tpu.memref_slice %arg11[%dma_start3A_1260] : memref<4x!tpu.dma_semaphore, #tpu.memory_space<semaphore_mem>> -> memref<1x!tpu.dma_semaphore, #tpu.memory_space<semaphore_mem>>
      %dma_start3A_1276 = tpu.memref_squeeze %dma_start3A_1275 : memref<1x!tpu.dma_semaphore, #tpu.memory_space<semaphore_mem>> -> memref<!tpu.dma_semaphore, #tpu.memory_space<semaphore_mem>>
      tpu.enqueue_indirect_dma source(%dma_start3A_1264 : memref<50x128xf32, #tpu.memory_space<vmem>>) target(%dma_start3A_1274 : memref<10000x128xf32, #tpu.memory_space<vmem_shared>>) offsets(%dma_start3A_1271 : memref<50xi32, #tpu.memory_space<vmem>>) semaphore(%dma_start3A_1276 : memref<!tpu.dma_semaphore, #tpu.memory_space<semaphore_mem>>) {add = true}
      %add3A_1277 = arith.constant 1 : i32
      %add3A_1278 = arith.addi %mul3A_1236, %add3A_1277 : i32
      %dma_wait3A_1279 = arith.constant 1 : i32
      %dma_wait3A_1280 = arith.constant 1 : i32
      %dma_wait3A_1281 = arith.constant 0 : i32
      %dma_wait3A_1282 = arith.constant 0 : i32
      %dma_wait3A_1283 = tpu.memref_slice %arg8[%dma_wait3A_1279, %dma_wait3A_1281, %dma_wait3A_1282] : memref<4x50x128xf32, #tpu.memory_space<vmem>> -> memref<1x50x128xf32, #tpu.memory_space<vmem>>
      %dma_wait3A_1284 = tpu.memref_squeeze %dma_wait3A_1283 : memref<1x50x128xf32, #tpu.memory_space<vmem>> -> memref<50x128xf32, #tpu.memory_space<vmem>>
      %dma_wait3A_1285 = arith.constant 0 : i32
      %dma_wait3A_1286 = arith.constant 0 : i32
      %dma_wait3A_1287 = tpu.memref_slice %arg6[%scan3A_687, %dma_wait3A_1285, %dma_wait3A_1286] : memref<2x40x50xi32, #tpu.memory_space<vmem>> -> memref<1x40x50xi32, #tpu.memory_space<vmem>>
      %dma_wait3A_1288 = tpu.memref_squeeze %dma_wait3A_1287 : memref<1x40x50xi32, #tpu.memory_space<vmem>> -> memref<40x50xi32, #tpu.memory_space<vmem>>
      %dma_wait3A_1289 = arith.constant 0 : i32
      %dma_wait3A_1290 = tpu.memref_slice %dma_wait3A_1288[%add3A_1278, %dma_wait3A_1289] : memref<40x50xi32, #tpu.memory_space<vmem>> -> memref<1x50xi32, #tpu.memory_space<vmem>>
      %dma_wait3A_1291 = tpu.memref_squeeze %dma_wait3A_1290 : memref<1x50xi32, #tpu.memory_space<vmem>> -> memref<50xi32, #tpu.memory_space<vmem>>
      %dma_wait3A_1292 = arith.constant 0 : i32
      %dma_wait3A_1293 = arith.constant 0 : i32
      %dma_wait3A_1294 = tpu.memref_slice %arg2[%dma_wait3A_1292, %dma_wait3A_1293] : memref<10000x128xf32, #tpu.memory_space<hbm>> -> memref<10000x128xf32, #tpu.memory_space<hbm>>
      %dma_wait3A_1295 = tpu.memref_slice %arg10[%dma_wait3A_1280] : memref<4x!tpu.dma_semaphore, #tpu.memory_space<semaphore_mem>> -> memref<1x!tpu.dma_semaphore, #tpu.memory_space<semaphore_mem>>
      %dma_wait3A_1296 = tpu.memref_squeeze %dma_wait3A_1295 : memref<1x!tpu.dma_semaphore, #tpu.memory_space<semaphore_mem>> -> memref<!tpu.dma_semaphore, #tpu.memory_space<semaphore_mem>>
      tpu.wait_indirect_dma semaphore(%dma_wait3A_1296 : memref<!tpu.dma_semaphore, #tpu.memory_space<semaphore_mem>>) src(%dma_wait3A_1294 : memref<10000x128xf32, #tpu.memory_space<hbm>>) dst(%dma_wait3A_1284 : memref<50x128xf32, #tpu.memory_space<vmem>>)
      %add3A_1297 = arith.constant 1 : i32
      %add3A_1298 = arith.addi %mul3A_1236, %add3A_1297 : i32
      %dma_start3A_1299 = arith.constant 1 : i32
      %dma_start3A_1300 = arith.constant 1 : i32
      %dma_start3A_1301 = arith.constant 0 : i32
      %dma_start3A_1302 = arith.constant 0 : i32
      %dma_start3A_1303 = tpu.memref_slice %arg8[%dma_start3A_1299, %dma_start3A_1301, %dma_start3A_1302] : memref<4x50x128xf32, #tpu.memory_space<vmem>> -> memref<1x50x128xf32, #tpu.memory_space<vmem>>
      %dma_start3A_1304 = tpu.memref_squeeze %dma_start3A_1303 : memref<1x50x128xf32, #tpu.memory_space<vmem>> -> memref<50x128xf32, #tpu.memory_space<vmem>>
      %dma_start3A_1305 = arith.constant 0 : i32
      %dma_start3A_1306 = arith.constant 0 : i32
      %dma_start3A_1307 = tpu.memref_slice %arg7[%scan3A_688, %dma_start3A_1305, %dma_start3A_1306] : memref<2x40x50xi32, #tpu.memory_space<vmem>> -> memref<1x40x50xi32, #tpu.memory_space<vmem>>
      %dma_start3A_1308 = tpu.memref_squeeze %dma_start3A_1307 : memref<1x40x50xi32, #tpu.memory_space<vmem>> -> memref<40x50xi32, #tpu.memory_space<vmem>>
      %dma_start3A_1309 = arith.constant 0 : i32
      %dma_start3A_1310 = tpu.memref_slice %dma_start3A_1308[%add3A_1298, %dma_start3A_1309] : memref<40x50xi32, #tpu.memory_space<vmem>> -> memref<1x50xi32, #tpu.memory_space<vmem>>
      %dma_start3A_1311 = tpu.memref_squeeze %dma_start3A_1310 : memref<1x50xi32, #tpu.memory_space<vmem>> -> memref<50xi32, #tpu.memory_space<vmem>>
      %dma_start3A_1312 = arith.constant 0 : i32
      %dma_start3A_1313 = arith.constant 0 : i32
      %dma_start3A_1314 = tpu.memref_slice %arg9[%dma_start3A_1312, %dma_start3A_1313] : memref<10000x128xf32, #tpu.memory_space<vmem_shared>> -> memref<10000x128xf32, #tpu.memory_space<vmem_shared>>
      %dma_start3A_1315 = tpu.memref_slice %arg11[%dma_start3A_1300] : memref<4x!tpu.dma_semaphore, #tpu.memory_space<semaphore_mem>> -> memref<1x!tpu.dma_semaphore, #tpu.memory_space<semaphore_mem>>
      %dma_start3A_1316 = tpu.memref_squeeze %dma_start3A_1315 : memref<1x!tpu.dma_semaphore, #tpu.memory_space<semaphore_mem>> -> memref<!tpu.dma_semaphore, #tpu.memory_space<semaphore_mem>>
      tpu.enqueue_indirect_dma source(%dma_start3A_1304 : memref<50x128xf32, #tpu.memory_space<vmem>>) target(%dma_start3A_1314 : memref<10000x128xf32, #tpu.memory_space<vmem_shared>>) offsets(%dma_start3A_1311 : memref<50xi32, #tpu.memory_space<vmem>>) semaphore(%dma_start3A_1316 : memref<!tpu.dma_semaphore, #tpu.memory_space<semaphore_mem>>) {add = true}
      %add3A_1317 = arith.constant 2 : i32
      %add3A_1318 = arith.addi %mul3A_1236, %add3A_1317 : i32
      %dma_wait3A_1319 = arith.constant 2 : i32
      %dma_wait3A_1320 = arith.constant 2 : i32
      %dma_wait3A_1321 = arith.constant 0 : i32
      %dma_wait3A_1322 = arith.constant 0 : i32
      %dma_wait3A_1323 = tpu.memref_slice %arg8[%dma_wait3A_1319, %dma_wait3A_1321, %dma_wait3A_1322] : memref<4x50x128xf32, #tpu.memory_space<vmem>> -> memref<1x50x128xf32, #tpu.memory_space<vmem>>
      %dma_wait3A_1324 = tpu.memref_squeeze %dma_wait3A_1323 : memref<1x50x128xf32, #tpu.memory_space<vmem>> -> memref<50x128xf32, #tpu.memory_space<vmem>>
      %dma_wait3A_1325 = arith.constant 0 : i32
      %dma_wait3A_1326 = arith.constant 0 : i32
      %dma_wait3A_1327 = tpu.memref_slice %arg6[%scan3A_687, %dma_wait3A_1325, %dma_wait3A_1326] : memref<2x40x50xi32, #tpu.memory_space<vmem>> -> memref<1x40x50xi32, #tpu.memory_space<vmem>>
      %dma_wait3A_1328 = tpu.memref_squeeze %dma_wait3A_1327 : memref<1x40x50xi32, #tpu.memory_space<vmem>> -> memref<40x50xi32, #tpu.memory_space<vmem>>
      %dma_wait3A_1329 = arith.constant 0 : i32
      %dma_wait3A_1330 = tpu.memref_slice %dma_wait3A_1328[%add3A_1318, %dma_wait3A_1329] : memref<40x50xi32, #tpu.memory_space<vmem>> -> memref<1x50xi32, #tpu.memory_space<vmem>>
      %dma_wait3A_1331 = tpu.memref_squeeze %dma_wait3A_1330 : memref<1x50xi32, #tpu.memory_space<vmem>> -> memref<50xi32, #tpu.memory_space<vmem>>
      %dma_wait3A_1332 = arith.constant 0 : i32
      %dma_wait3A_1333 = arith.constant 0 : i32
      %dma_wait3A_1334 = tpu.memref_slice %arg2[%dma_wait3A_1332, %dma_wait3A_1333] : memref<10000x128xf32, #tpu.memory_space<hbm>> -> memref<10000x128xf32, #tpu.memory_space<hbm>>
      %dma_wait3A_1335 = tpu.memref_slice %arg10[%dma_wait3A_1320] : memref<4x!tpu.dma_semaphore, #tpu.memory_space<semaphore_mem>> -> memref<1x!tpu.dma_semaphore, #tpu.memory_space<semaphore_mem>>
      %dma_wait3A_1336 = tpu.memref_squeeze %dma_wait3A_1335 : memref<1x!tpu.dma_semaphore, #tpu.memory_space<semaphore_mem>> -> memref<!tpu.dma_semaphore, #tpu.memory_space<semaphore_mem>>
      tpu.wait_indirect_dma semaphore(%dma_wait3A_1336 : memref<!tpu.dma_semaphore, #tpu.memory_space<semaphore_mem>>) src(%dma_wait3A_1334 : memref<10000x128xf32, #tpu.memory_space<hbm>>) dst(%dma_wait3A_1324 : memref<50x128xf32, #tpu.memory_space<vmem>>)
      %add3A_1337 = arith.constant 2 : i32
      %add3A_1338 = arith.addi %mul3A_1236, %add3A_1337 : i32
      %dma_start3A_1339 = arith.constant 2 : i32
      %dma_start3A_1340 = arith.constant 2 : i32
      %dma_start3A_1341 = arith.constant 0 : i32
      %dma_start3A_1342 = arith.constant 0 : i32
      %dma_start3A_1343 = tpu.memref_slice %arg8[%dma_start3A_1339, %dma_start3A_1341, %dma_start3A_1342] : memref<4x50x128xf32, #tpu.memory_space<vmem>> -> memref<1x50x128xf32, #tpu.memory_space<vmem>>
      %dma_start3A_1344 = tpu.memref_squeeze %dma_start3A_1343 : memref<1x50x128xf32, #tpu.memory_space<vmem>> -> memref<50x128xf32, #tpu.memory_space<vmem>>
      %dma_start3A_1345 = arith.constant 0 : i32
      %dma_start3A_1346 = arith.constant 0 : i32
      %dma_start3A_1347 = tpu.memref_slice %arg7[%scan3A_688, %dma_start3A_1345, %dma_start3A_1346] : memref<2x40x50xi32, #tpu.memory_space<vmem>> -> memref<1x40x50xi32, #tpu.memory_space<vmem>>
      %dma_start3A_1348 = tpu.memref_squeeze %dma_start3A_1347 : memref<1x40x50xi32, #tpu.memory_space<vmem>> -> memref<40x50xi32, #tpu.memory_space<vmem>>
      %dma_start3A_1349 = arith.constant 0 : i32
      %dma_start3A_1350 = tpu.memref_slice %dma_start3A_1348[%add3A_1338, %dma_start3A_1349] : memref<40x50xi32, #tpu.memory_space<vmem>> -> memref<1x50xi32, #tpu.memory_space<vmem>>
      %dma_start3A_1351 = tpu.memref_squeeze %dma_start3A_1350 : memref<1x50xi32, #tpu.memory_space<vmem>> -> memref<50xi32, #tpu.memory_space<vmem>>
      %dma_start3A_1352 = arith.constant 0 : i32
      %dma_start3A_1353 = arith.constant 0 : i32
      %dma_start3A_1354 = tpu.memref_slice %arg9[%dma_start3A_1352, %dma_start3A_1353] : memref<10000x128xf32, #tpu.memory_space<vmem_shared>> -> memref<10000x128xf32, #tpu.memory_space<vmem_shared>>
      %dma_start3A_1355 = tpu.memref_slice %arg11[%dma_start3A_1340] : memref<4x!tpu.dma_semaphore, #tpu.memory_space<semaphore_mem>> -> memref<1x!tpu.dma_semaphore, #tpu.memory_space<semaphore_mem>>
      %dma_start3A_1356 = tpu.memref_squeeze %dma_start3A_1355 : memref<1x!tpu.dma_semaphore, #tpu.memory_space<semaphore_mem>> -> memref<!tpu.dma_semaphore, #tpu.memory_space<semaphore_mem>>
      tpu.enqueue_indirect_dma source(%dma_start3A_1344 : memref<50x128xf32, #tpu.memory_space<vmem>>) target(%dma_start3A_1354 : memref<10000x128xf32, #tpu.memory_space<vmem_shared>>) offsets(%dma_start3A_1351 : memref<50xi32, #tpu.memory_space<vmem>>) semaphore(%dma_start3A_1356 : memref<!tpu.dma_semaphore, #tpu.memory_space<semaphore_mem>>) {add = true}
      %add3A_1357 = arith.constant 3 : i32
      %add3A_1358 = arith.addi %mul3A_1236, %add3A_1357 : i32
      %dma_wait3A_1359 = arith.constant 3 : i32
      %dma_wait3A_1360 = arith.constant 3 : i32
      %dma_wait3A_1361 = arith.constant 0 : i32
      %dma_wait3A_1362 = arith.constant 0 : i32
      %dma_wait3A_1363 = tpu.memref_slice %arg8[%dma_wait3A_1359, %dma_wait3A_1361, %dma_wait3A_1362] : memref<4x50x128xf32, #tpu.memory_space<vmem>> -> memref<1x50x128xf32, #tpu.memory_space<vmem>>
      %dma_wait3A_1364 = tpu.memref_squeeze %dma_wait3A_1363 : memref<1x50x128xf32, #tpu.memory_space<vmem>> -> memref<50x128xf32, #tpu.memory_space<vmem>>
      %dma_wait3A_1365 = arith.constant 0 : i32
      %dma_wait3A_1366 = arith.constant 0 : i32
      %dma_wait3A_1367 = tpu.memref_slice %arg6[%scan3A_687, %dma_wait3A_1365, %dma_wait3A_1366] : memref<2x40x50xi32, #tpu.memory_space<vmem>> -> memref<1x40x50xi32, #tpu.memory_space<vmem>>
      %dma_wait3A_1368 = tpu.memref_squeeze %dma_wait3A_1367 : memref<1x40x50xi32, #tpu.memory_space<vmem>> -> memref<40x50xi32, #tpu.memory_space<vmem>>
      %dma_wait3A_1369 = arith.constant 0 : i32
      %dma_wait3A_1370 = tpu.memref_slice %dma_wait3A_1368[%add3A_1358, %dma_wait3A_1369] : memref<40x50xi32, #tpu.memory_space<vmem>> -> memref<1x50xi32, #tpu.memory_space<vmem>>
      %dma_wait3A_1371 = tpu.memref_squeeze %dma_wait3A_1370 : memref<1x50xi32, #tpu.memory_space<vmem>> -> memref<50xi32, #tpu.memory_space<vmem>>
      %dma_wait3A_1372 = arith.constant 0 : i32
      %dma_wait3A_1373 = arith.constant 0 : i32
      %dma_wait3A_1374 = tpu.memref_slice %arg2[%dma_wait3A_1372, %dma_wait3A_1373] : memref<10000x128xf32, #tpu.memory_space<hbm>> -> memref<10000x128xf32, #tpu.memory_space<hbm>>
      %dma_wait3A_1375 = tpu.memref_slice %arg10[%dma_wait3A_1360] : memref<4x!tpu.dma_semaphore, #tpu.memory_space<semaphore_mem>> -> memref<1x!tpu.dma_semaphore, #tpu.memory_space<semaphore_mem>>
      %dma_wait3A_1376 = tpu.memref_squeeze %dma_wait3A_1375 : memref<1x!tpu.dma_semaphore, #tpu.memory_space<semaphore_mem>> -> memref<!tpu.dma_semaphore, #tpu.memory_space<semaphore_mem>>
      tpu.wait_indirect_dma semaphore(%dma_wait3A_1376 : memref<!tpu.dma_semaphore, #tpu.memory_space<semaphore_mem>>) src(%dma_wait3A_1374 : memref<10000x128xf32, #tpu.memory_space<hbm>>) dst(%dma_wait3A_1364 : memref<50x128xf32, #tpu.memory_space<vmem>>)
      %add3A_1377 = arith.constant 3 : i32
      %add3A_1378 = arith.addi %mul3A_1236, %add3A_1377 : i32
      %dma_start3A_1379 = arith.constant 3 : i32
      %dma_start3A_1380 = arith.constant 3 : i32
      %dma_start3A_1381 = arith.constant 0 : i32
      %dma_start3A_1382 = arith.constant 0 : i32
      %dma_start3A_1383 = tpu.memref_slice %arg8[%dma_start3A_1379, %dma_start3A_1381, %dma_start3A_1382] : memref<4x50x128xf32, #tpu.memory_space<vmem>> -> memref<1x50x128xf32, #tpu.memory_space<vmem>>
      %dma_start3A_1384 = tpu.memref_squeeze %dma_start3A_1383 : memref<1x50x128xf32, #tpu.memory_space<vmem>> -> memref<50x128xf32, #tpu.memory_space<vmem>>
      %dma_start3A_1385 = arith.constant 0 : i32
      %dma_start3A_1386 = arith.constant 0 : i32
      %dma_start3A_1387 = tpu.memref_slice %arg7[%scan3A_688, %dma_start3A_1385, %dma_start3A_1386] : memref<2x40x50xi32, #tpu.memory_space<vmem>> -> memref<1x40x50xi32, #tpu.memory_space<vmem>>
      %dma_start3A_1388 = tpu.memref_squeeze %dma_start3A_1387 : memref<1x40x50xi32, #tpu.memory_space<vmem>> -> memref<40x50xi32, #tpu.memory_space<vmem>>
      %dma_start3A_1389 = arith.constant 0 : i32
      %dma_start3A_1390 = tpu.memref_slice %dma_start3A_1388[%add3A_1378, %dma_start3A_1389] : memref<40x50xi32, #tpu.memory_space<vmem>> -> memref<1x50xi32, #tpu.memory_space<vmem>>
      %dma_start3A_1391 = tpu.memref_squeeze %dma_start3A_1390 : memref<1x50xi32, #tpu.memory_space<vmem>> -> memref<50xi32, #tpu.memory_space<vmem>>
      %dma_start3A_1392 = arith.constant 0 : i32
      %dma_start3A_1393 = arith.constant 0 : i32
      %dma_start3A_1394 = tpu.memref_slice %arg9[%dma_start3A_1392, %dma_start3A_1393] : memref<10000x128xf32, #tpu.memory_space<vmem_shared>> -> memref<10000x128xf32, #tpu.memory_space<vmem_shared>>
      %dma_start3A_1395 = tpu.memref_slice %arg11[%dma_start3A_1380] : memref<4x!tpu.dma_semaphore, #tpu.memory_space<semaphore_mem>> -> memref<1x!tpu.dma_semaphore, #tpu.memory_space<semaphore_mem>>
      %dma_start3A_1396 = tpu.memref_squeeze %dma_start3A_1395 : memref<1x!tpu.dma_semaphore, #tpu.memory_space<semaphore_mem>> -> memref<!tpu.dma_semaphore, #tpu.memory_space<semaphore_mem>>
      tpu.enqueue_indirect_dma source(%dma_start3A_1384 : memref<50x128xf32, #tpu.memory_space<vmem>>) target(%dma_start3A_1394 : memref<10000x128xf32, #tpu.memory_space<vmem_shared>>) offsets(%dma_start3A_1391 : memref<50xi32, #tpu.memory_space<vmem>>) semaphore(%dma_start3A_1396 : memref<!tpu.dma_semaphore, #tpu.memory_space<semaphore_mem>>) {add = true}
      %lt3A = arith.constant 9 : i32
      %lt3A_1397 = arith.cmpi slt, %scan3A_1234, %lt3A : i32
      %convert_element_type3A_1398 = arith.extui %lt3A_1397 : i1 to i32
      %cond3A_1399 = arith.constant 0 : i32
      %cond3A_1400 = arith.cmpi ne, %convert_element_type3A_1398, %cond3A_1399 : i32
      scf.if %cond3A_1400 {
        %add3A_1401 = arith.constant 0 : i32
        %add3A_1402 = arith.addi %mul3A_1236, %add3A_1401 : i32
        %dma_wait3A_1403 = arith.constant 0 : i32
        %dma_wait3A_1404 = arith.constant 0 : i32
        %dma_wait3A_1405 = arith.constant 0 : i32
        %dma_wait3A_1406 = arith.constant 0 : i32
        %dma_wait3A_1407 = tpu.memref_slice %arg8[%dma_wait3A_1403, %dma_wait3A_1405, %dma_wait3A_1406] : memref<4x50x128xf32, #tpu.memory_space<vmem>> -> memref<1x50x128xf32, #tpu.memory_space<vmem>>
        %dma_wait3A_1408 = tpu.memref_squeeze %dma_wait3A_1407 : memref<1x50x128xf32, #tpu.memory_space<vmem>> -> memref<50x128xf32, #tpu.memory_space<vmem>>
        %dma_wait3A_1409 = arith.constant 0 : i32
        %dma_wait3A_1410 = arith.constant 0 : i32
        %dma_wait3A_1411 = tpu.memref_slice %arg7[%scan3A_688, %dma_wait3A_1409, %dma_wait3A_1410] : memref<2x40x50xi32, #tpu.memory_space<vmem>> -> memref<1x40x50xi32, #tpu.memory_space<vmem>>
        %dma_wait3A_1412 = tpu.memref_squeeze %dma_wait3A_1411 : memref<1x40x50xi32, #tpu.memory_space<vmem>> -> memref<40x50xi32, #tpu.memory_space<vmem>>
        %dma_wait3A_1413 = arith.constant 0 : i32
        %dma_wait3A_1414 = tpu.memref_slice %dma_wait3A_1412[%add3A_1402, %dma_wait3A_1413] : memref<40x50xi32, #tpu.memory_space<vmem>> -> memref<1x50xi32, #tpu.memory_space<vmem>>
        %dma_wait3A_1415 = tpu.memref_squeeze %dma_wait3A_1414 : memref<1x50xi32, #tpu.memory_space<vmem>> -> memref<50xi32, #tpu.memory_space<vmem>>
        %dma_wait3A_1416 = arith.constant 0 : i32
        %dma_wait3A_1417 = arith.constant 0 : i32
        %dma_wait3A_1418 = tpu.memref_slice %arg9[%dma_wait3A_1416, %dma_wait3A_1417] : memref<10000x128xf32, #tpu.memory_space<vmem_shared>> -> memref<10000x128xf32, #tpu.memory_space<vmem_shared>>
        %dma_wait3A_1419 = tpu.memref_slice %arg11[%dma_wait3A_1404] : memref<4x!tpu.dma_semaphore, #tpu.memory_space<semaphore_mem>> -> memref<1x!tpu.dma_semaphore, #tpu.memory_space<semaphore_mem>>
        %dma_wait3A_1420 = tpu.memref_squeeze %dma_wait3A_1419 : memref<1x!tpu.dma_semaphore, #tpu.memory_space<semaphore_mem>> -> memref<!tpu.dma_semaphore, #tpu.memory_space<semaphore_mem>>
        tpu.wait_indirect_dma semaphore(%dma_wait3A_1420 : memref<!tpu.dma_semaphore, #tpu.memory_space<semaphore_mem>>) src(%dma_wait3A_1408 : memref<50x128xf32, #tpu.memory_space<vmem>>) dst(%dma_wait3A_1418 : memref<10000x128xf32, #tpu.memory_space<vmem_shared>>)
        %add3A_1421 = arith.constant 4 : i32
        %add3A_1422 = arith.addi %mul3A_1236, %add3A_1421 : i32
        %add3A_1423 = arith.constant 0 : i32
        %add3A_1424 = arith.addi %add3A_1422, %add3A_1423 : i32
        %dma_start3A_1425 = arith.constant 0 : i32
        %dma_start3A_1426 = arith.constant 0 : i32
        %dma_start3A_1427 = arith.constant 0 : i32
        %dma_start3A_1428 = arith.constant 0 : i32
        %dma_start3A_1429 = tpu.memref_slice %arg8[%dma_start3A_1425, %dma_start3A_1427, %dma_start3A_1428] : memref<4x50x128xf32, #tpu.memory_space<vmem>> -> memref<1x50x128xf32, #tpu.memory_space<vmem>>
        %dma_start3A_1430 = tpu.memref_squeeze %dma_start3A_1429 : memref<1x50x128xf32, #tpu.memory_space<vmem>> -> memref<50x128xf32, #tpu.memory_space<vmem>>
        %dma_start3A_1431 = arith.constant 0 : i32
        %dma_start3A_1432 = arith.constant 0 : i32
        %dma_start3A_1433 = tpu.memref_slice %arg6[%scan3A_687, %dma_start3A_1431, %dma_start3A_1432] : memref<2x40x50xi32, #tpu.memory_space<vmem>> -> memref<1x40x50xi32, #tpu.memory_space<vmem>>
        %dma_start3A_1434 = tpu.memref_squeeze %dma_start3A_1433 : memref<1x40x50xi32, #tpu.memory_space<vmem>> -> memref<40x50xi32, #tpu.memory_space<vmem>>
        %dma_start3A_1435 = arith.constant 0 : i32
        %dma_start3A_1436 = tpu.memref_slice %dma_start3A_1434[%add3A_1424, %dma_start3A_1435] : memref<40x50xi32, #tpu.memory_space<vmem>> -> memref<1x50xi32, #tpu.memory_space<vmem>>
        %dma_start3A_1437 = tpu.memref_squeeze %dma_start3A_1436 : memref<1x50xi32, #tpu.memory_space<vmem>> -> memref<50xi32, #tpu.memory_space<vmem>>
        %dma_start3A_1438 = arith.constant 0 : i32
        %dma_start3A_1439 = arith.constant 0 : i32
        %dma_start3A_1440 = tpu.memref_slice %arg2[%dma_start3A_1438, %dma_start3A_1439] : memref<10000x128xf32, #tpu.memory_space<hbm>> -> memref<10000x128xf32, #tpu.memory_space<hbm>>
        %dma_start3A_1441 = tpu.memref_slice %arg10[%dma_start3A_1426] : memref<4x!tpu.dma_semaphore, #tpu.memory_space<semaphore_mem>> -> memref<1x!tpu.dma_semaphore, #tpu.memory_space<semaphore_mem>>
        %dma_start3A_1442 = tpu.memref_squeeze %dma_start3A_1441 : memref<1x!tpu.dma_semaphore, #tpu.memory_space<semaphore_mem>> -> memref<!tpu.dma_semaphore, #tpu.memory_space<semaphore_mem>>
        tpu.enqueue_indirect_dma source(%dma_start3A_1440 : memref<10000x128xf32, #tpu.memory_space<hbm>>) target(%dma_start3A_1430 : memref<50x128xf32, #tpu.memory_space<vmem>>) offsets(%dma_start3A_1437 : memref<50xi32, #tpu.memory_space<vmem>>) semaphore(%dma_start3A_1442 : memref<!tpu.dma_semaphore, #tpu.memory_space<semaphore_mem>>)
        %add3A_1443 = arith.constant 1 : i32
        %add3A_1444 = arith.addi %mul3A_1236, %add3A_1443 : i32
        %dma_wait3A_1445 = arith.constant 1 : i32
        %dma_wait3A_1446 = arith.constant 1 : i32
        %dma_wait3A_1447 = arith.constant 0 : i32
        %dma_wait3A_1448 = arith.constant 0 : i32
        %dma_wait3A_1449 = tpu.memref_slice %arg8[%dma_wait3A_1445, %dma_wait3A_1447, %dma_wait3A_1448] : memref<4x50x128xf32, #tpu.memory_space<vmem>> -> memref<1x50x128xf32, #tpu.memory_space<vmem>>
        %dma_wait3A_1450 = tpu.memref_squeeze %dma_wait3A_1449 : memref<1x50x128xf32, #tpu.memory_space<vmem>> -> memref<50x128xf32, #tpu.memory_space<vmem>>
        %dma_wait3A_1451 = arith.constant 0 : i32
        %dma_wait3A_1452 = arith.constant 0 : i32
        %dma_wait3A_1453 = tpu.memref_slice %arg7[%scan3A_688, %dma_wait3A_1451, %dma_wait3A_1452] : memref<2x40x50xi32, #tpu.memory_space<vmem>> -> memref<1x40x50xi32, #tpu.memory_space<vmem>>
        %dma_wait3A_1454 = tpu.memref_squeeze %dma_wait3A_1453 : memref<1x40x50xi32, #tpu.memory_space<vmem>> -> memref<40x50xi32, #tpu.memory_space<vmem>>
        %dma_wait3A_1455 = arith.constant 0 : i32
        %dma_wait3A_1456 = tpu.memref_slice %dma_wait3A_1454[%add3A_1444, %dma_wait3A_1455] : memref<40x50xi32, #tpu.memory_space<vmem>> -> memref<1x50xi32, #tpu.memory_space<vmem>>
        %dma_wait3A_1457 = tpu.memref_squeeze %dma_wait3A_1456 : memref<1x50xi32, #tpu.memory_space<vmem>> -> memref<50xi32, #tpu.memory_space<vmem>>
        %dma_wait3A_1458 = arith.constant 0 : i32
        %dma_wait3A_1459 = arith.constant 0 : i32
        %dma_wait3A_1460 = tpu.memref_slice %arg9[%dma_wait3A_1458, %dma_wait3A_1459] : memref<10000x128xf32, #tpu.memory_space<vmem_shared>> -> memref<10000x128xf32, #tpu.memory_space<vmem_shared>>
        %dma_wait3A_1461 = tpu.memref_slice %arg11[%dma_wait3A_1446] : memref<4x!tpu.dma_semaphore, #tpu.memory_space<semaphore_mem>> -> memref<1x!tpu.dma_semaphore, #tpu.memory_space<semaphore_mem>>
        %dma_wait3A_1462 = tpu.memref_squeeze %dma_wait3A_1461 : memref<1x!tpu.dma_semaphore, #tpu.memory_space<semaphore_mem>> -> memref<!tpu.dma_semaphore, #tpu.memory_space<semaphore_mem>>
        tpu.wait_indirect_dma semaphore(%dma_wait3A_1462 : memref<!tpu.dma_semaphore, #tpu.memory_space<semaphore_mem>>) src(%dma_wait3A_1450 : memref<50x128xf32, #tpu.memory_space<vmem>>) dst(%dma_wait3A_1460 : memref<10000x128xf32, #tpu.memory_space<vmem_shared>>)
        %add3A_1463 = arith.constant 4 : i32
        %add3A_1464 = arith.addi %mul3A_1236, %add3A_1463 : i32
        %add3A_1465 = arith.constant 1 : i32
        %add3A_1466 = arith.addi %add3A_1464, %add3A_1465 : i32
        %dma_start3A_1467 = arith.constant 1 : i32
        %dma_start3A_1468 = arith.constant 1 : i32
        %dma_start3A_1469 = arith.constant 0 : i32
        %dma_start3A_1470 = arith.constant 0 : i32
        %dma_start3A_1471 = tpu.memref_slice %arg8[%dma_start3A_1467, %dma_start3A_1469, %dma_start3A_1470] : memref<4x50x128xf32, #tpu.memory_space<vmem>> -> memref<1x50x128xf32, #tpu.memory_space<vmem>>
        %dma_start3A_1472 = tpu.memref_squeeze %dma_start3A_1471 : memref<1x50x128xf32, #tpu.memory_space<vmem>> -> memref<50x128xf32, #tpu.memory_space<vmem>>
        %dma_start3A_1473 = arith.constant 0 : i32
        %dma_start3A_1474 = arith.constant 0 : i32
        %dma_start3A_1475 = tpu.memref_slice %arg6[%scan3A_687, %dma_start3A_1473, %dma_start3A_1474] : memref<2x40x50xi32, #tpu.memory_space<vmem>> -> memref<1x40x50xi32, #tpu.memory_space<vmem>>
        %dma_start3A_1476 = tpu.memref_squeeze %dma_start3A_1475 : memref<1x40x50xi32, #tpu.memory_space<vmem>> -> memref<40x50xi32, #tpu.memory_space<vmem>>
        %dma_start3A_1477 = arith.constant 0 : i32
        %dma_start3A_1478 = tpu.memref_slice %dma_start3A_1476[%add3A_1466, %dma_start3A_1477] : memref<40x50xi32, #tpu.memory_space<vmem>> -> memref<1x50xi32, #tpu.memory_space<vmem>>
        %dma_start3A_1479 = tpu.memref_squeeze %dma_start3A_1478 : memref<1x50xi32, #tpu.memory_space<vmem>> -> memref<50xi32, #tpu.memory_space<vmem>>
        %dma_start3A_1480 = arith.constant 0 : i32
        %dma_start3A_1481 = arith.constant 0 : i32
        %dma_start3A_1482 = tpu.memref_slice %arg2[%dma_start3A_1480, %dma_start3A_1481] : memref<10000x128xf32, #tpu.memory_space<hbm>> -> memref<10000x128xf32, #tpu.memory_space<hbm>>
        %dma_start3A_1483 = tpu.memref_slice %arg10[%dma_start3A_1468] : memref<4x!tpu.dma_semaphore, #tpu.memory_space<semaphore_mem>> -> memref<1x!tpu.dma_semaphore, #tpu.memory_space<semaphore_mem>>
        %dma_start3A_1484 = tpu.memref_squeeze %dma_start3A_1483 : memref<1x!tpu.dma_semaphore, #tpu.memory_space<semaphore_mem>> -> memref<!tpu.dma_semaphore, #tpu.memory_space<semaphore_mem>>
        tpu.enqueue_indirect_dma source(%dma_start3A_1482 : memref<10000x128xf32, #tpu.memory_space<hbm>>) target(%dma_start3A_1472 : memref<50x128xf32, #tpu.memory_space<vmem>>) offsets(%dma_start3A_1479 : memref<50xi32, #tpu.memory_space<vmem>>) semaphore(%dma_start3A_1484 : memref<!tpu.dma_semaphore, #tpu.memory_space<semaphore_mem>>)
        %add3A_1485 = arith.constant 2 : i32
        %add3A_1486 = arith.addi %mul3A_1236, %add3A_1485 : i32
        %dma_wait3A_1487 = arith.constant 2 : i32
        %dma_wait3A_1488 = arith.constant 2 : i32
        %dma_wait3A_1489 = arith.constant 0 : i32
        %dma_wait3A_1490 = arith.constant 0 : i32
        %dma_wait3A_1491 = tpu.memref_slice %arg8[%dma_wait3A_1487, %dma_wait3A_1489, %dma_wait3A_1490] : memref<4x50x128xf32, #tpu.memory_space<vmem>> -> memref<1x50x128xf32, #tpu.memory_space<vmem>>
        %dma_wait3A_1492 = tpu.memref_squeeze %dma_wait3A_1491 : memref<1x50x128xf32, #tpu.memory_space<vmem>> -> memref<50x128xf32, #tpu.memory_space<vmem>>
        %dma_wait3A_1493 = arith.constant 0 : i32
        %dma_wait3A_1494 = arith.constant 0 : i32
        %dma_wait3A_1495 = tpu.memref_slice %arg7[%scan3A_688, %dma_wait3A_1493, %dma_wait3A_1494] : memref<2x40x50xi32, #tpu.memory_space<vmem>> -> memref<1x40x50xi32, #tpu.memory_space<vmem>>
        %dma_wait3A_1496 = tpu.memref_squeeze %dma_wait3A_1495 : memref<1x40x50xi32, #tpu.memory_space<vmem>> -> memref<40x50xi32, #tpu.memory_space<vmem>>
        %dma_wait3A_1497 = arith.constant 0 : i32
        %dma_wait3A_1498 = tpu.memref_slice %dma_wait3A_1496[%add3A_1486, %dma_wait3A_1497] : memref<40x50xi32, #tpu.memory_space<vmem>> -> memref<1x50xi32, #tpu.memory_space<vmem>>
        %dma_wait3A_1499 = tpu.memref_squeeze %dma_wait3A_1498 : memref<1x50xi32, #tpu.memory_space<vmem>> -> memref<50xi32, #tpu.memory_space<vmem>>
        %dma_wait3A_1500 = arith.constant 0 : i32
        %dma_wait3A_1501 = arith.constant 0 : i32
        %dma_wait3A_1502 = tpu.memref_slice %arg9[%dma_wait3A_1500, %dma_wait3A_1501] : memref<10000x128xf32, #tpu.memory_space<vmem_shared>> -> memref<10000x128xf32, #tpu.memory_space<vmem_shared>>
        %dma_wait3A_1503 = tpu.memref_slice %arg11[%dma_wait3A_1488] : memref<4x!tpu.dma_semaphore, #tpu.memory_space<semaphore_mem>> -> memref<1x!tpu.dma_semaphore, #tpu.memory_space<semaphore_mem>>
        %dma_wait3A_1504 = tpu.memref_squeeze %dma_wait3A_1503 : memref<1x!tpu.dma_semaphore, #tpu.memory_space<semaphore_mem>> -> memref<!tpu.dma_semaphore, #tpu.memory_space<semaphore_mem>>
        tpu.wait_indirect_dma semaphore(%dma_wait3A_1504 : memref<!tpu.dma_semaphore, #tpu.memory_space<semaphore_mem>>) src(%dma_wait3A_1492 : memref<50x128xf32, #tpu.memory_space<vmem>>) dst(%dma_wait3A_1502 : memref<10000x128xf32, #tpu.memory_space<vmem_shared>>)
        %add3A_1505 = arith.constant 4 : i32
        %add3A_1506 = arith.addi %mul3A_1236, %add3A_1505 : i32
        %add3A_1507 = arith.constant 2 : i32
        %add3A_1508 = arith.addi %add3A_1506, %add3A_1507 : i32
        %dma_start3A_1509 = arith.constant 2 : i32
        %dma_start3A_1510 = arith.constant 2 : i32
        %dma_start3A_1511 = arith.constant 0 : i32
        %dma_start3A_1512 = arith.constant 0 : i32
        %dma_start3A_1513 = tpu.memref_slice %arg8[%dma_start3A_1509, %dma_start3A_1511, %dma_start3A_1512] : memref<4x50x128xf32, #tpu.memory_space<vmem>> -> memref<1x50x128xf32, #tpu.memory_space<vmem>>
        %dma_start3A_1514 = tpu.memref_squeeze %dma_start3A_1513 : memref<1x50x128xf32, #tpu.memory_space<vmem>> -> memref<50x128xf32, #tpu.memory_space<vmem>>
        %dma_start3A_1515 = arith.constant 0 : i32
        %dma_start3A_1516 = arith.constant 0 : i32
        %dma_start3A_1517 = tpu.memref_slice %arg6[%scan3A_687, %dma_start3A_1515, %dma_start3A_1516] : memref<2x40x50xi32, #tpu.memory_space<vmem>> -> memref<1x40x50xi32, #tpu.memory_space<vmem>>
        %dma_start3A_1518 = tpu.memref_squeeze %dma_start3A_1517 : memref<1x40x50xi32, #tpu.memory_space<vmem>> -> memref<40x50xi32, #tpu.memory_space<vmem>>
        %dma_start3A_1519 = arith.constant 0 : i32
        %dma_start3A_1520 = tpu.memref_slice %dma_start3A_1518[%add3A_1508, %dma_start3A_1519] : memref<40x50xi32, #tpu.memory_space<vmem>> -> memref<1x50xi32, #tpu.memory_space<vmem>>
        %dma_start3A_1521 = tpu.memref_squeeze %dma_start3A_1520 : memref<1x50xi32, #tpu.memory_space<vmem>> -> memref<50xi32, #tpu.memory_space<vmem>>
        %dma_start3A_1522 = arith.constant 0 : i32
        %dma_start3A_1523 = arith.constant 0 : i32
        %dma_start3A_1524 = tpu.memref_slice %arg2[%dma_start3A_1522, %dma_start3A_1523] : memref<10000x128xf32, #tpu.memory_space<hbm>> -> memref<10000x128xf32, #tpu.memory_space<hbm>>
        %dma_start3A_1525 = tpu.memref_slice %arg10[%dma_start3A_1510] : memref<4x!tpu.dma_semaphore, #tpu.memory_space<semaphore_mem>> -> memref<1x!tpu.dma_semaphore, #tpu.memory_space<semaphore_mem>>
        %dma_start3A_1526 = tpu.memref_squeeze %dma_start3A_1525 : memref<1x!tpu.dma_semaphore, #tpu.memory_space<semaphore_mem>> -> memref<!tpu.dma_semaphore, #tpu.memory_space<semaphore_mem>>
        tpu.enqueue_indirect_dma source(%dma_start3A_1524 : memref<10000x128xf32, #tpu.memory_space<hbm>>) target(%dma_start3A_1514 : memref<50x128xf32, #tpu.memory_space<vmem>>) offsets(%dma_start3A_1521 : memref<50xi32, #tpu.memory_space<vmem>>) semaphore(%dma_start3A_1526 : memref<!tpu.dma_semaphore, #tpu.memory_space<semaphore_mem>>)
        %add3A_1527 = arith.constant 3 : i32
        %add3A_1528 = arith.addi %mul3A_1236, %add3A_1527 : i32
        %dma_wait3A_1529 = arith.constant 3 : i32
        %dma_wait3A_1530 = arith.constant 3 : i32
        %dma_wait3A_1531 = arith.constant 0 : i32
        %dma_wait3A_1532 = arith.constant 0 : i32
        %dma_wait3A_1533 = tpu.memref_slice %arg8[%dma_wait3A_1529, %dma_wait3A_1531, %dma_wait3A_1532] : memref<4x50x128xf32, #tpu.memory_space<vmem>> -> memref<1x50x128xf32, #tpu.memory_space<vmem>>
        %dma_wait3A_1534 = tpu.memref_squeeze %dma_wait3A_1533 : memref<1x50x128xf32, #tpu.memory_space<vmem>> -> memref<50x128xf32, #tpu.memory_space<vmem>>
        %dma_wait3A_1535 = arith.constant 0 : i32
        %dma_wait3A_1536 = arith.constant 0 : i32
        %dma_wait3A_1537 = tpu.memref_slice %arg7[%scan3A_688, %dma_wait3A_1535, %dma_wait3A_1536] : memref<2x40x50xi32, #tpu.memory_space<vmem>> -> memref<1x40x50xi32, #tpu.memory_space<vmem>>
        %dma_wait3A_1538 = tpu.memref_squeeze %dma_wait3A_1537 : memref<1x40x50xi32, #tpu.memory_space<vmem>> -> memref<40x50xi32, #tpu.memory_space<vmem>>
        %dma_wait3A_1539 = arith.constant 0 : i32
        %dma_wait3A_1540 = tpu.memref_slice %dma_wait3A_1538[%add3A_1528, %dma_wait3A_1539] : memref<40x50xi32, #tpu.memory_space<vmem>> -> memref<1x50xi32, #tpu.memory_space<vmem>>
        %dma_wait3A_1541 = tpu.memref_squeeze %dma_wait3A_1540 : memref<1x50xi32, #tpu.memory_space<vmem>> -> memref<50xi32, #tpu.memory_space<vmem>>
        %dma_wait3A_1542 = arith.constant 0 : i32
        %dma_wait3A_1543 = arith.constant 0 : i32
        %dma_wait3A_1544 = tpu.memref_slice %arg9[%dma_wait3A_1542, %dma_wait3A_1543] : memref<10000x128xf32, #tpu.memory_space<vmem_shared>> -> memref<10000x128xf32, #tpu.memory_space<vmem_shared>>
        %dma_wait3A_1545 = tpu.memref_slice %arg11[%dma_wait3A_1530] : memref<4x!tpu.dma_semaphore, #tpu.memory_space<semaphore_mem>> -> memref<1x!tpu.dma_semaphore, #tpu.memory_space<semaphore_mem>>
        %dma_wait3A_1546 = tpu.memref_squeeze %dma_wait3A_1545 : memref<1x!tpu.dma_semaphore, #tpu.memory_space<semaphore_mem>> -> memref<!tpu.dma_semaphore, #tpu.memory_space<semaphore_mem>>
        tpu.wait_indirect_dma semaphore(%dma_wait3A_1546 : memref<!tpu.dma_semaphore, #tpu.memory_space<semaphore_mem>>) src(%dma_wait3A_1534 : memref<50x128xf32, #tpu.memory_space<vmem>>) dst(%dma_wait3A_1544 : memref<10000x128xf32, #tpu.memory_space<vmem_shared>>)
        %add3A_1547 = arith.constant 4 : i32
        %add3A_1548 = arith.addi %mul3A_1236, %add3A_1547 : i32
        %add3A_1549 = arith.constant 3 : i32
        %add3A_1550 = arith.addi %add3A_1548, %add3A_1549 : i32
        %dma_start3A_1551 = arith.constant 3 : i32
        %dma_start3A_1552 = arith.constant 3 : i32
        %dma_start3A_1553 = arith.constant 0 : i32
        %dma_start3A_1554 = arith.constant 0 : i32
        %dma_start3A_1555 = tpu.memref_slice %arg8[%dma_start3A_1551, %dma_start3A_1553, %dma_start3A_1554] : memref<4x50x128xf32, #tpu.memory_space<vmem>> -> memref<1x50x128xf32, #tpu.memory_space<vmem>>
        %dma_start3A_1556 = tpu.memref_squeeze %dma_start3A_1555 : memref<1x50x128xf32, #tpu.memory_space<vmem>> -> memref<50x128xf32, #tpu.memory_space<vmem>>
        %dma_start3A_1557 = arith.constant 0 : i32
        %dma_start3A_1558 = arith.constant 0 : i32
        %dma_start3A_1559 = tpu.memref_slice %arg6[%scan3A_687, %dma_start3A_1557, %dma_start3A_1558] : memref<2x40x50xi32, #tpu.memory_space<vmem>> -> memref<1x40x50xi32, #tpu.memory_space<vmem>>
        %dma_start3A_1560 = tpu.memref_squeeze %dma_start3A_1559 : memref<1x40x50xi32, #tpu.memory_space<vmem>> -> memref<40x50xi32, #tpu.memory_space<vmem>>
        %dma_start3A_1561 = arith.constant 0 : i32
        %dma_start3A_1562 = tpu.memref_slice %dma_start3A_1560[%add3A_1550, %dma_start3A_1561] : memref<40x50xi32, #tpu.memory_space<vmem>> -> memref<1x50xi32, #tpu.memory_space<vmem>>
        %dma_start3A_1563 = tpu.memref_squeeze %dma_start3A_1562 : memref<1x50xi32, #tpu.memory_space<vmem>> -> memref<50xi32, #tpu.memory_space<vmem>>
        %dma_start3A_1564 = arith.constant 0 : i32
        %dma_start3A_1565 = arith.constant 0 : i32
        %dma_start3A_1566 = tpu.memref_slice %arg2[%dma_start3A_1564, %dma_start3A_1565] : memref<10000x128xf32, #tpu.memory_space<hbm>> -> memref<10000x128xf32, #tpu.memory_space<hbm>>
        %dma_start3A_1567 = tpu.memref_slice %arg10[%dma_start3A_1552] : memref<4x!tpu.dma_semaphore, #tpu.memory_space<semaphore_mem>> -> memref<1x!tpu.dma_semaphore, #tpu.memory_space<semaphore_mem>>
        %dma_start3A_1568 = tpu.memref_squeeze %dma_start3A_1567 : memref<1x!tpu.dma_semaphore, #tpu.memory_space<semaphore_mem>> -> memref<!tpu.dma_semaphore, #tpu.memory_space<semaphore_mem>>
        tpu.enqueue_indirect_dma source(%dma_start3A_1566 : memref<10000x128xf32, #tpu.memory_space<hbm>>) target(%dma_start3A_1556 : memref<50x128xf32, #tpu.memory_space<vmem>>) offsets(%dma_start3A_1563 : memref<50xi32, #tpu.memory_space<vmem>>) semaphore(%dma_start3A_1568 : memref<!tpu.dma_semaphore, #tpu.memory_space<semaphore_mem>>)
      } else {
      }
    }
    %scan3A_693 = arith.constant 10 : i32
    %dma_wait3A_694 = arith.constant 0 : i32
    %dma_wait3A_695 = arith.constant 0 : i32
    %dma_wait3A_696 = arith.constant 36 : i32
    %dma_wait3A_697 = arith.constant 0 : i32
    %dma_wait3A_698 = arith.constant 0 : i32
    %dma_wait3A_699 = arith.constant 0 : i32
    %dma_wait3A_700 = tpu.memref_slice %arg8[%dma_wait3A_694, %dma_wait3A_698, %dma_wait3A_699] : memref<4x50x128xf32, #tpu.memory_space<vmem>> -> memref<1x50x128xf32, #tpu.memory_space<vmem>>
    %dma_wait3A_701 = tpu.memref_squeeze %dma_wait3A_700 : memref<1x50x128xf32, #tpu.memory_space<vmem>> -> memref<50x128xf32, #tpu.memory_space<vmem>>
    %dma_wait3A_702 = arith.constant 0 : i32
    %dma_wait3A_703 = arith.constant 0 : i32
    %dma_wait3A_704 = tpu.memref_slice %arg7[%dma_wait3A_695, %dma_wait3A_702, %dma_wait3A_703] : memref<2x40x50xi32, #tpu.memory_space<vmem>> -> memref<1x40x50xi32, #tpu.memory_space<vmem>>
    %dma_wait3A_705 = tpu.memref_squeeze %dma_wait3A_704 : memref<1x40x50xi32, #tpu.memory_space<vmem>> -> memref<40x50xi32, #tpu.memory_space<vmem>>
    %dma_wait3A_706 = arith.constant 0 : i32
    %dma_wait3A_707 = tpu.memref_slice %dma_wait3A_705[%dma_wait3A_696, %dma_wait3A_706] : memref<40x50xi32, #tpu.memory_space<vmem>> -> memref<1x50xi32, #tpu.memory_space<vmem>>
    %dma_wait3A_708 = tpu.memref_squeeze %dma_wait3A_707 : memref<1x50xi32, #tpu.memory_space<vmem>> -> memref<50xi32, #tpu.memory_space<vmem>>
    %dma_wait3A_709 = arith.constant 0 : i32
    %dma_wait3A_710 = arith.constant 0 : i32
    %dma_wait3A_711 = tpu.memref_slice %arg9[%dma_wait3A_709, %dma_wait3A_710] : memref<10000x128xf32, #tpu.memory_space<vmem_shared>> -> memref<10000x128xf32, #tpu.memory_space<vmem_shared>>
    %dma_wait3A_712 = tpu.memref_slice %arg11[%dma_wait3A_697] : memref<4x!tpu.dma_semaphore, #tpu.memory_space<semaphore_mem>> -> memref<1x!tpu.dma_semaphore, #tpu.memory_space<semaphore_mem>>
    %dma_wait3A_713 = tpu.memref_squeeze %dma_wait3A_712 : memref<1x!tpu.dma_semaphore, #tpu.memory_space<semaphore_mem>> -> memref<!tpu.dma_semaphore, #tpu.memory_space<semaphore_mem>>
    tpu.wait_indirect_dma semaphore(%dma_wait3A_713 : memref<!tpu.dma_semaphore, #tpu.memory_space<semaphore_mem>>) src(%dma_wait3A_701 : memref<50x128xf32, #tpu.memory_space<vmem>>) dst(%dma_wait3A_711 : memref<10000x128xf32, #tpu.memory_space<vmem_shared>>)
    %dma_wait3A_714 = arith.constant 1 : i32
    %dma_wait3A_715 = arith.constant 0 : i32
    %dma_wait3A_716 = arith.constant 37 : i32
    %dma_wait3A_717 = arith.constant 1 : i32
    %dma_wait3A_718 = arith.constant 0 : i32
    %dma_wait3A_719 = arith.constant 0 : i32
    %dma_wait3A_720 = tpu.memref_slice %arg8[%dma_wait3A_714, %dma_wait3A_718, %dma_wait3A_719] : memref<4x50x128xf32, #tpu.memory_space<vmem>> -> memref<1x50x128xf32, #tpu.memory_space<vmem>>
    %dma_wait3A_721 = tpu.memref_squeeze %dma_wait3A_720 : memref<1x50x128xf32, #tpu.memory_space<vmem>> -> memref<50x128xf32, #tpu.memory_space<vmem>>
    %dma_wait3A_722 = arith.constant 0 : i32
    %dma_wait3A_723 = arith.constant 0 : i32
    %dma_wait3A_724 = tpu.memref_slice %arg7[%dma_wait3A_715, %dma_wait3A_722, %dma_wait3A_723] : memref<2x40x50xi32, #tpu.memory_space<vmem>> -> memref<1x40x50xi32, #tpu.memory_space<vmem>>
    %dma_wait3A_725 = tpu.memref_squeeze %dma_wait3A_724 : memref<1x40x50xi32, #tpu.memory_space<vmem>> -> memref<40x50xi32, #tpu.memory_space<vmem>>
    %dma_wait3A_726 = arith.constant 0 : i32
    %dma_wait3A_727 = tpu.memref_slice %dma_wait3A_725[%dma_wait3A_716, %dma_wait3A_726] : memref<40x50xi32, #tpu.memory_space<vmem>> -> memref<1x50xi32, #tpu.memory_space<vmem>>
    %dma_wait3A_728 = tpu.memref_squeeze %dma_wait3A_727 : memref<1x50xi32, #tpu.memory_space<vmem>> -> memref<50xi32, #tpu.memory_space<vmem>>
    %dma_wait3A_729 = arith.constant 0 : i32
    %dma_wait3A_730 = arith.constant 0 : i32
    %dma_wait3A_731 = tpu.memref_slice %arg9[%dma_wait3A_729, %dma_wait3A_730] : memref<10000x128xf32, #tpu.memory_space<vmem_shared>> -> memref<10000x128xf32, #tpu.memory_space<vmem_shared>>
    %dma_wait3A_732 = tpu.memref_slice %arg11[%dma_wait3A_717] : memref<4x!tpu.dma_semaphore, #tpu.memory_space<semaphore_mem>> -> memref<1x!tpu.dma_semaphore, #tpu.memory_space<semaphore_mem>>
    %dma_wait3A_733 = tpu.memref_squeeze %dma_wait3A_732 : memref<1x!tpu.dma_semaphore, #tpu.memory_space<semaphore_mem>> -> memref<!tpu.dma_semaphore, #tpu.memory_space<semaphore_mem>>
    tpu.wait_indirect_dma semaphore(%dma_wait3A_733 : memref<!tpu.dma_semaphore, #tpu.memory_space<semaphore_mem>>) src(%dma_wait3A_721 : memref<50x128xf32, #tpu.memory_space<vmem>>) dst(%dma_wait3A_731 : memref<10000x128xf32, #tpu.memory_space<vmem_shared>>)
    %dma_wait3A_734 = arith.constant 2 : i32
    %dma_wait3A_735 = arith.constant 0 : i32
    %dma_wait3A_736 = arith.constant 38 : i32
    %dma_wait3A_737 = arith.constant 2 : i32
    %dma_wait3A_738 = arith.constant 0 : i32
    %dma_wait3A_739 = arith.constant 0 : i32
    %dma_wait3A_740 = tpu.memref_slice %arg8[%dma_wait3A_734, %dma_wait3A_738, %dma_wait3A_739] : memref<4x50x128xf32, #tpu.memory_space<vmem>> -> memref<1x50x128xf32, #tpu.memory_space<vmem>>
    %dma_wait3A_741 = tpu.memref_squeeze %dma_wait3A_740 : memref<1x50x128xf32, #tpu.memory_space<vmem>> -> memref<50x128xf32, #tpu.memory_space<vmem>>
    %dma_wait3A_742 = arith.constant 0 : i32
    %dma_wait3A_743 = arith.constant 0 : i32
    %dma_wait3A_744 = tpu.memref_slice %arg7[%dma_wait3A_735, %dma_wait3A_742, %dma_wait3A_743] : memref<2x40x50xi32, #tpu.memory_space<vmem>> -> memref<1x40x50xi32, #tpu.memory_space<vmem>>
    %dma_wait3A_745 = tpu.memref_squeeze %dma_wait3A_744 : memref<1x40x50xi32, #tpu.memory_space<vmem>> -> memref<40x50xi32, #tpu.memory_space<vmem>>
    %dma_wait3A_746 = arith.constant 0 : i32
    %dma_wait3A_747 = tpu.memref_slice %dma_wait3A_745[%dma_wait3A_736, %dma_wait3A_746] : memref<40x50xi32, #tpu.memory_space<vmem>> -> memref<1x50xi32, #tpu.memory_space<vmem>>
    %dma_wait3A_748 = tpu.memref_squeeze %dma_wait3A_747 : memref<1x50xi32, #tpu.memory_space<vmem>> -> memref<50xi32, #tpu.memory_space<vmem>>
    %dma_wait3A_749 = arith.constant 0 : i32
    %dma_wait3A_750 = arith.constant 0 : i32
    %dma_wait3A_751 = tpu.memref_slice %arg9[%dma_wait3A_749, %dma_wait3A_750] : memref<10000x128xf32, #tpu.memory_space<vmem_shared>> -> memref<10000x128xf32, #tpu.memory_space<vmem_shared>>
    %dma_wait3A_752 = tpu.memref_slice %arg11[%dma_wait3A_737] : memref<4x!tpu.dma_semaphore, #tpu.memory_space<semaphore_mem>> -> memref<1x!tpu.dma_semaphore, #tpu.memory_space<semaphore_mem>>
    %dma_wait3A_753 = tpu.memref_squeeze %dma_wait3A_752 : memref<1x!tpu.dma_semaphore, #tpu.memory_space<semaphore_mem>> -> memref<!tpu.dma_semaphore, #tpu.memory_space<semaphore_mem>>
    tpu.wait_indirect_dma semaphore(%dma_wait3A_753 : memref<!tpu.dma_semaphore, #tpu.memory_space<semaphore_mem>>) src(%dma_wait3A_741 : memref<50x128xf32, #tpu.memory_space<vmem>>) dst(%dma_wait3A_751 : memref<10000x128xf32, #tpu.memory_space<vmem_shared>>)
    %dma_wait3A_754 = arith.constant 3 : i32
    %dma_wait3A_755 = arith.constant 0 : i32
    %dma_wait3A_756 = arith.constant 39 : i32
    %dma_wait3A_757 = arith.constant 3 : i32
    %dma_wait3A_758 = arith.constant 0 : i32
    %dma_wait3A_759 = arith.constant 0 : i32
    %dma_wait3A_760 = tpu.memref_slice %arg8[%dma_wait3A_754, %dma_wait3A_758, %dma_wait3A_759] : memref<4x50x128xf32, #tpu.memory_space<vmem>> -> memref<1x50x128xf32, #tpu.memory_space<vmem>>
    %dma_wait3A_761 = tpu.memref_squeeze %dma_wait3A_760 : memref<1x50x128xf32, #tpu.memory_space<vmem>> -> memref<50x128xf32, #tpu.memory_space<vmem>>
    %dma_wait3A_762 = arith.constant 0 : i32
    %dma_wait3A_763 = arith.constant 0 : i32
    %dma_wait3A_764 = tpu.memref_slice %arg7[%dma_wait3A_755, %dma_wait3A_762, %dma_wait3A_763] : memref<2x40x50xi32, #tpu.memory_space<vmem>> -> memref<1x40x50xi32, #tpu.memory_space<vmem>>
    %dma_wait3A_765 = tpu.memref_squeeze %dma_wait3A_764 : memref<1x40x50xi32, #tpu.memory_space<vmem>> -> memref<40x50xi32, #tpu.memory_space<vmem>>
    %dma_wait3A_766 = arith.constant 0 : i32
    %dma_wait3A_767 = tpu.memref_slice %dma_wait3A_765[%dma_wait3A_756, %dma_wait3A_766] : memref<40x50xi32, #tpu.memory_space<vmem>> -> memref<1x50xi32, #tpu.memory_space<vmem>>
    %dma_wait3A_768 = tpu.memref_squeeze %dma_wait3A_767 : memref<1x50xi32, #tpu.memory_space<vmem>> -> memref<50xi32, #tpu.memory_space<vmem>>
    %dma_wait3A_769 = arith.constant 0 : i32
    %dma_wait3A_770 = arith.constant 0 : i32
    %dma_wait3A_771 = tpu.memref_slice %arg9[%dma_wait3A_769, %dma_wait3A_770] : memref<10000x128xf32, #tpu.memory_space<vmem_shared>> -> memref<10000x128xf32, #tpu.memory_space<vmem_shared>>
    %dma_wait3A_772 = tpu.memref_slice %arg11[%dma_wait3A_757] : memref<4x!tpu.dma_semaphore, #tpu.memory_space<semaphore_mem>> -> memref<1x!tpu.dma_semaphore, #tpu.memory_space<semaphore_mem>>
    %dma_wait3A_773 = tpu.memref_squeeze %dma_wait3A_772 : memref<1x!tpu.dma_semaphore, #tpu.memory_space<semaphore_mem>> -> memref<!tpu.dma_semaphore, #tpu.memory_space<semaphore_mem>>
    tpu.wait_indirect_dma semaphore(%dma_wait3A_773 : memref<!tpu.dma_semaphore, #tpu.memory_space<semaphore_mem>>) src(%dma_wait3A_761 : memref<50x128xf32, #tpu.memory_space<vmem>>) dst(%dma_wait3A_771 : memref<10000x128xf32, #tpu.memory_space<vmem_shared>>)
    %add3A_774 = arith.constant 120 : i32
    %add3A_775 = arith.addi %mul3A_6, %add3A_774 : i32
    %dma_wait3A_776 = arith.constant 1 : i32
    %dma_wait3A_777 = arith.constant 1 : i32
    %dma_wait3A_778 = arith.constant 0 : i32
    %dma_wait3A_779 = arith.constant 0 : i32
    %dma_wait3A_780 = arith.constant 0 : i32
    %dma_wait3A_781 = tpu.memref_slice %arg6[%dma_wait3A_776, %dma_wait3A_779, %dma_wait3A_780] : memref<2x40x50xi32, #tpu.memory_space<vmem>> -> memref<1x40x50xi32, #tpu.memory_space<vmem>>
    %dma_wait3A_782 = tpu.memref_squeeze %dma_wait3A_781 : memref<1x40x50xi32, #tpu.memory_space<vmem>> -> memref<40x50xi32, #tpu.memory_space<vmem>>
    %dma_wait3A_783 = arith.constant 0 : i32
    %dma_wait3A_784 = tpu.memref_slice %arg3[%add3A_775, %dma_wait3A_783] : memref<6400x50xi32, #tpu.memory_space<hbm>> -> memref<40x50xi32, #tpu.memory_space<hbm>>
    %dma_wait3A_785 = tpu.memref_slice %arg12[%dma_wait3A_777, %dma_wait3A_778] : memref<2x2x!tpu.dma_semaphore, #tpu.memory_space<semaphore_mem>> -> memref<1x1x!tpu.dma_semaphore, #tpu.memory_space<semaphore_mem>>
    %dma_wait3A_786 = tpu.memref_squeeze %dma_wait3A_785 : memref<1x1x!tpu.dma_semaphore, #tpu.memory_space<semaphore_mem>> -> memref<!tpu.dma_semaphore, #tpu.memory_space<semaphore_mem>>
    %dma_wait3A_787 = arith.constant 0 : i32
    %dma_wait3A_788 = arith.constant 0 : i32
    %dma_wait3A_789 = tpu.memref_slice %arg6[%dma_wait3A_776, %dma_wait3A_787, %dma_wait3A_788] : memref<2x40x50xi32, #tpu.memory_space<vmem>> -> memref<1x40x50xi32, #tpu.memory_space<vmem>>
    %dma_wait3A_790 = tpu.memref_squeeze %dma_wait3A_789 : memref<1x40x50xi32, #tpu.memory_space<vmem>> -> memref<40x50xi32, #tpu.memory_space<vmem>>
    %dma_wait3A_791 = arith.constant 0 : i32
    %dma_wait3A_792 = tpu.memref_slice %arg3[%add3A_775, %dma_wait3A_791] : memref<6400x50xi32, #tpu.memory_space<hbm>> -> memref<40x50xi32, #tpu.memory_space<hbm>>
    tpu.wait_dma2 semaphore(%dma_wait3A_786 : memref<!tpu.dma_semaphore, #tpu.memory_space<semaphore_mem>>) src(%dma_wait3A_792 : memref<40x50xi32, #tpu.memory_space<hbm>>) dst(%dma_wait3A_790 : memref<40x50xi32, #tpu.memory_space<vmem>>)
    %add3A_793 = arith.constant 120 : i32
    %add3A_794 = arith.addi %mul3A_6, %add3A_793 : i32
    %dma_wait3A_795 = arith.constant 1 : i32
    %dma_wait3A_796 = arith.constant 1 : i32
    %dma_wait3A_797 = arith.constant 1 : i32
    %dma_wait3A_798 = arith.constant 0 : i32
    %dma_wait3A_799 = arith.constant 0 : i32
    %dma_wait3A_800 = tpu.memref_slice %arg7[%dma_wait3A_795, %dma_wait3A_798, %dma_wait3A_799] : memref<2x40x50xi32, #tpu.memory_space<vmem>> -> memref<1x40x50xi32, #tpu.memory_space<vmem>>
    %dma_wait3A_801 = tpu.memref_squeeze %dma_wait3A_800 : memref<1x40x50xi32, #tpu.memory_space<vmem>> -> memref<40x50xi32, #tpu.memory_space<vmem>>
    %dma_wait3A_802 = arith.constant 0 : i32
    %dma_wait3A_803 = tpu.memref_slice %arg4[%add3A_794, %dma_wait3A_802] : memref<6400x50xi32, #tpu.memory_space<hbm>> -> memref<40x50xi32, #tpu.memory_space<hbm>>
    %dma_wait3A_804 = tpu.memref_slice %arg12[%dma_wait3A_796, %dma_wait3A_797] : memref<2x2x!tpu.dma_semaphore, #tpu.memory_space<semaphore_mem>> -> memref<1x1x!tpu.dma_semaphore, #tpu.memory_space<semaphore_mem>>
    %dma_wait3A_805 = tpu.memref_squeeze %dma_wait3A_804 : memref<1x1x!tpu.dma_semaphore, #tpu.memory_space<semaphore_mem>> -> memref<!tpu.dma_semaphore, #tpu.memory_space<semaphore_mem>>
    %dma_wait3A_806 = arith.constant 0 : i32
    %dma_wait3A_807 = arith.constant 0 : i32
    %dma_wait3A_808 = tpu.memref_slice %arg7[%dma_wait3A_795, %dma_wait3A_806, %dma_wait3A_807] : memref<2x40x50xi32, #tpu.memory_space<vmem>> -> memref<1x40x50xi32, #tpu.memory_space<vmem>>
    %dma_wait3A_809 = tpu.memref_squeeze %dma_wait3A_808 : memref<1x40x50xi32, #tpu.memory_space<vmem>> -> memref<40x50xi32, #tpu.memory_space<vmem>>
    %dma_wait3A_810 = arith.constant 0 : i32
    %dma_wait3A_811 = tpu.memref_slice %arg4[%add3A_794, %dma_wait3A_810] : memref<6400x50xi32, #tpu.memory_space<hbm>> -> memref<40x50xi32, #tpu.memory_space<hbm>>
    tpu.wait_dma2 semaphore(%dma_wait3A_805 : memref<!tpu.dma_semaphore, #tpu.memory_space<semaphore_mem>>) src(%dma_wait3A_811 : memref<40x50xi32, #tpu.memory_space<hbm>>) dst(%dma_wait3A_809 : memref<40x50xi32, #tpu.memory_space<vmem>>)
    %add3A_812 = arith.constant 160 : i32
    %add3A_813 = arith.addi %mul3A_6, %add3A_812 : i32
    %dma_start3A_814 = arith.constant 0 : i32
    %dma_start3A_815 = arith.constant 0 : i32
    %dma_start3A_816 = arith.constant 0 : i32
    %dma_start3A_817 = arith.constant 0 : i32
    %dma_start3A_818 = arith.constant 0 : i32
    %dma_start3A_819 = tpu.memref_slice %arg6[%dma_start3A_814, %dma_start3A_817, %dma_start3A_818] : memref<2x40x50xi32, #tpu.memory_space<vmem>> -> memref<1x40x50xi32, #tpu.memory_space<vmem>>
    %dma_start3A_820 = tpu.memref_squeeze %dma_start3A_819 : memref<1x40x50xi32, #tpu.memory_space<vmem>> -> memref<40x50xi32, #tpu.memory_space<vmem>>
    %dma_start3A_821 = arith.constant 0 : i32
    %dma_start3A_822 = tpu.memref_slice %arg3[%add3A_813, %dma_start3A_821] : memref<6400x50xi32, #tpu.memory_space<hbm>> -> memref<40x50xi32, #tpu.memory_space<hbm>>
    %dma_start3A_823 = tpu.memref_slice %arg12[%dma_start3A_815, %dma_start3A_816] : memref<2x2x!tpu.dma_semaphore, #tpu.memory_space<semaphore_mem>> -> memref<1x1x!tpu.dma_semaphore, #tpu.memory_space<semaphore_mem>>
    %dma_start3A_824 = tpu.memref_squeeze %dma_start3A_823 : memref<1x1x!tpu.dma_semaphore, #tpu.memory_space<semaphore_mem>> -> memref<!tpu.dma_semaphore, #tpu.memory_space<semaphore_mem>>
    %dma_start3A_825 = arith.constant 0 : i32
    %dma_start3A_826 = arith.constant 0 : i32
    %dma_start3A_827 = tpu.memref_slice %arg6[%dma_start3A_814, %dma_start3A_825, %dma_start3A_826] : memref<2x40x50xi32, #tpu.memory_space<vmem>> -> memref<1x40x50xi32, #tpu.memory_space<vmem>>
    %dma_start3A_828 = tpu.memref_squeeze %dma_start3A_827 : memref<1x40x50xi32, #tpu.memory_space<vmem>> -> memref<40x50xi32, #tpu.memory_space<vmem>>
    %dma_start3A_829 = arith.constant 0 : i32
    %dma_start3A_830 = tpu.memref_slice %arg3[%add3A_813, %dma_start3A_829] : memref<6400x50xi32, #tpu.memory_space<hbm>> -> memref<40x50xi32, #tpu.memory_space<hbm>>
    tpu.enqueue_dma source(%dma_start3A_830 : memref<40x50xi32, #tpu.memory_space<hbm>>) target(%dma_start3A_828 : memref<40x50xi32, #tpu.memory_space<vmem>>) target_semaphore(%dma_start3A_824 : memref<!tpu.dma_semaphore, #tpu.memory_space<semaphore_mem>>)
    %add3A_831 = arith.constant 160 : i32
    %add3A_832 = arith.addi %mul3A_6, %add3A_831 : i32
    %dma_start3A_833 = arith.constant 0 : i32
    %dma_start3A_834 = arith.constant 0 : i32
    %dma_start3A_835 = arith.constant 1 : i32
    %dma_start3A_836 = arith.constant 0 : i32
    %dma_start3A_837 = arith.constant 0 : i32
    %dma_start3A_838 = tpu.memref_slice %arg7[%dma_start3A_833, %dma_start3A_836, %dma_start3A_837] : memref<2x40x50xi32, #tpu.memory_space<vmem>> -> memref<1x40x50xi32, #tpu.memory_space<vmem>>
    %dma_start3A_839 = tpu.memref_squeeze %dma_start3A_838 : memref<1x40x50xi32, #tpu.memory_space<vmem>> -> memref<40x50xi32, #tpu.memory_space<vmem>>
    %dma_start3A_840 = arith.constant 0 : i32
    %dma_start3A_841 = tpu.memref_slice %arg4[%add3A_832, %dma_start3A_840] : memref<6400x50xi32, #tpu.memory_space<hbm>> -> memref<40x50xi32, #tpu.memory_space<hbm>>
    %dma_start3A_842 = tpu.memref_slice %arg12[%dma_start3A_834, %dma_start3A_835] : memref<2x2x!tpu.dma_semaphore, #tpu.memory_space<semaphore_mem>> -> memref<1x1x!tpu.dma_semaphore, #tpu.memory_space<semaphore_mem>>
    %dma_start3A_843 = tpu.memref_squeeze %dma_start3A_842 : memref<1x1x!tpu.dma_semaphore, #tpu.memory_space<semaphore_mem>> -> memref<!tpu.dma_semaphore, #tpu.memory_space<semaphore_mem>>
    %dma_start3A_844 = arith.constant 0 : i32
    %dma_start3A_845 = arith.constant 0 : i32
    %dma_start3A_846 = tpu.memref_slice %arg7[%dma_start3A_833, %dma_start3A_844, %dma_start3A_845] : memref<2x40x50xi32, #tpu.memory_space<vmem>> -> memref<1x40x50xi32, #tpu.memory_space<vmem>>
    %dma_start3A_847 = tpu.memref_squeeze %dma_start3A_846 : memref<1x40x50xi32, #tpu.memory_space<vmem>> -> memref<40x50xi32, #tpu.memory_space<vmem>>
    %dma_start3A_848 = arith.constant 0 : i32
    %dma_start3A_849 = tpu.memref_slice %arg4[%add3A_832, %dma_start3A_848] : memref<6400x50xi32, #tpu.memory_space<hbm>> -> memref<40x50xi32, #tpu.memory_space<hbm>>
    tpu.enqueue_dma source(%dma_start3A_849 : memref<40x50xi32, #tpu.memory_space<hbm>>) target(%dma_start3A_847 : memref<40x50xi32, #tpu.memory_space<vmem>>) target_semaphore(%dma_start3A_843 : memref<!tpu.dma_semaphore, #tpu.memory_space<semaphore_mem>>)
    %dma_start3A_850 = arith.constant 1 : i32
    %dma_start3A_851 = arith.constant 0 : i32
    %dma_start3A_852 = arith.constant 0 : i32
    %dma_start3A_853 = arith.constant 0 : i32
    %dma_start3A_854 = arith.constant 0 : i32
    %dma_start3A_855 = arith.constant 0 : i32
    %dma_start3A_856 = tpu.memref_slice %arg8[%dma_start3A_852, %dma_start3A_854, %dma_start3A_855] : memref<4x50x128xf32, #tpu.memory_space<vmem>> -> memref<1x50x128xf32, #tpu.memory_space<vmem>>
    %dma_start3A_857 = tpu.memref_squeeze %dma_start3A_856 : memref<1x50x128xf32, #tpu.memory_space<vmem>> -> memref<50x128xf32, #tpu.memory_space<vmem>>
    %dma_start3A_858 = arith.constant 0 : i32
    %dma_start3A_859 = arith.constant 0 : i32
    %dma_start3A_860 = tpu.memref_slice %arg6[%dma_start3A_850, %dma_start3A_858, %dma_start3A_859] : memref<2x40x50xi32, #tpu.memory_space<vmem>> -> memref<1x40x50xi32, #tpu.memory_space<vmem>>
    %dma_start3A_861 = tpu.memref_squeeze %dma_start3A_860 : memref<1x40x50xi32, #tpu.memory_space<vmem>> -> memref<40x50xi32, #tpu.memory_space<vmem>>
    %dma_start3A_862 = arith.constant 0 : i32
    %dma_start3A_863 = tpu.memref_slice %dma_start3A_861[%dma_start3A_851, %dma_start3A_862] : memref<40x50xi32, #tpu.memory_space<vmem>> -> memref<1x50xi32, #tpu.memory_space<vmem>>
    %dma_start3A_864 = tpu.memref_squeeze %dma_start3A_863 : memref<1x50xi32, #tpu.memory_space<vmem>> -> memref<50xi32, #tpu.memory_space<vmem>>
    %dma_start3A_865 = arith.constant 0 : i32
    %dma_start3A_866 = arith.constant 0 : i32
    %dma_start3A_867 = tpu.memref_slice %arg2[%dma_start3A_865, %dma_start3A_866] : memref<10000x128xf32, #tpu.memory_space<hbm>> -> memref<10000x128xf32, #tpu.memory_space<hbm>>
    %dma_start3A_868 = tpu.memref_slice %arg10[%dma_start3A_853] : memref<4x!tpu.dma_semaphore, #tpu.memory_space<semaphore_mem>> -> memref<1x!tpu.dma_semaphore, #tpu.memory_space<semaphore_mem>>
    %dma_start3A_869 = tpu.memref_squeeze %dma_start3A_868 : memref<1x!tpu.dma_semaphore, #tpu.memory_space<semaphore_mem>> -> memref<!tpu.dma_semaphore, #tpu.memory_space<semaphore_mem>>
    tpu.enqueue_indirect_dma source(%dma_start3A_867 : memref<10000x128xf32, #tpu.memory_space<hbm>>) target(%dma_start3A_857 : memref<50x128xf32, #tpu.memory_space<vmem>>) offsets(%dma_start3A_864 : memref<50xi32, #tpu.memory_space<vmem>>) semaphore(%dma_start3A_869 : memref<!tpu.dma_semaphore, #tpu.memory_space<semaphore_mem>>)
    %dma_start3A_870 = arith.constant 1 : i32
    %dma_start3A_871 = arith.constant 1 : i32
    %dma_start3A_872 = arith.constant 1 : i32
    %dma_start3A_873 = arith.constant 1 : i32
    %dma_start3A_874 = arith.constant 0 : i32
    %dma_start3A_875 = arith.constant 0 : i32
    %dma_start3A_876 = tpu.memref_slice %arg8[%dma_start3A_872, %dma_start3A_874, %dma_start3A_875] : memref<4x50x128xf32, #tpu.memory_space<vmem>> -> memref<1x50x128xf32, #tpu.memory_space<vmem>>
    %dma_start3A_877 = tpu.memref_squeeze %dma_start3A_876 : memref<1x50x128xf32, #tpu.memory_space<vmem>> -> memref<50x128xf32, #tpu.memory_space<vmem>>
    %dma_start3A_878 = arith.constant 0 : i32
    %dma_start3A_879 = arith.constant 0 : i32
    %dma_start3A_880 = tpu.memref_slice %arg6[%dma_start3A_870, %dma_start3A_878, %dma_start3A_879] : memref<2x40x50xi32, #tpu.memory_space<vmem>> -> memref<1x40x50xi32, #tpu.memory_space<vmem>>
    %dma_start3A_881 = tpu.memref_squeeze %dma_start3A_880 : memref<1x40x50xi32, #tpu.memory_space<vmem>> -> memref<40x50xi32, #tpu.memory_space<vmem>>
    %dma_start3A_882 = arith.constant 0 : i32
    %dma_start3A_883 = tpu.memref_slice %dma_start3A_881[%dma_start3A_871, %dma_start3A_882] : memref<40x50xi32, #tpu.memory_space<vmem>> -> memref<1x50xi32, #tpu.memory_space<vmem>>
    %dma_start3A_884 = tpu.memref_squeeze %dma_start3A_883 : memref<1x50xi32, #tpu.memory_space<vmem>> -> memref<50xi32, #tpu.memory_space<vmem>>
    %dma_start3A_885 = arith.constant 0 : i32
    %dma_start3A_886 = arith.constant 0 : i32
    %dma_start3A_887 = tpu.memref_slice %arg2[%dma_start3A_885, %dma_start3A_886] : memref<10000x128xf32, #tpu.memory_space<hbm>> -> memref<10000x128xf32, #tpu.memory_space<hbm>>
    %dma_start3A_888 = tpu.memref_slice %arg10[%dma_start3A_873] : memref<4x!tpu.dma_semaphore, #tpu.memory_space<semaphore_mem>> -> memref<1x!tpu.dma_semaphore, #tpu.memory_space<semaphore_mem>>
    %dma_start3A_889 = tpu.memref_squeeze %dma_start3A_888 : memref<1x!tpu.dma_semaphore, #tpu.memory_space<semaphore_mem>> -> memref<!tpu.dma_semaphore, #tpu.memory_space<semaphore_mem>>
    tpu.enqueue_indirect_dma source(%dma_start3A_887 : memref<10000x128xf32, #tpu.memory_space<hbm>>) target(%dma_start3A_877 : memref<50x128xf32, #tpu.memory_space<vmem>>) offsets(%dma_start3A_884 : memref<50xi32, #tpu.memory_space<vmem>>) semaphore(%dma_start3A_889 : memref<!tpu.dma_semaphore, #tpu.memory_space<semaphore_mem>>)
    %dma_start3A_890 = arith.constant 1 : i32
    %dma_start3A_891 = arith.constant 2 : i32
    %dma_start3A_892 = arith.constant 2 : i32
    %dma_start3A_893 = arith.constant 2 : i32
    %dma_start3A_894 = arith.constant 0 : i32
    %dma_start3A_895 = arith.constant 0 : i32
    %dma_start3A_896 = tpu.memref_slice %arg8[%dma_start3A_892, %dma_start3A_894, %dma_start3A_895] : memref<4x50x128xf32, #tpu.memory_space<vmem>> -> memref<1x50x128xf32, #tpu.memory_space<vmem>>
    %dma_start3A_897 = tpu.memref_squeeze %dma_start3A_896 : memref<1x50x128xf32, #tpu.memory_space<vmem>> -> memref<50x128xf32, #tpu.memory_space<vmem>>
    %dma_start3A_898 = arith.constant 0 : i32
    %dma_start3A_899 = arith.constant 0 : i32
    %dma_start3A_900 = tpu.memref_slice %arg6[%dma_start3A_890, %dma_start3A_898, %dma_start3A_899] : memref<2x40x50xi32, #tpu.memory_space<vmem>> -> memref<1x40x50xi32, #tpu.memory_space<vmem>>
    %dma_start3A_901 = tpu.memref_squeeze %dma_start3A_900 : memref<1x40x50xi32, #tpu.memory_space<vmem>> -> memref<40x50xi32, #tpu.memory_space<vmem>>
    %dma_start3A_902 = arith.constant 0 : i32
    %dma_start3A_903 = tpu.memref_slice %dma_start3A_901[%dma_start3A_891, %dma_start3A_902] : memref<40x50xi32, #tpu.memory_space<vmem>> -> memref<1x50xi32, #tpu.memory_space<vmem>>
    %dma_start3A_904 = tpu.memref_squeeze %dma_start3A_903 : memref<1x50xi32, #tpu.memory_space<vmem>> -> memref<50xi32, #tpu.memory_space<vmem>>
    %dma_start3A_905 = arith.constant 0 : i32
    %dma_start3A_906 = arith.constant 0 : i32
    %dma_start3A_907 = tpu.memref_slice %arg2[%dma_start3A_905, %dma_start3A_906] : memref<10000x128xf32, #tpu.memory_space<hbm>> -> memref<10000x128xf32, #tpu.memory_space<hbm>>
    %dma_start3A_908 = tpu.memref_slice %arg10[%dma_start3A_893] : memref<4x!tpu.dma_semaphore, #tpu.memory_space<semaphore_mem>> -> memref<1x!tpu.dma_semaphore, #tpu.memory_space<semaphore_mem>>
    %dma_start3A_909 = tpu.memref_squeeze %dma_start3A_908 : memref<1x!tpu.dma_semaphore, #tpu.memory_space<semaphore_mem>> -> memref<!tpu.dma_semaphore, #tpu.memory_space<semaphore_mem>>
    tpu.enqueue_indirect_dma source(%dma_start3A_907 : memref<10000x128xf32, #tpu.memory_space<hbm>>) target(%dma_start3A_897 : memref<50x128xf32, #tpu.memory_space<vmem>>) offsets(%dma_start3A_904 : memref<50xi32, #tpu.memory_space<vmem>>) semaphore(%dma_start3A_909 : memref<!tpu.dma_semaphore, #tpu.memory_space<semaphore_mem>>)
    %dma_start3A_910 = arith.constant 1 : i32
    %dma_start3A_911 = arith.constant 3 : i32
    %dma_start3A_912 = arith.constant 3 : i32
    %dma_start3A_913 = arith.constant 3 : i32
    %dma_start3A_914 = arith.constant 0 : i32
    %dma_start3A_915 = arith.constant 0 : i32
    %dma_start3A_916 = tpu.memref_slice %arg8[%dma_start3A_912, %dma_start3A_914, %dma_start3A_915] : memref<4x50x128xf32, #tpu.memory_space<vmem>> -> memref<1x50x128xf32, #tpu.memory_space<vmem>>
    %dma_start3A_917 = tpu.memref_squeeze %dma_start3A_916 : memref<1x50x128xf32, #tpu.memory_space<vmem>> -> memref<50x128xf32, #tpu.memory_space<vmem>>
    %dma_start3A_918 = arith.constant 0 : i32
    %dma_start3A_919 = arith.constant 0 : i32
    %dma_start3A_920 = tpu.memref_slice %arg6[%dma_start3A_910, %dma_start3A_918, %dma_start3A_919] : memref<2x40x50xi32, #tpu.memory_space<vmem>> -> memref<1x40x50xi32, #tpu.memory_space<vmem>>
    %dma_start3A_921 = tpu.memref_squeeze %dma_start3A_920 : memref<1x40x50xi32, #tpu.memory_space<vmem>> -> memref<40x50xi32, #tpu.memory_space<vmem>>
    %dma_start3A_922 = arith.constant 0 : i32
    %dma_start3A_923 = tpu.memref_slice %dma_start3A_921[%dma_start3A_911, %dma_start3A_922] : memref<40x50xi32, #tpu.memory_space<vmem>> -> memref<1x50xi32, #tpu.memory_space<vmem>>
    %dma_start3A_924 = tpu.memref_squeeze %dma_start3A_923 : memref<1x50xi32, #tpu.memory_space<vmem>> -> memref<50xi32, #tpu.memory_space<vmem>>
    %dma_start3A_925 = arith.constant 0 : i32
    %dma_start3A_926 = arith.constant 0 : i32
    %dma_start3A_927 = tpu.memref_slice %arg2[%dma_start3A_925, %dma_start3A_926] : memref<10000x128xf32, #tpu.memory_space<hbm>> -> memref<10000x128xf32, #tpu.memory_space<hbm>>
    %dma_start3A_928 = tpu.memref_slice %arg10[%dma_start3A_913] : memref<4x!tpu.dma_semaphore, #tpu.memory_space<semaphore_mem>> -> memref<1x!tpu.dma_semaphore, #tpu.memory_space<semaphore_mem>>
    %dma_start3A_929 = tpu.memref_squeeze %dma_start3A_928 : memref<1x!tpu.dma_semaphore, #tpu.memory_space<semaphore_mem>> -> memref<!tpu.dma_semaphore, #tpu.memory_space<semaphore_mem>>
    tpu.enqueue_indirect_dma source(%dma_start3A_927 : memref<10000x128xf32, #tpu.memory_space<hbm>>) target(%dma_start3A_917 : memref<50x128xf32, #tpu.memory_space<vmem>>) offsets(%dma_start3A_924 : memref<50xi32, #tpu.memory_space<vmem>>) semaphore(%dma_start3A_929 : memref<!tpu.dma_semaphore, #tpu.memory_space<semaphore_mem>>)
    %scan3A_930 = arith.constant 0 : i32
    %scan3A_931 = arith.constant 1 : i32
    %scan3A_932 = arith.constant 1 : i32
    %scan3A_933 = arith.constant 0 : i32
    %scan3A_934 = arith.constant 10 : i32
    %scan3A_935 = arith.addi %scan3A_933, %scan3A_934 : i32
    %scan3A_936 = arith.constant 1 : i32
    scf.for %scan3A_1234 = %scan3A_933 to %scan3A_935 step %scan3A_936  : i32 {
      %mul3A_1235 = arith.constant 4 : i32
      %mul3A_1236 = arith.muli %scan3A_1234, %mul3A_1235 : i32
      %add3A_1237 = arith.constant 0 : i32
      %add3A_1238 = arith.addi %mul3A_1236, %add3A_1237 : i32
      %dma_wait3A_1239 = arith.constant 0 : i32
      %dma_wait3A_1240 = arith.constant 0 : i32
      %dma_wait3A_1241 = arith.constant 0 : i32
      %dma_wait3A_1242 = arith.constant 0 : i32
      %dma_wait3A_1243 = tpu.memref_slice %arg8[%dma_wait3A_1239, %dma_wait3A_1241, %dma_wait3A_1242] : memref<4x50x128xf32, #tpu.memory_space<vmem>> -> memref<1x50x128xf32, #tpu.memory_space<vmem>>
      %dma_wait3A_1244 = tpu.memref_squeeze %dma_wait3A_1243 : memref<1x50x128xf32, #tpu.memory_space<vmem>> -> memref<50x128xf32, #tpu.memory_space<vmem>>
      %dma_wait3A_1245 = arith.constant 0 : i32
      %dma_wait3A_1246 = arith.constant 0 : i32
      %dma_wait3A_1247 = tpu.memref_slice %arg6[%scan3A_931, %dma_wait3A_1245, %dma_wait3A_1246] : memref<2x40x50xi32, #tpu.memory_space<vmem>> -> memref<1x40x50xi32, #tpu.memory_space<vmem>>
      %dma_wait3A_1248 = tpu.memref_squeeze %dma_wait3A_1247 : memref<1x40x50xi32, #tpu.memory_space<vmem>> -> memref<40x50xi32, #tpu.memory_space<vmem>>
      %dma_wait3A_1249 = arith.constant 0 : i32
      %dma_wait3A_1250 = tpu.memref_slice %dma_wait3A_1248[%add3A_1238, %dma_wait3A_1249] : memref<40x50xi32, #tpu.memory_space<vmem>> -> memref<1x50xi32, #tpu.memory_space<vmem>>
      %dma_wait3A_1251 = tpu.memref_squeeze %dma_wait3A_1250 : memref<1x50xi32, #tpu.memory_space<vmem>> -> memref<50xi32, #tpu.memory_space<vmem>>
      %dma_wait3A_1252 = arith.constant 0 : i32
      %dma_wait3A_1253 = arith.constant 0 : i32
      %dma_wait3A_1254 = tpu.memref_slice %arg2[%dma_wait3A_1252, %dma_wait3A_1253] : memref<10000x128xf32, #tpu.memory_space<hbm>> -> memref<10000x128xf32, #tpu.memory_space<hbm>>
      %dma_wait3A_1255 = tpu.memref_slice %arg10[%dma_wait3A_1240] : memref<4x!tpu.dma_semaphore, #tpu.memory_space<semaphore_mem>> -> memref<1x!tpu.dma_semaphore, #tpu.memory_space<semaphore_mem>>
      %dma_wait3A_1256 = tpu.memref_squeeze %dma_wait3A_1255 : memref<1x!tpu.dma_semaphore, #tpu.memory_space<semaphore_mem>> -> memref<!tpu.dma_semaphore, #tpu.memory_space<semaphore_mem>>
      tpu.wait_indirect_dma semaphore(%dma_wait3A_1256 : memref<!tpu.dma_semaphore, #tpu.memory_space<semaphore_mem>>) src(%dma_wait3A_1254 : memref<10000x128xf32, #tpu.memory_space<hbm>>) dst(%dma_wait3A_1244 : memref<50x128xf32, #tpu.memory_space<vmem>>)
      %add3A_1257 = arith.constant 0 : i32
      %add3A_1258 = arith.addi %mul3A_1236, %add3A_1257 : i32
      %dma_start3A_1259 = arith.constant 0 : i32
      %dma_start3A_1260 = arith.constant 0 : i32
      %dma_start3A_1261 = arith.constant 0 : i32
      %dma_start3A_1262 = arith.constant 0 : i32
      %dma_start3A_1263 = tpu.memref_slice %arg8[%dma_start3A_1259, %dma_start3A_1261, %dma_start3A_1262] : memref<4x50x128xf32, #tpu.memory_space<vmem>> -> memref<1x50x128xf32, #tpu.memory_space<vmem>>
      %dma_start3A_1264 = tpu.memref_squeeze %dma_start3A_1263 : memref<1x50x128xf32, #tpu.memory_space<vmem>> -> memref<50x128xf32, #tpu.memory_space<vmem>>
      %dma_start3A_1265 = arith.constant 0 : i32
      %dma_start3A_1266 = arith.constant 0 : i32
      %dma_start3A_1267 = tpu.memref_slice %arg7[%scan3A_932, %dma_start3A_1265, %dma_start3A_1266] : memref<2x40x50xi32, #tpu.memory_space<vmem>> -> memref<1x40x50xi32, #tpu.memory_space<vmem>>
      %dma_start3A_1268 = tpu.memref_squeeze %dma_start3A_1267 : memref<1x40x50xi32, #tpu.memory_space<vmem>> -> memref<40x50xi32, #tpu.memory_space<vmem>>
      %dma_start3A_1269 = arith.constant 0 : i32
      %dma_start3A_1270 = tpu.memref_slice %dma_start3A_1268[%add3A_1258, %dma_start3A_1269] : memref<40x50xi32, #tpu.memory_space<vmem>> -> memref<1x50xi32, #tpu.memory_space<vmem>>
      %dma_start3A_1271 = tpu.memref_squeeze %dma_start3A_1270 : memref<1x50xi32, #tpu.memory_space<vmem>> -> memref<50xi32, #tpu.memory_space<vmem>>
      %dma_start3A_1272 = arith.constant 0 : i32
      %dma_start3A_1273 = arith.constant 0 : i32
      %dma_start3A_1274 = tpu.memref_slice %arg9[%dma_start3A_1272, %dma_start3A_1273] : memref<10000x128xf32, #tpu.memory_space<vmem_shared>> -> memref<10000x128xf32, #tpu.memory_space<vmem_shared>>
      %dma_start3A_1275 = tpu.memref_slice %arg11[%dma_start3A_1260] : memref<4x!tpu.dma_semaphore, #tpu.memory_space<semaphore_mem>> -> memref<1x!tpu.dma_semaphore, #tpu.memory_space<semaphore_mem>>
      %dma_start3A_1276 = tpu.memref_squeeze %dma_start3A_1275 : memref<1x!tpu.dma_semaphore, #tpu.memory_space<semaphore_mem>> -> memref<!tpu.dma_semaphore, #tpu.memory_space<semaphore_mem>>
      tpu.enqueue_indirect_dma source(%dma_start3A_1264 : memref<50x128xf32, #tpu.memory_space<vmem>>) target(%dma_start3A_1274 : memref<10000x128xf32, #tpu.memory_space<vmem_shared>>) offsets(%dma_start3A_1271 : memref<50xi32, #tpu.memory_space<vmem>>) semaphore(%dma_start3A_1276 : memref<!tpu.dma_semaphore, #tpu.memory_space<semaphore_mem>>) {add = true}
      %add3A_1277 = arith.constant 1 : i32
      %add3A_1278 = arith.addi %mul3A_1236, %add3A_1277 : i32
      %dma_wait3A_1279 = arith.constant 1 : i32
      %dma_wait3A_1280 = arith.constant 1 : i32
      %dma_wait3A_1281 = arith.constant 0 : i32
      %dma_wait3A_1282 = arith.constant 0 : i32
      %dma_wait3A_1283 = tpu.memref_slice %arg8[%dma_wait3A_1279, %dma_wait3A_1281, %dma_wait3A_1282] : memref<4x50x128xf32, #tpu.memory_space<vmem>> -> memref<1x50x128xf32, #tpu.memory_space<vmem>>
      %dma_wait3A_1284 = tpu.memref_squeeze %dma_wait3A_1283 : memref<1x50x128xf32, #tpu.memory_space<vmem>> -> memref<50x128xf32, #tpu.memory_space<vmem>>
      %dma_wait3A_1285 = arith.constant 0 : i32
      %dma_wait3A_1286 = arith.constant 0 : i32
      %dma_wait3A_1287 = tpu.memref_slice %arg6[%scan3A_931, %dma_wait3A_1285, %dma_wait3A_1286] : memref<2x40x50xi32, #tpu.memory_space<vmem>> -> memref<1x40x50xi32, #tpu.memory_space<vmem>>
      %dma_wait3A_1288 = tpu.memref_squeeze %dma_wait3A_1287 : memref<1x40x50xi32, #tpu.memory_space<vmem>> -> memref<40x50xi32, #tpu.memory_space<vmem>>
      %dma_wait3A_1289 = arith.constant 0 : i32
      %dma_wait3A_1290 = tpu.memref_slice %dma_wait3A_1288[%add3A_1278, %dma_wait3A_1289] : memref<40x50xi32, #tpu.memory_space<vmem>> -> memref<1x50xi32, #tpu.memory_space<vmem>>
      %dma_wait3A_1291 = tpu.memref_squeeze %dma_wait3A_1290 : memref<1x50xi32, #tpu.memory_space<vmem>> -> memref<50xi32, #tpu.memory_space<vmem>>
      %dma_wait3A_1292 = arith.constant 0 : i32
      %dma_wait3A_1293 = arith.constant 0 : i32
      %dma_wait3A_1294 = tpu.memref_slice %arg2[%dma_wait3A_1292, %dma_wait3A_1293] : memref<10000x128xf32, #tpu.memory_space<hbm>> -> memref<10000x128xf32, #tpu.memory_space<hbm>>
      %dma_wait3A_1295 = tpu.memref_slice %arg10[%dma_wait3A_1280] : memref<4x!tpu.dma_semaphore, #tpu.memory_space<semaphore_mem>> -> memref<1x!tpu.dma_semaphore, #tpu.memory_space<semaphore_mem>>
      %dma_wait3A_1296 = tpu.memref_squeeze %dma_wait3A_1295 : memref<1x!tpu.dma_semaphore, #tpu.memory_space<semaphore_mem>> -> memref<!tpu.dma_semaphore, #tpu.memory_space<semaphore_mem>>
      tpu.wait_indirect_dma semaphore(%dma_wait3A_1296 : memref<!tpu.dma_semaphore, #tpu.memory_space<semaphore_mem>>) src(%dma_wait3A_1294 : memref<10000x128xf32, #tpu.memory_space<hbm>>) dst(%dma_wait3A_1284 : memref<50x128xf32, #tpu.memory_space<vmem>>)
      %add3A_1297 = arith.constant 1 : i32
      %add3A_1298 = arith.addi %mul3A_1236, %add3A_1297 : i32
      %dma_start3A_1299 = arith.constant 1 : i32
      %dma_start3A_1300 = arith.constant 1 : i32
      %dma_start3A_1301 = arith.constant 0 : i32
      %dma_start3A_1302 = arith.constant 0 : i32
      %dma_start3A_1303 = tpu.memref_slice %arg8[%dma_start3A_1299, %dma_start3A_1301, %dma_start3A_1302] : memref<4x50x128xf32, #tpu.memory_space<vmem>> -> memref<1x50x128xf32, #tpu.memory_space<vmem>>
      %dma_start3A_1304 = tpu.memref_squeeze %dma_start3A_1303 : memref<1x50x128xf32, #tpu.memory_space<vmem>> -> memref<50x128xf32, #tpu.memory_space<vmem>>
      %dma_start3A_1305 = arith.constant 0 : i32
      %dma_start3A_1306 = arith.constant 0 : i32
      %dma_start3A_1307 = tpu.memref_slice %arg7[%scan3A_932, %dma_start3A_1305, %dma_start3A_1306] : memref<2x40x50xi32, #tpu.memory_space<vmem>> -> memref<1x40x50xi32, #tpu.memory_space<vmem>>
      %dma_start3A_1308 = tpu.memref_squeeze %dma_start3A_1307 : memref<1x40x50xi32, #tpu.memory_space<vmem>> -> memref<40x50xi32, #tpu.memory_space<vmem>>
      %dma_start3A_1309 = arith.constant 0 : i32
      %dma_start3A_1310 = tpu.memref_slice %dma_start3A_1308[%add3A_1298, %dma_start3A_1309] : memref<40x50xi32, #tpu.memory_space<vmem>> -> memref<1x50xi32, #tpu.memory_space<vmem>>
      %dma_start3A_1311 = tpu.memref_squeeze %dma_start3A_1310 : memref<1x50xi32, #tpu.memory_space<vmem>> -> memref<50xi32, #tpu.memory_space<vmem>>
      %dma_start3A_1312 = arith.constant 0 : i32
      %dma_start3A_1313 = arith.constant 0 : i32
      %dma_start3A_1314 = tpu.memref_slice %arg9[%dma_start3A_1312, %dma_start3A_1313] : memref<10000x128xf32, #tpu.memory_space<vmem_shared>> -> memref<10000x128xf32, #tpu.memory_space<vmem_shared>>
      %dma_start3A_1315 = tpu.memref_slice %arg11[%dma_start3A_1300] : memref<4x!tpu.dma_semaphore, #tpu.memory_space<semaphore_mem>> -> memref<1x!tpu.dma_semaphore, #tpu.memory_space<semaphore_mem>>
      %dma_start3A_1316 = tpu.memref_squeeze %dma_start3A_1315 : memref<1x!tpu.dma_semaphore, #tpu.memory_space<semaphore_mem>> -> memref<!tpu.dma_semaphore, #tpu.memory_space<semaphore_mem>>
      tpu.enqueue_indirect_dma source(%dma_start3A_1304 : memref<50x128xf32, #tpu.memory_space<vmem>>) target(%dma_start3A_1314 : memref<10000x128xf32, #tpu.memory_space<vmem_shared>>) offsets(%dma_start3A_1311 : memref<50xi32, #tpu.memory_space<vmem>>) semaphore(%dma_start3A_1316 : memref<!tpu.dma_semaphore, #tpu.memory_space<semaphore_mem>>) {add = true}
      %add3A_1317 = arith.constant 2 : i32
      %add3A_1318 = arith.addi %mul3A_1236, %add3A_1317 : i32
      %dma_wait3A_1319 = arith.constant 2 : i32
      %dma_wait3A_1320 = arith.constant 2 : i32
      %dma_wait3A_1321 = arith.constant 0 : i32
      %dma_wait3A_1322 = arith.constant 0 : i32
      %dma_wait3A_1323 = tpu.memref_slice %arg8[%dma_wait3A_1319, %dma_wait3A_1321, %dma_wait3A_1322] : memref<4x50x128xf32, #tpu.memory_space<vmem>> -> memref<1x50x128xf32, #tpu.memory_space<vmem>>
      %dma_wait3A_1324 = tpu.memref_squeeze %dma_wait3A_1323 : memref<1x50x128xf32, #tpu.memory_space<vmem>> -> memref<50x128xf32, #tpu.memory_space<vmem>>
      %dma_wait3A_1325 = arith.constant 0 : i32
      %dma_wait3A_1326 = arith.constant 0 : i32
      %dma_wait3A_1327 = tpu.memref_slice %arg6[%scan3A_931, %dma_wait3A_1325, %dma_wait3A_1326] : memref<2x40x50xi32, #tpu.memory_space<vmem>> -> memref<1x40x50xi32, #tpu.memory_space<vmem>>
      %dma_wait3A_1328 = tpu.memref_squeeze %dma_wait3A_1327 : memref<1x40x50xi32, #tpu.memory_space<vmem>> -> memref<40x50xi32, #tpu.memory_space<vmem>>
      %dma_wait3A_1329 = arith.constant 0 : i32
      %dma_wait3A_1330 = tpu.memref_slice %dma_wait3A_1328[%add3A_1318, %dma_wait3A_1329] : memref<40x50xi32, #tpu.memory_space<vmem>> -> memref<1x50xi32, #tpu.memory_space<vmem>>
      %dma_wait3A_1331 = tpu.memref_squeeze %dma_wait3A_1330 : memref<1x50xi32, #tpu.memory_space<vmem>> -> memref<50xi32, #tpu.memory_space<vmem>>
      %dma_wait3A_1332 = arith.constant 0 : i32
      %dma_wait3A_1333 = arith.constant 0 : i32
      %dma_wait3A_1334 = tpu.memref_slice %arg2[%dma_wait3A_1332, %dma_wait3A_1333] : memref<10000x128xf32, #tpu.memory_space<hbm>> -> memref<10000x128xf32, #tpu.memory_space<hbm>>
      %dma_wait3A_1335 = tpu.memref_slice %arg10[%dma_wait3A_1320] : memref<4x!tpu.dma_semaphore, #tpu.memory_space<semaphore_mem>> -> memref<1x!tpu.dma_semaphore, #tpu.memory_space<semaphore_mem>>
      %dma_wait3A_1336 = tpu.memref_squeeze %dma_wait3A_1335 : memref<1x!tpu.dma_semaphore, #tpu.memory_space<semaphore_mem>> -> memref<!tpu.dma_semaphore, #tpu.memory_space<semaphore_mem>>
      tpu.wait_indirect_dma semaphore(%dma_wait3A_1336 : memref<!tpu.dma_semaphore, #tpu.memory_space<semaphore_mem>>) src(%dma_wait3A_1334 : memref<10000x128xf32, #tpu.memory_space<hbm>>) dst(%dma_wait3A_1324 : memref<50x128xf32, #tpu.memory_space<vmem>>)
      %add3A_1337 = arith.constant 2 : i32
      %add3A_1338 = arith.addi %mul3A_1236, %add3A_1337 : i32
      %dma_start3A_1339 = arith.constant 2 : i32
      %dma_start3A_1340 = arith.constant 2 : i32
      %dma_start3A_1341 = arith.constant 0 : i32
      %dma_start3A_1342 = arith.constant 0 : i32
      %dma_start3A_1343 = tpu.memref_slice %arg8[%dma_start3A_1339, %dma_start3A_1341, %dma_start3A_1342] : memref<4x50x128xf32, #tpu.memory_space<vmem>> -> memref<1x50x128xf32, #tpu.memory_space<vmem>>
      %dma_start3A_1344 = tpu.memref_squeeze %dma_start3A_1343 : memref<1x50x128xf32, #tpu.memory_space<vmem>> -> memref<50x128xf32, #tpu.memory_space<vmem>>
      %dma_start3A_1345 = arith.constant 0 : i32
      %dma_start3A_1346 = arith.constant 0 : i32
      %dma_start3A_1347 = tpu.memref_slice %arg7[%scan3A_932, %dma_start3A_1345, %dma_start3A_1346] : memref<2x40x50xi32, #tpu.memory_space<vmem>> -> memref<1x40x50xi32, #tpu.memory_space<vmem>>
      %dma_start3A_1348 = tpu.memref_squeeze %dma_start3A_1347 : memref<1x40x50xi32, #tpu.memory_space<vmem>> -> memref<40x50xi32, #tpu.memory_space<vmem>>
      %dma_start3A_1349 = arith.constant 0 : i32
      %dma_start3A_1350 = tpu.memref_slice %dma_start3A_1348[%add3A_1338, %dma_start3A_1349] : memref<40x50xi32, #tpu.memory_space<vmem>> -> memref<1x50xi32, #tpu.memory_space<vmem>>
      %dma_start3A_1351 = tpu.memref_squeeze %dma_start3A_1350 : memref<1x50xi32, #tpu.memory_space<vmem>> -> memref<50xi32, #tpu.memory_space<vmem>>
      %dma_start3A_1352 = arith.constant 0 : i32
      %dma_start3A_1353 = arith.constant 0 : i32
      %dma_start3A_1354 = tpu.memref_slice %arg9[%dma_start3A_1352, %dma_start3A_1353] : memref<10000x128xf32, #tpu.memory_space<vmem_shared>> -> memref<10000x128xf32, #tpu.memory_space<vmem_shared>>
      %dma_start3A_1355 = tpu.memref_slice %arg11[%dma_start3A_1340] : memref<4x!tpu.dma_semaphore, #tpu.memory_space<semaphore_mem>> -> memref<1x!tpu.dma_semaphore, #tpu.memory_space<semaphore_mem>>
      %dma_start3A_1356 = tpu.memref_squeeze %dma_start3A_1355 : memref<1x!tpu.dma_semaphore, #tpu.memory_space<semaphore_mem>> -> memref<!tpu.dma_semaphore, #tpu.memory_space<semaphore_mem>>
      tpu.enqueue_indirect_dma source(%dma_start3A_1344 : memref<50x128xf32, #tpu.memory_space<vmem>>) target(%dma_start3A_1354 : memref<10000x128xf32, #tpu.memory_space<vmem_shared>>) offsets(%dma_start3A_1351 : memref<50xi32, #tpu.memory_space<vmem>>) semaphore(%dma_start3A_1356 : memref<!tpu.dma_semaphore, #tpu.memory_space<semaphore_mem>>) {add = true}
      %add3A_1357 = arith.constant 3 : i32
      %add3A_1358 = arith.addi %mul3A_1236, %add3A_1357 : i32
      %dma_wait3A_1359 = arith.constant 3 : i32
      %dma_wait3A_1360 = arith.constant 3 : i32
      %dma_wait3A_1361 = arith.constant 0 : i32
      %dma_wait3A_1362 = arith.constant 0 : i32
      %dma_wait3A_1363 = tpu.memref_slice %arg8[%dma_wait3A_1359, %dma_wait3A_1361, %dma_wait3A_1362] : memref<4x50x128xf32, #tpu.memory_space<vmem>> -> memref<1x50x128xf32, #tpu.memory_space<vmem>>
      %dma_wait3A_1364 = tpu.memref_squeeze %dma_wait3A_1363 : memref<1x50x128xf32, #tpu.memory_space<vmem>> -> memref<50x128xf32, #tpu.memory_space<vmem>>
      %dma_wait3A_1365 = arith.constant 0 : i32
      %dma_wait3A_1366 = arith.constant 0 : i32
      %dma_wait3A_1367 = tpu.memref_slice %arg6[%scan3A_931, %dma_wait3A_1365, %dma_wait3A_1366] : memref<2x40x50xi32, #tpu.memory_space<vmem>> -> memref<1x40x50xi32, #tpu.memory_space<vmem>>
      %dma_wait3A_1368 = tpu.memref_squeeze %dma_wait3A_1367 : memref<1x40x50xi32, #tpu.memory_space<vmem>> -> memref<40x50xi32, #tpu.memory_space<vmem>>
      %dma_wait3A_1369 = arith.constant 0 : i32
      %dma_wait3A_1370 = tpu.memref_slice %dma_wait3A_1368[%add3A_1358, %dma_wait3A_1369] : memref<40x50xi32, #tpu.memory_space<vmem>> -> memref<1x50xi32, #tpu.memory_space<vmem>>
      %dma_wait3A_1371 = tpu.memref_squeeze %dma_wait3A_1370 : memref<1x50xi32, #tpu.memory_space<vmem>> -> memref<50xi32, #tpu.memory_space<vmem>>
      %dma_wait3A_1372 = arith.constant 0 : i32
      %dma_wait3A_1373 = arith.constant 0 : i32
      %dma_wait3A_1374 = tpu.memref_slice %arg2[%dma_wait3A_1372, %dma_wait3A_1373] : memref<10000x128xf32, #tpu.memory_space<hbm>> -> memref<10000x128xf32, #tpu.memory_space<hbm>>
      %dma_wait3A_1375 = tpu.memref_slice %arg10[%dma_wait3A_1360] : memref<4x!tpu.dma_semaphore, #tpu.memory_space<semaphore_mem>> -> memref<1x!tpu.dma_semaphore, #tpu.memory_space<semaphore_mem>>
      %dma_wait3A_1376 = tpu.memref_squeeze %dma_wait3A_1375 : memref<1x!tpu.dma_semaphore, #tpu.memory_space<semaphore_mem>> -> memref<!tpu.dma_semaphore, #tpu.memory_space<semaphore_mem>>
      tpu.wait_indirect_dma semaphore(%dma_wait3A_1376 : memref<!tpu.dma_semaphore, #tpu.memory_space<semaphore_mem>>) src(%dma_wait3A_1374 : memref<10000x128xf32, #tpu.memory_space<hbm>>) dst(%dma_wait3A_1364 : memref<50x128xf32, #tpu.memory_space<vmem>>)
      %add3A_1377 = arith.constant 3 : i32
      %add3A_1378 = arith.addi %mul3A_1236, %add3A_1377 : i32
      %dma_start3A_1379 = arith.constant 3 : i32
      %dma_start3A_1380 = arith.constant 3 : i32
      %dma_start3A_1381 = arith.constant 0 : i32
      %dma_start3A_1382 = arith.constant 0 : i32
      %dma_start3A_1383 = tpu.memref_slice %arg8[%dma_start3A_1379, %dma_start3A_1381, %dma_start3A_1382] : memref<4x50x128xf32, #tpu.memory_space<vmem>> -> memref<1x50x128xf32, #tpu.memory_space<vmem>>
      %dma_start3A_1384 = tpu.memref_squeeze %dma_start3A_1383 : memref<1x50x128xf32, #tpu.memory_space<vmem>> -> memref<50x128xf32, #tpu.memory_space<vmem>>
      %dma_start3A_1385 = arith.constant 0 : i32
      %dma_start3A_1386 = arith.constant 0 : i32
      %dma_start3A_1387 = tpu.memref_slice %arg7[%scan3A_932, %dma_start3A_1385, %dma_start3A_1386] : memref<2x40x50xi32, #tpu.memory_space<vmem>> -> memref<1x40x50xi32, #tpu.memory_space<vmem>>
      %dma_start3A_1388 = tpu.memref_squeeze %dma_start3A_1387 : memref<1x40x50xi32, #tpu.memory_space<vmem>> -> memref<40x50xi32, #tpu.memory_space<vmem>>
      %dma_start3A_1389 = arith.constant 0 : i32
      %dma_start3A_1390 = tpu.memref_slice %dma_start3A_1388[%add3A_1378, %dma_start3A_1389] : memref<40x50xi32, #tpu.memory_space<vmem>> -> memref<1x50xi32, #tpu.memory_space<vmem>>
      %dma_start3A_1391 = tpu.memref_squeeze %dma_start3A_1390 : memref<1x50xi32, #tpu.memory_space<vmem>> -> memref<50xi32, #tpu.memory_space<vmem>>
      %dma_start3A_1392 = arith.constant 0 : i32
      %dma_start3A_1393 = arith.constant 0 : i32
      %dma_start3A_1394 = tpu.memref_slice %arg9[%dma_start3A_1392, %dma_start3A_1393] : memref<10000x128xf32, #tpu.memory_space<vmem_shared>> -> memref<10000x128xf32, #tpu.memory_space<vmem_shared>>
      %dma_start3A_1395 = tpu.memref_slice %arg11[%dma_start3A_1380] : memref<4x!tpu.dma_semaphore, #tpu.memory_space<semaphore_mem>> -> memref<1x!tpu.dma_semaphore, #tpu.memory_space<semaphore_mem>>
      %dma_start3A_1396 = tpu.memref_squeeze %dma_start3A_1395 : memref<1x!tpu.dma_semaphore, #tpu.memory_space<semaphore_mem>> -> memref<!tpu.dma_semaphore, #tpu.memory_space<semaphore_mem>>
      tpu.enqueue_indirect_dma source(%dma_start3A_1384 : memref<50x128xf32, #tpu.memory_space<vmem>>) target(%dma_start3A_1394 : memref<10000x128xf32, #tpu.memory_space<vmem_shared>>) offsets(%dma_start3A_1391 : memref<50xi32, #tpu.memory_space<vmem>>) semaphore(%dma_start3A_1396 : memref<!tpu.dma_semaphore, #tpu.memory_space<semaphore_mem>>) {add = true}
      %lt3A = arith.constant 9 : i32
      %lt3A_1397 = arith.cmpi slt, %scan3A_1234, %lt3A : i32
      %convert_element_type3A_1398 = arith.extui %lt3A_1397 : i1 to i32
      %cond3A_1399 = arith.constant 0 : i32
      %cond3A_1400 = arith.cmpi ne, %convert_element_type3A_1398, %cond3A_1399 : i32
      scf.if %cond3A_1400 {
        %add3A_1401 = arith.constant 0 : i32
        %add3A_1402 = arith.addi %mul3A_1236, %add3A_1401 : i32
        %dma_wait3A_1403 = arith.constant 0 : i32
        %dma_wait3A_1404 = arith.constant 0 : i32
        %dma_wait3A_1405 = arith.constant 0 : i32
        %dma_wait3A_1406 = arith.constant 0 : i32
        %dma_wait3A_1407 = tpu.memref_slice %arg8[%dma_wait3A_1403, %dma_wait3A_1405, %dma_wait3A_1406] : memref<4x50x128xf32, #tpu.memory_space<vmem>> -> memref<1x50x128xf32, #tpu.memory_space<vmem>>
        %dma_wait3A_1408 = tpu.memref_squeeze %dma_wait3A_1407 : memref<1x50x128xf32, #tpu.memory_space<vmem>> -> memref<50x128xf32, #tpu.memory_space<vmem>>
        %dma_wait3A_1409 = arith.constant 0 : i32
        %dma_wait3A_1410 = arith.constant 0 : i32
        %dma_wait3A_1411 = tpu.memref_slice %arg7[%scan3A_932, %dma_wait3A_1409, %dma_wait3A_1410] : memref<2x40x50xi32, #tpu.memory_space<vmem>> -> memref<1x40x50xi32, #tpu.memory_space<vmem>>
        %dma_wait3A_1412 = tpu.memref_squeeze %dma_wait3A_1411 : memref<1x40x50xi32, #tpu.memory_space<vmem>> -> memref<40x50xi32, #tpu.memory_space<vmem>>
        %dma_wait3A_1413 = arith.constant 0 : i32
        %dma_wait3A_1414 = tpu.memref_slice %dma_wait3A_1412[%add3A_1402, %dma_wait3A_1413] : memref<40x50xi32, #tpu.memory_space<vmem>> -> memref<1x50xi32, #tpu.memory_space<vmem>>
        %dma_wait3A_1415 = tpu.memref_squeeze %dma_wait3A_1414 : memref<1x50xi32, #tpu.memory_space<vmem>> -> memref<50xi32, #tpu.memory_space<vmem>>
        %dma_wait3A_1416 = arith.constant 0 : i32
        %dma_wait3A_1417 = arith.constant 0 : i32
        %dma_wait3A_1418 = tpu.memref_slice %arg9[%dma_wait3A_1416, %dma_wait3A_1417] : memref<10000x128xf32, #tpu.memory_space<vmem_shared>> -> memref<10000x128xf32, #tpu.memory_space<vmem_shared>>
        %dma_wait3A_1419 = tpu.memref_slice %arg11[%dma_wait3A_1404] : memref<4x!tpu.dma_semaphore, #tpu.memory_space<semaphore_mem>> -> memref<1x!tpu.dma_semaphore, #tpu.memory_space<semaphore_mem>>
        %dma_wait3A_1420 = tpu.memref_squeeze %dma_wait3A_1419 : memref<1x!tpu.dma_semaphore, #tpu.memory_space<semaphore_mem>> -> memref<!tpu.dma_semaphore, #tpu.memory_space<semaphore_mem>>
        tpu.wait_indirect_dma semaphore(%dma_wait3A_1420 : memref<!tpu.dma_semaphore, #tpu.memory_space<semaphore_mem>>) src(%dma_wait3A_1408 : memref<50x128xf32, #tpu.memory_space<vmem>>) dst(%dma_wait3A_1418 : memref<10000x128xf32, #tpu.memory_space<vmem_shared>>)
        %add3A_1421 = arith.constant 4 : i32
        %add3A_1422 = arith.addi %mul3A_1236, %add3A_1421 : i32
        %add3A_1423 = arith.constant 0 : i32
        %add3A_1424 = arith.addi %add3A_1422, %add3A_1423 : i32
        %dma_start3A_1425 = arith.constant 0 : i32
        %dma_start3A_1426 = arith.constant 0 : i32
        %dma_start3A_1427 = arith.constant 0 : i32
        %dma_start3A_1428 = arith.constant 0 : i32
        %dma_start3A_1429 = tpu.memref_slice %arg8[%dma_start3A_1425, %dma_start3A_1427, %dma_start3A_1428] : memref<4x50x128xf32, #tpu.memory_space<vmem>> -> memref<1x50x128xf32, #tpu.memory_space<vmem>>
        %dma_start3A_1430 = tpu.memref_squeeze %dma_start3A_1429 : memref<1x50x128xf32, #tpu.memory_space<vmem>> -> memref<50x128xf32, #tpu.memory_space<vmem>>
        %dma_start3A_1431 = arith.constant 0 : i32
        %dma_start3A_1432 = arith.constant 0 : i32
        %dma_start3A_1433 = tpu.memref_slice %arg6[%scan3A_931, %dma_start3A_1431, %dma_start3A_1432] : memref<2x40x50xi32, #tpu.memory_space<vmem>> -> memref<1x40x50xi32, #tpu.memory_space<vmem>>
        %dma_start3A_1434 = tpu.memref_squeeze %dma_start3A_1433 : memref<1x40x50xi32, #tpu.memory_space<vmem>> -> memref<40x50xi32, #tpu.memory_space<vmem>>
        %dma_start3A_1435 = arith.constant 0 : i32
        %dma_start3A_1436 = tpu.memref_slice %dma_start3A_1434[%add3A_1424, %dma_start3A_1435] : memref<40x50xi32, #tpu.memory_space<vmem>> -> memref<1x50xi32, #tpu.memory_space<vmem>>
        %dma_start3A_1437 = tpu.memref_squeeze %dma_start3A_1436 : memref<1x50xi32, #tpu.memory_space<vmem>> -> memref<50xi32, #tpu.memory_space<vmem>>
        %dma_start3A_1438 = arith.constant 0 : i32
        %dma_start3A_1439 = arith.constant 0 : i32
        %dma_start3A_1440 = tpu.memref_slice %arg2[%dma_start3A_1438, %dma_start3A_1439] : memref<10000x128xf32, #tpu.memory_space<hbm>> -> memref<10000x128xf32, #tpu.memory_space<hbm>>
        %dma_start3A_1441 = tpu.memref_slice %arg10[%dma_start3A_1426] : memref<4x!tpu.dma_semaphore, #tpu.memory_space<semaphore_mem>> -> memref<1x!tpu.dma_semaphore, #tpu.memory_space<semaphore_mem>>
        %dma_start3A_1442 = tpu.memref_squeeze %dma_start3A_1441 : memref<1x!tpu.dma_semaphore, #tpu.memory_space<semaphore_mem>> -> memref<!tpu.dma_semaphore, #tpu.memory_space<semaphore_mem>>
        tpu.enqueue_indirect_dma source(%dma_start3A_1440 : memref<10000x128xf32, #tpu.memory_space<hbm>>) target(%dma_start3A_1430 : memref<50x128xf32, #tpu.memory_space<vmem>>) offsets(%dma_start3A_1437 : memref<50xi32, #tpu.memory_space<vmem>>) semaphore(%dma_start3A_1442 : memref<!tpu.dma_semaphore, #tpu.memory_space<semaphore_mem>>)
        %add3A_1443 = arith.constant 1 : i32
        %add3A_1444 = arith.addi %mul3A_1236, %add3A_1443 : i32
        %dma_wait3A_1445 = arith.constant 1 : i32
        %dma_wait3A_1446 = arith.constant 1 : i32
        %dma_wait3A_1447 = arith.constant 0 : i32
        %dma_wait3A_1448 = arith.constant 0 : i32
        %dma_wait3A_1449 = tpu.memref_slice %arg8[%dma_wait3A_1445, %dma_wait3A_1447, %dma_wait3A_1448] : memref<4x50x128xf32, #tpu.memory_space<vmem>> -> memref<1x50x128xf32, #tpu.memory_space<vmem>>
        %dma_wait3A_1450 = tpu.memref_squeeze %dma_wait3A_1449 : memref<1x50x128xf32, #tpu.memory_space<vmem>> -> memref<50x128xf32, #tpu.memory_space<vmem>>
        %dma_wait3A_1451 = arith.constant 0 : i32
        %dma_wait3A_1452 = arith.constant 0 : i32
        %dma_wait3A_1453 = tpu.memref_slice %arg7[%scan3A_932, %dma_wait3A_1451, %dma_wait3A_1452] : memref<2x40x50xi32, #tpu.memory_space<vmem>> -> memref<1x40x50xi32, #tpu.memory_space<vmem>>
        %dma_wait3A_1454 = tpu.memref_squeeze %dma_wait3A_1453 : memref<1x40x50xi32, #tpu.memory_space<vmem>> -> memref<40x50xi32, #tpu.memory_space<vmem>>
        %dma_wait3A_1455 = arith.constant 0 : i32
        %dma_wait3A_1456 = tpu.memref_slice %dma_wait3A_1454[%add3A_1444, %dma_wait3A_1455] : memref<40x50xi32, #tpu.memory_space<vmem>> -> memref<1x50xi32, #tpu.memory_space<vmem>>
        %dma_wait3A_1457 = tpu.memref_squeeze %dma_wait3A_1456 : memref<1x50xi32, #tpu.memory_space<vmem>> -> memref<50xi32, #tpu.memory_space<vmem>>
        %dma_wait3A_1458 = arith.constant 0 : i32
        %dma_wait3A_1459 = arith.constant 0 : i32
        %dma_wait3A_1460 = tpu.memref_slice %arg9[%dma_wait3A_1458, %dma_wait3A_1459] : memref<10000x128xf32, #tpu.memory_space<vmem_shared>> -> memref<10000x128xf32, #tpu.memory_space<vmem_shared>>
        %dma_wait3A_1461 = tpu.memref_slice %arg11[%dma_wait3A_1446] : memref<4x!tpu.dma_semaphore, #tpu.memory_space<semaphore_mem>> -> memref<1x!tpu.dma_semaphore, #tpu.memory_space<semaphore_mem>>
        %dma_wait3A_1462 = tpu.memref_squeeze %dma_wait3A_1461 : memref<1x!tpu.dma_semaphore, #tpu.memory_space<semaphore_mem>> -> memref<!tpu.dma_semaphore, #tpu.memory_space<semaphore_mem>>
        tpu.wait_indirect_dma semaphore(%dma_wait3A_1462 : memref<!tpu.dma_semaphore, #tpu.memory_space<semaphore_mem>>) src(%dma_wait3A_1450 : memref<50x128xf32, #tpu.memory_space<vmem>>) dst(%dma_wait3A_1460 : memref<10000x128xf32, #tpu.memory_space<vmem_shared>>)
        %add3A_1463 = arith.constant 4 : i32
        %add3A_1464 = arith.addi %mul3A_1236, %add3A_1463 : i32
        %add3A_1465 = arith.constant 1 : i32
        %add3A_1466 = arith.addi %add3A_1464, %add3A_1465 : i32
        %dma_start3A_1467 = arith.constant 1 : i32
        %dma_start3A_1468 = arith.constant 1 : i32
        %dma_start3A_1469 = arith.constant 0 : i32
        %dma_start3A_1470 = arith.constant 0 : i32
        %dma_start3A_1471 = tpu.memref_slice %arg8[%dma_start3A_1467, %dma_start3A_1469, %dma_start3A_1470] : memref<4x50x128xf32, #tpu.memory_space<vmem>> -> memref<1x50x128xf32, #tpu.memory_space<vmem>>
        %dma_start3A_1472 = tpu.memref_squeeze %dma_start3A_1471 : memref<1x50x128xf32, #tpu.memory_space<vmem>> -> memref<50x128xf32, #tpu.memory_space<vmem>>
        %dma_start3A_1473 = arith.constant 0 : i32
        %dma_start3A_1474 = arith.constant 0 : i32
        %dma_start3A_1475 = tpu.memref_slice %arg6[%scan3A_931, %dma_start3A_1473, %dma_start3A_1474] : memref<2x40x50xi32, #tpu.memory_space<vmem>> -> memref<1x40x50xi32, #tpu.memory_space<vmem>>
        %dma_start3A_1476 = tpu.memref_squeeze %dma_start3A_1475 : memref<1x40x50xi32, #tpu.memory_space<vmem>> -> memref<40x50xi32, #tpu.memory_space<vmem>>
        %dma_start3A_1477 = arith.constant 0 : i32
        %dma_start3A_1478 = tpu.memref_slice %dma_start3A_1476[%add3A_1466, %dma_start3A_1477] : memref<40x50xi32, #tpu.memory_space<vmem>> -> memref<1x50xi32, #tpu.memory_space<vmem>>
        %dma_start3A_1479 = tpu.memref_squeeze %dma_start3A_1478 : memref<1x50xi32, #tpu.memory_space<vmem>> -> memref<50xi32, #tpu.memory_space<vmem>>
        %dma_start3A_1480 = arith.constant 0 : i32
        %dma_start3A_1481 = arith.constant 0 : i32
        %dma_start3A_1482 = tpu.memref_slice %arg2[%dma_start3A_1480, %dma_start3A_1481] : memref<10000x128xf32, #tpu.memory_space<hbm>> -> memref<10000x128xf32, #tpu.memory_space<hbm>>
        %dma_start3A_1483 = tpu.memref_slice %arg10[%dma_start3A_1468] : memref<4x!tpu.dma_semaphore, #tpu.memory_space<semaphore_mem>> -> memref<1x!tpu.dma_semaphore, #tpu.memory_space<semaphore_mem>>
        %dma_start3A_1484 = tpu.memref_squeeze %dma_start3A_1483 : memref<1x!tpu.dma_semaphore, #tpu.memory_space<semaphore_mem>> -> memref<!tpu.dma_semaphore, #tpu.memory_space<semaphore_mem>>
        tpu.enqueue_indirect_dma source(%dma_start3A_1482 : memref<10000x128xf32, #tpu.memory_space<hbm>>) target(%dma_start3A_1472 : memref<50x128xf32, #tpu.memory_space<vmem>>) offsets(%dma_start3A_1479 : memref<50xi32, #tpu.memory_space<vmem>>) semaphore(%dma_start3A_1484 : memref<!tpu.dma_semaphore, #tpu.memory_space<semaphore_mem>>)
        %add3A_1485 = arith.constant 2 : i32
        %add3A_1486 = arith.addi %mul3A_1236, %add3A_1485 : i32
        %dma_wait3A_1487 = arith.constant 2 : i32
        %dma_wait3A_1488 = arith.constant 2 : i32
        %dma_wait3A_1489 = arith.constant 0 : i32
        %dma_wait3A_1490 = arith.constant 0 : i32
        %dma_wait3A_1491 = tpu.memref_slice %arg8[%dma_wait3A_1487, %dma_wait3A_1489, %dma_wait3A_1490] : memref<4x50x128xf32, #tpu.memory_space<vmem>> -> memref<1x50x128xf32, #tpu.memory_space<vmem>>
        %dma_wait3A_1492 = tpu.memref_squeeze %dma_wait3A_1491 : memref<1x50x128xf32, #tpu.memory_space<vmem>> -> memref<50x128xf32, #tpu.memory_space<vmem>>
        %dma_wait3A_1493 = arith.constant 0 : i32
        %dma_wait3A_1494 = arith.constant 0 : i32
        %dma_wait3A_1495 = tpu.memref_slice %arg7[%scan3A_932, %dma_wait3A_1493, %dma_wait3A_1494] : memref<2x40x50xi32, #tpu.memory_space<vmem>> -> memref<1x40x50xi32, #tpu.memory_space<vmem>>
        %dma_wait3A_1496 = tpu.memref_squeeze %dma_wait3A_1495 : memref<1x40x50xi32, #tpu.memory_space<vmem>> -> memref<40x50xi32, #tpu.memory_space<vmem>>
        %dma_wait3A_1497 = arith.constant 0 : i32
        %dma_wait3A_1498 = tpu.memref_slice %dma_wait3A_1496[%add3A_1486, %dma_wait3A_1497] : memref<40x50xi32, #tpu.memory_space<vmem>> -> memref<1x50xi32, #tpu.memory_space<vmem>>
        %dma_wait3A_1499 = tpu.memref_squeeze %dma_wait3A_1498 : memref<1x50xi32, #tpu.memory_space<vmem>> -> memref<50xi32, #tpu.memory_space<vmem>>
        %dma_wait3A_1500 = arith.constant 0 : i32
        %dma_wait3A_1501 = arith.constant 0 : i32
        %dma_wait3A_1502 = tpu.memref_slice %arg9[%dma_wait3A_1500, %dma_wait3A_1501] : memref<10000x128xf32, #tpu.memory_space<vmem_shared>> -> memref<10000x128xf32, #tpu.memory_space<vmem_shared>>
        %dma_wait3A_1503 = tpu.memref_slice %arg11[%dma_wait3A_1488] : memref<4x!tpu.dma_semaphore, #tpu.memory_space<semaphore_mem>> -> memref<1x!tpu.dma_semaphore, #tpu.memory_space<semaphore_mem>>
        %dma_wait3A_1504 = tpu.memref_squeeze %dma_wait3A_1503 : memref<1x!tpu.dma_semaphore, #tpu.memory_space<semaphore_mem>> -> memref<!tpu.dma_semaphore, #tpu.memory_space<semaphore_mem>>
        tpu.wait_indirect_dma semaphore(%dma_wait3A_1504 : memref<!tpu.dma_semaphore, #tpu.memory_space<semaphore_mem>>) src(%dma_wait3A_1492 : memref<50x128xf32, #tpu.memory_space<vmem>>) dst(%dma_wait3A_1502 : memref<10000x128xf32, #tpu.memory_space<vmem_shared>>)
        %add3A_1505 = arith.constant 4 : i32
        %add3A_1506 = arith.addi %mul3A_1236, %add3A_1505 : i32
        %add3A_1507 = arith.constant 2 : i32
        %add3A_1508 = arith.addi %add3A_1506, %add3A_1507 : i32
        %dma_start3A_1509 = arith.constant 2 : i32
        %dma_start3A_1510 = arith.constant 2 : i32
        %dma_start3A_1511 = arith.constant 0 : i32
        %dma_start3A_1512 = arith.constant 0 : i32
        %dma_start3A_1513 = tpu.memref_slice %arg8[%dma_start3A_1509, %dma_start3A_1511, %dma_start3A_1512] : memref<4x50x128xf32, #tpu.memory_space<vmem>> -> memref<1x50x128xf32, #tpu.memory_space<vmem>>
        %dma_start3A_1514 = tpu.memref_squeeze %dma_start3A_1513 : memref<1x50x128xf32, #tpu.memory_space<vmem>> -> memref<50x128xf32, #tpu.memory_space<vmem>>
        %dma_start3A_1515 = arith.constant 0 : i32
        %dma_start3A_1516 = arith.constant 0 : i32
        %dma_start3A_1517 = tpu.memref_slice %arg6[%scan3A_931, %dma_start3A_1515, %dma_start3A_1516] : memref<2x40x50xi32, #tpu.memory_space<vmem>> -> memref<1x40x50xi32, #tpu.memory_space<vmem>>
        %dma_start3A_1518 = tpu.memref_squeeze %dma_start3A_1517 : memref<1x40x50xi32, #tpu.memory_space<vmem>> -> memref<40x50xi32, #tpu.memory_space<vmem>>
        %dma_start3A_1519 = arith.constant 0 : i32
        %dma_start3A_1520 = tpu.memref_slice %dma_start3A_1518[%add3A_1508, %dma_start3A_1519] : memref<40x50xi32, #tpu.memory_space<vmem>> -> memref<1x50xi32, #tpu.memory_space<vmem>>
        %dma_start3A_1521 = tpu.memref_squeeze %dma_start3A_1520 : memref<1x50xi32, #tpu.memory_space<vmem>> -> memref<50xi32, #tpu.memory_space<vmem>>
        %dma_start3A_1522 = arith.constant 0 : i32
        %dma_start3A_1523 = arith.constant 0 : i32
        %dma_start3A_1524 = tpu.memref_slice %arg2[%dma_start3A_1522, %dma_start3A_1523] : memref<10000x128xf32, #tpu.memory_space<hbm>> -> memref<10000x128xf32, #tpu.memory_space<hbm>>
        %dma_start3A_1525 = tpu.memref_slice %arg10[%dma_start3A_1510] : memref<4x!tpu.dma_semaphore, #tpu.memory_space<semaphore_mem>> -> memref<1x!tpu.dma_semaphore, #tpu.memory_space<semaphore_mem>>
        %dma_start3A_1526 = tpu.memref_squeeze %dma_start3A_1525 : memref<1x!tpu.dma_semaphore, #tpu.memory_space<semaphore_mem>> -> memref<!tpu.dma_semaphore, #tpu.memory_space<semaphore_mem>>
        tpu.enqueue_indirect_dma source(%dma_start3A_1524 : memref<10000x128xf32, #tpu.memory_space<hbm>>) target(%dma_start3A_1514 : memref<50x128xf32, #tpu.memory_space<vmem>>) offsets(%dma_start3A_1521 : memref<50xi32, #tpu.memory_space<vmem>>) semaphore(%dma_start3A_1526 : memref<!tpu.dma_semaphore, #tpu.memory_space<semaphore_mem>>)
        %add3A_1527 = arith.constant 3 : i32
        %add3A_1528 = arith.addi %mul3A_1236, %add3A_1527 : i32
        %dma_wait3A_1529 = arith.constant 3 : i32
        %dma_wait3A_1530 = arith.constant 3 : i32
        %dma_wait3A_1531 = arith.constant 0 : i32
        %dma_wait3A_1532 = arith.constant 0 : i32
        %dma_wait3A_1533 = tpu.memref_slice %arg8[%dma_wait3A_1529, %dma_wait3A_1531, %dma_wait3A_1532] : memref<4x50x128xf32, #tpu.memory_space<vmem>> -> memref<1x50x128xf32, #tpu.memory_space<vmem>>
        %dma_wait3A_1534 = tpu.memref_squeeze %dma_wait3A_1533 : memref<1x50x128xf32, #tpu.memory_space<vmem>> -> memref<50x128xf32, #tpu.memory_space<vmem>>
        %dma_wait3A_1535 = arith.constant 0 : i32
        %dma_wait3A_1536 = arith.constant 0 : i32
        %dma_wait3A_1537 = tpu.memref_slice %arg7[%scan3A_932, %dma_wait3A_1535, %dma_wait3A_1536] : memref<2x40x50xi32, #tpu.memory_space<vmem>> -> memref<1x40x50xi32, #tpu.memory_space<vmem>>
        %dma_wait3A_1538 = tpu.memref_squeeze %dma_wait3A_1537 : memref<1x40x50xi32, #tpu.memory_space<vmem>> -> memref<40x50xi32, #tpu.memory_space<vmem>>
        %dma_wait3A_1539 = arith.constant 0 : i32
        %dma_wait3A_1540 = tpu.memref_slice %dma_wait3A_1538[%add3A_1528, %dma_wait3A_1539] : memref<40x50xi32, #tpu.memory_space<vmem>> -> memref<1x50xi32, #tpu.memory_space<vmem>>
        %dma_wait3A_1541 = tpu.memref_squeeze %dma_wait3A_1540 : memref<1x50xi32, #tpu.memory_space<vmem>> -> memref<50xi32, #tpu.memory_space<vmem>>
        %dma_wait3A_1542 = arith.constant 0 : i32
        %dma_wait3A_1543 = arith.constant 0 : i32
        %dma_wait3A_1544 = tpu.memref_slice %arg9[%dma_wait3A_1542, %dma_wait3A_1543] : memref<10000x128xf32, #tpu.memory_space<vmem_shared>> -> memref<10000x128xf32, #tpu.memory_space<vmem_shared>>
        %dma_wait3A_1545 = tpu.memref_slice %arg11[%dma_wait3A_1530] : memref<4x!tpu.dma_semaphore, #tpu.memory_space<semaphore_mem>> -> memref<1x!tpu.dma_semaphore, #tpu.memory_space<semaphore_mem>>
        %dma_wait3A_1546 = tpu.memref_squeeze %dma_wait3A_1545 : memref<1x!tpu.dma_semaphore, #tpu.memory_space<semaphore_mem>> -> memref<!tpu.dma_semaphore, #tpu.memory_space<semaphore_mem>>
        tpu.wait_indirect_dma semaphore(%dma_wait3A_1546 : memref<!tpu.dma_semaphore, #tpu.memory_space<semaphore_mem>>) src(%dma_wait3A_1534 : memref<50x128xf32, #tpu.memory_space<vmem>>) dst(%dma_wait3A_1544 : memref<10000x128xf32, #tpu.memory_space<vmem_shared>>)
        %add3A_1547 = arith.constant 4 : i32
        %add3A_1548 = arith.addi %mul3A_1236, %add3A_1547 : i32
        %add3A_1549 = arith.constant 3 : i32
        %add3A_1550 = arith.addi %add3A_1548, %add3A_1549 : i32
        %dma_start3A_1551 = arith.constant 3 : i32
        %dma_start3A_1552 = arith.constant 3 : i32
        %dma_start3A_1553 = arith.constant 0 : i32
        %dma_start3A_1554 = arith.constant 0 : i32
        %dma_start3A_1555 = tpu.memref_slice %arg8[%dma_start3A_1551, %dma_start3A_1553, %dma_start3A_1554] : memref<4x50x128xf32, #tpu.memory_space<vmem>> -> memref<1x50x128xf32, #tpu.memory_space<vmem>>
        %dma_start3A_1556 = tpu.memref_squeeze %dma_start3A_1555 : memref<1x50x128xf32, #tpu.memory_space<vmem>> -> memref<50x128xf32, #tpu.memory_space<vmem>>
        %dma_start3A_1557 = arith.constant 0 : i32
        %dma_start3A_1558 = arith.constant 0 : i32
        %dma_start3A_1559 = tpu.memref_slice %arg6[%scan3A_931, %dma_start3A_1557, %dma_start3A_1558] : memref<2x40x50xi32, #tpu.memory_space<vmem>> -> memref<1x40x50xi32, #tpu.memory_space<vmem>>
        %dma_start3A_1560 = tpu.memref_squeeze %dma_start3A_1559 : memref<1x40x50xi32, #tpu.memory_space<vmem>> -> memref<40x50xi32, #tpu.memory_space<vmem>>
        %dma_start3A_1561 = arith.constant 0 : i32
        %dma_start3A_1562 = tpu.memref_slice %dma_start3A_1560[%add3A_1550, %dma_start3A_1561] : memref<40x50xi32, #tpu.memory_space<vmem>> -> memref<1x50xi32, #tpu.memory_space<vmem>>
        %dma_start3A_1563 = tpu.memref_squeeze %dma_start3A_1562 : memref<1x50xi32, #tpu.memory_space<vmem>> -> memref<50xi32, #tpu.memory_space<vmem>>
        %dma_start3A_1564 = arith.constant 0 : i32
        %dma_start3A_1565 = arith.constant 0 : i32
        %dma_start3A_1566 = tpu.memref_slice %arg2[%dma_start3A_1564, %dma_start3A_1565] : memref<10000x128xf32, #tpu.memory_space<hbm>> -> memref<10000x128xf32, #tpu.memory_space<hbm>>
        %dma_start3A_1567 = tpu.memref_slice %arg10[%dma_start3A_1552] : memref<4x!tpu.dma_semaphore, #tpu.memory_space<semaphore_mem>> -> memref<1x!tpu.dma_semaphore, #tpu.memory_space<semaphore_mem>>
        %dma_start3A_1568 = tpu.memref_squeeze %dma_start3A_1567 : memref<1x!tpu.dma_semaphore, #tpu.memory_space<semaphore_mem>> -> memref<!tpu.dma_semaphore, #tpu.memory_space<semaphore_mem>>
        tpu.enqueue_indirect_dma source(%dma_start3A_1566 : memref<10000x128xf32, #tpu.memory_space<hbm>>) target(%dma_start3A_1556 : memref<50x128xf32, #tpu.memory_space<vmem>>) offsets(%dma_start3A_1563 : memref<50xi32, #tpu.memory_space<vmem>>) semaphore(%dma_start3A_1568 : memref<!tpu.dma_semaphore, #tpu.memory_space<semaphore_mem>>)
      } else {
      }
    }
    %scan3A_937 = arith.constant 10 : i32
    %dma_wait3A_938 = arith.constant 0 : i32
    %dma_wait3A_939 = arith.constant 1 : i32
    %dma_wait3A_940 = arith.constant 36 : i32
    %dma_wait3A_941 = arith.constant 0 : i32
    %dma_wait3A_942 = arith.constant 0 : i32
    %dma_wait3A_943 = arith.constant 0 : i32
    %dma_wait3A_944 = tpu.memref_slice %arg8[%dma_wait3A_938, %dma_wait3A_942, %dma_wait3A_943] : memref<4x50x128xf32, #tpu.memory_space<vmem>> -> memref<1x50x128xf32, #tpu.memory_space<vmem>>
    %dma_wait3A_945 = tpu.memref_squeeze %dma_wait3A_944 : memref<1x50x128xf32, #tpu.memory_space<vmem>> -> memref<50x128xf32, #tpu.memory_space<vmem>>
    %dma_wait3A_946 = arith.constant 0 : i32
    %dma_wait3A_947 = arith.constant 0 : i32
    %dma_wait3A_948 = tpu.memref_slice %arg7[%dma_wait3A_939, %dma_wait3A_946, %dma_wait3A_947] : memref<2x40x50xi32, #tpu.memory_space<vmem>> -> memref<1x40x50xi32, #tpu.memory_space<vmem>>
    %dma_wait3A_949 = tpu.memref_squeeze %dma_wait3A_948 : memref<1x40x50xi32, #tpu.memory_space<vmem>> -> memref<40x50xi32, #tpu.memory_space<vmem>>
    %dma_wait3A_950 = arith.constant 0 : i32
    %dma_wait3A_951 = tpu.memref_slice %dma_wait3A_949[%dma_wait3A_940, %dma_wait3A_950] : memref<40x50xi32, #tpu.memory_space<vmem>> -> memref<1x50xi32, #tpu.memory_space<vmem>>
    %dma_wait3A_952 = tpu.memref_squeeze %dma_wait3A_951 : memref<1x50xi32, #tpu.memory_space<vmem>> -> memref<50xi32, #tpu.memory_space<vmem>>
    %dma_wait3A_953 = arith.constant 0 : i32
    %dma_wait3A_954 = arith.constant 0 : i32
    %dma_wait3A_955 = tpu.memref_slice %arg9[%dma_wait3A_953, %dma_wait3A_954] : memref<10000x128xf32, #tpu.memory_space<vmem_shared>> -> memref<10000x128xf32, #tpu.memory_space<vmem_shared>>
    %dma_wait3A_956 = tpu.memref_slice %arg11[%dma_wait3A_941] : memref<4x!tpu.dma_semaphore, #tpu.memory_space<semaphore_mem>> -> memref<1x!tpu.dma_semaphore, #tpu.memory_space<semaphore_mem>>
    %dma_wait3A_957 = tpu.memref_squeeze %dma_wait3A_956 : memref<1x!tpu.dma_semaphore, #tpu.memory_space<semaphore_mem>> -> memref<!tpu.dma_semaphore, #tpu.memory_space<semaphore_mem>>
    tpu.wait_indirect_dma semaphore(%dma_wait3A_957 : memref<!tpu.dma_semaphore, #tpu.memory_space<semaphore_mem>>) src(%dma_wait3A_945 : memref<50x128xf32, #tpu.memory_space<vmem>>) dst(%dma_wait3A_955 : memref<10000x128xf32, #tpu.memory_space<vmem_shared>>)
    %dma_wait3A_958 = arith.constant 1 : i32
    %dma_wait3A_959 = arith.constant 1 : i32
    %dma_wait3A_960 = arith.constant 37 : i32
    %dma_wait3A_961 = arith.constant 1 : i32
    %dma_wait3A_962 = arith.constant 0 : i32
    %dma_wait3A_963 = arith.constant 0 : i32
    %dma_wait3A_964 = tpu.memref_slice %arg8[%dma_wait3A_958, %dma_wait3A_962, %dma_wait3A_963] : memref<4x50x128xf32, #tpu.memory_space<vmem>> -> memref<1x50x128xf32, #tpu.memory_space<vmem>>
    %dma_wait3A_965 = tpu.memref_squeeze %dma_wait3A_964 : memref<1x50x128xf32, #tpu.memory_space<vmem>> -> memref<50x128xf32, #tpu.memory_space<vmem>>
    %dma_wait3A_966 = arith.constant 0 : i32
    %dma_wait3A_967 = arith.constant 0 : i32
    %dma_wait3A_968 = tpu.memref_slice %arg7[%dma_wait3A_959, %dma_wait3A_966, %dma_wait3A_967] : memref<2x40x50xi32, #tpu.memory_space<vmem>> -> memref<1x40x50xi32, #tpu.memory_space<vmem>>
    %dma_wait3A_969 = tpu.memref_squeeze %dma_wait3A_968 : memref<1x40x50xi32, #tpu.memory_space<vmem>> -> memref<40x50xi32, #tpu.memory_space<vmem>>
    %dma_wait3A_970 = arith.constant 0 : i32
    %dma_wait3A_971 = tpu.memref_slice %dma_wait3A_969[%dma_wait3A_960, %dma_wait3A_970] : memref<40x50xi32, #tpu.memory_space<vmem>> -> memref<1x50xi32, #tpu.memory_space<vmem>>
    %dma_wait3A_972 = tpu.memref_squeeze %dma_wait3A_971 : memref<1x50xi32, #tpu.memory_space<vmem>> -> memref<50xi32, #tpu.memory_space<vmem>>
    %dma_wait3A_973 = arith.constant 0 : i32
    %dma_wait3A_974 = arith.constant 0 : i32
    %dma_wait3A_975 = tpu.memref_slice %arg9[%dma_wait3A_973, %dma_wait3A_974] : memref<10000x128xf32, #tpu.memory_space<vmem_shared>> -> memref<10000x128xf32, #tpu.memory_space<vmem_shared>>
    %dma_wait3A_976 = tpu.memref_slice %arg11[%dma_wait3A_961] : memref<4x!tpu.dma_semaphore, #tpu.memory_space<semaphore_mem>> -> memref<1x!tpu.dma_semaphore, #tpu.memory_space<semaphore_mem>>
    %dma_wait3A_977 = tpu.memref_squeeze %dma_wait3A_976 : memref<1x!tpu.dma_semaphore, #tpu.memory_space<semaphore_mem>> -> memref<!tpu.dma_semaphore, #tpu.memory_space<semaphore_mem>>
    tpu.wait_indirect_dma semaphore(%dma_wait3A_977 : memref<!tpu.dma_semaphore, #tpu.memory_space<semaphore_mem>>) src(%dma_wait3A_965 : memref<50x128xf32, #tpu.memory_space<vmem>>) dst(%dma_wait3A_975 : memref<10000x128xf32, #tpu.memory_space<vmem_shared>>)
    %dma_wait3A_978 = arith.constant 2 : i32
    %dma_wait3A_979 = arith.constant 1 : i32
    %dma_wait3A_980 = arith.constant 38 : i32
    %dma_wait3A_981 = arith.constant 2 : i32
    %dma_wait3A_982 = arith.constant 0 : i32
    %dma_wait3A_983 = arith.constant 0 : i32
    %dma_wait3A_984 = tpu.memref_slice %arg8[%dma_wait3A_978, %dma_wait3A_982, %dma_wait3A_983] : memref<4x50x128xf32, #tpu.memory_space<vmem>> -> memref<1x50x128xf32, #tpu.memory_space<vmem>>
    %dma_wait3A_985 = tpu.memref_squeeze %dma_wait3A_984 : memref<1x50x128xf32, #tpu.memory_space<vmem>> -> memref<50x128xf32, #tpu.memory_space<vmem>>
    %dma_wait3A_986 = arith.constant 0 : i32
    %dma_wait3A_987 = arith.constant 0 : i32
    %dma_wait3A_988 = tpu.memref_slice %arg7[%dma_wait3A_979, %dma_wait3A_986, %dma_wait3A_987] : memref<2x40x50xi32, #tpu.memory_space<vmem>> -> memref<1x40x50xi32, #tpu.memory_space<vmem>>
    %dma_wait3A_989 = tpu.memref_squeeze %dma_wait3A_988 : memref<1x40x50xi32, #tpu.memory_space<vmem>> -> memref<40x50xi32, #tpu.memory_space<vmem>>
    %dma_wait3A_990 = arith.constant 0 : i32
    %dma_wait3A_991 = tpu.memref_slice %dma_wait3A_989[%dma_wait3A_980, %dma_wait3A_990] : memref<40x50xi32, #tpu.memory_space<vmem>> -> memref<1x50xi32, #tpu.memory_space<vmem>>
    %dma_wait3A_992 = tpu.memref_squeeze %dma_wait3A_991 : memref<1x50xi32, #tpu.memory_space<vmem>> -> memref<50xi32, #tpu.memory_space<vmem>>
    %dma_wait3A_993 = arith.constant 0 : i32
    %dma_wait3A_994 = arith.constant 0 : i32
    %dma_wait3A_995 = tpu.memref_slice %arg9[%dma_wait3A_993, %dma_wait3A_994] : memref<10000x128xf32, #tpu.memory_space<vmem_shared>> -> memref<10000x128xf32, #tpu.memory_space<vmem_shared>>
    %dma_wait3A_996 = tpu.memref_slice %arg11[%dma_wait3A_981] : memref<4x!tpu.dma_semaphore, #tpu.memory_space<semaphore_mem>> -> memref<1x!tpu.dma_semaphore, #tpu.memory_space<semaphore_mem>>
    %dma_wait3A_997 = tpu.memref_squeeze %dma_wait3A_996 : memref<1x!tpu.dma_semaphore, #tpu.memory_space<semaphore_mem>> -> memref<!tpu.dma_semaphore, #tpu.memory_space<semaphore_mem>>
    tpu.wait_indirect_dma semaphore(%dma_wait3A_997 : memref<!tpu.dma_semaphore, #tpu.memory_space<semaphore_mem>>) src(%dma_wait3A_985 : memref<50x128xf32, #tpu.memory_space<vmem>>) dst(%dma_wait3A_995 : memref<10000x128xf32, #tpu.memory_space<vmem_shared>>)
    %dma_wait3A_998 = arith.constant 3 : i32
    %dma_wait3A_999 = arith.constant 1 : i32
    %dma_wait3A_1000 = arith.constant 39 : i32
    %dma_wait3A_1001 = arith.constant 3 : i32
    %dma_wait3A_1002 = arith.constant 0 : i32
    %dma_wait3A_1003 = arith.constant 0 : i32
    %dma_wait3A_1004 = tpu.memref_slice %arg8[%dma_wait3A_998, %dma_wait3A_1002, %dma_wait3A_1003] : memref<4x50x128xf32, #tpu.memory_space<vmem>> -> memref<1x50x128xf32, #tpu.memory_space<vmem>>
    %dma_wait3A_1005 = tpu.memref_squeeze %dma_wait3A_1004 : memref<1x50x128xf32, #tpu.memory_space<vmem>> -> memref<50x128xf32, #tpu.memory_space<vmem>>
    %dma_wait3A_1006 = arith.constant 0 : i32
    %dma_wait3A_1007 = arith.constant 0 : i32
    %dma_wait3A_1008 = tpu.memref_slice %arg7[%dma_wait3A_999, %dma_wait3A_1006, %dma_wait3A_1007] : memref<2x40x50xi32, #tpu.memory_space<vmem>> -> memref<1x40x50xi32, #tpu.memory_space<vmem>>
    %dma_wait3A_1009 = tpu.memref_squeeze %dma_wait3A_1008 : memref<1x40x50xi32, #tpu.memory_space<vmem>> -> memref<40x50xi32, #tpu.memory_space<vmem>>
    %dma_wait3A_1010 = arith.constant 0 : i32
    %dma_wait3A_1011 = tpu.memref_slice %dma_wait3A_1009[%dma_wait3A_1000, %dma_wait3A_1010] : memref<40x50xi32, #tpu.memory_space<vmem>> -> memref<1x50xi32, #tpu.memory_space<vmem>>
    %dma_wait3A_1012 = tpu.memref_squeeze %dma_wait3A_1011 : memref<1x50xi32, #tpu.memory_space<vmem>> -> memref<50xi32, #tpu.memory_space<vmem>>
    %dma_wait3A_1013 = arith.constant 0 : i32
    %dma_wait3A_1014 = arith.constant 0 : i32
    %dma_wait3A_1015 = tpu.memref_slice %arg9[%dma_wait3A_1013, %dma_wait3A_1014] : memref<10000x128xf32, #tpu.memory_space<vmem_shared>> -> memref<10000x128xf32, #tpu.memory_space<vmem_shared>>
    %dma_wait3A_1016 = tpu.memref_slice %arg11[%dma_wait3A_1001] : memref<4x!tpu.dma_semaphore, #tpu.memory_space<semaphore_mem>> -> memref<1x!tpu.dma_semaphore, #tpu.memory_space<semaphore_mem>>
    %dma_wait3A_1017 = tpu.memref_squeeze %dma_wait3A_1016 : memref<1x!tpu.dma_semaphore, #tpu.memory_space<semaphore_mem>> -> memref<!tpu.dma_semaphore, #tpu.memory_space<semaphore_mem>>
    tpu.wait_indirect_dma semaphore(%dma_wait3A_1017 : memref<!tpu.dma_semaphore, #tpu.memory_space<semaphore_mem>>) src(%dma_wait3A_1005 : memref<50x128xf32, #tpu.memory_space<vmem>>) dst(%dma_wait3A_1015 : memref<10000x128xf32, #tpu.memory_space<vmem_shared>>)
    %add3A_1018 = arith.constant 160 : i32
    %add3A_1019 = arith.addi %mul3A_6, %add3A_1018 : i32
    %dma_wait3A_1020 = arith.constant 0 : i32
    %dma_wait3A_1021 = arith.constant 0 : i32
    %dma_wait3A_1022 = arith.constant 0 : i32
    %dma_wait3A_1023 = arith.constant 0 : i32
    %dma_wait3A_1024 = arith.constant 0 : i32
    %dma_wait3A_1025 = tpu.memref_slice %arg6[%dma_wait3A_1020, %dma_wait3A_1023, %dma_wait3A_1024] : memref<2x40x50xi32, #tpu.memory_space<vmem>> -> memref<1x40x50xi32, #tpu.memory_space<vmem>>
    %dma_wait3A_1026 = tpu.memref_squeeze %dma_wait3A_1025 : memref<1x40x50xi32, #tpu.memory_space<vmem>> -> memref<40x50xi32, #tpu.memory_space<vmem>>
    %dma_wait3A_1027 = arith.constant 0 : i32
    %dma_wait3A_1028 = tpu.memref_slice %arg3[%add3A_1019, %dma_wait3A_1027] : memref<6400x50xi32, #tpu.memory_space<hbm>> -> memref<40x50xi32, #tpu.memory_space<hbm>>
    %dma_wait3A_1029 = tpu.memref_slice %arg12[%dma_wait3A_1021, %dma_wait3A_1022] : memref<2x2x!tpu.dma_semaphore, #tpu.memory_space<semaphore_mem>> -> memref<1x1x!tpu.dma_semaphore, #tpu.memory_space<semaphore_mem>>
    %dma_wait3A_1030 = tpu.memref_squeeze %dma_wait3A_1029 : memref<1x1x!tpu.dma_semaphore, #tpu.memory_space<semaphore_mem>> -> memref<!tpu.dma_semaphore, #tpu.memory_space<semaphore_mem>>
    %dma_wait3A_1031 = arith.constant 0 : i32
    %dma_wait3A_1032 = arith.constant 0 : i32
    %dma_wait3A_1033 = tpu.memref_slice %arg6[%dma_wait3A_1020, %dma_wait3A_1031, %dma_wait3A_1032] : memref<2x40x50xi32, #tpu.memory_space<vmem>> -> memref<1x40x50xi32, #tpu.memory_space<vmem>>
    %dma_wait3A_1034 = tpu.memref_squeeze %dma_wait3A_1033 : memref<1x40x50xi32, #tpu.memory_space<vmem>> -> memref<40x50xi32, #tpu.memory_space<vmem>>
    %dma_wait3A_1035 = arith.constant 0 : i32
    %dma_wait3A_1036 = tpu.memref_slice %arg3[%add3A_1019, %dma_wait3A_1035] : memref<6400x50xi32, #tpu.memory_space<hbm>> -> memref<40x50xi32, #tpu.memory_space<hbm>>
    tpu.wait_dma2 semaphore(%dma_wait3A_1030 : memref<!tpu.dma_semaphore, #tpu.memory_space<semaphore_mem>>) src(%dma_wait3A_1036 : memref<40x50xi32, #tpu.memory_space<hbm>>) dst(%dma_wait3A_1034 : memref<40x50xi32, #tpu.memory_space<vmem>>)
    %add3A_1037 = arith.constant 160 : i32
    %add3A_1038 = arith.addi %mul3A_6, %add3A_1037 : i32
    %dma_wait3A_1039 = arith.constant 0 : i32
    %dma_wait3A_1040 = arith.constant 0 : i32
    %dma_wait3A_1041 = arith.constant 1 : i32
    %dma_wait3A_1042 = arith.constant 0 : i32
    %dma_wait3A_1043 = arith.constant 0 : i32
    %dma_wait3A_1044 = tpu.memref_slice %arg7[%dma_wait3A_1039, %dma_wait3A_1042, %dma_wait3A_1043] : memref<2x40x50xi32, #tpu.memory_space<vmem>> -> memref<1x40x50xi32, #tpu.memory_space<vmem>>
    %dma_wait3A_1045 = tpu.memref_squeeze %dma_wait3A_1044 : memref<1x40x50xi32, #tpu.memory_space<vmem>> -> memref<40x50xi32, #tpu.memory_space<vmem>>
    %dma_wait3A_1046 = arith.constant 0 : i32
    %dma_wait3A_1047 = tpu.memref_slice %arg4[%add3A_1038, %dma_wait3A_1046] : memref<6400x50xi32, #tpu.memory_space<hbm>> -> memref<40x50xi32, #tpu.memory_space<hbm>>
    %dma_wait3A_1048 = tpu.memref_slice %arg12[%dma_wait3A_1040, %dma_wait3A_1041] : memref<2x2x!tpu.dma_semaphore, #tpu.memory_space<semaphore_mem>> -> memref<1x1x!tpu.dma_semaphore, #tpu.memory_space<semaphore_mem>>
    %dma_wait3A_1049 = tpu.memref_squeeze %dma_wait3A_1048 : memref<1x1x!tpu.dma_semaphore, #tpu.memory_space<semaphore_mem>> -> memref<!tpu.dma_semaphore, #tpu.memory_space<semaphore_mem>>
    %dma_wait3A_1050 = arith.constant 0 : i32
    %dma_wait3A_1051 = arith.constant 0 : i32
    %dma_wait3A_1052 = tpu.memref_slice %arg7[%dma_wait3A_1039, %dma_wait3A_1050, %dma_wait3A_1051] : memref<2x40x50xi32, #tpu.memory_space<vmem>> -> memref<1x40x50xi32, #tpu.memory_space<vmem>>
    %dma_wait3A_1053 = tpu.memref_squeeze %dma_wait3A_1052 : memref<1x40x50xi32, #tpu.memory_space<vmem>> -> memref<40x50xi32, #tpu.memory_space<vmem>>
    %dma_wait3A_1054 = arith.constant 0 : i32
    %dma_wait3A_1055 = tpu.memref_slice %arg4[%add3A_1038, %dma_wait3A_1054] : memref<6400x50xi32, #tpu.memory_space<hbm>> -> memref<40x50xi32, #tpu.memory_space<hbm>>
    tpu.wait_dma2 semaphore(%dma_wait3A_1049 : memref<!tpu.dma_semaphore, #tpu.memory_space<semaphore_mem>>) src(%dma_wait3A_1055 : memref<40x50xi32, #tpu.memory_space<hbm>>) dst(%dma_wait3A_1053 : memref<40x50xi32, #tpu.memory_space<vmem>>)
    %dma_start3A_1056 = arith.constant 0 : i32
    %dma_start3A_1057 = arith.constant 0 : i32
    %dma_start3A_1058 = arith.constant 0 : i32
    %dma_start3A_1059 = arith.constant 0 : i32
    %dma_start3A_1060 = arith.constant 0 : i32
    %dma_start3A_1061 = arith.constant 0 : i32
    %dma_start3A_1062 = tpu.memref_slice %arg8[%dma_start3A_1058, %dma_start3A_1060, %dma_start3A_1061] : memref<4x50x128xf32, #tpu.memory_space<vmem>> -> memref<1x50x128xf32, #tpu.memory_space<vmem>>
    %dma_start3A_1063 = tpu.memref_squeeze %dma_start3A_1062 : memref<1x50x128xf32, #tpu.memory_space<vmem>> -> memref<50x128xf32, #tpu.memory_space<vmem>>
    %dma_start3A_1064 = arith.constant 0 : i32
    %dma_start3A_1065 = arith.constant 0 : i32
    %dma_start3A_1066 = tpu.memref_slice %arg6[%dma_start3A_1056, %dma_start3A_1064, %dma_start3A_1065] : memref<2x40x50xi32, #tpu.memory_space<vmem>> -> memref<1x40x50xi32, #tpu.memory_space<vmem>>
    %dma_start3A_1067 = tpu.memref_squeeze %dma_start3A_1066 : memref<1x40x50xi32, #tpu.memory_space<vmem>> -> memref<40x50xi32, #tpu.memory_space<vmem>>
    %dma_start3A_1068 = arith.constant 0 : i32
    %dma_start3A_1069 = tpu.memref_slice %dma_start3A_1067[%dma_start3A_1057, %dma_start3A_1068] : memref<40x50xi32, #tpu.memory_space<vmem>> -> memref<1x50xi32, #tpu.memory_space<vmem>>
    %dma_start3A_1070 = tpu.memref_squeeze %dma_start3A_1069 : memref<1x50xi32, #tpu.memory_space<vmem>> -> memref<50xi32, #tpu.memory_space<vmem>>
    %dma_start3A_1071 = arith.constant 0 : i32
    %dma_start3A_1072 = arith.constant 0 : i32
    %dma_start3A_1073 = tpu.memref_slice %arg2[%dma_start3A_1071, %dma_start3A_1072] : memref<10000x128xf32, #tpu.memory_space<hbm>> -> memref<10000x128xf32, #tpu.memory_space<hbm>>
    %dma_start3A_1074 = tpu.memref_slice %arg10[%dma_start3A_1059] : memref<4x!tpu.dma_semaphore, #tpu.memory_space<semaphore_mem>> -> memref<1x!tpu.dma_semaphore, #tpu.memory_space<semaphore_mem>>
    %dma_start3A_1075 = tpu.memref_squeeze %dma_start3A_1074 : memref<1x!tpu.dma_semaphore, #tpu.memory_space<semaphore_mem>> -> memref<!tpu.dma_semaphore, #tpu.memory_space<semaphore_mem>>
    tpu.enqueue_indirect_dma source(%dma_start3A_1073 : memref<10000x128xf32, #tpu.memory_space<hbm>>) target(%dma_start3A_1063 : memref<50x128xf32, #tpu.memory_space<vmem>>) offsets(%dma_start3A_1070 : memref<50xi32, #tpu.memory_space<vmem>>) semaphore(%dma_start3A_1075 : memref<!tpu.dma_semaphore, #tpu.memory_space<semaphore_mem>>)
    %dma_start3A_1076 = arith.constant 0 : i32
    %dma_start3A_1077 = arith.constant 1 : i32
    %dma_start3A_1078 = arith.constant 1 : i32
    %dma_start3A_1079 = arith.constant 1 : i32
    %dma_start3A_1080 = arith.constant 0 : i32
    %dma_start3A_1081 = arith.constant 0 : i32
    %dma_start3A_1082 = tpu.memref_slice %arg8[%dma_start3A_1078, %dma_start3A_1080, %dma_start3A_1081] : memref<4x50x128xf32, #tpu.memory_space<vmem>> -> memref<1x50x128xf32, #tpu.memory_space<vmem>>
    %dma_start3A_1083 = tpu.memref_squeeze %dma_start3A_1082 : memref<1x50x128xf32, #tpu.memory_space<vmem>> -> memref<50x128xf32, #tpu.memory_space<vmem>>
    %dma_start3A_1084 = arith.constant 0 : i32
    %dma_start3A_1085 = arith.constant 0 : i32
    %dma_start3A_1086 = tpu.memref_slice %arg6[%dma_start3A_1076, %dma_start3A_1084, %dma_start3A_1085] : memref<2x40x50xi32, #tpu.memory_space<vmem>> -> memref<1x40x50xi32, #tpu.memory_space<vmem>>
    %dma_start3A_1087 = tpu.memref_squeeze %dma_start3A_1086 : memref<1x40x50xi32, #tpu.memory_space<vmem>> -> memref<40x50xi32, #tpu.memory_space<vmem>>
    %dma_start3A_1088 = arith.constant 0 : i32
    %dma_start3A_1089 = tpu.memref_slice %dma_start3A_1087[%dma_start3A_1077, %dma_start3A_1088] : memref<40x50xi32, #tpu.memory_space<vmem>> -> memref<1x50xi32, #tpu.memory_space<vmem>>
    %dma_start3A_1090 = tpu.memref_squeeze %dma_start3A_1089 : memref<1x50xi32, #tpu.memory_space<vmem>> -> memref<50xi32, #tpu.memory_space<vmem>>
    %dma_start3A_1091 = arith.constant 0 : i32
    %dma_start3A_1092 = arith.constant 0 : i32
    %dma_start3A_1093 = tpu.memref_slice %arg2[%dma_start3A_1091, %dma_start3A_1092] : memref<10000x128xf32, #tpu.memory_space<hbm>> -> memref<10000x128xf32, #tpu.memory_space<hbm>>
    %dma_start3A_1094 = tpu.memref_slice %arg10[%dma_start3A_1079] : memref<4x!tpu.dma_semaphore, #tpu.memory_space<semaphore_mem>> -> memref<1x!tpu.dma_semaphore, #tpu.memory_space<semaphore_mem>>
    %dma_start3A_1095 = tpu.memref_squeeze %dma_start3A_1094 : memref<1x!tpu.dma_semaphore, #tpu.memory_space<semaphore_mem>> -> memref<!tpu.dma_semaphore, #tpu.memory_space<semaphore_mem>>
    tpu.enqueue_indirect_dma source(%dma_start3A_1093 : memref<10000x128xf32, #tpu.memory_space<hbm>>) target(%dma_start3A_1083 : memref<50x128xf32, #tpu.memory_space<vmem>>) offsets(%dma_start3A_1090 : memref<50xi32, #tpu.memory_space<vmem>>) semaphore(%dma_start3A_1095 : memref<!tpu.dma_semaphore, #tpu.memory_space<semaphore_mem>>)
    %dma_start3A_1096 = arith.constant 0 : i32
    %dma_start3A_1097 = arith.constant 2 : i32
    %dma_start3A_1098 = arith.constant 2 : i32
    %dma_start3A_1099 = arith.constant 2 : i32
    %dma_start3A_1100 = arith.constant 0 : i32
    %dma_start3A_1101 = arith.constant 0 : i32
    %dma_start3A_1102 = tpu.memref_slice %arg8[%dma_start3A_1098, %dma_start3A_1100, %dma_start3A_1101] : memref<4x50x128xf32, #tpu.memory_space<vmem>> -> memref<1x50x128xf32, #tpu.memory_space<vmem>>
    %dma_start3A_1103 = tpu.memref_squeeze %dma_start3A_1102 : memref<1x50x128xf32, #tpu.memory_space<vmem>> -> memref<50x128xf32, #tpu.memory_space<vmem>>
    %dma_start3A_1104 = arith.constant 0 : i32
    %dma_start3A_1105 = arith.constant 0 : i32
    %dma_start3A_1106 = tpu.memref_slice %arg6[%dma_start3A_1096, %dma_start3A_1104, %dma_start3A_1105] : memref<2x40x50xi32, #tpu.memory_space<vmem>> -> memref<1x40x50xi32, #tpu.memory_space<vmem>>
    %dma_start3A_1107 = tpu.memref_squeeze %dma_start3A_1106 : memref<1x40x50xi32, #tpu.memory_space<vmem>> -> memref<40x50xi32, #tpu.memory_space<vmem>>
    %dma_start3A_1108 = arith.constant 0 : i32
    %dma_start3A_1109 = tpu.memref_slice %dma_start3A_1107[%dma_start3A_1097, %dma_start3A_1108] : memref<40x50xi32, #tpu.memory_space<vmem>> -> memref<1x50xi32, #tpu.memory_space<vmem>>
    %dma_start3A_1110 = tpu.memref_squeeze %dma_start3A_1109 : memref<1x50xi32, #tpu.memory_space<vmem>> -> memref<50xi32, #tpu.memory_space<vmem>>
    %dma_start3A_1111 = arith.constant 0 : i32
    %dma_start3A_1112 = arith.constant 0 : i32
    %dma_start3A_1113 = tpu.memref_slice %arg2[%dma_start3A_1111, %dma_start3A_1112] : memref<10000x128xf32, #tpu.memory_space<hbm>> -> memref<10000x128xf32, #tpu.memory_space<hbm>>
    %dma_start3A_1114 = tpu.memref_slice %arg10[%dma_start3A_1099] : memref<4x!tpu.dma_semaphore, #tpu.memory_space<semaphore_mem>> -> memref<1x!tpu.dma_semaphore, #tpu.memory_space<semaphore_mem>>
    %dma_start3A_1115 = tpu.memref_squeeze %dma_start3A_1114 : memref<1x!tpu.dma_semaphore, #tpu.memory_space<semaphore_mem>> -> memref<!tpu.dma_semaphore, #tpu.memory_space<semaphore_mem>>
    tpu.enqueue_indirect_dma source(%dma_start3A_1113 : memref<10000x128xf32, #tpu.memory_space<hbm>>) target(%dma_start3A_1103 : memref<50x128xf32, #tpu.memory_space<vmem>>) offsets(%dma_start3A_1110 : memref<50xi32, #tpu.memory_space<vmem>>) semaphore(%dma_start3A_1115 : memref<!tpu.dma_semaphore, #tpu.memory_space<semaphore_mem>>)
    %dma_start3A_1116 = arith.constant 0 : i32
    %dma_start3A_1117 = arith.constant 3 : i32
    %dma_start3A_1118 = arith.constant 3 : i32
    %dma_start3A_1119 = arith.constant 3 : i32
    %dma_start3A_1120 = arith.constant 0 : i32
    %dma_start3A_1121 = arith.constant 0 : i32
    %dma_start3A_1122 = tpu.memref_slice %arg8[%dma_start3A_1118, %dma_start3A_1120, %dma_start3A_1121] : memref<4x50x128xf32, #tpu.memory_space<vmem>> -> memref<1x50x128xf32, #tpu.memory_space<vmem>>
    %dma_start3A_1123 = tpu.memref_squeeze %dma_start3A_1122 : memref<1x50x128xf32, #tpu.memory_space<vmem>> -> memref<50x128xf32, #tpu.memory_space<vmem>>
    %dma_start3A_1124 = arith.constant 0 : i32
    %dma_start3A_1125 = arith.constant 0 : i32
    %dma_start3A_1126 = tpu.memref_slice %arg6[%dma_start3A_1116, %dma_start3A_1124, %dma_start3A_1125] : memref<2x40x50xi32, #tpu.memory_space<vmem>> -> memref<1x40x50xi32, #tpu.memory_space<vmem>>
    %dma_start3A_1127 = tpu.memref_squeeze %dma_start3A_1126 : memref<1x40x50xi32, #tpu.memory_space<vmem>> -> memref<40x50xi32, #tpu.memory_space<vmem>>
    %dma_start3A_1128 = arith.constant 0 : i32
    %dma_start3A_1129 = tpu.memref_slice %dma_start3A_1127[%dma_start3A_1117, %dma_start3A_1128] : memref<40x50xi32, #tpu.memory_space<vmem>> -> memref<1x50xi32, #tpu.memory_space<vmem>>
    %dma_start3A_1130 = tpu.memref_squeeze %dma_start3A_1129 : memref<1x50xi32, #tpu.memory_space<vmem>> -> memref<50xi32, #tpu.memory_space<vmem>>
    %dma_start3A_1131 = arith.constant 0 : i32
    %dma_start3A_1132 = arith.constant 0 : i32
    %dma_start3A_1133 = tpu.memref_slice %arg2[%dma_start3A_1131, %dma_start3A_1132] : memref<10000x128xf32, #tpu.memory_space<hbm>> -> memref<10000x128xf32, #tpu.memory_space<hbm>>
    %dma_start3A_1134 = tpu.memref_slice %arg10[%dma_start3A_1119] : memref<4x!tpu.dma_semaphore, #tpu.memory_space<semaphore_mem>> -> memref<1x!tpu.dma_semaphore, #tpu.memory_space<semaphore_mem>>
    %dma_start3A_1135 = tpu.memref_squeeze %dma_start3A_1134 : memref<1x!tpu.dma_semaphore, #tpu.memory_space<semaphore_mem>> -> memref<!tpu.dma_semaphore, #tpu.memory_space<semaphore_mem>>
    tpu.enqueue_indirect_dma source(%dma_start3A_1133 : memref<10000x128xf32, #tpu.memory_space<hbm>>) target(%dma_start3A_1123 : memref<50x128xf32, #tpu.memory_space<vmem>>) offsets(%dma_start3A_1130 : memref<50xi32, #tpu.memory_space<vmem>>) semaphore(%dma_start3A_1135 : memref<!tpu.dma_semaphore, #tpu.memory_space<semaphore_mem>>)
    %scan3A_1136 = arith.constant 0 : i32
    %scan3A_1137 = arith.constant 0 : i32
    %scan3A_1138 = arith.constant 0 : i32
    %scan3A_1139 = arith.constant 0 : i32
    %scan3A_1140 = arith.constant 10 : i32
    %scan3A_1141 = arith.addi %scan3A_1139, %scan3A_1140 : i32
    %scan3A_1142 = arith.constant 1 : i32
    scf.for %scan3A_1234 = %scan3A_1139 to %scan3A_1141 step %scan3A_1142  : i32 {
      %mul3A_1235 = arith.constant 4 : i32
      %mul3A_1236 = arith.muli %scan3A_1234, %mul3A_1235 : i32
      %add3A_1237 = arith.constant 0 : i32
      %add3A_1238 = arith.addi %mul3A_1236, %add3A_1237 : i32
      %dma_wait3A_1239 = arith.constant 0 : i32
      %dma_wait3A_1240 = arith.constant 0 : i32
      %dma_wait3A_1241 = arith.constant 0 : i32
      %dma_wait3A_1242 = arith.constant 0 : i32
      %dma_wait3A_1243 = tpu.memref_slice %arg8[%dma_wait3A_1239, %dma_wait3A_1241, %dma_wait3A_1242] : memref<4x50x128xf32, #tpu.memory_space<vmem>> -> memref<1x50x128xf32, #tpu.memory_space<vmem>>
      %dma_wait3A_1244 = tpu.memref_squeeze %dma_wait3A_1243 : memref<1x50x128xf32, #tpu.memory_space<vmem>> -> memref<50x128xf32, #tpu.memory_space<vmem>>
      %dma_wait3A_1245 = arith.constant 0 : i32
      %dma_wait3A_1246 = arith.constant 0 : i32
      %dma_wait3A_1247 = tpu.memref_slice %arg6[%scan3A_1137, %dma_wait3A_1245, %dma_wait3A_1246] : memref<2x40x50xi32, #tpu.memory_space<vmem>> -> memref<1x40x50xi32, #tpu.memory_space<vmem>>
      %dma_wait3A_1248 = tpu.memref_squeeze %dma_wait3A_1247 : memref<1x40x50xi32, #tpu.memory_space<vmem>> -> memref<40x50xi32, #tpu.memory_space<vmem>>
      %dma_wait3A_1249 = arith.constant 0 : i32
      %dma_wait3A_1250 = tpu.memref_slice %dma_wait3A_1248[%add3A_1238, %dma_wait3A_1249] : memref<40x50xi32, #tpu.memory_space<vmem>> -> memref<1x50xi32, #tpu.memory_space<vmem>>
      %dma_wait3A_1251 = tpu.memref_squeeze %dma_wait3A_1250 : memref<1x50xi32, #tpu.memory_space<vmem>> -> memref<50xi32, #tpu.memory_space<vmem>>
      %dma_wait3A_1252 = arith.constant 0 : i32
      %dma_wait3A_1253 = arith.constant 0 : i32
      %dma_wait3A_1254 = tpu.memref_slice %arg2[%dma_wait3A_1252, %dma_wait3A_1253] : memref<10000x128xf32, #tpu.memory_space<hbm>> -> memref<10000x128xf32, #tpu.memory_space<hbm>>
      %dma_wait3A_1255 = tpu.memref_slice %arg10[%dma_wait3A_1240] : memref<4x!tpu.dma_semaphore, #tpu.memory_space<semaphore_mem>> -> memref<1x!tpu.dma_semaphore, #tpu.memory_space<semaphore_mem>>
      %dma_wait3A_1256 = tpu.memref_squeeze %dma_wait3A_1255 : memref<1x!tpu.dma_semaphore, #tpu.memory_space<semaphore_mem>> -> memref<!tpu.dma_semaphore, #tpu.memory_space<semaphore_mem>>
      tpu.wait_indirect_dma semaphore(%dma_wait3A_1256 : memref<!tpu.dma_semaphore, #tpu.memory_space<semaphore_mem>>) src(%dma_wait3A_1254 : memref<10000x128xf32, #tpu.memory_space<hbm>>) dst(%dma_wait3A_1244 : memref<50x128xf32, #tpu.memory_space<vmem>>)
      %add3A_1257 = arith.constant 0 : i32
      %add3A_1258 = arith.addi %mul3A_1236, %add3A_1257 : i32
      %dma_start3A_1259 = arith.constant 0 : i32
      %dma_start3A_1260 = arith.constant 0 : i32
      %dma_start3A_1261 = arith.constant 0 : i32
      %dma_start3A_1262 = arith.constant 0 : i32
      %dma_start3A_1263 = tpu.memref_slice %arg8[%dma_start3A_1259, %dma_start3A_1261, %dma_start3A_1262] : memref<4x50x128xf32, #tpu.memory_space<vmem>> -> memref<1x50x128xf32, #tpu.memory_space<vmem>>
      %dma_start3A_1264 = tpu.memref_squeeze %dma_start3A_1263 : memref<1x50x128xf32, #tpu.memory_space<vmem>> -> memref<50x128xf32, #tpu.memory_space<vmem>>
      %dma_start3A_1265 = arith.constant 0 : i32
      %dma_start3A_1266 = arith.constant 0 : i32
      %dma_start3A_1267 = tpu.memref_slice %arg7[%scan3A_1138, %dma_start3A_1265, %dma_start3A_1266] : memref<2x40x50xi32, #tpu.memory_space<vmem>> -> memref<1x40x50xi32, #tpu.memory_space<vmem>>
      %dma_start3A_1268 = tpu.memref_squeeze %dma_start3A_1267 : memref<1x40x50xi32, #tpu.memory_space<vmem>> -> memref<40x50xi32, #tpu.memory_space<vmem>>
      %dma_start3A_1269 = arith.constant 0 : i32
      %dma_start3A_1270 = tpu.memref_slice %dma_start3A_1268[%add3A_1258, %dma_start3A_1269] : memref<40x50xi32, #tpu.memory_space<vmem>> -> memref<1x50xi32, #tpu.memory_space<vmem>>
      %dma_start3A_1271 = tpu.memref_squeeze %dma_start3A_1270 : memref<1x50xi32, #tpu.memory_space<vmem>> -> memref<50xi32, #tpu.memory_space<vmem>>
      %dma_start3A_1272 = arith.constant 0 : i32
      %dma_start3A_1273 = arith.constant 0 : i32
      %dma_start3A_1274 = tpu.memref_slice %arg9[%dma_start3A_1272, %dma_start3A_1273] : memref<10000x128xf32, #tpu.memory_space<vmem_shared>> -> memref<10000x128xf32, #tpu.memory_space<vmem_shared>>
      %dma_start3A_1275 = tpu.memref_slice %arg11[%dma_start3A_1260] : memref<4x!tpu.dma_semaphore, #tpu.memory_space<semaphore_mem>> -> memref<1x!tpu.dma_semaphore, #tpu.memory_space<semaphore_mem>>
      %dma_start3A_1276 = tpu.memref_squeeze %dma_start3A_1275 : memref<1x!tpu.dma_semaphore, #tpu.memory_space<semaphore_mem>> -> memref<!tpu.dma_semaphore, #tpu.memory_space<semaphore_mem>>
      tpu.enqueue_indirect_dma source(%dma_start3A_1264 : memref<50x128xf32, #tpu.memory_space<vmem>>) target(%dma_start3A_1274 : memref<10000x128xf32, #tpu.memory_space<vmem_shared>>) offsets(%dma_start3A_1271 : memref<50xi32, #tpu.memory_space<vmem>>) semaphore(%dma_start3A_1276 : memref<!tpu.dma_semaphore, #tpu.memory_space<semaphore_mem>>) {add = true}
      %add3A_1277 = arith.constant 1 : i32
      %add3A_1278 = arith.addi %mul3A_1236, %add3A_1277 : i32
      %dma_wait3A_1279 = arith.constant 1 : i32
      %dma_wait3A_1280 = arith.constant 1 : i32
      %dma_wait3A_1281 = arith.constant 0 : i32
      %dma_wait3A_1282 = arith.constant 0 : i32
      %dma_wait3A_1283 = tpu.memref_slice %arg8[%dma_wait3A_1279, %dma_wait3A_1281, %dma_wait3A_1282] : memref<4x50x128xf32, #tpu.memory_space<vmem>> -> memref<1x50x128xf32, #tpu.memory_space<vmem>>
      %dma_wait3A_1284 = tpu.memref_squeeze %dma_wait3A_1283 : memref<1x50x128xf32, #tpu.memory_space<vmem>> -> memref<50x128xf32, #tpu.memory_space<vmem>>
      %dma_wait3A_1285 = arith.constant 0 : i32
      %dma_wait3A_1286 = arith.constant 0 : i32
      %dma_wait3A_1287 = tpu.memref_slice %arg6[%scan3A_1137, %dma_wait3A_1285, %dma_wait3A_1286] : memref<2x40x50xi32, #tpu.memory_space<vmem>> -> memref<1x40x50xi32, #tpu.memory_space<vmem>>
      %dma_wait3A_1288 = tpu.memref_squeeze %dma_wait3A_1287 : memref<1x40x50xi32, #tpu.memory_space<vmem>> -> memref<40x50xi32, #tpu.memory_space<vmem>>
      %dma_wait3A_1289 = arith.constant 0 : i32
      %dma_wait3A_1290 = tpu.memref_slice %dma_wait3A_1288[%add3A_1278, %dma_wait3A_1289] : memref<40x50xi32, #tpu.memory_space<vmem>> -> memref<1x50xi32, #tpu.memory_space<vmem>>
      %dma_wait3A_1291 = tpu.memref_squeeze %dma_wait3A_1290 : memref<1x50xi32, #tpu.memory_space<vmem>> -> memref<50xi32, #tpu.memory_space<vmem>>
      %dma_wait3A_1292 = arith.constant 0 : i32
      %dma_wait3A_1293 = arith.constant 0 : i32
      %dma_wait3A_1294 = tpu.memref_slice %arg2[%dma_wait3A_1292, %dma_wait3A_1293] : memref<10000x128xf32, #tpu.memory_space<hbm>> -> memref<10000x128xf32, #tpu.memory_space<hbm>>
      %dma_wait3A_1295 = tpu.memref_slice %arg10[%dma_wait3A_1280] : memref<4x!tpu.dma_semaphore, #tpu.memory_space<semaphore_mem>> -> memref<1x!tpu.dma_semaphore, #tpu.memory_space<semaphore_mem>>
      %dma_wait3A_1296 = tpu.memref_squeeze %dma_wait3A_1295 : memref<1x!tpu.dma_semaphore, #tpu.memory_space<semaphore_mem>> -> memref<!tpu.dma_semaphore, #tpu.memory_space<semaphore_mem>>
      tpu.wait_indirect_dma semaphore(%dma_wait3A_1296 : memref<!tpu.dma_semaphore, #tpu.memory_space<semaphore_mem>>) src(%dma_wait3A_1294 : memref<10000x128xf32, #tpu.memory_space<hbm>>) dst(%dma_wait3A_1284 : memref<50x128xf32, #tpu.memory_space<vmem>>)
      %add3A_1297 = arith.constant 1 : i32
      %add3A_1298 = arith.addi %mul3A_1236, %add3A_1297 : i32
      %dma_start3A_1299 = arith.constant 1 : i32
      %dma_start3A_1300 = arith.constant 1 : i32
      %dma_start3A_1301 = arith.constant 0 : i32
      %dma_start3A_1302 = arith.constant 0 : i32
      %dma_start3A_1303 = tpu.memref_slice %arg8[%dma_start3A_1299, %dma_start3A_1301, %dma_start3A_1302] : memref<4x50x128xf32, #tpu.memory_space<vmem>> -> memref<1x50x128xf32, #tpu.memory_space<vmem>>
      %dma_start3A_1304 = tpu.memref_squeeze %dma_start3A_1303 : memref<1x50x128xf32, #tpu.memory_space<vmem>> -> memref<50x128xf32, #tpu.memory_space<vmem>>
      %dma_start3A_1305 = arith.constant 0 : i32
      %dma_start3A_1306 = arith.constant 0 : i32
      %dma_start3A_1307 = tpu.memref_slice %arg7[%scan3A_1138, %dma_start3A_1305, %dma_start3A_1306] : memref<2x40x50xi32, #tpu.memory_space<vmem>> -> memref<1x40x50xi32, #tpu.memory_space<vmem>>
      %dma_start3A_1308 = tpu.memref_squeeze %dma_start3A_1307 : memref<1x40x50xi32, #tpu.memory_space<vmem>> -> memref<40x50xi32, #tpu.memory_space<vmem>>
      %dma_start3A_1309 = arith.constant 0 : i32
      %dma_start3A_1310 = tpu.memref_slice %dma_start3A_1308[%add3A_1298, %dma_start3A_1309] : memref<40x50xi32, #tpu.memory_space<vmem>> -> memref<1x50xi32, #tpu.memory_space<vmem>>
      %dma_start3A_1311 = tpu.memref_squeeze %dma_start3A_1310 : memref<1x50xi32, #tpu.memory_space<vmem>> -> memref<50xi32, #tpu.memory_space<vmem>>
      %dma_start3A_1312 = arith.constant 0 : i32
      %dma_start3A_1313 = arith.constant 0 : i32
      %dma_start3A_1314 = tpu.memref_slice %arg9[%dma_start3A_1312, %dma_start3A_1313] : memref<10000x128xf32, #tpu.memory_space<vmem_shared>> -> memref<10000x128xf32, #tpu.memory_space<vmem_shared>>
      %dma_start3A_1315 = tpu.memref_slice %arg11[%dma_start3A_1300] : memref<4x!tpu.dma_semaphore, #tpu.memory_space<semaphore_mem>> -> memref<1x!tpu.dma_semaphore, #tpu.memory_space<semaphore_mem>>
      %dma_start3A_1316 = tpu.memref_squeeze %dma_start3A_1315 : memref<1x!tpu.dma_semaphore, #tpu.memory_space<semaphore_mem>> -> memref<!tpu.dma_semaphore, #tpu.memory_space<semaphore_mem>>
      tpu.enqueue_indirect_dma source(%dma_start3A_1304 : memref<50x128xf32, #tpu.memory_space<vmem>>) target(%dma_start3A_1314 : memref<10000x128xf32, #tpu.memory_space<vmem_shared>>) offsets(%dma_start3A_1311 : memref<50xi32, #tpu.memory_space<vmem>>) semaphore(%dma_start3A_1316 : memref<!tpu.dma_semaphore, #tpu.memory_space<semaphore_mem>>) {add = true}
      %add3A_1317 = arith.constant 2 : i32
      %add3A_1318 = arith.addi %mul3A_1236, %add3A_1317 : i32
      %dma_wait3A_1319 = arith.constant 2 : i32
      %dma_wait3A_1320 = arith.constant 2 : i32
      %dma_wait3A_1321 = arith.constant 0 : i32
      %dma_wait3A_1322 = arith.constant 0 : i32
      %dma_wait3A_1323 = tpu.memref_slice %arg8[%dma_wait3A_1319, %dma_wait3A_1321, %dma_wait3A_1322] : memref<4x50x128xf32, #tpu.memory_space<vmem>> -> memref<1x50x128xf32, #tpu.memory_space<vmem>>
      %dma_wait3A_1324 = tpu.memref_squeeze %dma_wait3A_1323 : memref<1x50x128xf32, #tpu.memory_space<vmem>> -> memref<50x128xf32, #tpu.memory_space<vmem>>
      %dma_wait3A_1325 = arith.constant 0 : i32
      %dma_wait3A_1326 = arith.constant 0 : i32
      %dma_wait3A_1327 = tpu.memref_slice %arg6[%scan3A_1137, %dma_wait3A_1325, %dma_wait3A_1326] : memref<2x40x50xi32, #tpu.memory_space<vmem>> -> memref<1x40x50xi32, #tpu.memory_space<vmem>>
      %dma_wait3A_1328 = tpu.memref_squeeze %dma_wait3A_1327 : memref<1x40x50xi32, #tpu.memory_space<vmem>> -> memref<40x50xi32, #tpu.memory_space<vmem>>
      %dma_wait3A_1329 = arith.constant 0 : i32
      %dma_wait3A_1330 = tpu.memref_slice %dma_wait3A_1328[%add3A_1318, %dma_wait3A_1329] : memref<40x50xi32, #tpu.memory_space<vmem>> -> memref<1x50xi32, #tpu.memory_space<vmem>>
      %dma_wait3A_1331 = tpu.memref_squeeze %dma_wait3A_1330 : memref<1x50xi32, #tpu.memory_space<vmem>> -> memref<50xi32, #tpu.memory_space<vmem>>
      %dma_wait3A_1332 = arith.constant 0 : i32
      %dma_wait3A_1333 = arith.constant 0 : i32
      %dma_wait3A_1334 = tpu.memref_slice %arg2[%dma_wait3A_1332, %dma_wait3A_1333] : memref<10000x128xf32, #tpu.memory_space<hbm>> -> memref<10000x128xf32, #tpu.memory_space<hbm>>
      %dma_wait3A_1335 = tpu.memref_slice %arg10[%dma_wait3A_1320] : memref<4x!tpu.dma_semaphore, #tpu.memory_space<semaphore_mem>> -> memref<1x!tpu.dma_semaphore, #tpu.memory_space<semaphore_mem>>
      %dma_wait3A_1336 = tpu.memref_squeeze %dma_wait3A_1335 : memref<1x!tpu.dma_semaphore, #tpu.memory_space<semaphore_mem>> -> memref<!tpu.dma_semaphore, #tpu.memory_space<semaphore_mem>>
      tpu.wait_indirect_dma semaphore(%dma_wait3A_1336 : memref<!tpu.dma_semaphore, #tpu.memory_space<semaphore_mem>>) src(%dma_wait3A_1334 : memref<10000x128xf32, #tpu.memory_space<hbm>>) dst(%dma_wait3A_1324 : memref<50x128xf32, #tpu.memory_space<vmem>>)
      %add3A_1337 = arith.constant 2 : i32
      %add3A_1338 = arith.addi %mul3A_1236, %add3A_1337 : i32
      %dma_start3A_1339 = arith.constant 2 : i32
      %dma_start3A_1340 = arith.constant 2 : i32
      %dma_start3A_1341 = arith.constant 0 : i32
      %dma_start3A_1342 = arith.constant 0 : i32
      %dma_start3A_1343 = tpu.memref_slice %arg8[%dma_start3A_1339, %dma_start3A_1341, %dma_start3A_1342] : memref<4x50x128xf32, #tpu.memory_space<vmem>> -> memref<1x50x128xf32, #tpu.memory_space<vmem>>
      %dma_start3A_1344 = tpu.memref_squeeze %dma_start3A_1343 : memref<1x50x128xf32, #tpu.memory_space<vmem>> -> memref<50x128xf32, #tpu.memory_space<vmem>>
      %dma_start3A_1345 = arith.constant 0 : i32
      %dma_start3A_1346 = arith.constant 0 : i32
      %dma_start3A_1347 = tpu.memref_slice %arg7[%scan3A_1138, %dma_start3A_1345, %dma_start3A_1346] : memref<2x40x50xi32, #tpu.memory_space<vmem>> -> memref<1x40x50xi32, #tpu.memory_space<vmem>>
      %dma_start3A_1348 = tpu.memref_squeeze %dma_start3A_1347 : memref<1x40x50xi32, #tpu.memory_space<vmem>> -> memref<40x50xi32, #tpu.memory_space<vmem>>
      %dma_start3A_1349 = arith.constant 0 : i32
      %dma_start3A_1350 = tpu.memref_slice %dma_start3A_1348[%add3A_1338, %dma_start3A_1349] : memref<40x50xi32, #tpu.memory_space<vmem>> -> memref<1x50xi32, #tpu.memory_space<vmem>>
      %dma_start3A_1351 = tpu.memref_squeeze %dma_start3A_1350 : memref<1x50xi32, #tpu.memory_space<vmem>> -> memref<50xi32, #tpu.memory_space<vmem>>
      %dma_start3A_1352 = arith.constant 0 : i32
      %dma_start3A_1353 = arith.constant 0 : i32
      %dma_start3A_1354 = tpu.memref_slice %arg9[%dma_start3A_1352, %dma_start3A_1353] : memref<10000x128xf32, #tpu.memory_space<vmem_shared>> -> memref<10000x128xf32, #tpu.memory_space<vmem_shared>>
      %dma_start3A_1355 = tpu.memref_slice %arg11[%dma_start3A_1340] : memref<4x!tpu.dma_semaphore, #tpu.memory_space<semaphore_mem>> -> memref<1x!tpu.dma_semaphore, #tpu.memory_space<semaphore_mem>>
      %dma_start3A_1356 = tpu.memref_squeeze %dma_start3A_1355 : memref<1x!tpu.dma_semaphore, #tpu.memory_space<semaphore_mem>> -> memref<!tpu.dma_semaphore, #tpu.memory_space<semaphore_mem>>
      tpu.enqueue_indirect_dma source(%dma_start3A_1344 : memref<50x128xf32, #tpu.memory_space<vmem>>) target(%dma_start3A_1354 : memref<10000x128xf32, #tpu.memory_space<vmem_shared>>) offsets(%dma_start3A_1351 : memref<50xi32, #tpu.memory_space<vmem>>) semaphore(%dma_start3A_1356 : memref<!tpu.dma_semaphore, #tpu.memory_space<semaphore_mem>>) {add = true}
      %add3A_1357 = arith.constant 3 : i32
      %add3A_1358 = arith.addi %mul3A_1236, %add3A_1357 : i32
      %dma_wait3A_1359 = arith.constant 3 : i32
      %dma_wait3A_1360 = arith.constant 3 : i32
      %dma_wait3A_1361 = arith.constant 0 : i32
      %dma_wait3A_1362 = arith.constant 0 : i32
      %dma_wait3A_1363 = tpu.memref_slice %arg8[%dma_wait3A_1359, %dma_wait3A_1361, %dma_wait3A_1362] : memref<4x50x128xf32, #tpu.memory_space<vmem>> -> memref<1x50x128xf32, #tpu.memory_space<vmem>>
      %dma_wait3A_1364 = tpu.memref_squeeze %dma_wait3A_1363 : memref<1x50x128xf32, #tpu.memory_space<vmem>> -> memref<50x128xf32, #tpu.memory_space<vmem>>
      %dma_wait3A_1365 = arith.constant 0 : i32
      %dma_wait3A_1366 = arith.constant 0 : i32
      %dma_wait3A_1367 = tpu.memref_slice %arg6[%scan3A_1137, %dma_wait3A_1365, %dma_wait3A_1366] : memref<2x40x50xi32, #tpu.memory_space<vmem>> -> memref<1x40x50xi32, #tpu.memory_space<vmem>>
      %dma_wait3A_1368 = tpu.memref_squeeze %dma_wait3A_1367 : memref<1x40x50xi32, #tpu.memory_space<vmem>> -> memref<40x50xi32, #tpu.memory_space<vmem>>
      %dma_wait3A_1369 = arith.constant 0 : i32
      %dma_wait3A_1370 = tpu.memref_slice %dma_wait3A_1368[%add3A_1358, %dma_wait3A_1369] : memref<40x50xi32, #tpu.memory_space<vmem>> -> memref<1x50xi32, #tpu.memory_space<vmem>>
      %dma_wait3A_1371 = tpu.memref_squeeze %dma_wait3A_1370 : memref<1x50xi32, #tpu.memory_space<vmem>> -> memref<50xi32, #tpu.memory_space<vmem>>
      %dma_wait3A_1372 = arith.constant 0 : i32
      %dma_wait3A_1373 = arith.constant 0 : i32
      %dma_wait3A_1374 = tpu.memref_slice %arg2[%dma_wait3A_1372, %dma_wait3A_1373] : memref<10000x128xf32, #tpu.memory_space<hbm>> -> memref<10000x128xf32, #tpu.memory_space<hbm>>
      %dma_wait3A_1375 = tpu.memref_slice %arg10[%dma_wait3A_1360] : memref<4x!tpu.dma_semaphore, #tpu.memory_space<semaphore_mem>> -> memref<1x!tpu.dma_semaphore, #tpu.memory_space<semaphore_mem>>
      %dma_wait3A_1376 = tpu.memref_squeeze %dma_wait3A_1375 : memref<1x!tpu.dma_semaphore, #tpu.memory_space<semaphore_mem>> -> memref<!tpu.dma_semaphore, #tpu.memory_space<semaphore_mem>>
      tpu.wait_indirect_dma semaphore(%dma_wait3A_1376 : memref<!tpu.dma_semaphore, #tpu.memory_space<semaphore_mem>>) src(%dma_wait3A_1374 : memref<10000x128xf32, #tpu.memory_space<hbm>>) dst(%dma_wait3A_1364 : memref<50x128xf32, #tpu.memory_space<vmem>>)
      %add3A_1377 = arith.constant 3 : i32
      %add3A_1378 = arith.addi %mul3A_1236, %add3A_1377 : i32
      %dma_start3A_1379 = arith.constant 3 : i32
      %dma_start3A_1380 = arith.constant 3 : i32
      %dma_start3A_1381 = arith.constant 0 : i32
      %dma_start3A_1382 = arith.constant 0 : i32
      %dma_start3A_1383 = tpu.memref_slice %arg8[%dma_start3A_1379, %dma_start3A_1381, %dma_start3A_1382] : memref<4x50x128xf32, #tpu.memory_space<vmem>> -> memref<1x50x128xf32, #tpu.memory_space<vmem>>
      %dma_start3A_1384 = tpu.memref_squeeze %dma_start3A_1383 : memref<1x50x128xf32, #tpu.memory_space<vmem>> -> memref<50x128xf32, #tpu.memory_space<vmem>>
      %dma_start3A_1385 = arith.constant 0 : i32
      %dma_start3A_1386 = arith.constant 0 : i32
      %dma_start3A_1387 = tpu.memref_slice %arg7[%scan3A_1138, %dma_start3A_1385, %dma_start3A_1386] : memref<2x40x50xi32, #tpu.memory_space<vmem>> -> memref<1x40x50xi32, #tpu.memory_space<vmem>>
      %dma_start3A_1388 = tpu.memref_squeeze %dma_start3A_1387 : memref<1x40x50xi32, #tpu.memory_space<vmem>> -> memref<40x50xi32, #tpu.memory_space<vmem>>
      %dma_start3A_1389 = arith.constant 0 : i32
      %dma_start3A_1390 = tpu.memref_slice %dma_start3A_1388[%add3A_1378, %dma_start3A_1389] : memref<40x50xi32, #tpu.memory_space<vmem>> -> memref<1x50xi32, #tpu.memory_space<vmem>>
      %dma_start3A_1391 = tpu.memref_squeeze %dma_start3A_1390 : memref<1x50xi32, #tpu.memory_space<vmem>> -> memref<50xi32, #tpu.memory_space<vmem>>
      %dma_start3A_1392 = arith.constant 0 : i32
      %dma_start3A_1393 = arith.constant 0 : i32
      %dma_start3A_1394 = tpu.memref_slice %arg9[%dma_start3A_1392, %dma_start3A_1393] : memref<10000x128xf32, #tpu.memory_space<vmem_shared>> -> memref<10000x128xf32, #tpu.memory_space<vmem_shared>>
      %dma_start3A_1395 = tpu.memref_slice %arg11[%dma_start3A_1380] : memref<4x!tpu.dma_semaphore, #tpu.memory_space<semaphore_mem>> -> memref<1x!tpu.dma_semaphore, #tpu.memory_space<semaphore_mem>>
      %dma_start3A_1396 = tpu.memref_squeeze %dma_start3A_1395 : memref<1x!tpu.dma_semaphore, #tpu.memory_space<semaphore_mem>> -> memref<!tpu.dma_semaphore, #tpu.memory_space<semaphore_mem>>
      tpu.enqueue_indirect_dma source(%dma_start3A_1384 : memref<50x128xf32, #tpu.memory_space<vmem>>) target(%dma_start3A_1394 : memref<10000x128xf32, #tpu.memory_space<vmem_shared>>) offsets(%dma_start3A_1391 : memref<50xi32, #tpu.memory_space<vmem>>) semaphore(%dma_start3A_1396 : memref<!tpu.dma_semaphore, #tpu.memory_space<semaphore_mem>>) {add = true}
      %lt3A = arith.constant 9 : i32
      %lt3A_1397 = arith.cmpi slt, %scan3A_1234, %lt3A : i32
      %convert_element_type3A_1398 = arith.extui %lt3A_1397 : i1 to i32
      %cond3A_1399 = arith.constant 0 : i32
      %cond3A_1400 = arith.cmpi ne, %convert_element_type3A_1398, %cond3A_1399 : i32
      scf.if %cond3A_1400 {
        %add3A_1401 = arith.constant 0 : i32
        %add3A_1402 = arith.addi %mul3A_1236, %add3A_1401 : i32
        %dma_wait3A_1403 = arith.constant 0 : i32
        %dma_wait3A_1404 = arith.constant 0 : i32
        %dma_wait3A_1405 = arith.constant 0 : i32
        %dma_wait3A_1406 = arith.constant 0 : i32
        %dma_wait3A_1407 = tpu.memref_slice %arg8[%dma_wait3A_1403, %dma_wait3A_1405, %dma_wait3A_1406] : memref<4x50x128xf32, #tpu.memory_space<vmem>> -> memref<1x50x128xf32, #tpu.memory_space<vmem>>
        %dma_wait3A_1408 = tpu.memref_squeeze %dma_wait3A_1407 : memref<1x50x128xf32, #tpu.memory_space<vmem>> -> memref<50x128xf32, #tpu.memory_space<vmem>>
        %dma_wait3A_1409 = arith.constant 0 : i32
        %dma_wait3A_1410 = arith.constant 0 : i32
        %dma_wait3A_1411 = tpu.memref_slice %arg7[%scan3A_1138, %dma_wait3A_1409, %dma_wait3A_1410] : memref<2x40x50xi32, #tpu.memory_space<vmem>> -> memref<1x40x50xi32, #tpu.memory_space<vmem>>
        %dma_wait3A_1412 = tpu.memref_squeeze %dma_wait3A_1411 : memref<1x40x50xi32, #tpu.memory_space<vmem>> -> memref<40x50xi32, #tpu.memory_space<vmem>>
        %dma_wait3A_1413 = arith.constant 0 : i32
        %dma_wait3A_1414 = tpu.memref_slice %dma_wait3A_1412[%add3A_1402, %dma_wait3A_1413] : memref<40x50xi32, #tpu.memory_space<vmem>> -> memref<1x50xi32, #tpu.memory_space<vmem>>
        %dma_wait3A_1415 = tpu.memref_squeeze %dma_wait3A_1414 : memref<1x50xi32, #tpu.memory_space<vmem>> -> memref<50xi32, #tpu.memory_space<vmem>>
        %dma_wait3A_1416 = arith.constant 0 : i32
        %dma_wait3A_1417 = arith.constant 0 : i32
        %dma_wait3A_1418 = tpu.memref_slice %arg9[%dma_wait3A_1416, %dma_wait3A_1417] : memref<10000x128xf32, #tpu.memory_space<vmem_shared>> -> memref<10000x128xf32, #tpu.memory_space<vmem_shared>>
        %dma_wait3A_1419 = tpu.memref_slice %arg11[%dma_wait3A_1404] : memref<4x!tpu.dma_semaphore, #tpu.memory_space<semaphore_mem>> -> memref<1x!tpu.dma_semaphore, #tpu.memory_space<semaphore_mem>>
        %dma_wait3A_1420 = tpu.memref_squeeze %dma_wait3A_1419 : memref<1x!tpu.dma_semaphore, #tpu.memory_space<semaphore_mem>> -> memref<!tpu.dma_semaphore, #tpu.memory_space<semaphore_mem>>
        tpu.wait_indirect_dma semaphore(%dma_wait3A_1420 : memref<!tpu.dma_semaphore, #tpu.memory_space<semaphore_mem>>) src(%dma_wait3A_1408 : memref<50x128xf32, #tpu.memory_space<vmem>>) dst(%dma_wait3A_1418 : memref<10000x128xf32, #tpu.memory_space<vmem_shared>>)
        %add3A_1421 = arith.constant 4 : i32
        %add3A_1422 = arith.addi %mul3A_1236, %add3A_1421 : i32
        %add3A_1423 = arith.constant 0 : i32
        %add3A_1424 = arith.addi %add3A_1422, %add3A_1423 : i32
        %dma_start3A_1425 = arith.constant 0 : i32
        %dma_start3A_1426 = arith.constant 0 : i32
        %dma_start3A_1427 = arith.constant 0 : i32
        %dma_start3A_1428 = arith.constant 0 : i32
        %dma_start3A_1429 = tpu.memref_slice %arg8[%dma_start3A_1425, %dma_start3A_1427, %dma_start3A_1428] : memref<4x50x128xf32, #tpu.memory_space<vmem>> -> memref<1x50x128xf32, #tpu.memory_space<vmem>>
        %dma_start3A_1430 = tpu.memref_squeeze %dma_start3A_1429 : memref<1x50x128xf32, #tpu.memory_space<vmem>> -> memref<50x128xf32, #tpu.memory_space<vmem>>
        %dma_start3A_1431 = arith.constant 0 : i32
        %dma_start3A_1432 = arith.constant 0 : i32
        %dma_start3A_1433 = tpu.memref_slice %arg6[%scan3A_1137, %dma_start3A_1431, %dma_start3A_1432] : memref<2x40x50xi32, #tpu.memory_space<vmem>> -> memref<1x40x50xi32, #tpu.memory_space<vmem>>
        %dma_start3A_1434 = tpu.memref_squeeze %dma_start3A_1433 : memref<1x40x50xi32, #tpu.memory_space<vmem>> -> memref<40x50xi32, #tpu.memory_space<vmem>>
        %dma_start3A_1435 = arith.constant 0 : i32
        %dma_start3A_1436 = tpu.memref_slice %dma_start3A_1434[%add3A_1424, %dma_start3A_1435] : memref<40x50xi32, #tpu.memory_space<vmem>> -> memref<1x50xi32, #tpu.memory_space<vmem>>
        %dma_start3A_1437 = tpu.memref_squeeze %dma_start3A_1436 : memref<1x50xi32, #tpu.memory_space<vmem>> -> memref<50xi32, #tpu.memory_space<vmem>>
        %dma_start3A_1438 = arith.constant 0 : i32
        %dma_start3A_1439 = arith.constant 0 : i32
        %dma_start3A_1440 = tpu.memref_slice %arg2[%dma_start3A_1438, %dma_start3A_1439] : memref<10000x128xf32, #tpu.memory_space<hbm>> -> memref<10000x128xf32, #tpu.memory_space<hbm>>
        %dma_start3A_1441 = tpu.memref_slice %arg10[%dma_start3A_1426] : memref<4x!tpu.dma_semaphore, #tpu.memory_space<semaphore_mem>> -> memref<1x!tpu.dma_semaphore, #tpu.memory_space<semaphore_mem>>
        %dma_start3A_1442 = tpu.memref_squeeze %dma_start3A_1441 : memref<1x!tpu.dma_semaphore, #tpu.memory_space<semaphore_mem>> -> memref<!tpu.dma_semaphore, #tpu.memory_space<semaphore_mem>>
        tpu.enqueue_indirect_dma source(%dma_start3A_1440 : memref<10000x128xf32, #tpu.memory_space<hbm>>) target(%dma_start3A_1430 : memref<50x128xf32, #tpu.memory_space<vmem>>) offsets(%dma_start3A_1437 : memref<50xi32, #tpu.memory_space<vmem>>) semaphore(%dma_start3A_1442 : memref<!tpu.dma_semaphore, #tpu.memory_space<semaphore_mem>>)
        %add3A_1443 = arith.constant 1 : i32
        %add3A_1444 = arith.addi %mul3A_1236, %add3A_1443 : i32
        %dma_wait3A_1445 = arith.constant 1 : i32
        %dma_wait3A_1446 = arith.constant 1 : i32
        %dma_wait3A_1447 = arith.constant 0 : i32
        %dma_wait3A_1448 = arith.constant 0 : i32
        %dma_wait3A_1449 = tpu.memref_slice %arg8[%dma_wait3A_1445, %dma_wait3A_1447, %dma_wait3A_1448] : memref<4x50x128xf32, #tpu.memory_space<vmem>> -> memref<1x50x128xf32, #tpu.memory_space<vmem>>
        %dma_wait3A_1450 = tpu.memref_squeeze %dma_wait3A_1449 : memref<1x50x128xf32, #tpu.memory_space<vmem>> -> memref<50x128xf32, #tpu.memory_space<vmem>>
        %dma_wait3A_1451 = arith.constant 0 : i32
        %dma_wait3A_1452 = arith.constant 0 : i32
        %dma_wait3A_1453 = tpu.memref_slice %arg7[%scan3A_1138, %dma_wait3A_1451, %dma_wait3A_1452] : memref<2x40x50xi32, #tpu.memory_space<vmem>> -> memref<1x40x50xi32, #tpu.memory_space<vmem>>
        %dma_wait3A_1454 = tpu.memref_squeeze %dma_wait3A_1453 : memref<1x40x50xi32, #tpu.memory_space<vmem>> -> memref<40x50xi32, #tpu.memory_space<vmem>>
        %dma_wait3A_1455 = arith.constant 0 : i32
        %dma_wait3A_1456 = tpu.memref_slice %dma_wait3A_1454[%add3A_1444, %dma_wait3A_1455] : memref<40x50xi32, #tpu.memory_space<vmem>> -> memref<1x50xi32, #tpu.memory_space<vmem>>
        %dma_wait3A_1457 = tpu.memref_squeeze %dma_wait3A_1456 : memref<1x50xi32, #tpu.memory_space<vmem>> -> memref<50xi32, #tpu.memory_space<vmem>>
        %dma_wait3A_1458 = arith.constant 0 : i32
        %dma_wait3A_1459 = arith.constant 0 : i32
        %dma_wait3A_1460 = tpu.memref_slice %arg9[%dma_wait3A_1458, %dma_wait3A_1459] : memref<10000x128xf32, #tpu.memory_space<vmem_shared>> -> memref<10000x128xf32, #tpu.memory_space<vmem_shared>>
        %dma_wait3A_1461 = tpu.memref_slice %arg11[%dma_wait3A_1446] : memref<4x!tpu.dma_semaphore, #tpu.memory_space<semaphore_mem>> -> memref<1x!tpu.dma_semaphore, #tpu.memory_space<semaphore_mem>>
        %dma_wait3A_1462 = tpu.memref_squeeze %dma_wait3A_1461 : memref<1x!tpu.dma_semaphore, #tpu.memory_space<semaphore_mem>> -> memref<!tpu.dma_semaphore, #tpu.memory_space<semaphore_mem>>
        tpu.wait_indirect_dma semaphore(%dma_wait3A_1462 : memref<!tpu.dma_semaphore, #tpu.memory_space<semaphore_mem>>) src(%dma_wait3A_1450 : memref<50x128xf32, #tpu.memory_space<vmem>>) dst(%dma_wait3A_1460 : memref<10000x128xf32, #tpu.memory_space<vmem_shared>>)
        %add3A_1463 = arith.constant 4 : i32
        %add3A_1464 = arith.addi %mul3A_1236, %add3A_1463 : i32
        %add3A_1465 = arith.constant 1 : i32
        %add3A_1466 = arith.addi %add3A_1464, %add3A_1465 : i32
        %dma_start3A_1467 = arith.constant 1 : i32
        %dma_start3A_1468 = arith.constant 1 : i32
        %dma_start3A_1469 = arith.constant 0 : i32
        %dma_start3A_1470 = arith.constant 0 : i32
        %dma_start3A_1471 = tpu.memref_slice %arg8[%dma_start3A_1467, %dma_start3A_1469, %dma_start3A_1470] : memref<4x50x128xf32, #tpu.memory_space<vmem>> -> memref<1x50x128xf32, #tpu.memory_space<vmem>>
        %dma_start3A_1472 = tpu.memref_squeeze %dma_start3A_1471 : memref<1x50x128xf32, #tpu.memory_space<vmem>> -> memref<50x128xf32, #tpu.memory_space<vmem>>
        %dma_start3A_1473 = arith.constant 0 : i32
        %dma_start3A_1474 = arith.constant 0 : i32
        %dma_start3A_1475 = tpu.memref_slice %arg6[%scan3A_1137, %dma_start3A_1473, %dma_start3A_1474] : memref<2x40x50xi32, #tpu.memory_space<vmem>> -> memref<1x40x50xi32, #tpu.memory_space<vmem>>
        %dma_start3A_1476 = tpu.memref_squeeze %dma_start3A_1475 : memref<1x40x50xi32, #tpu.memory_space<vmem>> -> memref<40x50xi32, #tpu.memory_space<vmem>>
        %dma_start3A_1477 = arith.constant 0 : i32
        %dma_start3A_1478 = tpu.memref_slice %dma_start3A_1476[%add3A_1466, %dma_start3A_1477] : memref<40x50xi32, #tpu.memory_space<vmem>> -> memref<1x50xi32, #tpu.memory_space<vmem>>
        %dma_start3A_1479 = tpu.memref_squeeze %dma_start3A_1478 : memref<1x50xi32, #tpu.memory_space<vmem>> -> memref<50xi32, #tpu.memory_space<vmem>>
        %dma_start3A_1480 = arith.constant 0 : i32
        %dma_start3A_1481 = arith.constant 0 : i32
        %dma_start3A_1482 = tpu.memref_slice %arg2[%dma_start3A_1480, %dma_start3A_1481] : memref<10000x128xf32, #tpu.memory_space<hbm>> -> memref<10000x128xf32, #tpu.memory_space<hbm>>
        %dma_start3A_1483 = tpu.memref_slice %arg10[%dma_start3A_1468] : memref<4x!tpu.dma_semaphore, #tpu.memory_space<semaphore_mem>> -> memref<1x!tpu.dma_semaphore, #tpu.memory_space<semaphore_mem>>
        %dma_start3A_1484 = tpu.memref_squeeze %dma_start3A_1483 : memref<1x!tpu.dma_semaphore, #tpu.memory_space<semaphore_mem>> -> memref<!tpu.dma_semaphore, #tpu.memory_space<semaphore_mem>>
        tpu.enqueue_indirect_dma source(%dma_start3A_1482 : memref<10000x128xf32, #tpu.memory_space<hbm>>) target(%dma_start3A_1472 : memref<50x128xf32, #tpu.memory_space<vmem>>) offsets(%dma_start3A_1479 : memref<50xi32, #tpu.memory_space<vmem>>) semaphore(%dma_start3A_1484 : memref<!tpu.dma_semaphore, #tpu.memory_space<semaphore_mem>>)
        %add3A_1485 = arith.constant 2 : i32
        %add3A_1486 = arith.addi %mul3A_1236, %add3A_1485 : i32
        %dma_wait3A_1487 = arith.constant 2 : i32
        %dma_wait3A_1488 = arith.constant 2 : i32
        %dma_wait3A_1489 = arith.constant 0 : i32
        %dma_wait3A_1490 = arith.constant 0 : i32
        %dma_wait3A_1491 = tpu.memref_slice %arg8[%dma_wait3A_1487, %dma_wait3A_1489, %dma_wait3A_1490] : memref<4x50x128xf32, #tpu.memory_space<vmem>> -> memref<1x50x128xf32, #tpu.memory_space<vmem>>
        %dma_wait3A_1492 = tpu.memref_squeeze %dma_wait3A_1491 : memref<1x50x128xf32, #tpu.memory_space<vmem>> -> memref<50x128xf32, #tpu.memory_space<vmem>>
        %dma_wait3A_1493 = arith.constant 0 : i32
        %dma_wait3A_1494 = arith.constant 0 : i32
        %dma_wait3A_1495 = tpu.memref_slice %arg7[%scan3A_1138, %dma_wait3A_1493, %dma_wait3A_1494] : memref<2x40x50xi32, #tpu.memory_space<vmem>> -> memref<1x40x50xi32, #tpu.memory_space<vmem>>
        %dma_wait3A_1496 = tpu.memref_squeeze %dma_wait3A_1495 : memref<1x40x50xi32, #tpu.memory_space<vmem>> -> memref<40x50xi32, #tpu.memory_space<vmem>>
        %dma_wait3A_1497 = arith.constant 0 : i32
        %dma_wait3A_1498 = tpu.memref_slice %dma_wait3A_1496[%add3A_1486, %dma_wait3A_1497] : memref<40x50xi32, #tpu.memory_space<vmem>> -> memref<1x50xi32, #tpu.memory_space<vmem>>
        %dma_wait3A_1499 = tpu.memref_squeeze %dma_wait3A_1498 : memref<1x50xi32, #tpu.memory_space<vmem>> -> memref<50xi32, #tpu.memory_space<vmem>>
        %dma_wait3A_1500 = arith.constant 0 : i32
        %dma_wait3A_1501 = arith.constant 0 : i32
        %dma_wait3A_1502 = tpu.memref_slice %arg9[%dma_wait3A_1500, %dma_wait3A_1501] : memref<10000x128xf32, #tpu.memory_space<vmem_shared>> -> memref<10000x128xf32, #tpu.memory_space<vmem_shared>>
        %dma_wait3A_1503 = tpu.memref_slice %arg11[%dma_wait3A_1488] : memref<4x!tpu.dma_semaphore, #tpu.memory_space<semaphore_mem>> -> memref<1x!tpu.dma_semaphore, #tpu.memory_space<semaphore_mem>>
        %dma_wait3A_1504 = tpu.memref_squeeze %dma_wait3A_1503 : memref<1x!tpu.dma_semaphore, #tpu.memory_space<semaphore_mem>> -> memref<!tpu.dma_semaphore, #tpu.memory_space<semaphore_mem>>
        tpu.wait_indirect_dma semaphore(%dma_wait3A_1504 : memref<!tpu.dma_semaphore, #tpu.memory_space<semaphore_mem>>) src(%dma_wait3A_1492 : memref<50x128xf32, #tpu.memory_space<vmem>>) dst(%dma_wait3A_1502 : memref<10000x128xf32, #tpu.memory_space<vmem_shared>>)
        %add3A_1505 = arith.constant 4 : i32
        %add3A_1506 = arith.addi %mul3A_1236, %add3A_1505 : i32
        %add3A_1507 = arith.constant 2 : i32
        %add3A_1508 = arith.addi %add3A_1506, %add3A_1507 : i32
        %dma_start3A_1509 = arith.constant 2 : i32
        %dma_start3A_1510 = arith.constant 2 : i32
        %dma_start3A_1511 = arith.constant 0 : i32
        %dma_start3A_1512 = arith.constant 0 : i32
        %dma_start3A_1513 = tpu.memref_slice %arg8[%dma_start3A_1509, %dma_start3A_1511, %dma_start3A_1512] : memref<4x50x128xf32, #tpu.memory_space<vmem>> -> memref<1x50x128xf32, #tpu.memory_space<vmem>>
        %dma_start3A_1514 = tpu.memref_squeeze %dma_start3A_1513 : memref<1x50x128xf32, #tpu.memory_space<vmem>> -> memref<50x128xf32, #tpu.memory_space<vmem>>
        %dma_start3A_1515 = arith.constant 0 : i32
        %dma_start3A_1516 = arith.constant 0 : i32
        %dma_start3A_1517 = tpu.memref_slice %arg6[%scan3A_1137, %dma_start3A_1515, %dma_start3A_1516] : memref<2x40x50xi32, #tpu.memory_space<vmem>> -> memref<1x40x50xi32, #tpu.memory_space<vmem>>
        %dma_start3A_1518 = tpu.memref_squeeze %dma_start3A_1517 : memref<1x40x50xi32, #tpu.memory_space<vmem>> -> memref<40x50xi32, #tpu.memory_space<vmem>>
        %dma_start3A_1519 = arith.constant 0 : i32
        %dma_start3A_1520 = tpu.memref_slice %dma_start3A_1518[%add3A_1508, %dma_start3A_1519] : memref<40x50xi32, #tpu.memory_space<vmem>> -> memref<1x50xi32, #tpu.memory_space<vmem>>
        %dma_start3A_1521 = tpu.memref_squeeze %dma_start3A_1520 : memref<1x50xi32, #tpu.memory_space<vmem>> -> memref<50xi32, #tpu.memory_space<vmem>>
        %dma_start3A_1522 = arith.constant 0 : i32
        %dma_start3A_1523 = arith.constant 0 : i32
        %dma_start3A_1524 = tpu.memref_slice %arg2[%dma_start3A_1522, %dma_start3A_1523] : memref<10000x128xf32, #tpu.memory_space<hbm>> -> memref<10000x128xf32, #tpu.memory_space<hbm>>
        %dma_start3A_1525 = tpu.memref_slice %arg10[%dma_start3A_1510] : memref<4x!tpu.dma_semaphore, #tpu.memory_space<semaphore_mem>> -> memref<1x!tpu.dma_semaphore, #tpu.memory_space<semaphore_mem>>
        %dma_start3A_1526 = tpu.memref_squeeze %dma_start3A_1525 : memref<1x!tpu.dma_semaphore, #tpu.memory_space<semaphore_mem>> -> memref<!tpu.dma_semaphore, #tpu.memory_space<semaphore_mem>>
        tpu.enqueue_indirect_dma source(%dma_start3A_1524 : memref<10000x128xf32, #tpu.memory_space<hbm>>) target(%dma_start3A_1514 : memref<50x128xf32, #tpu.memory_space<vmem>>) offsets(%dma_start3A_1521 : memref<50xi32, #tpu.memory_space<vmem>>) semaphore(%dma_start3A_1526 : memref<!tpu.dma_semaphore, #tpu.memory_space<semaphore_mem>>)
        %add3A_1527 = arith.constant 3 : i32
        %add3A_1528 = arith.addi %mul3A_1236, %add3A_1527 : i32
        %dma_wait3A_1529 = arith.constant 3 : i32
        %dma_wait3A_1530 = arith.constant 3 : i32
        %dma_wait3A_1531 = arith.constant 0 : i32
        %dma_wait3A_1532 = arith.constant 0 : i32
        %dma_wait3A_1533 = tpu.memref_slice %arg8[%dma_wait3A_1529, %dma_wait3A_1531, %dma_wait3A_1532] : memref<4x50x128xf32, #tpu.memory_space<vmem>> -> memref<1x50x128xf32, #tpu.memory_space<vmem>>
        %dma_wait3A_1534 = tpu.memref_squeeze %dma_wait3A_1533 : memref<1x50x128xf32, #tpu.memory_space<vmem>> -> memref<50x128xf32, #tpu.memory_space<vmem>>
        %dma_wait3A_1535 = arith.constant 0 : i32
        %dma_wait3A_1536 = arith.constant 0 : i32
        %dma_wait3A_1537 = tpu.memref_slice %arg7[%scan3A_1138, %dma_wait3A_1535, %dma_wait3A_1536] : memref<2x40x50xi32, #tpu.memory_space<vmem>> -> memref<1x40x50xi32, #tpu.memory_space<vmem>>
        %dma_wait3A_1538 = tpu.memref_squeeze %dma_wait3A_1537 : memref<1x40x50xi32, #tpu.memory_space<vmem>> -> memref<40x50xi32, #tpu.memory_space<vmem>>
        %dma_wait3A_1539 = arith.constant 0 : i32
        %dma_wait3A_1540 = tpu.memref_slice %dma_wait3A_1538[%add3A_1528, %dma_wait3A_1539] : memref<40x50xi32, #tpu.memory_space<vmem>> -> memref<1x50xi32, #tpu.memory_space<vmem>>
        %dma_wait3A_1541 = tpu.memref_squeeze %dma_wait3A_1540 : memref<1x50xi32, #tpu.memory_space<vmem>> -> memref<50xi32, #tpu.memory_space<vmem>>
        %dma_wait3A_1542 = arith.constant 0 : i32
        %dma_wait3A_1543 = arith.constant 0 : i32
        %dma_wait3A_1544 = tpu.memref_slice %arg9[%dma_wait3A_1542, %dma_wait3A_1543] : memref<10000x128xf32, #tpu.memory_space<vmem_shared>> -> memref<10000x128xf32, #tpu.memory_space<vmem_shared>>
        %dma_wait3A_1545 = tpu.memref_slice %arg11[%dma_wait3A_1530] : memref<4x!tpu.dma_semaphore, #tpu.memory_space<semaphore_mem>> -> memref<1x!tpu.dma_semaphore, #tpu.memory_space<semaphore_mem>>
        %dma_wait3A_1546 = tpu.memref_squeeze %dma_wait3A_1545 : memref<1x!tpu.dma_semaphore, #tpu.memory_space<semaphore_mem>> -> memref<!tpu.dma_semaphore, #tpu.memory_space<semaphore_mem>>
        tpu.wait_indirect_dma semaphore(%dma_wait3A_1546 : memref<!tpu.dma_semaphore, #tpu.memory_space<semaphore_mem>>) src(%dma_wait3A_1534 : memref<50x128xf32, #tpu.memory_space<vmem>>) dst(%dma_wait3A_1544 : memref<10000x128xf32, #tpu.memory_space<vmem_shared>>)
        %add3A_1547 = arith.constant 4 : i32
        %add3A_1548 = arith.addi %mul3A_1236, %add3A_1547 : i32
        %add3A_1549 = arith.constant 3 : i32
        %add3A_1550 = arith.addi %add3A_1548, %add3A_1549 : i32
        %dma_start3A_1551 = arith.constant 3 : i32
        %dma_start3A_1552 = arith.constant 3 : i32
        %dma_start3A_1553 = arith.constant 0 : i32
        %dma_start3A_1554 = arith.constant 0 : i32
        %dma_start3A_1555 = tpu.memref_slice %arg8[%dma_start3A_1551, %dma_start3A_1553, %dma_start3A_1554] : memref<4x50x128xf32, #tpu.memory_space<vmem>> -> memref<1x50x128xf32, #tpu.memory_space<vmem>>
        %dma_start3A_1556 = tpu.memref_squeeze %dma_start3A_1555 : memref<1x50x128xf32, #tpu.memory_space<vmem>> -> memref<50x128xf32, #tpu.memory_space<vmem>>
        %dma_start3A_1557 = arith.constant 0 : i32
        %dma_start3A_1558 = arith.constant 0 : i32
        %dma_start3A_1559 = tpu.memref_slice %arg6[%scan3A_1137, %dma_start3A_1557, %dma_start3A_1558] : memref<2x40x50xi32, #tpu.memory_space<vmem>> -> memref<1x40x50xi32, #tpu.memory_space<vmem>>
        %dma_start3A_1560 = tpu.memref_squeeze %dma_start3A_1559 : memref<1x40x50xi32, #tpu.memory_space<vmem>> -> memref<40x50xi32, #tpu.memory_space<vmem>>
        %dma_start3A_1561 = arith.constant 0 : i32
        %dma_start3A_1562 = tpu.memref_slice %dma_start3A_1560[%add3A_1550, %dma_start3A_1561] : memref<40x50xi32, #tpu.memory_space<vmem>> -> memref<1x50xi32, #tpu.memory_space<vmem>>
        %dma_start3A_1563 = tpu.memref_squeeze %dma_start3A_1562 : memref<1x50xi32, #tpu.memory_space<vmem>> -> memref<50xi32, #tpu.memory_space<vmem>>
        %dma_start3A_1564 = arith.constant 0 : i32
        %dma_start3A_1565 = arith.constant 0 : i32
        %dma_start3A_1566 = tpu.memref_slice %arg2[%dma_start3A_1564, %dma_start3A_1565] : memref<10000x128xf32, #tpu.memory_space<hbm>> -> memref<10000x128xf32, #tpu.memory_space<hbm>>
        %dma_start3A_1567 = tpu.memref_slice %arg10[%dma_start3A_1552] : memref<4x!tpu.dma_semaphore, #tpu.memory_space<semaphore_mem>> -> memref<1x!tpu.dma_semaphore, #tpu.memory_space<semaphore_mem>>
        %dma_start3A_1568 = tpu.memref_squeeze %dma_start3A_1567 : memref<1x!tpu.dma_semaphore, #tpu.memory_space<semaphore_mem>> -> memref<!tpu.dma_semaphore, #tpu.memory_space<semaphore_mem>>
        tpu.enqueue_indirect_dma source(%dma_start3A_1566 : memref<10000x128xf32, #tpu.memory_space<hbm>>) target(%dma_start3A_1556 : memref<50x128xf32, #tpu.memory_space<vmem>>) offsets(%dma_start3A_1563 : memref<50xi32, #tpu.memory_space<vmem>>) semaphore(%dma_start3A_1568 : memref<!tpu.dma_semaphore, #tpu.memory_space<semaphore_mem>>)
      } else {
      }
    }
    %scan3A_1143 = arith.constant 10 : i32
    %dma_wait3A_1144 = arith.constant 0 : i32
    %dma_wait3A_1145 = arith.constant 0 : i32
    %dma_wait3A_1146 = arith.constant 36 : i32
    %dma_wait3A_1147 = arith.constant 0 : i32
    %dma_wait3A_1148 = arith.constant 0 : i32
    %dma_wait3A_1149 = arith.constant 0 : i32
    %dma_wait3A_1150 = tpu.memref_slice %arg8[%dma_wait3A_1144, %dma_wait3A_1148, %dma_wait3A_1149] : memref<4x50x128xf32, #tpu.memory_space<vmem>> -> memref<1x50x128xf32, #tpu.memory_space<vmem>>
    %dma_wait3A_1151 = tpu.memref_squeeze %dma_wait3A_1150 : memref<1x50x128xf32, #tpu.memory_space<vmem>> -> memref<50x128xf32, #tpu.memory_space<vmem>>
    %dma_wait3A_1152 = arith.constant 0 : i32
    %dma_wait3A_1153 = arith.constant 0 : i32
    %dma_wait3A_1154 = tpu.memref_slice %arg7[%dma_wait3A_1145, %dma_wait3A_1152, %dma_wait3A_1153] : memref<2x40x50xi32, #tpu.memory_space<vmem>> -> memref<1x40x50xi32, #tpu.memory_space<vmem>>
    %dma_wait3A_1155 = tpu.memref_squeeze %dma_wait3A_1154 : memref<1x40x50xi32, #tpu.memory_space<vmem>> -> memref<40x50xi32, #tpu.memory_space<vmem>>
    %dma_wait3A_1156 = arith.constant 0 : i32
    %dma_wait3A_1157 = tpu.memref_slice %dma_wait3A_1155[%dma_wait3A_1146, %dma_wait3A_1156] : memref<40x50xi32, #tpu.memory_space<vmem>> -> memref<1x50xi32, #tpu.memory_space<vmem>>
    %dma_wait3A_1158 = tpu.memref_squeeze %dma_wait3A_1157 : memref<1x50xi32, #tpu.memory_space<vmem>> -> memref<50xi32, #tpu.memory_space<vmem>>
    %dma_wait3A_1159 = arith.constant 0 : i32
    %dma_wait3A_1160 = arith.constant 0 : i32
    %dma_wait3A_1161 = tpu.memref_slice %arg9[%dma_wait3A_1159, %dma_wait3A_1160] : memref<10000x128xf32, #tpu.memory_space<vmem_shared>> -> memref<10000x128xf32, #tpu.memory_space<vmem_shared>>
    %dma_wait3A_1162 = tpu.memref_slice %arg11[%dma_wait3A_1147] : memref<4x!tpu.dma_semaphore, #tpu.memory_space<semaphore_mem>> -> memref<1x!tpu.dma_semaphore, #tpu.memory_space<semaphore_mem>>
    %dma_wait3A_1163 = tpu.memref_squeeze %dma_wait3A_1162 : memref<1x!tpu.dma_semaphore, #tpu.memory_space<semaphore_mem>> -> memref<!tpu.dma_semaphore, #tpu.memory_space<semaphore_mem>>
    tpu.wait_indirect_dma semaphore(%dma_wait3A_1163 : memref<!tpu.dma_semaphore, #tpu.memory_space<semaphore_mem>>) src(%dma_wait3A_1151 : memref<50x128xf32, #tpu.memory_space<vmem>>) dst(%dma_wait3A_1161 : memref<10000x128xf32, #tpu.memory_space<vmem_shared>>)
    %dma_wait3A_1164 = arith.constant 1 : i32
    %dma_wait3A_1165 = arith.constant 0 : i32
    %dma_wait3A_1166 = arith.constant 37 : i32
    %dma_wait3A_1167 = arith.constant 1 : i32
    %dma_wait3A_1168 = arith.constant 0 : i32
    %dma_wait3A_1169 = arith.constant 0 : i32
    %dma_wait3A_1170 = tpu.memref_slice %arg8[%dma_wait3A_1164, %dma_wait3A_1168, %dma_wait3A_1169] : memref<4x50x128xf32, #tpu.memory_space<vmem>> -> memref<1x50x128xf32, #tpu.memory_space<vmem>>
    %dma_wait3A_1171 = tpu.memref_squeeze %dma_wait3A_1170 : memref<1x50x128xf32, #tpu.memory_space<vmem>> -> memref<50x128xf32, #tpu.memory_space<vmem>>
    %dma_wait3A_1172 = arith.constant 0 : i32
    %dma_wait3A_1173 = arith.constant 0 : i32
    %dma_wait3A_1174 = tpu.memref_slice %arg7[%dma_wait3A_1165, %dma_wait3A_1172, %dma_wait3A_1173] : memref<2x40x50xi32, #tpu.memory_space<vmem>> -> memref<1x40x50xi32, #tpu.memory_space<vmem>>
    %dma_wait3A_1175 = tpu.memref_squeeze %dma_wait3A_1174 : memref<1x40x50xi32, #tpu.memory_space<vmem>> -> memref<40x50xi32, #tpu.memory_space<vmem>>
    %dma_wait3A_1176 = arith.constant 0 : i32
    %dma_wait3A_1177 = tpu.memref_slice %dma_wait3A_1175[%dma_wait3A_1166, %dma_wait3A_1176] : memref<40x50xi32, #tpu.memory_space<vmem>> -> memref<1x50xi32, #tpu.memory_space<vmem>>
    %dma_wait3A_1178 = tpu.memref_squeeze %dma_wait3A_1177 : memref<1x50xi32, #tpu.memory_space<vmem>> -> memref<50xi32, #tpu.memory_space<vmem>>
    %dma_wait3A_1179 = arith.constant 0 : i32
    %dma_wait3A_1180 = arith.constant 0 : i32
    %dma_wait3A_1181 = tpu.memref_slice %arg9[%dma_wait3A_1179, %dma_wait3A_1180] : memref<10000x128xf32, #tpu.memory_space<vmem_shared>> -> memref<10000x128xf32, #tpu.memory_space<vmem_shared>>
    %dma_wait3A_1182 = tpu.memref_slice %arg11[%dma_wait3A_1167] : memref<4x!tpu.dma_semaphore, #tpu.memory_space<semaphore_mem>> -> memref<1x!tpu.dma_semaphore, #tpu.memory_space<semaphore_mem>>
    %dma_wait3A_1183 = tpu.memref_squeeze %dma_wait3A_1182 : memref<1x!tpu.dma_semaphore, #tpu.memory_space<semaphore_mem>> -> memref<!tpu.dma_semaphore, #tpu.memory_space<semaphore_mem>>
    tpu.wait_indirect_dma semaphore(%dma_wait3A_1183 : memref<!tpu.dma_semaphore, #tpu.memory_space<semaphore_mem>>) src(%dma_wait3A_1171 : memref<50x128xf32, #tpu.memory_space<vmem>>) dst(%dma_wait3A_1181 : memref<10000x128xf32, #tpu.memory_space<vmem_shared>>)
    %dma_wait3A_1184 = arith.constant 2 : i32
    %dma_wait3A_1185 = arith.constant 0 : i32
    %dma_wait3A_1186 = arith.constant 38 : i32
    %dma_wait3A_1187 = arith.constant 2 : i32
    %dma_wait3A_1188 = arith.constant 0 : i32
    %dma_wait3A_1189 = arith.constant 0 : i32
    %dma_wait3A_1190 = tpu.memref_slice %arg8[%dma_wait3A_1184, %dma_wait3A_1188, %dma_wait3A_1189] : memref<4x50x128xf32, #tpu.memory_space<vmem>> -> memref<1x50x128xf32, #tpu.memory_space<vmem>>
    %dma_wait3A_1191 = tpu.memref_squeeze %dma_wait3A_1190 : memref<1x50x128xf32, #tpu.memory_space<vmem>> -> memref<50x128xf32, #tpu.memory_space<vmem>>
    %dma_wait3A_1192 = arith.constant 0 : i32
    %dma_wait3A_1193 = arith.constant 0 : i32
    %dma_wait3A_1194 = tpu.memref_slice %arg7[%dma_wait3A_1185, %dma_wait3A_1192, %dma_wait3A_1193] : memref<2x40x50xi32, #tpu.memory_space<vmem>> -> memref<1x40x50xi32, #tpu.memory_space<vmem>>
    %dma_wait3A_1195 = tpu.memref_squeeze %dma_wait3A_1194 : memref<1x40x50xi32, #tpu.memory_space<vmem>> -> memref<40x50xi32, #tpu.memory_space<vmem>>
    %dma_wait3A_1196 = arith.constant 0 : i32
    %dma_wait3A_1197 = tpu.memref_slice %dma_wait3A_1195[%dma_wait3A_1186, %dma_wait3A_1196] : memref<40x50xi32, #tpu.memory_space<vmem>> -> memref<1x50xi32, #tpu.memory_space<vmem>>
    %dma_wait3A_1198 = tpu.memref_squeeze %dma_wait3A_1197 : memref<1x50xi32, #tpu.memory_space<vmem>> -> memref<50xi32, #tpu.memory_space<vmem>>
    %dma_wait3A_1199 = arith.constant 0 : i32
    %dma_wait3A_1200 = arith.constant 0 : i32
    %dma_wait3A_1201 = tpu.memref_slice %arg9[%dma_wait3A_1199, %dma_wait3A_1200] : memref<10000x128xf32, #tpu.memory_space<vmem_shared>> -> memref<10000x128xf32, #tpu.memory_space<vmem_shared>>
    %dma_wait3A_1202 = tpu.memref_slice %arg11[%dma_wait3A_1187] : memref<4x!tpu.dma_semaphore, #tpu.memory_space<semaphore_mem>> -> memref<1x!tpu.dma_semaphore, #tpu.memory_space<semaphore_mem>>
    %dma_wait3A_1203 = tpu.memref_squeeze %dma_wait3A_1202 : memref<1x!tpu.dma_semaphore, #tpu.memory_space<semaphore_mem>> -> memref<!tpu.dma_semaphore, #tpu.memory_space<semaphore_mem>>
    tpu.wait_indirect_dma semaphore(%dma_wait3A_1203 : memref<!tpu.dma_semaphore, #tpu.memory_space<semaphore_mem>>) src(%dma_wait3A_1191 : memref<50x128xf32, #tpu.memory_space<vmem>>) dst(%dma_wait3A_1201 : memref<10000x128xf32, #tpu.memory_space<vmem_shared>>)
    %dma_wait3A_1204 = arith.constant 3 : i32
    %dma_wait3A_1205 = arith.constant 0 : i32
    %dma_wait3A_1206 = arith.constant 39 : i32
    %dma_wait3A_1207 = arith.constant 3 : i32
    %dma_wait3A_1208 = arith.constant 0 : i32
    %dma_wait3A_1209 = arith.constant 0 : i32
    %dma_wait3A_1210 = tpu.memref_slice %arg8[%dma_wait3A_1204, %dma_wait3A_1208, %dma_wait3A_1209] : memref<4x50x128xf32, #tpu.memory_space<vmem>> -> memref<1x50x128xf32, #tpu.memory_space<vmem>>
    %dma_wait3A_1211 = tpu.memref_squeeze %dma_wait3A_1210 : memref<1x50x128xf32, #tpu.memory_space<vmem>> -> memref<50x128xf32, #tpu.memory_space<vmem>>
    %dma_wait3A_1212 = arith.constant 0 : i32
    %dma_wait3A_1213 = arith.constant 0 : i32
    %dma_wait3A_1214 = tpu.memref_slice %arg7[%dma_wait3A_1205, %dma_wait3A_1212, %dma_wait3A_1213] : memref<2x40x50xi32, #tpu.memory_space<vmem>> -> memref<1x40x50xi32, #tpu.memory_space<vmem>>
    %dma_wait3A_1215 = tpu.memref_squeeze %dma_wait3A_1214 : memref<1x40x50xi32, #tpu.memory_space<vmem>> -> memref<40x50xi32, #tpu.memory_space<vmem>>
    %dma_wait3A_1216 = arith.constant 0 : i32
    %dma_wait3A_1217 = tpu.memref_slice %dma_wait3A_1215[%dma_wait3A_1206, %dma_wait3A_1216] : memref<40x50xi32, #tpu.memory_space<vmem>> -> memref<1x50xi32, #tpu.memory_space<vmem>>
    %dma_wait3A_1218 = tpu.memref_squeeze %dma_wait3A_1217 : memref<1x50xi32, #tpu.memory_space<vmem>> -> memref<50xi32, #tpu.memory_space<vmem>>
    %dma_wait3A_1219 = arith.constant 0 : i32
    %dma_wait3A_1220 = arith.constant 0 : i32
    %dma_wait3A_1221 = tpu.memref_slice %arg9[%dma_wait3A_1219, %dma_wait3A_1220] : memref<10000x128xf32, #tpu.memory_space<vmem_shared>> -> memref<10000x128xf32, #tpu.memory_space<vmem_shared>>
    %dma_wait3A_1222 = tpu.memref_slice %arg11[%dma_wait3A_1207] : memref<4x!tpu.dma_semaphore, #tpu.memory_space<semaphore_mem>> -> memref<1x!tpu.dma_semaphore, #tpu.memory_space<semaphore_mem>>
    %dma_wait3A_1223 = tpu.memref_squeeze %dma_wait3A_1222 : memref<1x!tpu.dma_semaphore, #tpu.memory_space<semaphore_mem>> -> memref<!tpu.dma_semaphore, #tpu.memory_space<semaphore_mem>>
    tpu.wait_indirect_dma semaphore(%dma_wait3A_1223 : memref<!tpu.dma_semaphore, #tpu.memory_space<semaphore_mem>>) src(%dma_wait3A_1211 : memref<50x128xf32, #tpu.memory_space<vmem>>) dst(%dma_wait3A_1221 : memref<10000x128xf32, #tpu.memory_space<vmem_shared>>)
    %barrier3A_1224 = arith.constant 0 : index
    tpu.barrier barrier_id(%barrier3A_1224)
    %mul3A_1225 = arith.constant 10000 : i32
    %mul3A_1226 = arith.muli %arg0, %mul3A_1225 : i32
    %add3A_1227 = arith.addi %mul3A_1226, %multiple_of3A : i32
    %multiple_of3A_1228 = tpu.assume_multiple %add3A_1227, 8 : i32
    "tpu.region"() ({
      %run_scoped3A = tpu.sem_alloc : memref<!tpu.dma_semaphore, #tpu.memory_space<semaphore_mem>>
      %dma_start3A_1234 = arith.constant 0 : i32
      %dma_start3A_1235 = tpu.memref_slice %arg5[%multiple_of3A_1228, %dma_start3A_1234] : memref<20000x128xf32, #tpu.memory_space<hbm>> -> memref<624x128xf32, #tpu.memory_space<hbm>>
      %dma_start3A_1236 = arith.constant 0 : i32
      %dma_start3A_1237 = tpu.memref_slice %arg9[%multiple_of3A, %dma_start3A_1236] : memref<10000x128xf32, #tpu.memory_space<vmem_shared>> -> memref<624x128xf32, #tpu.memory_space<vmem_shared>>
      tpu.enqueue_dma source(%dma_start3A_1237 : memref<624x128xf32, #tpu.memory_space<vmem_shared>>) target(%dma_start3A_1235 : memref<624x128xf32, #tpu.memory_space<hbm>>) target_semaphore(%run_scoped3A : memref<!tpu.dma_semaphore, #tpu.memory_space<semaphore_mem>>)
      %dma_wait3A_1238 = arith.constant 0 : i32
      %dma_wait3A_1239 = tpu.memref_slice %arg5[%multiple_of3A_1228, %dma_wait3A_1238] : memref<20000x128xf32, #tpu.memory_space<hbm>> -> memref<624x128xf32, #tpu.memory_space<hbm>>
      %dma_wait3A_1240 = arith.constant 0 : i32
      %dma_wait3A_1241 = tpu.memref_slice %arg9[%multiple_of3A, %dma_wait3A_1240] : memref<10000x128xf32, #tpu.memory_space<vmem_shared>> -> memref<624x128xf32, #tpu.memory_space<vmem_shared>>
      tpu.wait_dma2 semaphore(%run_scoped3A : memref<!tpu.dma_semaphore, #tpu.memory_space<semaphore_mem>>) src(%dma_wait3A_1241 : memref<624x128xf32, #tpu.memory_space<vmem_shared>>) dst(%dma_wait3A_1239 : memref<624x128xf32, #tpu.memory_space<hbm>>)
      tpu.yield
    }) : () -> ()
    %eq3A_1229 = arith.constant 15 : i32
    %eq3A_1230 = arith.cmpi eq, %arg1, %eq3A_1229 : i32
    %convert_element_type3A_1231 = arith.extui %eq3A_1230 : i1 to i32
    %cond3A_1232 = arith.constant 0 : i32
    %cond3A_1233 = arith.cmpi ne, %convert_element_type3A_1231, %cond3A_1232 : i32
    scf.if %cond3A_1233 {
      %mul3A_1234 = arith.constant 10000 : i32
      %mul3A_1235 = arith.muli %arg0, %mul3A_1234 : i32
      %add3A_1236 = arith.constant 9984 : i32
      %add3A_1237 = arith.addi %mul3A_1235, %add3A_1236 : i32
      %multiple_of3A_1238 = tpu.assume_multiple %add3A_1237, 8 : i32
      "tpu.region"() ({
        %run_scoped3A = tpu.sem_alloc : memref<!tpu.dma_semaphore, #tpu.memory_space<semaphore_mem>>
        %dma_start3A_1239 = arith.constant 0 : i32
        %dma_start3A_1240 = tpu.memref_slice %arg5[%multiple_of3A_1238, %dma_start3A_1239] : memref<20000x128xf32, #tpu.memory_space<hbm>> -> memref<16x128xf32, #tpu.memory_space<hbm>>
        %dma_start3A_1241 = arith.constant 9984 : i32
        %dma_start3A_1242 = arith.constant 0 : i32
        %dma_start3A_1243 = tpu.memref_slice %arg9[%dma_start3A_1241, %dma_start3A_1242] : memref<10000x128xf32, #tpu.memory_space<vmem_shared>> -> memref<16x128xf32, #tpu.memory_space<vmem_shared>>
        tpu.enqueue_dma source(%dma_start3A_1243 : memref<16x128xf32, #tpu.memory_space<vmem_shared>>) target(%dma_start3A_1240 : memref<16x128xf32, #tpu.memory_space<hbm>>) target_semaphore(%run_scoped3A : memref<!tpu.dma_semaphore, #tpu.memory_space<semaphore_mem>>)
        %dma_wait3A_1244 = arith.constant 0 : i32
        %dma_wait3A_1245 = tpu.memref_slice %arg5[%multiple_of3A_1238, %dma_wait3A_1244] : memref<20000x128xf32, #tpu.memory_space<hbm>> -> memref<16x128xf32, #tpu.memory_space<hbm>>
        %dma_wait3A_1246 = arith.constant 9984 : i32
        %dma_wait3A_1247 = arith.constant 0 : i32
        %dma_wait3A_1248 = tpu.memref_slice %arg9[%dma_wait3A_1246, %dma_wait3A_1247] : memref<10000x128xf32, #tpu.memory_space<vmem_shared>> -> memref<16x128xf32, #tpu.memory_space<vmem_shared>>
        tpu.wait_dma2 semaphore(%run_scoped3A : memref<!tpu.dma_semaphore, #tpu.memory_space<semaphore_mem>>) src(%dma_wait3A_1248 : memref<16x128xf32, #tpu.memory_space<vmem_shared>>) dst(%dma_wait3A_1245 : memref<16x128xf32, #tpu.memory_space<hbm>>)
        tpu.yield
      }) : () -> ()
    } else {
    }
    return
  }
}

module attributes {stable_mosaic.version = 14 : i64} {
  func.func @_tc_body(%arg0: i32, %arg1: memref<2x5000x128xf32, #tpu.memory_space<vmem>>, %arg2: memref<5000x128xf32, #tpu.memory_space<vmem>>, %arg3: memref<128x128xf32, #tpu.memory_space<vmem>>, %arg4: memref<1x128xf32, #tpu.memory_space<vmem>>, %arg5: memref<128x128xf32, #tpu.memory_space<vmem>>, %arg6: memref<1x128xf32, #tpu.memory_space<vmem>>, %arg7: memref<1x128xf32, #tpu.memory_space<vmem>>, %arg8: memref<8x128xf32, #tpu.memory_space<vmem>>) attributes {dimension_semantics = [#tpu.dimension_semantics<arbitrary>], iteration_bounds = array<i64: 2>, scalar_prefetch = 0 : i64, scratch_operands = 1 : i64, tpu.core_type = #tpu.core_type<tc>, window_params = [{transform_indices = @transform_0, window_bounds = array<i64: 2, 5000, 128>}, {transform_indices = @transform_1, window_bounds = array<i64: 5000, 128>}, {pipeline_mode = #tpu.pipeline_mode<synchronous>, transform_indices = @transform_2, window_bounds = array<i64: 128, 128>}, {pipeline_mode = #tpu.pipeline_mode<synchronous>, transform_indices = @transform_3, window_bounds = array<i64: 1, 128>}, {pipeline_mode = #tpu.pipeline_mode<synchronous>, transform_indices = @transform_4, window_bounds = array<i64: 128, 128>}, {pipeline_mode = #tpu.pipeline_mode<synchronous>, transform_indices = @transform_5, window_bounds = array<i64: 1, 128>}, {pipeline_mode = #tpu.pipeline_mode<synchronous>, transform_indices = @transform_6, window_bounds = array<i64: 1, 128>}]} {
    %get3A = arith.constant 0 : index
    %get3A_0 = arith.constant 0 : index
    %get3A_1 = arith.constant 0 : index
    %get3A_2 = vector.load %arg1[%get3A, %get3A_0, %get3A_1] : memref<2x5000x128xf32, #tpu.memory_space<vmem>>, vector<1x5000x128xf32>
    %get3A_3 = vector.shape_cast %get3A_2 : vector<1x5000x128xf32> to vector<5000x128xf32>
    %get3A_4 = arith.constant 1 : index
    %get3A_5 = arith.constant 0 : index
    %get3A_6 = arith.constant 0 : index
    %get3A_7 = vector.load %arg1[%get3A_4, %get3A_5, %get3A_6] : memref<2x5000x128xf32, #tpu.memory_space<vmem>>, vector<1x5000x128xf32>
    %get3A_8 = vector.shape_cast %get3A_7 : vector<1x5000x128xf32> to vector<5000x128xf32>
    %add3A = arith.addf %get3A_3, %get3A_8 : vector<5000x128xf32>
    %get3A_9 = arith.constant 0 : index
    %get3A_10 = arith.constant 0 : index
    %get3A_11 = vector.load %arg2[%get3A_9, %get3A_10] : memref<5000x128xf32, #tpu.memory_space<vmem>>, vector<5000x128xf32>
    %sub3A = arith.subf %add3A, %get3A_11 : vector<5000x128xf32>
    %get3A_12 = arith.constant 0 : index
    %get3A_13 = arith.constant 0 : index
    %get3A_14 = vector.load %arg3[%get3A_12, %get3A_13] : memref<128x128xf32, #tpu.memory_space<vmem>>, vector<128x128xf32>
    %dot_general3A = arith.constant dense<0.000000e+00> : vector<5000x128xf32>
    %dot_general3A_15 = tpu.matmul %sub3A, %get3A_14, %dot_general3A {dimension_numbers = #tpu.dot_dimension_numbers<[1], [0], [0], [1], [0, 0, 1, 1], [], []>, transpose_lhs_hint = false} : vector<5000x128xf32>, vector<128x128xf32>, vector<5000x128xf32> -> vector<5000x128xf32>
    %get3A_16 = arith.constant 0 : index
    %get3A_17 = arith.constant 0 : index
    %get3A_18 = vector.load %arg4[%get3A_16, %get3A_17] : memref<1x128xf32, #tpu.memory_space<vmem>>, vector<1x128xf32>
    %add3A_19 = vector.broadcast %get3A_18 : vector<1x128xf32> to vector<5000x128xf32>
    %add3A_20 = arith.addf %dot_general3A_15, %add3A_19 : vector<5000x128xf32>
    %max3A = arith.constant 0.000000e+00 : f32
    %max3A_21 = vector.broadcast %max3A : f32 to vector<5000x128xf32>
    %max3A_22 = arith.maximumf %add3A_20, %max3A_21 : vector<5000x128xf32>
    %reduce_sum3A = arith.constant dense<0.000000e+00> : vector<128xf32>
    %reduce_sum3A_23 = vector.multi_reduction <add>, %max3A_22, %reduce_sum3A [0] : vector<5000x128xf32> to vector<128xf32>
    %broadcast_in_dim3A = vector.shape_cast %reduce_sum3A_23 : vector<128xf32> to vector<1x128xf32>
    %eq3A = arith.constant 0 : i32
    %eq3A_24 = arith.cmpi eq, %arg0, %eq3A : i32
    %convert_element_type3A = arith.extui %eq3A_24 : i1 to i32
    %cond3A = arith.constant 0 : i32
    %cond3A_25 = arith.cmpi ne, %convert_element_type3A, %cond3A : i32
    scf.if %cond3A_25 {
      %broadcast_in_dim3A_37 = arith.constant 0.000000e+00 : f32
      %broadcast_in_dim3A_38 = vector.broadcast %broadcast_in_dim3A_37 : f32 to vector<8x128xf32>
      %swap3A_39 = arith.constant 0 : index
      %swap3A_40 = arith.constant 0 : index
      %swap3A_41 = vector.load %arg8[%swap3A_39, %swap3A_40] : memref<8x128xf32, #tpu.memory_space<vmem>>, vector<8x128xf32>
      tpu.vector_store %arg8[%swap3A_39, %swap3A_40], %broadcast_in_dim3A_38 {strides = array<i32>} : memref<8x128xf32, #tpu.memory_space<vmem>>, vector<8x128xf32>,
    } else {
    }
    %get3A_26 = arith.constant 0 : index
    %get3A_27 = arith.constant 0 : index
    %get3A_28 = vector.load %arg8[%get3A_26, %get3A_27] : memref<8x128xf32, #tpu.memory_space<vmem>>, vector<1x128xf32>
    %add3A_29 = arith.addf %get3A_28, %broadcast_in_dim3A : vector<1x128xf32>
    %swap3A = arith.constant 0 : index
    %swap3A_30 = arith.constant 0 : index
    %swap3A_31 = vector.load %arg8[%swap3A, %swap3A_30] : memref<8x128xf32, #tpu.memory_space<vmem>>, vector<1x128xf32>
    tpu.vector_store %arg8[%swap3A, %swap3A_30], %add3A_29 {strides = array<i32>} : memref<8x128xf32, #tpu.memory_space<vmem>>, vector<1x128xf32>,
    %eq3A_32 = arith.constant 1 : i32
    %eq3A_33 = arith.cmpi eq, %arg0, %eq3A_32 : i32
    %convert_element_type3A_34 = arith.extui %eq3A_33 : i1 to i32
    %cond3A_35 = arith.constant 0 : i32
    %cond3A_36 = arith.cmpi ne, %convert_element_type3A_34, %cond3A_35 : i32
    scf.if %cond3A_36 {
      %get3A_37 = arith.constant 0 : index
      %get3A_38 = arith.constant 0 : index
      %get3A_39 = vector.load %arg8[%get3A_37, %get3A_38] : memref<8x128xf32, #tpu.memory_space<vmem>>, vector<1x128xf32>
      %get3A_40 = arith.constant 0 : index
      %get3A_41 = arith.constant 0 : index
      %get3A_42 = vector.load %arg5[%get3A_40, %get3A_41] : memref<128x128xf32, #tpu.memory_space<vmem>>, vector<128x128xf32>
      %dot_general3A_43 = arith.constant dense<0.000000e+00> : vector<1x128xf32>
      %dot_general3A_44 = tpu.matmul %get3A_39, %get3A_42, %dot_general3A_43 {dimension_numbers = #tpu.dot_dimension_numbers<[1], [0], [0], [1], [0, 0, 1, 1], [], []>, transpose_lhs_hint = false} : vector<1x128xf32>, vector<128x128xf32>, vector<1x128xf32> -> vector<1x128xf32>
      %get3A_45 = arith.constant 0 : index
      %get3A_46 = arith.constant 0 : index
      %get3A_47 = vector.load %arg6[%get3A_45, %get3A_46] : memref<1x128xf32, #tpu.memory_space<vmem>>, vector<1x128xf32>
      %add3A_48 = arith.addf %dot_general3A_44, %get3A_47 : vector<1x128xf32>
      %max3A_49 = arith.constant 0.000000e+00 : f32
      %max3A_50 = vector.broadcast %max3A_49 : f32 to vector<1x128xf32>
      %max3A_51 = arith.maximumf %add3A_48, %max3A_50 : vector<1x128xf32>
      %swap3A_52 = arith.constant 0 : index
      %swap3A_53 = arith.constant 0 : index
      %swap3A_54 = vector.load %arg7[%swap3A_52, %swap3A_53] : memref<1x128xf32, #tpu.memory_space<vmem>>, vector<1x128xf32>
      tpu.vector_store %arg7[%swap3A_52, %swap3A_53], %max3A_51 {strides = array<i32>} : memref<1x128xf32, #tpu.memory_space<vmem>>, vector<1x128xf32>,
    } else {
    }
    return
  }
  func.func @transform_0(%arg0: i32) -> (i32, i32, i32) {
    %c0_i32 = arith.constant 0 : i32
    %c0_i32_0 = arith.constant 0 : i32
    %c0_i32_1 = arith.constant 0 : i32
    return %c0_i32, %arg0, %c0_i32_0 : i32, i32, i32
  }
  func.func @transform_1(%arg0: i32) -> (i32, i32) {
    %c0_i32 = arith.constant 0 : i32
    %c0_i32_0 = arith.constant 0 : i32
    return %arg0, %c0_i32 : i32, i32
  }
  func.func @transform_2(%arg0: i32) -> (i32, i32) {
    %c0_i32 = arith.constant 0 : i32
    %c0_i32_0 = arith.constant 0 : i32
    %c0_i32_1 = arith.constant 0 : i32
    return %c0_i32, %c0_i32_0 : i32, i32
  }
  func.func @transform_3(%arg0: i32) -> (i32, i32) {
    %c0_i32 = arith.constant 0 : i32
    %c0_i32_0 = arith.constant 0 : i32
    %c0_i32_1 = arith.constant 0 : i32
    return %c0_i32, %c0_i32_0 : i32, i32
  }
  func.func @transform_4(%arg0: i32) -> (i32, i32) {
    %c0_i32 = arith.constant 0 : i32
    %c0_i32_0 = arith.constant 0 : i32
    %c0_i32_1 = arith.constant 0 : i32
    return %c0_i32, %c0_i32_0 : i32, i32
  }
  func.func @transform_5(%arg0: i32) -> (i32, i32) {
    %c0_i32 = arith.constant 0 : i32
    %c0_i32_0 = arith.constant 0 : i32
    %c0_i32_1 = arith.constant 0 : i32
    return %c0_i32, %c0_i32_0 : i32, i32
  }
  func.func @transform_6(%arg0: i32) -> (i32, i32) {
    %c0_i32 = arith.constant 0 : i32
    %c0_i32_0 = arith.constant 0 : i32
    %c0_i32_1 = arith.constant 0 : i32
    return %c0_i32, %c0_i32_0 : i32, i32
  }
}

</mosaic_0001>

<sc_bundles>
// kernel: kernel.4.cloned.1.call-start
scs
__scs_entry_jumppad:
0x0: {  	(pc) =	sbr.rel $0x88, $3  }
0x1: {  	(tag) =	ssettag $0x0;
	lr =	simm.s32 $0x1  }
0x2: {  	[smem:$0x3F9B] =	sst lr;
	_ =	strace $0xD0000000  }
0x3: {  	_ = 	snop  }
0x4: {  	_ = 	snop  }
0x5: {  	_ = 	snop  }
0x6: {  	_ = 	snop  }
0x7: {  	_ = 	snop  }
__scs_overlays_trampoline_lowered:
0x8: {  	[smem:$0x3FAA] =	sst s0  }
0x9: {  	[smem:$0x3FAB] =	sst s1  }
0xa: {  	[smem:$0x3FAC] =	sst s2  }
0xb: {  	[smem:$0x3FAD] =	sst s3  }
0xc: {  	[smem:$0x3FAE] =	sst s4  }
0xd: {  	[smem:$0x3FAF] =	sst s5  }
0xe: {  	[smem:$0x3FB0] =	sst s6  }
0xf: {  	[smem:$0x3FB1] =	sst s7  }
0x10: {  	[smem:$0x3FB2] =	sst s8  }
0x11: {  	[smem:$0x3FB3] =	sst s9;
	s0 =	simm.s32 @!p0 $0x0  }
0x12: {  	s1 =	sld [smem:$0x3F99];
	s0 =	simm.s32 @p0 $0x1  }
0x13: {  	[smem:$0x3FB4] =	sst s0;
	s0 =	simm.s32 @!p1 $0x0  }
0x14: {  	s2 =	sld [smem:$0x3F98];
	s0 =	simm.s32 @p1 $0x1  }
0x15: {  	[smem:$0x3FB5] =	sst s0;
	s0 =	simm.s32 @!p2 $0x0  }
0x16: {  	s3 =	sld [smem:$0x3FDB];
	s0 =	simm.s32 @p2 $0x1  }
0x17: {  	s4 =	simm.s32 $0x1BF5;
	[smem:$0x3FB7] =	sst s0  }
0x18: {  	s0 =	sld [smem:$0x3F9A];
	_ =	swait.ge [sflag:s4], $0x0  }
0x19: {  	s7 =	sld [smem:$0x3F9B]  }
0x1a: {  	s8 =	sadd.s32 $0xFFFFE003, lr  }
0x1b: {  	s9 =	sadd.s32 $0xFFFFFEF7, lr;
	s5 =	simm.s32 $0xFFFFFFFF;
	p2 =	slt.u32 s8, $0xFFFFF086  }
0x1c: {  	p1 =	slt.u32 s9, $0xF7A;
	s5 =	simm.s32 @!p2 $0x0  }
0x1d: {  	s5 =	simm.s32 @p1 $0x1;
	p0 =	seq.s32 s7, s2  }
0x1e: {  	s7 =	smul.u32 @!p0 $0xF7A, s2;
	p2 =	seq.s32 @!p0 s5, $0x0  }
0x1f: {  	s9 =	smul.u32 $0xF7A, s1;
	s8 =	simm.s32 @!p0 $0x1BF5;
	p2 =	por !p2, p0  }
0x20: {  	[sflag:s8] =	ssyncset.s32 @!p0 $0xFFFFF086;
	s6 =	sadd.s32 @!p0 s3, s7;
	s7 =	simm.s32 @!p0 $0x108  }
0x21: {  	s3 =	sadd.s32 s3, s9;
	s6 =	sadd.s32 @!p0 $0x88, s6;
	s7 =	simm.s32 @p2 $0x1082  }
0x22: {  	[simem:s7], [sflag:s8] =	dma.local @!p0 [hbm:s6], $0xF7A  }
0x23: {  	s9 =	sor.u32 $0xD0000000, s2;
	s6 =	simm.s32 $0x108;
	_ =	swait.ge @!p0 [sflag:s8], $0x0  }
0x24: {  	s3 =	sadd.s32 $0x88, s3;
	s6 =	simm.s32 @!p1 $0x1082;
	[sflag:s4] =	ssyncset.s32 $0xFFFFF086  }
0x25: {  	[simem:s6], [sflag:s4] =	dma.local [hbm:s3], $0xF7A  }
0x26: {  	[smem:$0x3F9B] =	sst s1;
	(tag) =	ssettag s2;
	_ =	strace s9  }
0x27: {  	s1 =	sld [smem:$0x3FAB]  }
0x28: {  	s2 =	sld [smem:$0x3FAC]  }
0x29: {  	s4 =	sld [smem:$0x3FAE]  }
0x2a: {  	p0 =	seq.s32 s5, $0x0;
	s5 =	sld [smem:$0x3FAF]  }
0x2b: {  	s6 =	sld [smem:$0x3FB0]  }
0x2c: {  	s7 =	sld [smem:$0x3FB1]  }
0x2d: {  	s3 =	simm.s32 $0x108;
	s8 =	sld [smem:$0x3FB2]  }
0x2e: {  	s3 =	simm.s32 @!p0 $0x1082;
	s9 =	sld [smem:$0x3FB3]  }
0x2f: {  	lr =	sadd.s32 s0, s3;
	s0 =	sld [smem:$0x3FAA]  }
0x30: {  	s3 =	sld [smem:$0x3FAD]  }
0x31: {  	[smem:$0x3FB6] =	sst s10  }
0x32: {  	s10 =	sld [smem:$0x3FB4];
	_ =	sdelay $0x3  }
0x33: {  	p0 =	seq.s32 s10, $0x1;
	s10 =	sld [smem:$0x3FB6];
	_ =	sdelay $0x3  }
0x34: {  	[smem:$0x3FB6] =	sst s10  }
0x35: {  	s10 =	sld [smem:$0x3FB5];
	_ =	sdelay $0x3  }
0x36: {  	p1 =	seq.s32 s10, $0x1;
	s10 =	sld [smem:$0x3FB6];
	_ =	sdelay $0x3  }
0x37: {  	[smem:$0x3FB6] =	sst s10  }
0x38: {  	s10 =	sld [smem:$0x3FB7]  }
0x39: {  	_ = 	snop;
	(pc) =	sbr.ind lr, $3  }
0x3a: {  	_ = 	snop  }
0x3b: {  	_ = 	snop  }
0x3c: {  	p2 =	seq.s32 s10, $0x1;
	s10 =	sld [smem:$0x3FB6]  }
0x3d: {  	_ =	shalt  }
0x3e: {  	_ =	shalt  }
0x3f: {  	_ =	shalt  }
0x40: {  	_ =	shalt  }
0x41: {  	_ =	shalt  }
0x42: {  	_ =	shalt  }
0x43: {  	_ =	shalt  }
0x44: {  	_ =	shalt  }
0x45: {  	_ =	shalt  }
0x46: {  	_ =	shalt  }
0x47: {  	_ =	shalt  }
0x48: {  	_ =	shalt  }
0x49: {  	_ =	shalt  }
0x4a: {  	_ =	shalt  }
0x4b: {  	_ =	shalt  }
0x4c: {  	_ =	shalt  }
0x4d: {  	_ =	shalt  }
0x4e: {  	_ =	shalt  }
0x4f: {  	_ =	shalt  }
0x50: {  	_ =	shalt  }
0x51: {  	_ =	shalt  }
0x52: {  	_ =	shalt  }
0x53: {  	_ =	shalt  }
0x54: {  	_ =	shalt  }
0x55: {  	_ =	shalt  }
0x56: {  	_ =	shalt  }
0x57: {  	_ =	shalt  }
0x58: {  	_ =	shalt  }
0x59: {  	_ =	shalt  }
0x5a: {  	_ =	shalt  }
0x5b: {  	_ =	shalt  }
0x5c: {  	_ =	shalt  }
0x5d: {  	_ =	shalt  }
0x5e: {  	_ =	shalt  }
0x5f: {  	_ =	shalt  }
0x60: {  	_ =	shalt  }
0x61: {  	_ =	shalt  }
0x62: {  	_ =	shalt  }
0x63: {  	_ =	shalt  }
0x64: {  	_ =	shalt  }
0x65: {  	_ =	shalt  }
0x66: {  	_ =	shalt  }
0x67: {  	_ =	shalt  }
0x68: {  	_ =	shalt  }
0x69: {  	_ =	shalt  }
0x6a: {  	_ =	shalt  }
0x6b: {  	_ =	shalt  }
0x6c: {  	_ =	shalt  }
0x6d: {  	_ =	shalt  }
0x6e: {  	_ =	shalt  }
0x6f: {  	_ =	shalt  }
0x70: {  	_ =	shalt  }
0x71: {  	_ =	shalt  }
0x72: {  	_ =	shalt  }
0x73: {  	_ =	shalt  }
0x74: {  	_ =	shalt  }
0x75: {  	_ =	shalt  }
0x76: {  	_ =	shalt  }
0x77: {  	_ =	shalt  }
0x78: {  	_ =	shalt  }
0x79: {  	_ =	shalt  }
0x7a: {  	_ =	shalt  }
0x7b: {  	_ =	shalt  }
0x7c: {  	_ =	shalt  }
0x7d: {  	_ =	shalt  }
0x7e: {  	_ =	shalt  }
0x7f: {  	_ =	shalt  }
0x80: {  	_ =	shalt  }
0x81: {  	_ =	shalt  }
0x82: {  	_ =	shalt  }
0x83: {  	_ =	shalt  }
0x84: {  	_ =	shalt  }
0x85: {  	_ =	shalt  }
0x86: {  	_ =	shalt  }
0x87: {  	_ =	shalt  }
.Lfunc_end0:
.L_simem_size_0:
called_computation_lowered:
.L_overlay_start_0:
0x88: {  	s2 =	sld [smem:$0x3FD9]  }
0x89: {  	s3 =	sld [smem:$0x3FFE];
	_ =	sdelay $0x1  }
0x8a: {  	s1 =	srdreg.scid  }
0x8b: {  	s0 =	sand.u32 $0x1, s1  }
0x8c: {  	s17 =	sshll.u32 s0, $0xA;
	s2 =	sadd.s32 s3, s2  }
0x8d: {  	s2 =	sadd.s32 s2, s17  }
0x8e: {  	[smem:$0x3FC2] =	sst s2  }
0x8f: {  	_ = 	snop  }
0x90: {  	s2 =	sld [smem:$0x3FC9];
	(tm) =	ssettm $0x1  }
0x91: {  	s18 =	sld [smem:$0x3FFB];
	_ =	sdelay $0x3  }
0x92: {  	_ =	strace s18  }
0x93: {  	s3 =	sld [smem:$0x3FFC];
	_ =	sdelay $0x3  }
0x94: {  	_ =	strace s3  }
0x95: {  	s3 =	sld [smem:$0x3FFD];
	_ =	sdelay $0x3  }
0x96: {  	_ =	strace s3  }
0x97: {  	_ =	strace $0x8FFFFFFF  }
0x98: {  	s19 =	sld [smem:$0x3FDB];
	_ =	sdelay $0x1  }
0x99: {  	s4 =	simm.s32 $_scs_section_size  }
0x9a: {  	s5 =	simm.s32 $_size__tile_overlayer_lowered;
	s6 =	simm.s32 $_tile_overlayer_lowered  }
0x9b: {  	s22 =	simm.s32 $0x1BFF;
	s21 =	sshll.u32 s6, $0x1;
	s3 =	sadd.s32 s4, s19  }
0x9c: {  	s7 =	simm.s32 $0x0;
	s20 =	sshll.u32 s5, $0x1;
	s5 =	sadd.s32 s21, s3  }
0x9d: {  	[timem:s7], [sflag:s22] =	dma.local [hbm:s5], s20  }
0x9e: {  	_ =	swait.ge [sflag:s22], s20  }
0x9f: {  	s4 =	ssub.s32 $0x0, s20;
	[sflag:s22] =	ssyncset.done $0x0  }
0xa0: {  	[sflag:s22] =	ssyncadd.s32 s4;
	_ =	sdelay $0x1  }
0xa1: {  	s23 =	simm.s32 $0x1B8B  }
0xa2: {  	_ =	swait.ge [sflag:s23], $0x1  }
0xa3: {  	[sflag:s23] =	ssyncset.done $0x0  }
0xa4: {  	s25 =	simm.s32 $0x1B8E;
	s24 =	sld [smem:$0x3FFE];
	[sflag:s23] =	ssyncadd.s32 $0xFFFFFFFF  }
0xa5: {  	s26 =	simm.s32 $execute0_lowered;
	[smem:$0x3FD2] =	sst s25  }
0xa6: {  	s5 =	sshll.u32 s26, $0x1;
	_ =	strace $0x80000046;
	[dreg:$0x1] =	wrdreg $0xFFFFFFFF  }
0xa7: {  	s28 =	simm.s32 $_size_execute0_lowered;
	s3 =	sadd.s32 s3, s5;
	[dreg:$0x0] =	wrdreg $0x0  }
0xa8: {  	s5 =	sshll.u32 s28, $0x1;
	[dreg:$0x2] =	wrdreg s3  }
0xa9: {  	[dreg:$0x3] =	wrdreg s5  }
0xaa: {  	[dreg:$0x4] =	wrdreg $0xC0  }
0xab: {  	_ =	task [dreg:s7], $0x5FFFF  }
0xac: {  	[dreg:$0x1] =	wrdreg $0xFFFFFFFF  }
0xad: {  	[dreg:$0x0] =	wrdreg $0x60  }
0xae: {  	[dreg:$0x2] =	wrdreg s2  }
0xaf: {  	[dreg:$0x3] =	wrdreg s24  }
0xb0: {  	[dreg:$0x4] =	wrdreg $0xC0000  }
0xb1: {  	[dreg:$0x5] =	wrdreg $0x9  }
0xb2: {  	_ =	task.clear_ibuf [dreg:s7], $0x6FFFF;
	_ =	strace $0x90000046  }
0xb3: {  	s29 =	simm.s32 $0x9;
	_ =	strace $0x80000048  }
0xb4: {  	_ =	swait.ge [sflag:s29], $0x1  }
0xb5: {  	[sflag:s29] =	ssyncadd.s32 $0xFFFFFFFF  }
0xb6: {  	_ =	strace $0x90000048  }
0xb7: {  	_ =	sfence  }
0xb8: {  	s30 =	sld [smem:$0x0];
	_ =	sdelay $0x2  }
0xb9: {  	s31 =	sshll.u32 s1, $0xD;
	s1 =	sshrl.u32 s1, $0x2  }
0xba: {  	s3 =	sand.u32 $0x4000, s31;
	s1 =	sadd.s32 s1, s30  }
0xbb: {  	s0 =	sor.u32 s3, s0;
	s1 =	sshll.u32 s1, $0x11  }
0xbc: {  	s0 =	sor.u32 s1, s0  }
0xbd: {  	s0 =	sadd.s32 $0x8F2B, s0  }
0xbe: {  	[sflag:s0] =	ssyncadd.remote.s32 $0x1  }
0xbf: {  	_ =	sfence.sel $0xFFFF  }
0xc0: {  	[dreg:$0x0] =	wrdreg $0xFFFFFFFF;
	(pc) =	sbr.abs _section_cstart, $3  }
0xc1: {  	[dreg:$0x1] =	wrdreg $0xFFFFFFFF  }
0xc2: {  	_ =	task.clear_ibuf [dreg:s7], $0x2FFFF;
	_ =	strace $0x9FFFFFFF  }
0xc3: {  	(tm) =	ssettm $0x7FFFFFFF  }
tec
execute0_lowered:
.L_overlay_start_1:
0x0: {  	(tag) =	ssettag $0x1  }
0x1: {  	s1 =	rddreg [dreg:$0x0]  }
0x2: {  	s0 =	rddreg [dreg:$0x1]  }
0x3: {  	s2 =	rddreg [dreg:$0x2];
	s3 =	simm.s32 $0x0  }
0x4: {  	s4 =	srdreg.scid;
	s13 =	stileid.u32;
	s28 =	simm.s32 $0x1400  }
0x5: {  	s30 =	simm.s32 $0x32;
	s31 =	simm.s32 $0x5000;
	[smem:$0x7FF] =	sst s3  }
0x6: {  	s5 =	sadd.s32 $0x800, s0;
	s4 =	sand.u32 $0x1, s4;
	s6 =	sadd.s32 $0x19800, s0  }
0x7: {  	s8 =	smul.u32 $0x4E000, s13;
	s0 =	sadd.s32 $0x32800, s0;
	s10 =	sshll.u32 s13, $0x1  }
0x8: {  	s11 =	smul.u32 $0x2700, s13;
	s17 =	sshll.u32 s13, $0x6;
	s12 =	sadd.s32 $0x138000, s2  }
0x9: {  	s18 =	sadd.s32 $0x27000, s1;
	p0 =	sne.s32 s13, $0xF;
	s13 =	simm.s32 $0x4  }
0xa: {  	_ =	strace $0x80000047;
	s7 =	ssub.s32 $0x2, s4;
	s24 =	smul.u32 $0x27100, s4  }
0xb: {  	s10 =	sor.u32 s4, s10;
	[dreg:$0x6] =	wrdreg s12;
	s4 =	smul.u32 $0x138800, s4  }
0xc: {  	[dreg:$0x7] =	wrdreg s18;
	s9 =	sshrl.u32 s7, $0x1;
	s15 =	smul.u32 $0x6400, s10  }
0xd: {  	s8 =	sshrl.u32 s8, $0x2;
	s16 =	sadd.s32 s1, s11;
	s10 =	smul.u32 $0xC80, s10  }
0xe: {  	s9 =	ssub.s32 s7, s9;
	s14 =	sadd.s32 s8, s2;
	[dreg:$0x5] =	wrdreg s16  }
0xf: {  	s7 =	sor.u32 $0x1C0D, s17;
	s26 =	sadd.s32 s11, s24;
	s4 =	sshrl.u32 s4, $0x3  }
0x10: {  	s11 =	simm.s32 $0x2;
	s16 =	simm.s32 $0x7;
	s17 =	simm.s32 $0x8  }
0x11: {  	s24 =	simm.s32 $0x0;
	[dreg:$0x4] =	wrdreg s14;
	s8 =	sshrl.u32 s15, $0x3  }
0x12: {  	s19 =	sadd.s32 s5, s10;
	s10 =	sadd.s32 s6, s10;
	s29 =	smax.u32 s9, $0x1  }
0x13: {  	s9 =	simm.s32 $0xA400;
	s15 =	simm.s32 $0x6;
	[dreg:$0x8] =	wrdreg s19  }
0x14: {  	s20 =	sadd.s32 $0x280, s8;
	[dreg:$0x9] =	wrdreg s10;
	s22 =	sadd.s32 $0x500, s8  }
0x15: {  	s25 =	sadd.s32 $0x780, s8;
	[dreg:$0x14] =	wrdreg s29;
	s21 =	sadd.s32 s5, s20  }
0x16: {  	s8 =	sadd.s32 $0xA00, s8;
	s12 =	sadd.s32 s6, s20;
	[dreg:$0xa] =	wrdreg s21  }
0x17: {  	s19 =	simm.s32 $0x3B00;
	s23 =	sadd.s32 s5, s22;
	[dreg:$0xb] =	wrdreg s12  }
0x18: {  	s10 =	sadd.s32 s6, s22;
	s14 =	sadd.s32 s5, s25;
	[dreg:$0xc] =	wrdreg s23  }
0x19: {  	s5 =	sadd.s32 s5, s8;
	s20 =	simm.s32 $0x3B80;
	[dreg:$0xd] =	wrdreg s10  }
0x1a: {  	s22 =	simm.s32 $0xC;
	[dreg:$0xe] =	wrdreg s14;
	s10 =	sadd.s32 s6, s25  }
0x1b: {  	[dreg:$0x10] =	wrdreg s5;
	s6 =	sadd.s32 s6, s8;
	s5 =	sadd.s32 s0, s26  }
0x1c: {  	s0 =	sadd.s32 s0, s4;
	s23 =	simm.s32 $0xD;
	s25 =	simm.s32 $0x9  }
0x1d: {  	s26 =	simm.s32 $0xA;
	s4 =	simm.s32 $0x6C00;
	[dreg:$0xf] =	wrdreg s10  }
0x1e: {  	s12 =	simm.s32 $0x3;
	s14 =	simm.s32 $0x5;
	[dreg:$0x11] =	wrdreg s6  }
0x1f: {  	s21 =	simm.s32 $0xB;
	[dreg:$0x12] =	wrdreg s5;
	s0 =	sadd.s32 $0x27000, s0  }
0x20: {  	s6 =	simm.s32 $0x8800;
	s10 =	simm.s32 $0x1;
	[dreg:$0x13] =	wrdreg s0  }
.LBB2_1:
0x21: {  	s0 =	rddreg [dreg:$0x4]  }
0x22: {  	s5 =	rddreg [dreg:$0x5];
	s0 =	sshrl.u32 s0, $0x3  }
0x23: {  	[spmem:s0], [sflag:s7] =	dma.local [hbm:s5], $0x2700  }
0x24: {  	_ =	swait.ge [sflag:s23], $0x2700  }
0x25: {  	[sflag:s23] =	ssyncset.done $0x0;
	s5 =	rddreg [dreg:$0x6]  }
0x26: {  	s8 =	rddreg [dreg:$0x7];
	[sflag:s23] =	ssyncadd.s32 $0xFFFFD900;
	s5 =	sshrl.u32 @!p0 s5, $0x3  }
0x27: {  	[spmem:s5], [sflag:s7] =	dma.local @!p0 [hbm:s8], $0x100  }
0x28: {  	s8 =	simm.s32 @!p0 $0xD  }
0x29: {  	_ =	swait.ge @!p0 [sflag:s8], $0x100  }
0x2a: {  	[sflag:s8] =	ssyncset.done @!p0 $0x0  }
0x2b: {  	[sflag:s8] =	ssyncadd.s32 @!p0 $0xFFFFFF00  }
0x2c: {  	[bflag:$0x0] =	sbarrier.arrive $0xFFFF  }
0x2d: {  	s18 =	rddreg [dreg:$0x8]  }
0x2e: {  	[tilespmem:s3], [sflag:$0x9] =	stream.linear.gather [hbm4b:s18+s3], $0x1400, $0x38;
	[tilespmem:$0x1F880] =	vst v63  }
0x2f: {  	s29 =	rddreg [dreg:$0x9];
	s18 =	simm.s32 $0x2800  }
0x30: {  	[tilespmem:s18], [sflag:$0xA] =	stream.linear.gather [hbm4b:s29+s3], $0x1400, $0x38;
	[tilespmem:$0x1F880] =	vst v63  }
0x31: {  	_ =	swait.ge [sflag:s25], $0x1400  }
0x32: {  	[sflag:s25] =	ssyncset.done $0x0  }
0x33: {  	[sflag:s25] =	ssyncadd.s32 $0xFFFFEC00  }
0x34: {  	_ =	swait.ge [sflag:s26], $0x1400  }
0x35: {  	[sflag:s26] =	ssyncset.done $0x0  }
0x36: {  	s29 =	rddreg [dreg:$0xa];
	[sflag:s26] =	ssyncadd.s32 $0xFFFFEC00  }
0x37: {  	[tilespmem:s28], [sflag:$0xB] =	stream.linear.gather [hbm4b:s29+s3], $0x1400, $0x38;
	[tilespmem:$0x1F880] =	vst v63  }
0x38: {  	s18 =	rddreg [dreg:$0xb];
	s29 =	simm.s32 $0x3C00  }
0x39: {  	[tilespmem:s29], [sflag:$0xC] =	stream.linear.gather [hbm4b:s18+s3], $0x1400, $0x38;
	[tilespmem:$0x1F880] =	vst v63  }
0x3a: {  	_ = 	snop  }
0x3b: {  	[tilespmem:s31], [sflag:$0x1] =	stream.indirect.gather [hbm4b:s1+s30], $0x80, s3, s30, $0xb8;
	[tilespmem:$0x1F880] =	vst v63  }
0x3c: {  	s18 =	simm.s32 $0x80  }
0x3d: {  	[tilespmem:s4], [sflag:$0x2] =	stream.indirect.gather [hbm4b:s1+s30], $0x80, s18, s30, $0xb8;
	[tilespmem:$0x1F880] =	vst v63  }
0x3e: {  	s29 =	simm.s32 $0x100  }
0x3f: {  	[tilespmem:s6], [sflag:$0x3] =	stream.indirect.gather [hbm4b:s1+s30], $0x80, s29, s30, $0xb8;
	[tilespmem:$0x1F880] =	vst v63  }
0x40: {  	s18 =	simm.s32 $0x180  }
0x41: {  	[tilespmem:s9], [sflag:$0x4] =	stream.indirect.gather [hbm4b:s1+s30], $0x80, s18, s30, $0xb8;
	[tilespmem:$0x1F880] =	vst v63  }
0x42: {  	_ =	swait.ge [sflag:s10], $0x1900  }
0x43: {  	[sflag:s10] =	ssyncset.done $0x0  }
0x44: {  	s29 =	simm.s32 $0x2800;
	[sflag:s10] =	ssyncadd.s32 $0xFFFFE700  }
0x45: {  	[spmem:s2] =	stream.indirect.scatter.add.f32 [tilespmem:s31], [sflag:$0x5], $0x80, s29, s30, $0xb8;
	[tilespmem:$0x1F880] =	vst v63  }
0x46: {  	_ =	swait.ge [sflag:s11], $0x1900  }
0x47: {  	[sflag:s11] =	ssyncset.done $0x0  }
0x48: {  	s18 =	simm.s32 $0x2880;
	[sflag:s11] =	ssyncadd.s32 $0xFFFFE700  }
0x49: {  	[spmem:s2] =	stream.indirect.scatter.add.f32 [tilespmem:s4], [sflag:$0x6], $0x80, s18, s30, $0xb8;
	[tilespmem:$0x1F880] =	vst v63  }
0x4a: {  	_ =	swait.ge [sflag:s12], $0x1900  }
0x4b: {  	[sflag:s12] =	ssyncset.done $0x0  }
0x4c: {  	s29 =	simm.s32 $0x2900;
	[sflag:s12] =	ssyncadd.s32 $0xFFFFE700  }
0x4d: {  	[spmem:s2] =	stream.indirect.scatter.add.f32 [tilespmem:s6], [sflag:$0x7], $0x80, s29, s30, $0xb8;
	[tilespmem:$0x1F880] =	vst v63  }
0x4e: {  	_ =	swait.ge [sflag:s13], $0x1900  }
0x4f: {  	[sflag:s13] =	ssyncset.done $0x0  }
0x50: {  	s18 =	simm.s32 $0x2980;
	[sflag:s13] =	ssyncadd.s32 $0xFFFFE700  }
0x51: {  	[spmem:s2] =	stream.indirect.scatter.add.f32 [tilespmem:s9], [sflag:$0x8], $0x80, s18, s30, $0xb8;
	[tilespmem:$0x1F880] =	vst v63  }
0x52: {  	_ =	swait.ge [sflag:s14], $0x1900  }
0x53: {  	[sflag:s14] =	ssyncset.done $0x0  }
0x54: {  	s29 =	simm.s32 $0x200;
	[sflag:s14] =	ssyncadd.s32 $0xFFFFE700  }
0x55: {  	[tilespmem:s31], [sflag:$0x1] =	stream.indirect.gather [hbm4b:s1+s30], $0x80, s29, s30, $0xb8;
	[tilespmem:$0x1F880] =	vst v63  }
0x56: {  	_ =	swait.ge [sflag:s15], $0x1900  }
0x57: {  	[sflag:s15] =	ssyncset.done $0x0  }
0x58: {  	s18 =	simm.s32 $0x280;
	[sflag:s15] =	ssyncadd.s32 $0xFFFFE700  }
0x59: {  	[tilespmem:s4], [sflag:$0x2] =	stream.indirect.gather [hbm4b:s1+s30], $0x80, s18, s30, $0xb8;
	[tilespmem:$0x1F880] =	vst v63  }
0x5a: {  	_ =	swait.ge [sflag:s16], $0x1900  }
0x5b: {  	[sflag:s16] =	ssyncset.done $0x0  }
0x5c: {  	s29 =	simm.s32 $0x300;
	[sflag:s16] =	ssyncadd.s32 $0xFFFFE700  }
0x5d: {  	[tilespmem:s6], [sflag:$0x3] =	stream.indirect.gather [hbm4b:s1+s30], $0x80, s29, s30, $0xb8;
	[tilespmem:$0x1F880] =	vst v63  }
0x5e: {  	_ =	swait.ge [sflag:s17], $0x1900  }
0x5f: {  	[sflag:s17] =	ssyncset.done $0x0  }
0x60: {  	s8 =	simm.s32 $0x800;
	s18 =	simm.s32 $0x380;
	[sflag:s17] =	ssyncadd.s32 $0xFFFFE700  }
.LBB2_2:
0x61: {  	[tilespmem:s9], [sflag:$0x4] =	stream.indirect.gather [hbm4b:s1+s30], $0x80, s18, s30, $0xb8;
	[tilespmem:$0x1F880] =	vst v63  }
0x62: {  	s18 =	smov.u32 s8  }
0x63: {  	p1 =	sne.s32 s8, $0x4000;
	s8 =	sadd.s32 $0x800, s8;
	_ =	swait.ge [sflag:s10], $0x1900  }
0x64: {  	s18 =	sshra.s32 s18, $0x2;
	[sflag:s10] =	ssyncset.done $0x0  }
0x65: {  	s29 =	sadd.s32 $0x2800, s18;
	[sflag:s10] =	ssyncadd.s32 $0xFFFFE700  }
0x66: {  	[spmem:s2] =	stream.indirect.scatter.add.f32 [tilespmem:s31], [sflag:$0x5], $0x80, s29, s30, $0xb8;
	[tilespmem:$0x1F880] =	vst v63  }
0x67: {  	_ =	swait.ge [sflag:s11], $0x1900  }
0x68: {  	[sflag:s11] =	ssyncset.done $0x0  }
0x69: {  	s29 =	sadd.s32 $0x2880, s18;
	[sflag:s11] =	ssyncadd.s32 $0xFFFFE700  }
0x6a: {  	[spmem:s2] =	stream.indirect.scatter.add.f32 [tilespmem:s4], [sflag:$0x6], $0x80, s29, s30, $0xb8;
	[tilespmem:$0x1F880] =	vst v63  }
0x6b: {  	_ =	swait.ge [sflag:s12], $0x1900  }
0x6c: {  	[sflag:s12] =	ssyncset.done $0x0  }
0x6d: {  	s29 =	sadd.s32 $0x2900, s18;
	[sflag:s12] =	ssyncadd.s32 $0xFFFFE700  }
0x6e: {  	[spmem:s2] =	stream.indirect.scatter.add.f32 [tilespmem:s6], [sflag:$0x7], $0x80, s29, s30, $0xb8;
	[tilespmem:$0x1F880] =	vst v63  }
0x6f: {  	_ =	swait.ge [sflag:s13], $0x1900  }
0x70: {  	[sflag:s13] =	ssyncset.done $0x0  }
0x71: {  	s29 =	sadd.s32 $0x2980, s18;
	[sflag:s13] =	ssyncadd.s32 $0xFFFFE700  }
0x72: {  	[spmem:s2] =	stream.indirect.scatter.add.f32 [tilespmem:s9], [sflag:$0x8], $0x80, s29, s30, $0xb8;
	[tilespmem:$0x1F880] =	vst v63  }
0x73: {  	_ =	swait.ge [sflag:s14], $0x1900  }
0x74: {  	[sflag:s14] =	ssyncset.done $0x0  }
0x75: {  	s29 =	sadd.s32 $0x200, s18;
	[sflag:s14] =	ssyncadd.s32 $0xFFFFE700  }
0x76: {  	[tilespmem:s31], [sflag:$0x1] =	stream.indirect.gather [hbm4b:s1+s30], $0x80, s29, s30, $0xb8;
	[tilespmem:$0x1F880] =	vst v63  }
0x77: {  	_ =	swait.ge [sflag:s15], $0x1900  }
0x78: {  	[sflag:s15] =	ssyncset.done $0x0  }
0x79: {  	s29 =	sadd.s32 $0x280, s18;
	[sflag:s15] =	ssyncadd.s32 $0xFFFFE700  }
0x7a: {  	[tilespmem:s4], [sflag:$0x2] =	stream.indirect.gather [hbm4b:s1+s30], $0x80, s29, s30, $0xb8;
	[tilespmem:$0x1F880] =	vst v63  }
0x7b: {  	_ =	swait.ge [sflag:s16], $0x1900  }
0x7c: {  	[sflag:s16] =	ssyncset.done $0x0  }
.Ltmp0:
0x7d: {  	s29 =	sadd.s32 $0x300, s18;
	[sflag:s16] =	ssyncadd.s32 $0xFFFFE700;
	(pc) =	sbr.rel @p1 .LBB2_2-.Ltmp0, $4  }
0x7e: {  	[tilespmem:s6], [sflag:$0x3] =	stream.indirect.gather [hbm4b:s1+s30], $0x80, s29, s30, $0xb8;
	[tilespmem:$0x1F880] =	vst v63  }
0x7f: {  	_ =	swait.ge [sflag:s17], $0x1900  }
0x80: {  	[sflag:s17] =	ssyncset.done $0x0  }
0x81: {  	s18 =	sadd.s32 $0x380, s18;
	[sflag:s17] =	ssyncadd.s32 $0xFFFFE700  }
0x82: {  	[tilespmem:s9], [sflag:$0x4] =	stream.indirect.gather [hbm4b:s1+s30], $0x80, s18, s30, $0xb8;
	[tilespmem:$0x1F880] =	vst v63  }
0x83: {  	_ =	swait.ge [sflag:s10], $0x1900  }
0x84: {  	[sflag:s10] =	ssyncset.done $0x0  }
0x85: {  	s8 =	simm.s32 $0x3A00;
	[sflag:s10] =	ssyncadd.s32 $0xFFFFE700  }
0x86: {  	[spmem:s2] =	stream.indirect.scatter.add.f32 [tilespmem:s31], [sflag:$0x5], $0x80, s8, s30, $0xb8;
	[tilespmem:$0x1F880] =	vst v63  }
0x87: {  	_ =	swait.ge [sflag:s11], $0x1900  }
0x88: {  	[sflag:s11] =	ssyncset.done $0x0  }
0x89: {  	s18 =	simm.s32 $0x3A80;
	[sflag:s11] =	ssyncadd.s32 $0xFFFFE700  }
0x8a: {  	[spmem:s2] =	stream.indirect.scatter.add.f32 [tilespmem:s4], [sflag:$0x6], $0x80, s18, s30, $0xb8;
	[tilespmem:$0x1F880] =	vst v63  }
0x8b: {  	_ =	swait.ge [sflag:s12], $0x1900  }
0x8c: {  	[sflag:s12] =	ssyncset.done $0x0  }
0x8d: {  	[sflag:s12] =	ssyncadd.s32 $0xFFFFE700  }
0x8e: {  	[spmem:s2] =	stream.indirect.scatter.add.f32 [tilespmem:s6], [sflag:$0x7], $0x80, s19, s30, $0xb8;
	[tilespmem:$0x1F880] =	vst v63  }
0x8f: {  	_ =	swait.ge [sflag:s13], $0x1900  }
0x90: {  	[sflag:s13] =	ssyncset.done $0x0  }
0x91: {  	[sflag:s13] =	ssyncadd.s32 $0xFFFFE700  }
0x92: {  	[spmem:s2] =	stream.indirect.scatter.add.f32 [tilespmem:s9], [sflag:$0x8], $0x80, s20, s30, $0xb8;
	[tilespmem:$0x1F880] =	vst v63  }
0x93: {  	_ =	swait.ge [sflag:s14], $0x1900  }
0x94: {  	[sflag:s14] =	ssyncset.done $0x0  }
0x95: {  	[sflag:s14] =	ssyncadd.s32 $0xFFFFE700  }
0x96: {  	_ =	swait.ge [sflag:s15], $0x1900  }
0x97: {  	[sflag:s15] =	ssyncset.done $0x0  }
0x98: {  	[sflag:s15] =	ssyncadd.s32 $0xFFFFE700  }
0x99: {  	_ =	swait.ge [sflag:s16], $0x1900  }
0x9a: {  	[sflag:s16] =	ssyncset.done $0x0  }
0x9b: {  	[sflag:s16] =	ssyncadd.s32 $0xFFFFE700  }
0x9c: {  	_ =	swait.ge [sflag:s17], $0x1900  }
0x9d: {  	[sflag:s17] =	ssyncset.done $0x0  }
0x9e: {  	[sflag:s17] =	ssyncadd.s32 $0xFFFFE700  }
0x9f: {  	_ =	swait.ge [sflag:s21], $0x1400  }
0xa0: {  	[sflag:s21] =	ssyncset.done $0x0  }
0xa1: {  	[sflag:s21] =	ssyncadd.s32 $0xFFFFEC00  }
0xa2: {  	_ =	swait.ge [sflag:s22], $0x1400  }
0xa3: {  	[sflag:s22] =	ssyncset.done $0x0  }
0xa4: {  	s8 =	simm.s32 $0x0;
	s29 =	rddreg [dreg:$0xc];
	[sflag:s22] =	ssyncadd.s32 $0xFFFFEC00  }
0xa5: {  	[tilespmem:s8], [sflag:$0x9] =	stream.linear.gather [hbm4b:s29+s8], $0x1400, $0x38;
	[tilespmem:$0x1F880] =	vst v63  }
0xa6: {  	s18 =	rddreg [dreg:$0xd];
	s29 =	simm.s32 $0x2800  }
0xa7: {  	[tilespmem:s29], [sflag:$0xA] =	stream.linear.gather [hbm4b:s18+s8], $0x1400, $0x38;
	[tilespmem:$0x1F880] =	vst v63  }
0xa8: {  	_ = 	snop  }
0xa9: {  	[tilespmem:s31], [sflag:$0x1] =	stream.indirect.gather [hbm4b:s1+s30], $0x80, s28, s30, $0xb8;
	[tilespmem:$0x1F880] =	vst v63  }
0xaa: {  	s18 =	simm.s32 $0x1480  }
0xab: {  	[tilespmem:s4], [sflag:$0x2] =	stream.indirect.gather [hbm4b:s1+s30], $0x80, s18, s30, $0xb8;
	[tilespmem:$0x1F880] =	vst v63  }
0xac: {  	s29 =	simm.s32 $0x1500  }
0xad: {  	[tilespmem:s6], [sflag:$0x3] =	stream.indirect.gather [hbm4b:s1+s30], $0x80, s29, s30, $0xb8;
	[tilespmem:$0x1F880] =	vst v63  }
0xae: {  	s18 =	simm.s32 $0x1580  }
0xaf: {  	[tilespmem:s9], [sflag:$0x4] =	stream.indirect.gather [hbm4b:s1+s30], $0x80, s18, s30, $0xb8;
	[tilespmem:$0x1F880] =	vst v63  }
0xb0: {  	_ =	swait.ge [sflag:s10], $0x1900  }
0xb1: {  	[sflag:s10] =	ssyncset.done $0x0  }
0xb2: {  	s29 =	simm.s32 $0x3C00;
	[sflag:s10] =	ssyncadd.s32 $0xFFFFE700  }
0xb3: {  	[spmem:s2] =	stream.indirect.scatter.add.f32 [tilespmem:s31], [sflag:$0x5], $0x80, s29, s30, $0xb8;
	[tilespmem:$0x1F880] =	vst v63  }
0xb4: {  	_ =	swait.ge [sflag:s11], $0x1900  }
0xb5: {  	[sflag:s11] =	ssyncset.done $0x0  }
0xb6: {  	s18 =	simm.s32 $0x3C80;
	[sflag:s11] =	ssyncadd.s32 $0xFFFFE700  }
0xb7: {  	[spmem:s2] =	stream.indirect.scatter.add.f32 [tilespmem:s4], [sflag:$0x6], $0x80, s18, s30, $0xb8;
	[tilespmem:$0x1F880] =	vst v63  }
0xb8: {  	_ =	swait.ge [sflag:s12], $0x1900  }
0xb9: {  	[sflag:s12] =	ssyncset.done $0x0  }
0xba: {  	s29 =	simm.s32 $0x3D00;
	[sflag:s12] =	ssyncadd.s32 $0xFFFFE700  }
0xbb: {  	[spmem:s2] =	stream.indirect.scatter.add.f32 [tilespmem:s6], [sflag:$0x7], $0x80, s29, s30, $0xb8;
	[tilespmem:$0x1F880] =	vst v63  }
0xbc: {  	_ =	swait.ge [sflag:s13], $0x1900  }
0xbd: {  	[sflag:s13] =	ssyncset.done $0x0  }
0xbe: {  	s18 =	simm.s32 $0x3D80;
	[sflag:s13] =	ssyncadd.s32 $0xFFFFE700  }
0xbf: {  	[spmem:s2] =	stream.indirect.scatter.add.f32 [tilespmem:s9], [sflag:$0x8], $0x80, s18, s30, $0xb8;
	[tilespmem:$0x1F880] =	vst v63  }
0xc0: {  	_ =	swait.ge [sflag:s14], $0x1900  }
0xc1: {  	[sflag:s14] =	ssyncset.done $0x0  }
0xc2: {  	s29 =	simm.s32 $0x1600;
	[sflag:s14] =	ssyncadd.s32 $0xFFFFE700  }
0xc3: {  	[tilespmem:s31], [sflag:$0x1] =	stream.indirect.gather [hbm4b:s1+s30], $0x80, s29, s30, $0xb8;
	[tilespmem:$0x1F880] =	vst v63  }
0xc4: {  	_ =	swait.ge [sflag:s15], $0x1900  }
0xc5: {  	[sflag:s15] =	ssyncset.done $0x0  }
0xc6: {  	s18 =	simm.s32 $0x1680;
	[sflag:s15] =	ssyncadd.s32 $0xFFFFE700  }
0xc7: {  	[tilespmem:s4], [sflag:$0x2] =	stream.indirect.gather [hbm4b:s1+s30], $0x80, s18, s30, $0xb8;
	[tilespmem:$0x1F880] =	vst v63  }
0xc8: {  	_ =	swait.ge [sflag:s16], $0x1900  }
0xc9: {  	[sflag:s16] =	ssyncset.done $0x0  }
0xca: {  	s29 =	simm.s32 $0x1700;
	[sflag:s16] =	ssyncadd.s32 $0xFFFFE700  }
0xcb: {  	[tilespmem:s6], [sflag:$0x3] =	stream.indirect.gather [hbm4b:s1+s30], $0x80, s29, s30, $0xb8;
	[tilespmem:$0x1F880] =	vst v63  }
0xcc: {  	_ =	swait.ge [sflag:s17], $0x1900  }
0xcd: {  	[sflag:s17] =	ssyncset.done $0x0  }
0xce: {  	s8 =	simm.s32 $0x800;
	s18 =	simm.s32 $0x1780;
	[sflag:s17] =	ssyncadd.s32 $0xFFFFE700  }
.LBB2_4:
0xcf: {  	[tilespmem:s9], [sflag:$0x4] =	stream.indirect.gather [hbm4b:s1+s30], $0x80, s18, s30, $0xb8;
	[tilespmem:$0x1F880] =	vst v63  }
0xd0: {  	s18 =	smov.u32 s8  }
0xd1: {  	p1 =	sne.s32 s8, $0x4000;
	s8 =	sadd.s32 $0x800, s8;
	_ =	swait.ge [sflag:s10], $0x1900  }
0xd2: {  	s18 =	sshra.s32 s18, $0x2;
	[sflag:s10] =	ssyncset.done $0x0  }
0xd3: {  	s29 =	sadd.s32 $0x3C00, s18;
	[sflag:s10] =	ssyncadd.s32 $0xFFFFE700  }
0xd4: {  	[spmem:s2] =	stream.indirect.scatter.add.f32 [tilespmem:s31], [sflag:$0x5], $0x80, s29, s30, $0xb8;
	[tilespmem:$0x1F880] =	vst v63  }
0xd5: {  	_ =	swait.ge [sflag:s11], $0x1900  }
0xd6: {  	[sflag:s11] =	ssyncset.done $0x0  }
0xd7: {  	s29 =	sadd.s32 $0x3C80, s18;
	[sflag:s11] =	ssyncadd.s32 $0xFFFFE700  }
0xd8: {  	[spmem:s2] =	stream.indirect.scatter.add.f32 [tilespmem:s4], [sflag:$0x6], $0x80, s29, s30, $0xb8;
	[tilespmem:$0x1F880] =	vst v63  }
0xd9: {  	_ =	swait.ge [sflag:s12], $0x1900  }
0xda: {  	[sflag:s12] =	ssyncset.done $0x0  }
0xdb: {  	s29 =	sadd.s32 $0x3D00, s18;
	[sflag:s12] =	ssyncadd.s32 $0xFFFFE700  }
0xdc: {  	[spmem:s2] =	stream.indirect.scatter.add.f32 [tilespmem:s6], [sflag:$0x7], $0x80, s29, s30, $0xb8;
	[tilespmem:$0x1F880] =	vst v63  }
0xdd: {  	_ =	swait.ge [sflag:s13], $0x1900  }
0xde: {  	[sflag:s13] =	ssyncset.done $0x0  }
0xdf: {  	s29 =	sadd.s32 $0x3D80, s18;
	[sflag:s13] =	ssyncadd.s32 $0xFFFFE700  }
0xe0: {  	[spmem:s2] =	stream.indirect.scatter.add.f32 [tilespmem:s9], [sflag:$0x8], $0x80, s29, s30, $0xb8;
	[tilespmem:$0x1F880] =	vst v63  }
0xe1: {  	_ =	swait.ge [sflag:s14], $0x1900  }
0xe2: {  	[sflag:s14] =	ssyncset.done $0x0  }
0xe3: {  	s29 =	sadd.s32 $0x1600, s18;
	[sflag:s14] =	ssyncadd.s32 $0xFFFFE700  }
0xe4: {  	[tilespmem:s31], [sflag:$0x1] =	stream.indirect.gather [hbm4b:s1+s30], $0x80, s29, s30, $0xb8;
	[tilespmem:$0x1F880] =	vst v63  }
0xe5: {  	_ =	swait.ge [sflag:s15], $0x1900  }
0xe6: {  	[sflag:s15] =	ssyncset.done $0x0  }
0xe7: {  	s29 =	sadd.s32 $0x1680, s18;
	[sflag:s15] =	ssyncadd.s32 $0xFFFFE700  }
0xe8: {  	[tilespmem:s4], [sflag:$0x2] =	stream.indirect.gather [hbm4b:s1+s30], $0x80, s29, s30, $0xb8;
	[tilespmem:$0x1F880] =	vst v63  }
0xe9: {  	_ =	swait.ge [sflag:s16], $0x1900  }
0xea: {  	[sflag:s16] =	ssyncset.done $0x0  }
.Ltmp1:
0xeb: {  	s29 =	sadd.s32 $0x1700, s18;
	[sflag:s16] =	ssyncadd.s32 $0xFFFFE700;
	(pc) =	sbr.rel @p1 .LBB2_4-.Ltmp1, $4  }
0xec: {  	[tilespmem:s6], [sflag:$0x3] =	stream.indirect.gather [hbm4b:s1+s30], $0x80, s29, s30, $0xb8;
	[tilespmem:$0x1F880] =	vst v63  }
0xed: {  	_ =	swait.ge [sflag:s17], $0x1900  }
0xee: {  	[sflag:s17] =	ssyncset.done $0x0  }
0xef: {  	s18 =	sadd.s32 $0x1780, s18;
	[sflag:s17] =	ssyncadd.s32 $0xFFFFE700  }
0xf0: {  	[tilespmem:s9], [sflag:$0x4] =	stream.indirect.gather [hbm4b:s1+s30], $0x80, s18, s30, $0xb8;
	[tilespmem:$0x1F880] =	vst v63  }
0xf1: {  	_ =	swait.ge [sflag:s10], $0x1900  }
0xf2: {  	[sflag:s10] =	ssyncset.done $0x0  }
0xf3: {  	s8 =	simm.s32 $0x4E00;
	[sflag:s10] =	ssyncadd.s32 $0xFFFFE700  }
0xf4: {  	[spmem:s2] =	stream.indirect.scatter.add.f32 [tilespmem:s31], [sflag:$0x5], $0x80, s8, s30, $0xb8;
	[tilespmem:$0x1F880] =	vst v63  }
0xf5: {  	_ =	swait.ge [sflag:s11], $0x1900  }
0xf6: {  	[sflag:s11] =	ssyncset.done $0x0  }
0xf7: {  	s18 =	simm.s32 $0x4E80;
	[sflag:s11] =	ssyncadd.s32 $0xFFFFE700  }
0xf8: {  	[spmem:s2] =	stream.indirect.scatter.add.f32 [tilespmem:s4], [sflag:$0x6], $0x80, s18, s30, $0xb8;
	[tilespmem:$0x1F880] =	vst v63  }
0xf9: {  	_ =	swait.ge [sflag:s12], $0x1900  }
0xfa: {  	[sflag:s12] =	ssyncset.done $0x0  }
0xfb: {  	s29 =	simm.s32 $0x4F00;
	[sflag:s12] =	ssyncadd.s32 $0xFFFFE700  }
0xfc: {  	[spmem:s2] =	stream.indirect.scatter.add.f32 [tilespmem:s6], [sflag:$0x7], $0x80, s29, s30, $0xb8;
	[tilespmem:$0x1F880] =	vst v63  }
0xfd: {  	_ =	swait.ge [sflag:s13], $0x1900  }
0xfe: {  	[sflag:s13] =	ssyncset.done $0x0  }
0xff: {  	s18 =	simm.s32 $0x4F80;
	[sflag:s13] =	ssyncadd.s32 $0xFFFFE700  }
0x100: {  	[spmem:s2] =	stream.indirect.scatter.add.f32 [tilespmem:s9], [sflag:$0x8], $0x80, s18, s30, $0xb8;
	[tilespmem:$0x1F880] =	vst v63  }
0x101: {  	_ =	swait.ge [sflag:s14], $0x1900  }
0x102: {  	[sflag:s14] =	ssyncset.done $0x0  }
0x103: {  	[sflag:s14] =	ssyncadd.s32 $0xFFFFE700  }
0x104: {  	_ =	swait.ge [sflag:s15], $0x1900  }
0x105: {  	[sflag:s15] =	ssyncset.done $0x0  }
0x106: {  	[sflag:s15] =	ssyncadd.s32 $0xFFFFE700  }
0x107: {  	_ =	swait.ge [sflag:s16], $0x1900  }
0x108: {  	[sflag:s16] =	ssyncset.done $0x0  }
0x109: {  	[sflag:s16] =	ssyncadd.s32 $0xFFFFE700  }
0x10a: {  	_ =	swait.ge [sflag:s17], $0x1900  }
0x10b: {  	[sflag:s17] =	ssyncset.done $0x0  }
0x10c: {  	[sflag:s17] =	ssyncadd.s32 $0xFFFFE700  }
0x10d: {  	_ =	swait.ge [sflag:s25], $0x1400  }
0x10e: {  	[sflag:s25] =	ssyncset.done $0x0  }
0x10f: {  	[sflag:s25] =	ssyncadd.s32 $0xFFFFEC00  }
0x110: {  	_ =	swait.ge [sflag:s26], $0x1400  }
0x111: {  	[sflag:s26] =	ssyncset.done $0x0  }
0x112: {  	s8 =	simm.s32 $0x0;
	s29 =	rddreg [dreg:$0xe];
	[sflag:s26] =	ssyncadd.s32 $0xFFFFEC00  }
0x113: {  	[tilespmem:s28], [sflag:$0xB] =	stream.linear.gather [hbm4b:s29+s8], $0x1400, $0x38;
	[tilespmem:$0x1F880] =	vst v63  }
0x114: {  	s18 =	rddreg [dreg:$0xf];
	s29 =	simm.s32 $0x3C00  }
0x115: {  	[tilespmem:s29], [sflag:$0xC] =	stream.linear.gather [hbm4b:s18+s8], $0x1400, $0x38;
	[tilespmem:$0x1F880] =	vst v63  }
0x116: {  	_ = 	snop  }
0x117: {  	[tilespmem:s31], [sflag:$0x1] =	stream.indirect.gather [hbm4b:s1+s30], $0x80, s8, s30, $0xb8;
	[tilespmem:$0x1F880] =	vst v63  }
0x118: {  	s18 =	simm.s32 $0x80  }
0x119: {  	[tilespmem:s4], [sflag:$0x2] =	stream.indirect.gather [hbm4b:s1+s30], $0x80, s18, s30, $0xb8;
	[tilespmem:$0x1F880] =	vst v63  }
0x11a: {  	s29 =	simm.s32 $0x100  }
0x11b: {  	[tilespmem:s6], [sflag:$0x3] =	stream.indirect.gather [hbm4b:s1+s30], $0x80, s29, s30, $0xb8;
	[tilespmem:$0x1F880] =	vst v63  }
0x11c: {  	s18 =	simm.s32 $0x180  }
0x11d: {  	[tilespmem:s9], [sflag:$0x4] =	stream.indirect.gather [hbm4b:s1+s30], $0x80, s18, s30, $0xb8;
	[tilespmem:$0x1F880] =	vst v63  }
0x11e: {  	_ =	swait.ge [sflag:s10], $0x1900  }
0x11f: {  	[sflag:s10] =	ssyncset.done $0x0  }
0x120: {  	s29 =	simm.s32 $0x2800;
	[sflag:s10] =	ssyncadd.s32 $0xFFFFE700  }
0x121: {  	[spmem:s2] =	stream.indirect.scatter.add.f32 [tilespmem:s31], [sflag:$0x5], $0x80, s29, s30, $0xb8;
	[tilespmem:$0x1F880] =	vst v63  }
0x122: {  	_ =	swait.ge [sflag:s11], $0x1900  }
0x123: {  	[sflag:s11] =	ssyncset.done $0x0  }
0x124: {  	s18 =	simm.s32 $0x2880;
	[sflag:s11] =	ssyncadd.s32 $0xFFFFE700  }
0x125: {  	[spmem:s2] =	stream.indirect.scatter.add.f32 [tilespmem:s4], [sflag:$0x6], $0x80, s18, s30, $0xb8;
	[tilespmem:$0x1F880] =	vst v63  }
0x126: {  	_ =	swait.ge [sflag:s12], $0x1900  }
0x127: {  	[sflag:s12] =	ssyncset.done $0x0  }
0x128: {  	s29 =	simm.s32 $0x2900;
	[sflag:s12] =	ssyncadd.s32 $0xFFFFE700  }
0x129: {  	[spmem:s2] =	stream.indirect.scatter.add.f32 [tilespmem:s6], [sflag:$0x7], $0x80, s29, s30, $0xb8;
	[tilespmem:$0x1F880] =	vst v63  }
0x12a: {  	_ =	swait.ge [sflag:s13], $0x1900  }
0x12b: {  	[sflag:s13] =	ssyncset.done $0x0  }
0x12c: {  	s18 =	simm.s32 $0x2980;
	[sflag:s13] =	ssyncadd.s32 $0xFFFFE700  }
0x12d: {  	[spmem:s2] =	stream.indirect.scatter.add.f32 [tilespmem:s9], [sflag:$0x8], $0x80, s18, s30, $0xb8;
	[tilespmem:$0x1F880] =	vst v63  }
0x12e: {  	_ =	swait.ge [sflag:s14], $0x1900  }
0x12f: {  	[sflag:s14] =	ssyncset.done $0x0  }
0x130: {  	s29 =	simm.s32 $0x200;
	[sflag:s14] =	ssyncadd.s32 $0xFFFFE700  }
0x131: {  	[tilespmem:s31], [sflag:$0x1] =	stream.indirect.gather [hbm4b:s1+s30], $0x80, s29, s30, $0xb8;
	[tilespmem:$0x1F880] =	vst v63  }
0x132: {  	_ =	swait.ge [sflag:s15], $0x1900  }
0x133: {  	[sflag:s15] =	ssyncset.done $0x0  }
0x134: {  	s18 =	simm.s32 $0x280;
	[sflag:s15] =	ssyncadd.s32 $0xFFFFE700  }
0x135: {  	[tilespmem:s4], [sflag:$0x2] =	stream.indirect.gather [hbm4b:s1+s30], $0x80, s18, s30, $0xb8;
	[tilespmem:$0x1F880] =	vst v63  }
0x136: {  	_ =	swait.ge [sflag:s16], $0x1900  }
0x137: {  	[sflag:s16] =	ssyncset.done $0x0  }
0x138: {  	s29 =	simm.s32 $0x300;
	[sflag:s16] =	ssyncadd.s32 $0xFFFFE700  }
0x139: {  	[tilespmem:s6], [sflag:$0x3] =	stream.indirect.gather [hbm4b:s1+s30], $0x80, s29, s30, $0xb8;
	[tilespmem:$0x1F880] =	vst v63  }
0x13a: {  	_ =	swait.ge [sflag:s17], $0x1900  }
0x13b: {  	[sflag:s17] =	ssyncset.done $0x0  }
0x13c: {  	s8 =	simm.s32 $0x800;
	s18 =	simm.s32 $0x380;
	[sflag:s17] =	ssyncadd.s32 $0xFFFFE700  }
.LBB2_6:
0x13d: {  	[tilespmem:s9], [sflag:$0x4] =	stream.indirect.gather [hbm4b:s1+s30], $0x80, s18, s30, $0xb8;
	[tilespmem:$0x1F880] =	vst v63  }
0x13e: {  	s18 =	smov.u32 s8  }
0x13f: {  	p1 =	sne.s32 s8, $0x4000;
	s8 =	sadd.s32 $0x800, s8;
	_ =	swait.ge [sflag:s10], $0x1900  }
0x140: {  	s18 =	sshra.s32 s18, $0x2;
	[sflag:s10] =	ssyncset.done $0x0  }
0x141: {  	s29 =	sadd.s32 $0x2800, s18;
	[sflag:s10] =	ssyncadd.s32 $0xFFFFE700  }
0x142: {  	[spmem:s2] =	stream.indirect.scatter.add.f32 [tilespmem:s31], [sflag:$0x5], $0x80, s29, s30, $0xb8;
	[tilespmem:$0x1F880] =	vst v63  }
0x143: {  	_ =	swait.ge [sflag:s11], $0x1900  }
0x144: {  	[sflag:s11] =	ssyncset.done $0x0  }
0x145: {  	s29 =	sadd.s32 $0x2880, s18;
	[sflag:s11] =	ssyncadd.s32 $0xFFFFE700  }
0x146: {  	[spmem:s2] =	stream.indirect.scatter.add.f32 [tilespmem:s4], [sflag:$0x6], $0x80, s29, s30, $0xb8;
	[tilespmem:$0x1F880] =	vst v63  }
0x147: {  	_ =	swait.ge [sflag:s12], $0x1900  }
0x148: {  	[sflag:s12] =	ssyncset.done $0x0  }
0x149: {  	s29 =	sadd.s32 $0x2900, s18;
	[sflag:s12] =	ssyncadd.s32 $0xFFFFE700  }
0x14a: {  	[spmem:s2] =	stream.indirect.scatter.add.f32 [tilespmem:s6], [sflag:$0x7], $0x80, s29, s30, $0xb8;
	[tilespmem:$0x1F880] =	vst v63  }
0x14b: {  	_ =	swait.ge [sflag:s13], $0x1900  }
0x14c: {  	[sflag:s13] =	ssyncset.done $0x0  }
0x14d: {  	s29 =	sadd.s32 $0x2980, s18;
	[sflag:s13] =	ssyncadd.s32 $0xFFFFE700  }
0x14e: {  	[spmem:s2] =	stream.indirect.scatter.add.f32 [tilespmem:s9], [sflag:$0x8], $0x80, s29, s30, $0xb8;
	[tilespmem:$0x1F880] =	vst v63  }
0x14f: {  	_ =	swait.ge [sflag:s14], $0x1900  }
0x150: {  	[sflag:s14] =	ssyncset.done $0x0  }
0x151: {  	s29 =	sadd.s32 $0x200, s18;
	[sflag:s14] =	ssyncadd.s32 $0xFFFFE700  }
0x152: {  	[tilespmem:s31], [sflag:$0x1] =	stream.indirect.gather [hbm4b:s1+s30], $0x80, s29, s30, $0xb8;
	[tilespmem:$0x1F880] =	vst v63  }
0x153: {  	_ =	swait.ge [sflag:s15], $0x1900  }
0x154: {  	[sflag:s15] =	ssyncset.done $0x0  }
0x155: {  	s29 =	sadd.s32 $0x280, s18;
	[sflag:s15] =	ssyncadd.s32 $0xFFFFE700  }
0x156: {  	[tilespmem:s4], [sflag:$0x2] =	stream.indirect.gather [hbm4b:s1+s30], $0x80, s29, s30, $0xb8;
	[tilespmem:$0x1F880] =	vst v63  }
0x157: {  	_ =	swait.ge [sflag:s16], $0x1900  }
0x158: {  	[sflag:s16] =	ssyncset.done $0x0  }
.Ltmp2:
0x159: {  	s29 =	sadd.s32 $0x300, s18;
	[sflag:s16] =	ssyncadd.s32 $0xFFFFE700;
	(pc) =	sbr.rel @p1 .LBB2_6-.Ltmp2, $4  }
0x15a: {  	[tilespmem:s6], [sflag:$0x3] =	stream.indirect.gather [hbm4b:s1+s30], $0x80, s29, s30, $0xb8;
	[tilespmem:$0x1F880] =	vst v63  }
0x15b: {  	_ =	swait.ge [sflag:s17], $0x1900  }
0x15c: {  	[sflag:s17] =	ssyncset.done $0x0  }
0x15d: {  	s18 =	sadd.s32 $0x380, s18;
	[sflag:s17] =	ssyncadd.s32 $0xFFFFE700  }
0x15e: {  	[tilespmem:s9], [sflag:$0x4] =	stream.indirect.gather [hbm4b:s1+s30], $0x80, s18, s30, $0xb8;
	[tilespmem:$0x1F880] =	vst v63  }
0x15f: {  	_ =	swait.ge [sflag:s10], $0x1900  }
0x160: {  	[sflag:s10] =	ssyncset.done $0x0  }
0x161: {  	s8 =	simm.s32 $0x3A00;
	[sflag:s10] =	ssyncadd.s32 $0xFFFFE700  }
0x162: {  	[spmem:s2] =	stream.indirect.scatter.add.f32 [tilespmem:s31], [sflag:$0x5], $0x80, s8, s30, $0xb8;
	[tilespmem:$0x1F880] =	vst v63  }
0x163: {  	_ =	swait.ge [sflag:s11], $0x1900  }
0x164: {  	[sflag:s11] =	ssyncset.done $0x0  }
0x165: {  	s18 =	simm.s32 $0x3A80;
	[sflag:s11] =	ssyncadd.s32 $0xFFFFE700  }
0x166: {  	[spmem:s2] =	stream.indirect.scatter.add.f32 [tilespmem:s4], [sflag:$0x6], $0x80, s18, s30, $0xb8;
	[tilespmem:$0x1F880] =	vst v63  }
0x167: {  	_ =	swait.ge [sflag:s12], $0x1900  }
0x168: {  	[sflag:s12] =	ssyncset.done $0x0  }
0x169: {  	[sflag:s12] =	ssyncadd.s32 $0xFFFFE700  }
0x16a: {  	[spmem:s2] =	stream.indirect.scatter.add.f32 [tilespmem:s6], [sflag:$0x7], $0x80, s19, s30, $0xb8;
	[tilespmem:$0x1F880] =	vst v63  }
0x16b: {  	_ =	swait.ge [sflag:s13], $0x1900  }
0x16c: {  	[sflag:s13] =	ssyncset.done $0x0  }
0x16d: {  	[sflag:s13] =	ssyncadd.s32 $0xFFFFE700  }
0x16e: {  	[spmem:s2] =	stream.indirect.scatter.add.f32 [tilespmem:s9], [sflag:$0x8], $0x80, s20, s30, $0xb8;
	[tilespmem:$0x1F880] =	vst v63  }
0x16f: {  	_ =	swait.ge [sflag:s14], $0x1900  }
0x170: {  	[sflag:s14] =	ssyncset.done $0x0  }
0x171: {  	[sflag:s14] =	ssyncadd.s32 $0xFFFFE700  }
0x172: {  	_ =	swait.ge [sflag:s15], $0x1900  }
0x173: {  	[sflag:s15] =	ssyncset.done $0x0  }
0x174: {  	[sflag:s15] =	ssyncadd.s32 $0xFFFFE700  }
0x175: {  	_ =	swait.ge [sflag:s16], $0x1900  }
0x176: {  	[sflag:s16] =	ssyncset.done $0x0  }
0x177: {  	[sflag:s16] =	ssyncadd.s32 $0xFFFFE700  }
0x178: {  	_ =	swait.ge [sflag:s17], $0x1900  }
0x179: {  	[sflag:s17] =	ssyncset.done $0x0  }
0x17a: {  	[sflag:s17] =	ssyncadd.s32 $0xFFFFE700  }
0x17b: {  	_ =	swait.ge [sflag:s21], $0x1400  }
0x17c: {  	[sflag:s21] =	ssyncset.done $0x0  }
0x17d: {  	[sflag:s21] =	ssyncadd.s32 $0xFFFFEC00  }
0x17e: {  	_ =	swait.ge [sflag:s22], $0x1400  }
0x17f: {  	[sflag:s22] =	ssyncset.done $0x0  }
0x180: {  	s8 =	simm.s32 $0x0;
	s29 =	rddreg [dreg:$0x10];
	[sflag:s22] =	ssyncadd.s32 $0xFFFFEC00  }
0x181: {  	[tilespmem:s8], [sflag:$0x9] =	stream.linear.gather [hbm4b:s29+s8], $0x1400, $0x38;
	[tilespmem:$0x1F880] =	vst v63  }
0x182: {  	s18 =	rddreg [dreg:$0x11];
	s29 =	simm.s32 $0x2800  }
0x183: {  	[tilespmem:s29], [sflag:$0xA] =	stream.linear.gather [hbm4b:s18+s8], $0x1400, $0x38;
	[tilespmem:$0x1F880] =	vst v63  }
0x184: {  	_ = 	snop  }
0x185: {  	[tilespmem:s31], [sflag:$0x1] =	stream.indirect.gather [hbm4b:s1+s30], $0x80, s28, s30, $0xb8;
	[tilespmem:$0x1F880] =	vst v63  }
0x186: {  	s18 =	simm.s32 $0x1480  }
0x187: {  	[tilespmem:s4], [sflag:$0x2] =	stream.indirect.gather [hbm4b:s1+s30], $0x80, s18, s30, $0xb8;
	[tilespmem:$0x1F880] =	vst v63  }
0x188: {  	s29 =	simm.s32 $0x1500  }
0x189: {  	[tilespmem:s6], [sflag:$0x3] =	stream.indirect.gather [hbm4b:s1+s30], $0x80, s29, s30, $0xb8;
	[tilespmem:$0x1F880] =	vst v63  }
0x18a: {  	s18 =	simm.s32 $0x1580  }
0x18b: {  	[tilespmem:s9], [sflag:$0x4] =	stream.indirect.gather [hbm4b:s1+s30], $0x80, s18, s30, $0xb8;
	[tilespmem:$0x1F880] =	vst v63  }
0x18c: {  	_ =	swait.ge [sflag:s10], $0x1900  }
0x18d: {  	[sflag:s10] =	ssyncset.done $0x0  }
0x18e: {  	s29 =	simm.s32 $0x3C00;
	[sflag:s10] =	ssyncadd.s32 $0xFFFFE700  }
0x18f: {  	[spmem:s2] =	stream.indirect.scatter.add.f32 [tilespmem:s31], [sflag:$0x5], $0x80, s29, s30, $0xb8;
	[tilespmem:$0x1F880] =	vst v63  }
0x190: {  	_ =	swait.ge [sflag:s11], $0x1900  }
0x191: {  	[sflag:s11] =	ssyncset.done $0x0  }
0x192: {  	s18 =	simm.s32 $0x3C80;
	[sflag:s11] =	ssyncadd.s32 $0xFFFFE700  }
0x193: {  	[spmem:s2] =	stream.indirect.scatter.add.f32 [tilespmem:s4], [sflag:$0x6], $0x80, s18, s30, $0xb8;
	[tilespmem:$0x1F880] =	vst v63  }
0x194: {  	_ =	swait.ge [sflag:s12], $0x1900  }
0x195: {  	[sflag:s12] =	ssyncset.done $0x0  }
0x196: {  	s29 =	simm.s32 $0x3D00;
	[sflag:s12] =	ssyncadd.s32 $0xFFFFE700  }
0x197: {  	[spmem:s2] =	stream.indirect.scatter.add.f32 [tilespmem:s6], [sflag:$0x7], $0x80, s29, s30, $0xb8;
	[tilespmem:$0x1F880] =	vst v63  }
0x198: {  	_ =	swait.ge [sflag:s13], $0x1900  }
0x199: {  	[sflag:s13] =	ssyncset.done $0x0  }
0x19a: {  	s18 =	simm.s32 $0x3D80;
	[sflag:s13] =	ssyncadd.s32 $0xFFFFE700  }
0x19b: {  	[spmem:s2] =	stream.indirect.scatter.add.f32 [tilespmem:s9], [sflag:$0x8], $0x80, s18, s30, $0xb8;
	[tilespmem:$0x1F880] =	vst v63  }
0x19c: {  	_ =	swait.ge [sflag:s14], $0x1900  }
0x19d: {  	[sflag:s14] =	ssyncset.done $0x0  }
0x19e: {  	s29 =	simm.s32 $0x1600;
	[sflag:s14] =	ssyncadd.s32 $0xFFFFE700  }
0x19f: {  	[tilespmem:s31], [sflag:$0x1] =	stream.indirect.gather [hbm4b:s1+s30], $0x80, s29, s30, $0xb8;
	[tilespmem:$0x1F880] =	vst v63  }
0x1a0: {  	_ =	swait.ge [sflag:s15], $0x1900  }
0x1a1: {  	[sflag:s15] =	ssyncset.done $0x0  }
0x1a2: {  	s18 =	simm.s32 $0x1680;
	[sflag:s15] =	ssyncadd.s32 $0xFFFFE700  }
0x1a3: {  	[tilespmem:s4], [sflag:$0x2] =	stream.indirect.gather [hbm4b:s1+s30], $0x80, s18, s30, $0xb8;
	[tilespmem:$0x1F880] =	vst v63  }
0x1a4: {  	_ =	swait.ge [sflag:s16], $0x1900  }
0x1a5: {  	[sflag:s16] =	ssyncset.done $0x0  }
0x1a6: {  	s29 =	simm.s32 $0x1700;
	[sflag:s16] =	ssyncadd.s32 $0xFFFFE700  }
0x1a7: {  	[tilespmem:s6], [sflag:$0x3] =	stream.indirect.gather [hbm4b:s1+s30], $0x80, s29, s30, $0xb8;
	[tilespmem:$0x1F880] =	vst v63  }
0x1a8: {  	_ =	swait.ge [sflag:s17], $0x1900  }
0x1a9: {  	[sflag:s17] =	ssyncset.done $0x0  }
0x1aa: {  	s8 =	simm.s32 $0x800;
	s18 =	simm.s32 $0x1780;
	[sflag:s17] =	ssyncadd.s32 $0xFFFFE700  }
.LBB2_8:
0x1ab: {  	[tilespmem:s9], [sflag:$0x4] =	stream.indirect.gather [hbm4b:s1+s30], $0x80, s18, s30, $0xb8;
	[tilespmem:$0x1F880] =	vst v63  }
0x1ac: {  	s18 =	smov.u32 s8  }
0x1ad: {  	p1 =	sne.s32 s8, $0x4000;
	s8 =	sadd.s32 $0x800, s8;
	_ =	swait.ge [sflag:s10], $0x1900  }
0x1ae: {  	s18 =	sshra.s32 s18, $0x2;
	[sflag:s10] =	ssyncset.done $0x0  }
0x1af: {  	s29 =	sadd.s32 $0x3C00, s18;
	[sflag:s10] =	ssyncadd.s32 $0xFFFFE700  }
0x1b0: {  	[spmem:s2] =	stream.indirect.scatter.add.f32 [tilespmem:s31], [sflag:$0x5], $0x80, s29, s30, $0xb8;
	[tilespmem:$0x1F880] =	vst v63  }
0x1b1: {  	_ =	swait.ge [sflag:s11], $0x1900  }
0x1b2: {  	[sflag:s11] =	ssyncset.done $0x0  }
0x1b3: {  	s29 =	sadd.s32 $0x3C80, s18;
	[sflag:s11] =	ssyncadd.s32 $0xFFFFE700  }
0x1b4: {  	[spmem:s2] =	stream.indirect.scatter.add.f32 [tilespmem:s4], [sflag:$0x6], $0x80, s29, s30, $0xb8;
	[tilespmem:$0x1F880] =	vst v63  }
0x1b5: {  	_ =	swait.ge [sflag:s12], $0x1900  }
0x1b6: {  	[sflag:s12] =	ssyncset.done $0x0  }
0x1b7: {  	s29 =	sadd.s32 $0x3D00, s18;
	[sflag:s12] =	ssyncadd.s32 $0xFFFFE700  }
0x1b8: {  	[spmem:s2] =	stream.indirect.scatter.add.f32 [tilespmem:s6], [sflag:$0x7], $0x80, s29, s30, $0xb8;
	[tilespmem:$0x1F880] =	vst v63  }
0x1b9: {  	_ =	swait.ge [sflag:s13], $0x1900  }
0x1ba: {  	[sflag:s13] =	ssyncset.done $0x0  }
0x1bb: {  	s29 =	sadd.s32 $0x3D80, s18;
	[sflag:s13] =	ssyncadd.s32 $0xFFFFE700  }
0x1bc: {  	[spmem:s2] =	stream.indirect.scatter.add.f32 [tilespmem:s9], [sflag:$0x8], $0x80, s29, s30, $0xb8;
	[tilespmem:$0x1F880] =	vst v63  }
0x1bd: {  	_ =	swait.ge [sflag:s14], $0x1900  }
0x1be: {  	[sflag:s14] =	ssyncset.done $0x0  }
0x1bf: {  	s29 =	sadd.s32 $0x1600, s18;
	[sflag:s14] =	ssyncadd.s32 $0xFFFFE700  }
0x1c0: {  	[tilespmem:s31], [sflag:$0x1] =	stream.indirect.gather [hbm4b:s1+s30], $0x80, s29, s30, $0xb8;
	[tilespmem:$0x1F880] =	vst v63  }
0x1c1: {  	_ =	swait.ge [sflag:s15], $0x1900  }
0x1c2: {  	[sflag:s15] =	ssyncset.done $0x0  }
0x1c3: {  	s29 =	sadd.s32 $0x1680, s18;
	[sflag:s15] =	ssyncadd.s32 $0xFFFFE700  }
0x1c4: {  	[tilespmem:s4], [sflag:$0x2] =	stream.indirect.gather [hbm4b:s1+s30], $0x80, s29, s30, $0xb8;
	[tilespmem:$0x1F880] =	vst v63  }
0x1c5: {  	_ =	swait.ge [sflag:s16], $0x1900  }
0x1c6: {  	[sflag:s16] =	ssyncset.done $0x0  }
.Ltmp3:
0x1c7: {  	s29 =	sadd.s32 $0x1700, s18;
	[sflag:s16] =	ssyncadd.s32 $0xFFFFE700;
	(pc) =	sbr.rel @p1 .LBB2_8-.Ltmp3, $4  }
0x1c8: {  	[tilespmem:s6], [sflag:$0x3] =	stream.indirect.gather [hbm4b:s1+s30], $0x80, s29, s30, $0xb8;
	[tilespmem:$0x1F880] =	vst v63  }
0x1c9: {  	_ =	swait.ge [sflag:s17], $0x1900  }
0x1ca: {  	[sflag:s17] =	ssyncset.done $0x0  }
0x1cb: {  	s18 =	sadd.s32 $0x1780, s18;
	[sflag:s17] =	ssyncadd.s32 $0xFFFFE700  }
0x1cc: {  	[tilespmem:s9], [sflag:$0x4] =	stream.indirect.gather [hbm4b:s1+s30], $0x80, s18, s30, $0xb8;
	[tilespmem:$0x1F880] =	vst v63  }
0x1cd: {  	_ =	swait.ge [sflag:s10], $0x1900  }
0x1ce: {  	[sflag:s10] =	ssyncset.done $0x0  }
0x1cf: {  	s8 =	simm.s32 $0x4E00;
	[sflag:s10] =	ssyncadd.s32 $0xFFFFE700  }
0x1d0: {  	[spmem:s2] =	stream.indirect.scatter.add.f32 [tilespmem:s31], [sflag:$0x5], $0x80, s8, s30, $0xb8;
	[tilespmem:$0x1F880] =	vst v63  }
0x1d1: {  	_ =	swait.ge [sflag:s11], $0x1900  }
0x1d2: {  	[sflag:s11] =	ssyncset.done $0x0  }
0x1d3: {  	s18 =	simm.s32 $0x4E80;
	[sflag:s11] =	ssyncadd.s32 $0xFFFFE700  }
0x1d4: {  	[spmem:s2] =	stream.indirect.scatter.add.f32 [tilespmem:s4], [sflag:$0x6], $0x80, s18, s30, $0xb8;
	[tilespmem:$0x1F880] =	vst v63  }
0x1d5: {  	_ =	swait.ge [sflag:s12], $0x1900  }
0x1d6: {  	[sflag:s12] =	ssyncset.done $0x0  }
0x1d7: {  	s29 =	simm.s32 $0x4F00;
	[sflag:s12] =	ssyncadd.s32 $0xFFFFE700  }
0x1d8: {  	[spmem:s2] =	stream.indirect.scatter.add.f32 [tilespmem:s6], [sflag:$0x7], $0x80, s29, s30, $0xb8;
	[tilespmem:$0x1F880] =	vst v63  }
0x1d9: {  	_ =	swait.ge [sflag:s13], $0x1900  }
0x1da: {  	[sflag:s13] =	ssyncset.done $0x0  }
0x1db: {  	s18 =	simm.s32 $0x4F80;
	[sflag:s13] =	ssyncadd.s32 $0xFFFFE700  }
0x1dc: {  	[spmem:s2] =	stream.indirect.scatter.add.f32 [tilespmem:s9], [sflag:$0x8], $0x80, s18, s30, $0xb8;
	[tilespmem:$0x1F880] =	vst v63  }
0x1dd: {  	_ =	swait.ge [sflag:s14], $0x1900  }
0x1de: {  	[sflag:s14] =	ssyncset.done $0x0  }
0x1df: {  	[sflag:s14] =	ssyncadd.s32 $0xFFFFE700  }
0x1e0: {  	_ =	swait.ge [sflag:s15], $0x1900  }
0x1e1: {  	[sflag:s15] =	ssyncset.done $0x0  }
0x1e2: {  	[sflag:s15] =	ssyncadd.s32 $0xFFFFE700  }
0x1e3: {  	_ =	swait.ge [sflag:s16], $0x1900  }
0x1e4: {  	[sflag:s16] =	ssyncset.done $0x0  }
0x1e5: {  	[sflag:s16] =	ssyncadd.s32 $0xFFFFE700  }
0x1e6: {  	_ =	swait.ge [sflag:s17], $0x1900  }
0x1e7: {  	[sflag:s17] =	ssyncset.done $0x0  }
0x1e8: {  	[sflag:s17] =	ssyncadd.s32 $0xFFFFE700  }
0x1e9: {  	_ =	swait.ge [sflag:s25], $0x1400  }
0x1ea: {  	[sflag:s25] =	ssyncset.done $0x0  }
0x1eb: {  	[sflag:s25] =	ssyncadd.s32 $0xFFFFEC00  }
0x1ec: {  	_ =	swait.ge [sflag:s26], $0x1400  }
0x1ed: {  	[sflag:s26] =	ssyncset.done $0x0  }
0x1ee: {  	s29 =	simm.s32 $0x0;
	[sflag:s26] =	ssyncadd.s32 $0xFFFFEC00  }
0x1ef: {  	[tilespmem:s31], [sflag:$0x1] =	stream.indirect.gather [hbm4b:s1+s30], $0x80, s29, s30, $0xb8;
	[tilespmem:$0x1F880] =	vst v63  }
0x1f0: {  	s18 =	simm.s32 $0x80  }
0x1f1: {  	[tilespmem:s4], [sflag:$0x2] =	stream.indirect.gather [hbm4b:s1+s30], $0x80, s18, s30, $0xb8;
	[tilespmem:$0x1F880] =	vst v63  }
0x1f2: {  	s29 =	simm.s32 $0x100  }
0x1f3: {  	[tilespmem:s6], [sflag:$0x3] =	stream.indirect.gather [hbm4b:s1+s30], $0x80, s29, s30, $0xb8;
	[tilespmem:$0x1F880] =	vst v63  }
0x1f4: {  	s18 =	simm.s32 $0x180  }
0x1f5: {  	[tilespmem:s9], [sflag:$0x4] =	stream.indirect.gather [hbm4b:s1+s30], $0x80, s18, s30, $0xb8;
	[tilespmem:$0x1F880] =	vst v63  }
0x1f6: {  	_ =	swait.ge [sflag:s10], $0x1900  }
0x1f7: {  	[sflag:s10] =	ssyncset.done $0x0  }
0x1f8: {  	s29 =	simm.s32 $0x2800;
	[sflag:s10] =	ssyncadd.s32 $0xFFFFE700  }
0x1f9: {  	[spmem:s2] =	stream.indirect.scatter.add.f32 [tilespmem:s31], [sflag:$0x5], $0x80, s29, s30, $0xb8;
	[tilespmem:$0x1F880] =	vst v63  }
0x1fa: {  	_ =	swait.ge [sflag:s11], $0x1900  }
0x1fb: {  	[sflag:s11] =	ssyncset.done $0x0  }
0x1fc: {  	s18 =	simm.s32 $0x2880;
	[sflag:s11] =	ssyncadd.s32 $0xFFFFE700  }
0x1fd: {  	[spmem:s2] =	stream.indirect.scatter.add.f32 [tilespmem:s4], [sflag:$0x6], $0x80, s18, s30, $0xb8;
	[tilespmem:$0x1F880] =	vst v63  }
0x1fe: {  	_ =	swait.ge [sflag:s12], $0x1900  }
0x1ff: {  	[sflag:s12] =	ssyncset.done $0x0  }
0x200: {  	s29 =	simm.s32 $0x2900;
	[sflag:s12] =	ssyncadd.s32 $0xFFFFE700  }
0x201: {  	[spmem:s2] =	stream.indirect.scatter.add.f32 [tilespmem:s6], [sflag:$0x7], $0x80, s29, s30, $0xb8;
	[tilespmem:$0x1F880] =	vst v63  }
0x202: {  	_ =	swait.ge [sflag:s13], $0x1900  }
0x203: {  	[sflag:s13] =	ssyncset.done $0x0  }
0x204: {  	s18 =	simm.s32 $0x2980;
	[sflag:s13] =	ssyncadd.s32 $0xFFFFE700  }
0x205: {  	[spmem:s2] =	stream.indirect.scatter.add.f32 [tilespmem:s9], [sflag:$0x8], $0x80, s18, s30, $0xb8;
	[tilespmem:$0x1F880] =	vst v63  }
0x206: {  	_ =	swait.ge [sflag:s14], $0x1900  }
0x207: {  	[sflag:s14] =	ssyncset.done $0x0  }
0x208: {  	s29 =	simm.s32 $0x200;
	[sflag:s14] =	ssyncadd.s32 $0xFFFFE700  }
0x209: {  	[tilespmem:s31], [sflag:$0x1] =	stream.indirect.gather [hbm4b:s1+s30], $0x80, s29, s30, $0xb8;
	[tilespmem:$0x1F880] =	vst v63  }
0x20a: {  	_ =	swait.ge [sflag:s15], $0x1900  }
0x20b: {  	[sflag:s15] =	ssyncset.done $0x0  }
0x20c: {  	s18 =	simm.s32 $0x280;
	[sflag:s15] =	ssyncadd.s32 $0xFFFFE700  }
0x20d: {  	[tilespmem:s4], [sflag:$0x2] =	stream.indirect.gather [hbm4b:s1+s30], $0x80, s18, s30, $0xb8;
	[tilespmem:$0x1F880] =	vst v63  }
0x20e: {  	_ =	swait.ge [sflag:s16], $0x1900  }
0x20f: {  	[sflag:s16] =	ssyncset.done $0x0  }
0x210: {  	s29 =	simm.s32 $0x300;
	[sflag:s16] =	ssyncadd.s32 $0xFFFFE700  }
0x211: {  	[tilespmem:s6], [sflag:$0x3] =	stream.indirect.gather [hbm4b:s1+s30], $0x80, s29, s30, $0xb8;
	[tilespmem:$0x1F880] =	vst v63  }
0x212: {  	_ =	swait.ge [sflag:s17], $0x1900  }
0x213: {  	[sflag:s17] =	ssyncset.done $0x0  }
0x214: {  	s8 =	simm.s32 $0x800;
	s18 =	simm.s32 $0x380;
	[sflag:s17] =	ssyncadd.s32 $0xFFFFE700  }
.LBB2_10:
0x215: {  	[tilespmem:s9], [sflag:$0x4] =	stream.indirect.gather [hbm4b:s1+s30], $0x80, s18, s30, $0xb8;
	[tilespmem:$0x1F880] =	vst v63  }
0x216: {  	s18 =	smov.u32 s8  }
0x217: {  	p1 =	sne.s32 s8, $0x4000;
	s8 =	sadd.s32 $0x800, s8;
	_ =	swait.ge [sflag:s10], $0x1900  }
0x218: {  	s18 =	sshra.s32 s18, $0x2;
	[sflag:s10] =	ssyncset.done $0x0  }
0x219: {  	s29 =	sadd.s32 $0x2800, s18;
	[sflag:s10] =	ssyncadd.s32 $0xFFFFE700  }
0x21a: {  	[spmem:s2] =	stream.indirect.scatter.add.f32 [tilespmem:s31], [sflag:$0x5], $0x80, s29, s30, $0xb8;
	[tilespmem:$0x1F880] =	vst v63  }
0x21b: {  	_ =	swait.ge [sflag:s11], $0x1900  }
0x21c: {  	[sflag:s11] =	ssyncset.done $0x0  }
0x21d: {  	s29 =	sadd.s32 $0x2880, s18;
	[sflag:s11] =	ssyncadd.s32 $0xFFFFE700  }
0x21e: {  	[spmem:s2] =	stream.indirect.scatter.add.f32 [tilespmem:s4], [sflag:$0x6], $0x80, s29, s30, $0xb8;
	[tilespmem:$0x1F880] =	vst v63  }
0x21f: {  	_ =	swait.ge [sflag:s12], $0x1900  }
0x220: {  	[sflag:s12] =	ssyncset.done $0x0  }
0x221: {  	s29 =	sadd.s32 $0x2900, s18;
	[sflag:s12] =	ssyncadd.s32 $0xFFFFE700  }
0x222: {  	[spmem:s2] =	stream.indirect.scatter.add.f32 [tilespmem:s6], [sflag:$0x7], $0x80, s29, s30, $0xb8;
	[tilespmem:$0x1F880] =	vst v63  }
0x223: {  	_ =	swait.ge [sflag:s13], $0x1900  }
0x224: {  	[sflag:s13] =	ssyncset.done $0x0  }
0x225: {  	s29 =	sadd.s32 $0x2980, s18;
	[sflag:s13] =	ssyncadd.s32 $0xFFFFE700  }
0x226: {  	[spmem:s2] =	stream.indirect.scatter.add.f32 [tilespmem:s9], [sflag:$0x8], $0x80, s29, s30, $0xb8;
	[tilespmem:$0x1F880] =	vst v63  }
0x227: {  	_ =	swait.ge [sflag:s14], $0x1900  }
0x228: {  	[sflag:s14] =	ssyncset.done $0x0  }
0x229: {  	s29 =	sadd.s32 $0x200, s18;
	[sflag:s14] =	ssyncadd.s32 $0xFFFFE700  }
0x22a: {  	[tilespmem:s31], [sflag:$0x1] =	stream.indirect.gather [hbm4b:s1+s30], $0x80, s29, s30, $0xb8;
	[tilespmem:$0x1F880] =	vst v63  }
0x22b: {  	_ =	swait.ge [sflag:s15], $0x1900  }
0x22c: {  	[sflag:s15] =	ssyncset.done $0x0  }
0x22d: {  	s29 =	sadd.s32 $0x280, s18;
	[sflag:s15] =	ssyncadd.s32 $0xFFFFE700  }
0x22e: {  	[tilespmem:s4], [sflag:$0x2] =	stream.indirect.gather [hbm4b:s1+s30], $0x80, s29, s30, $0xb8;
	[tilespmem:$0x1F880] =	vst v63  }
0x22f: {  	_ =	swait.ge [sflag:s16], $0x1900  }
0x230: {  	[sflag:s16] =	ssyncset.done $0x0  }
.Ltmp4:
0x231: {  	s29 =	sadd.s32 $0x300, s18;
	[sflag:s16] =	ssyncadd.s32 $0xFFFFE700;
	(pc) =	sbr.rel @p1 .LBB2_10-.Ltmp4, $4  }
0x232: {  	[tilespmem:s6], [sflag:$0x3] =	stream.indirect.gather [hbm4b:s1+s30], $0x80, s29, s30, $0xb8;
	[tilespmem:$0x1F880] =	vst v63  }
0x233: {  	_ =	swait.ge [sflag:s17], $0x1900  }
0x234: {  	[sflag:s17] =	ssyncset.done $0x0  }
0x235: {  	s18 =	sadd.s32 $0x380, s18;
	[sflag:s17] =	ssyncadd.s32 $0xFFFFE700  }
0x236: {  	[tilespmem:s9], [sflag:$0x4] =	stream.indirect.gather [hbm4b:s1+s30], $0x80, s18, s30, $0xb8;
	[tilespmem:$0x1F880] =	vst v63  }
0x237: {  	_ =	swait.ge [sflag:s10], $0x1900  }
0x238: {  	[sflag:s10] =	ssyncset.done $0x0  }
0x239: {  	s8 =	simm.s32 $0x3A00;
	[sflag:s10] =	ssyncadd.s32 $0xFFFFE700  }
0x23a: {  	[spmem:s2] =	stream.indirect.scatter.add.f32 [tilespmem:s31], [sflag:$0x5], $0x80, s8, s30, $0xb8;
	[tilespmem:$0x1F880] =	vst v63  }
0x23b: {  	_ =	swait.ge [sflag:s11], $0x1900  }
0x23c: {  	[sflag:s11] =	ssyncset.done $0x0  }
0x23d: {  	s29 =	simm.s32 $0x3A80;
	[sflag:s11] =	ssyncadd.s32 $0xFFFFE700  }
0x23e: {  	[spmem:s2] =	stream.indirect.scatter.add.f32 [tilespmem:s4], [sflag:$0x6], $0x80, s29, s30, $0xb8;
	[tilespmem:$0x1F880] =	vst v63  }
0x23f: {  	_ =	swait.ge [sflag:s12], $0x1900  }
0x240: {  	[sflag:s12] =	ssyncset.done $0x0  }
0x241: {  	[sflag:s12] =	ssyncadd.s32 $0xFFFFE700  }
0x242: {  	[spmem:s2] =	stream.indirect.scatter.add.f32 [tilespmem:s6], [sflag:$0x7], $0x80, s19, s30, $0xb8;
	[tilespmem:$0x1F880] =	vst v63  }
0x243: {  	_ =	swait.ge [sflag:s13], $0x1900  }
0x244: {  	[sflag:s13] =	ssyncset.done $0x0  }
0x245: {  	[sflag:s13] =	ssyncadd.s32 $0xFFFFE700  }
0x246: {  	[spmem:s2] =	stream.indirect.scatter.add.f32 [tilespmem:s9], [sflag:$0x8], $0x80, s20, s30, $0xb8;
	[tilespmem:$0x1F880] =	vst v63  }
0x247: {  	_ =	swait.ge [sflag:s14], $0x1900  }
0x248: {  	[sflag:s14] =	ssyncset.done $0x0  }
0x249: {  	[sflag:s14] =	ssyncadd.s32 $0xFFFFE700  }
0x24a: {  	_ =	swait.ge [sflag:s15], $0x1900  }
0x24b: {  	[sflag:s15] =	ssyncset.done $0x0  }
0x24c: {  	[sflag:s15] =	ssyncadd.s32 $0xFFFFE700  }
0x24d: {  	_ =	swait.ge [sflag:s16], $0x1900  }
0x24e: {  	[sflag:s16] =	ssyncset.done $0x0  }
0x24f: {  	[sflag:s16] =	ssyncadd.s32 $0xFFFFE700  }
0x250: {  	_ =	swait.ge [sflag:s17], $0x1900  }
0x251: {  	[sflag:s17] =	ssyncset.done $0x0  }
0x252: {  	[sflag:s17] =	ssyncadd.s32 $0xFFFFE700  }
0x253: {  	[bflag:$0x0] =	sbarrier.arrive $0xFFFF  }
0x254: {  	s18 =	rddreg [dreg:$0x12]  }
0x255: {  	[hbm:s18], [sflag:s7] =	dma.local [spmem:s0], $0x2700  }
0x256: {  	_ =	swait.ge [sflag:s23], $0x2700  }
0x257: {  	[sflag:s23] =	ssyncset.done $0x0  }
0x258: {  	s0 =	rddreg [dreg:$0x13];
	[sflag:s23] =	ssyncadd.s32 $0xFFFFD900  }
0x259: {  	[hbm:s0], [sflag:s7] =	dma.local @!p0 [spmem:s5], $0x100  }
0x25a: {  	s0 =	simm.s32 @!p0 $0xD  }
0x25b: {  	_ =	swait.ge @!p0 [sflag:s0], $0x100  }
0x25c: {  	s24 =	sadd.s32 $0x1, s24;
	s29 =	rddreg [dreg:$0x14]  }
0x25d: {  	p1 =	sne.s32 s24, s29  }
.Ltmp5:
0x25e: {  	_ = 	snop;
	(pc) =	sbr.rel @p1 .LBB2_1-.Ltmp5, $3  }
0x25f: {  	_ =	sdelay $0x1  }
0x260: {  	[sflag:s0] =	ssyncset.done @!p0 $0x0  }
0x261: {  	[sflag:s0] =	ssyncadd.s32 @!p0 $0xFFFFFF00  }
0x262: {  	_ =	sfence.sel $0x180000  }
0x263: {  	[bflag:$0x0] =	sbarrier.arrive $0xFFFF  }
0x264: {  	_ =	strace $0x90000047  }
0x265: {  	s0 =	stileid.u32;
	[bflag:$0x2] =	sbarrier.arrive $0xFFFF  }
0x266: {  	p0 =	sne.s32 s0, $0x0;
	s0 =	rddreg [dreg:$0x3]  }
0x267: {  	s0 =	sadd.s32 @!p0 $0x100000, s0  }
0x268: {  	[sflag:s0] =	ssyncadd.tile.s32 @!p0 $0x1;
	_ =	shalt  }
.Lfunc_end2:
_tile_overlayer_lowered:
.L_overlay_start_2:
0x269: {  	(tag) =	ssettag $0x2  }
0x26a: {  	s0 =	rddreg [dreg:$0x0];
	s2 =	stileid.u32  }
0x26b: {  	s1 =	rddreg [dreg:$0x1];
	p0 =	sne.s32 s2, $0x0  }
0x26c: {  	s3 =	rddreg [dreg:$0x2];
	[bflag:$0x3] =	sbarrier.arrive $0xFFFF;
	s2 =	simm.s32 @!p0 $0x1C0D  }
0x26d: {  	[timem:s3], [sflag:s2] =	dma.local @!p0 [hbm:s0], s1  }
0x26e: {  	s0 =	simm.s32 @!p0 $0xD  }
0x26f: {  	_ =	swait.ge @!p0 [sflag:s0], s1  }
0x270: {  	s1 =	ssub.s32 @!p0 $0x0, s1;
	[sflag:s0] =	ssyncset.done @!p0 $0x0  }
0x271: {  	[sflag:s0] =	ssyncadd.s32 @!p0 s1  }
0x272: {  	[bflag:$0x3] =	sbarrier.arrive $0xFFFF  }
0x273: {  	_ =	shalt  }

</sc_bundles>
